<compile_context>
chip_gen: v7x
topology: tpu7x:2x2x1
jax: 0.10.2.dev20260603
libtpu: 0.0.44.dev20260713+nightly
codegen_flags: <defaults>
</compile_context>

<pallas_src>
import functools

import jax
import jax.numpy as jnp
from jax import lax
from jax.experimental import pallas as pl
from jax.experimental.pallas import tpu as pltpu
from jax.experimental.pallas import tpu_sc as plsc

_N = 10000
_E = 320000
_D = 128
_DE = 16



def _ln_relu(h):
    m = jnp.mean(h, axis=-1, keepdims=True)
    v = jnp.mean((h - m) * (h - m), axis=-1, keepdims=True)
    return jnp.maximum((h - m) / jnp.sqrt(v + 1e-5), 0.0)


def _ln_relu_mxu(h, ones):
    s = jnp.dot(h, ones, preferred_element_type=jnp.float32)
    q = jnp.dot(h * h, ones, preferred_element_type=jnp.float32)
    m = s * (1.0 / _D)
    v = q * (1.0 / _D) - m * m
    return jnp.maximum((h - m) * lax.rsqrt(v + 1e-5), 0.0)


def _dot(a, b):
    return jnp.dot(a, b, preferred_element_type=jnp.float32)



_BN_PREP = 2000


def _prep_body(x_ref, ws_ref, wd_ref, wn_ref, g_ref, wge_ref, wgn_ref,
               be_ref, bn_ref, xs_ref, xd_ref, xn_ref, ge_ref, gn_ref):
    xb = x_ref[...]
    xs_ref[...] = _dot(xb, ws_ref[...])
    xd_ref[...] = _dot(xb, wd_ref[...])
    xn_ref[...] = _dot(xb, wn_ref[...])

    @pl.when(pl.program_id(0) == 0)
    def _():
        g = g_ref[...]
        ge_ref[...] = _dot(g, wge_ref[...]) + be_ref[...]
        gn_ref[...] = _dot(g, wgn_ref[...]) + bn_ref[...]


def _prep(x, w1s, w1d, wnx, g, w1g, wng, be1, bn1):
    full = lambda shp: pl.BlockSpec(shp, lambda i: (0, 0))
    return pl.pallas_call(
        _prep_body,
        grid=(_N // _BN_PREP,),
        in_specs=[
            pl.BlockSpec((_BN_PREP, _D), lambda i: (i, 0)),
            full((_D, _D)), full((_D, _D)), full((_D, _D)),
            full((1, _D)), full((_D, _D)), full((_D, _D)),
            full((1, _D)), full((1, _D)),
        ],
        out_specs=[
            pl.BlockSpec((_BN_PREP, _D), lambda i: (i, 0)),
            pl.BlockSpec((_BN_PREP, _D), lambda i: (i, 0)),
            pl.BlockSpec((_BN_PREP, _D), lambda i: (i, 0)),
            full((1, _D)), full((1, _D)),
        ],
        out_shape=[
            jax.ShapeDtypeStruct((_N, _D), jnp.float32),
            jax.ShapeDtypeStruct((_N, _D), jnp.float32),
            jax.ShapeDtypeStruct((_N, _D), jnp.float32),
            jax.ShapeDtypeStruct((1, _D), jnp.float32),
            jax.ShapeDtypeStruct((1, _D), jnp.float32),
        ],
    )(x, w1s, w1d, wnx, g, w1g, wng, be1, bn1)



_NW = 32
_EPW = _E // _NW
_GC = 80
_GNC = _EPW // _GC


def _sc_gather(xs, xd, src, dst, ebase, size):
    epw = size // _NW
    gnc = epw // _GC
    mesh = plsc.VectorSubcoreMesh(core_axis_name="c", subcore_axis_name="s")

    @functools.partial(
        pl.kernel,
        out_type=jax.ShapeDtypeStruct((size, _D), jnp.float32),
        mesh=mesh,
        scratch_types=[
            pltpu.VMEM((epw,), jnp.int32),
            pltpu.VMEM((epw,), jnp.int32),
            pltpu.VMEM((_GC, _D), jnp.float32),
            pltpu.VMEM((_GC, _D), jnp.float32),
            pltpu.VMEM((_GC, _D), jnp.float32),
            pltpu.VMEM((_GC, _D), jnp.float32),
            pltpu.SemaphoreType.DMA,
            pltpu.SemaphoreType.DMA,
            pltpu.SemaphoreType.DMA,
            pltpu.SemaphoreType.DMA,
            pltpu.SemaphoreType.DMA,
            pltpu.SemaphoreType.DMA,
        ],
    )
    def k(xs_hbm, xd_hbm, src_hbm, dst_hbm, out_hbm,
          ias, iad, rs0, rs1, rd0, rd1, sgs0, sgs1, sgd0, sgd1, so0, so1):
        c = lax.axis_index("c")
        s = lax.axis_index("s")
        base = (s * 2 + c) * epw
        rs, rd = (rs0, rs1), (rd0, rd1)
        sgs, sgd, so = (sgs0, sgs1), (sgd0, sgd1), (so0, so1)

        pltpu.sync_copy(src_hbm.at[pl.ds(ebase + base, epw)], ias)
        pltpu.sync_copy(dst_hbm.at[pl.ds(ebase + base, epw)], iad)

        def issue_gather(j, p):
            pltpu.async_copy(xs_hbm.at[ias.at[pl.ds(j * _GC, _GC)]], rs[p], sgs[p])
            pltpu.async_copy(xd_hbm.at[iad.at[pl.ds(j * _GC, _GC)]], rd[p], sgd[p])

        issue_gather(0, 0)

        def body(m, carry):
            for p in (0, 1):
                j = 2 * m + p
                p1 = 1 - p

                @pl.when(j <= gnc - 1)
                def _():
                    pltpu.make_async_copy(
                        xs_hbm.at[ias.at[pl.ds(0, _GC)]], rs[p], sgs[p]).wait()
                    pltpu.make_async_copy(
                        xd_hbm.at[iad.at[pl.ds(0, _GC)]], rd[p], sgd[p]).wait()

                    @pl.when(j >= 1)
                    def _():
                        pltpu.make_async_copy(
                            rs[p1], out_hbm.at[pl.ds(base, _GC)], so[p1]).wait()

                    @pl.when(j + 1 <= gnc - 1)
                    def _():
                        issue_gather(j + 1, p1)

                    def addrow(i, c2):
                        for kk in range(_D // 16):
                            sl = pl.ds(kk * 16, 16)
                            rs[p][i, sl] = rs[p][i, sl] + rd[p][i, sl]
                        return c2

                    lax.fori_loop(0, _GC, addrow, 0)
                    pltpu.async_copy(
                        rs[p], out_hbm.at[pl.ds(base + j * _GC, _GC)], so[p])
            return carry

        lax.fori_loop(0, (gnc + 1) // 2, body, 0)
        pltpu.make_async_copy(
            rs[(gnc - 1) % 2], out_hbm.at[pl.ds(base, _GC)],
            so[(gnc - 1) % 2]).wait()

    return k(xs, xd, src, dst)



_AGG_NC = _N // _GC


def _sc_scatter(eout, dst, ebase, size):
    epw = size // _NW
    gnc = epw // _GC
    mesh = plsc.VectorSubcoreMesh(core_axis_name="c", subcore_axis_name="s")

    @functools.partial(
        pl.kernel,
        out_type=jax.ShapeDtypeStruct((2, _N, _D), jnp.float32),
        mesh=mesh,
        scratch_types=[
            pltpu.VMEM((_GC,), jnp.int32),
            pltpu.VMEM((_GC,), jnp.int32),
            pltpu.VMEM((_GC, _D), jnp.float32),
            pltpu.VMEM((_GC, _D), jnp.float32),
            pltpu.VMEM_SHARED((_N, _D), jnp.float32),
            pltpu.SemaphoreType.DMA,
            pltpu.SemaphoreType.DMA,
            pltpu.SemaphoreType.DMA,
            pltpu.SemaphoreType.DMA,
        ],
    )
    def k(eout_hbm, dst_hbm, out_hbm, i0, i1, r0, r1, agg_sh, sr0, sr1, si0, si1):
        c = lax.axis_index("c")
        s = lax.axis_index("s")
        ib, rb = (i0, i1), (r0, r1)
        sr, si = (sr0, sr1), (si0, si1)
        nq = jnp.where(s <= (_AGG_NC - 1) % 16, _AGG_NC // 16 + 1, _AGG_NC // 16)

        def zrow(i, carry):
            for kk in range(_D // 16):
                r0[i, pl.ds(kk * 16, 16)] = jnp.zeros((16,), jnp.float32)
            return carry

        lax.fori_loop(0, _GC, zrow, 0)

        def zchunk(m, carry):
            q = s + 16 * m
            pltpu.sync_copy(r0, agg_sh.at[pl.ds(q * _GC, _GC)])
            return carry

        lax.fori_loop(0, nq, zchunk, 0)
        plsc.subcore_barrier()

        w = c * 16 + s
        base = w * epw
        pltpu.async_copy(dst_hbm.at[pl.ds(ebase + base, _GC)], i0, si0)
        pltpu.async_copy(eout_hbm.at[pl.ds(base, _GC)], r0, sr0)

        def body(m, carry):
            for p in (0, 1):
                j = 2 * m + p
                p1 = 1 - p

                @pl.when(j <= gnc - 1)
                def _():
                    pltpu.make_async_copy(
                        dst_hbm.at[pl.ds(base, _GC)], ib[p], si[p]).wait()
                    pltpu.make_async_copy(
                        eout_hbm.at[pl.ds(base, _GC)], rb[p], sr[p]).wait()

                    @pl.when(j + 1 <= gnc - 1)
                    def _():
                        off1 = base + (j + 1) * _GC
                        pltpu.async_copy(dst_hbm.at[pl.ds(ebase + off1, _GC)],
                                         ib[p1], si[p1])
                        pltpu.async_copy(eout_hbm.at[pl.ds(off1, _GC)],
                                         rb[p1], sr[p1])

                    pltpu.sync_copy(rb[p], agg_sh.at[ib[p]], add=True)
            return carry

        lax.fori_loop(0, (gnc + 1) // 2, body, 0)
        plsc.subcore_barrier()

        def wb(m, carry):
            q = s + 16 * m
            pltpu.sync_copy(agg_sh.at[pl.ds(q * _GC, _GC)],
                            out_hbm.at[c, pl.ds(q * _GC, _GC)])
            return carry

        lax.fori_loop(0, nq, wb, 0)

    return k(eout, dst)



_BE = 6400
_S0 = 26 * _BE
_S1 = _E - _S0


def _edge_body(ea_ref, xsum_ref, we_ref, w2_ref, w3_ref, w4_ref,
               b2_ref, b3_ref, b4_ref, ge_ref, ones_ref, eout_ref, esum_ref,
               epriv_ref):
    ones = ones_ref[...]
    ea_part = lax.dot_general(ea_ref[...], we_ref[...],
                              (((0,), (0,)), ((), ())),
                              preferred_element_type=jnp.float32)
    h = ea_part + xsum_ref[...] + ge_ref[...]
    h = _ln_relu_mxu(h, ones)
    h = _ln_relu_mxu(_dot(h, w2_ref[...]) + b2_ref[...], ones)
    h = _ln_relu_mxu(_dot(h, w3_ref[...]) + b3_ref[...], ones)
    out = _dot(h, w4_ref[...]) + b4_ref[...]
    eout_ref[...] = out
    epriv_ref[...] = out

    @pl.when(pl.program_id(0) == 0)
    def _():
        esum_ref[...] = jnp.zeros_like(esum_ref)

    esum_ref[...] += jnp.sum(out, axis=0, keepdims=True)


def _edge_body_alias(eprev_ref, *refs):
    _edge_body(*refs)


def _sum6(a0, a1, a2):
    return (a0[0] + a0[1]) + (a1[0] + a1[1]) + (a2[0] + a2[1])


def _edge_mlp(ea_t, xsum_h, w1e, w2, w3, w4, b2, b3, b4, ge, ones,
              blk_off, eprev=None):
    full = lambda shp: pl.BlockSpec(shp, lambda i: (0, 0))
    nblk = xsum_h.shape[0] // _BE
    in_specs = [
        pl.BlockSpec((_DE, _BE), lambda i, o=blk_off: (0, i + o)),
        pl.BlockSpec((_BE, _D), lambda i: (i, 0)),
        full((_DE, _D)), full((_D, _D)), full((_D, _D)), full((_D, _D)),
        full((1, _D)), full((1, _D)), full((1, _D)), full((1, _D)),
        full((_D, _D)),
    ]
    args = (ea_t, xsum_h, w1e, w2, w3, w4, b2, b3, b4, ge, ones)
    body = _edge_body
    aliases = {}
    if eprev is not None:
        in_specs = [pl.BlockSpec(memory_space=pl.ANY)] + in_specs
        args = (eprev,) + args
        body = _edge_body_alias
        aliases = {0: 0}
    return pl.pallas_call(
        body,
        grid=(nblk,),
        in_specs=in_specs,
        out_specs=[
            pl.BlockSpec((_BE, _D), lambda i, o=blk_off: (i + o, 0)),
            full((1, _D)),
            pl.BlockSpec((_BE, _D), lambda i: (i, 0)),
        ],
        out_shape=[
            jax.ShapeDtypeStruct((_E, _D), jnp.float32),
            jax.ShapeDtypeStruct((1, _D), jnp.float32),
            jax.ShapeDtypeStruct((nblk * _BE, _D), jnp.float32),
        ],
        input_output_aliases=aliases,
    )(*args)



_BN = 2000


def _node_body(xn_ref, aggp0_ref, aggp1_ref, aggp2_ref, wa_ref, w2_ref,
               w3_ref, w4_ref, b2_ref, b3_ref, b4_ref, gn_ref, ones_ref,
               nout_ref, nsum_ref):
    ones = ones_ref[...]
    agg = _sum6(aggp0_ref, aggp1_ref, aggp2_ref)
    h = xn_ref[...] + _dot(agg, wa_ref[...]) + gn_ref[...]
    h = _ln_relu_mxu(h, ones)
    h = _ln_relu_mxu(_dot(h, w2_ref[...]) + b2_ref[...], ones)
    h = _ln_relu_mxu(_dot(h, w3_ref[...]) + b3_ref[...], ones)
    out = _dot(h, w4_ref[...]) + b4_ref[...]
    nout_ref[...] = out

    @pl.when(pl.program_id(0) == 0)
    def _():
        nsum_ref[...] = jnp.zeros_like(nsum_ref)

    nsum_ref[...] += jnp.sum(out, axis=0, keepdims=True)


def _node_mlp(xn, aggps, wna, w2, w3, w4, b2, b3, b4, gn, ones):
    full = lambda shp: pl.BlockSpec(shp, lambda i: (0, 0))
    return pl.pallas_call(
        _node_body,
        grid=(_N // _BN,),
        in_specs=[
            pl.BlockSpec((_BN, _D), lambda i: (i, 0)),
            pl.BlockSpec((2, _BN, _D), lambda i: (0, i, 0)),
            pl.BlockSpec((2, _BN, _D), lambda i: (0, i, 0)),
            pl.BlockSpec((2, _BN, _D), lambda i: (0, i, 0)),
            full((_D, _D)), full((_D, _D)), full((_D, _D)), full((_D, _D)),
            full((1, _D)), full((1, _D)), full((1, _D)), full((1, _D)),
            full((_D, _D)),
        ],
        out_specs=[
            pl.BlockSpec((_BN, _D), lambda i: (i, 0)),
            full((1, _D)),
        ],
        out_shape=[
            jax.ShapeDtypeStruct((_N, _D), jnp.float32),
            jax.ShapeDtypeStruct((1, _D), jnp.float32),
        ],
    )(xn, *aggps, wna, w2, w3, w4, b2, b3, b4, gn, ones)




def _glob_body(nsum_ref, esum0_ref, esum1_ref, esum2_ref, g_ref, wgn_ref,
               wge_ref, wgg_ref, w2_ref, w3_ref, w4_ref, b1_ref, b2_ref,
               b3_ref, b4_ref, gout_ref):
    mn = nsum_ref[...] * (1.0 / _N)
    me = (esum0_ref[...] + esum1_ref[...] + esum2_ref[...]) * (1.0 / _E)
    h = (_dot(mn, wgn_ref[...]) + _dot(me, wge_ref[...])
         + _dot(g_ref[...], wgg_ref[...]) + b1_ref[...])
    h = _ln_relu(h)
    h = _ln_relu(_dot(h, w2_ref[...]) + b2_ref[...])
    h = _ln_relu(_dot(h, w3_ref[...]) + b3_ref[...])
    gout_ref[...] = _dot(h, w4_ref[...]) + b4_ref[...]


def _glob_mlp(nsum, esums, g, wgn, wge, wgg, w2, w3, w4, b1, b2, b3, b4):
    return pl.pallas_call(
        _glob_body,
        out_shape=jax.ShapeDtypeStruct((1, _D), jnp.float32),
    )(nsum, *esums, g, wgn, wge, wgg, w2, w3, w4, b1, b2, b3, b4)




def kernel(x, edge_index, edge_attr, graph_globals,
           edge_Ws, edge_bs, node_Ws, node_bs, glob_Ws, glob_bs):
    src = edge_index[0].astype(jnp.int32)
    dst = edge_index[1].astype(jnp.int32)
    r2 = lambda b: b.reshape(1, -1)

    w1 = edge_Ws[0]
    w1e, w1s, w1d, w1g = w1[:_DE], w1[_DE:_DE + _D], w1[_DE + _D:_DE + 2 * _D], w1[_DE + 2 * _D:]
    wn1 = node_Ws[0]
    wnx, wna, wng = wn1[:_D], wn1[_D:2 * _D], wn1[2 * _D:]
    wg1 = glob_Ws[0]
    wgn, wge, wgg = wg1[:_D], wg1[_D:2 * _D], wg1[2 * _D:]

    ones = jnp.ones((_D, _D), jnp.float32)
    ew = (edge_Ws[1], edge_Ws[2], edge_Ws[3])
    eb = (r2(edge_bs[1]), r2(edge_bs[2]), r2(edge_bs[3]))
    xs, xd, xn, ge, gn = _prep(x, w1s, w1d, wnx, graph_globals,
                               w1g, wng, r2(edge_bs[0]), r2(node_bs[0]))
    ea_t = edge_attr.T
    parts = ((0, 115200), (115200, 102400), (217600, 102400))
    e_out = None
    esums = []
    aggps = []
    for ebase, size in parts:
        xsum_h = _sc_gather(xs, xd, src, dst, ebase, size)
        e_out, es, e_priv = _edge_mlp(ea_t, xsum_h, w1e, *ew, *eb, ge, ones,
                                      ebase // _BE, eprev=e_out)
        esums.append(es)
        aggps.append(_sc_scatter(e_priv, dst, ebase, size))
    n_out, nsum = _node_mlp(xn, aggps, wna,
                            node_Ws[1], node_Ws[2], node_Ws[3],
                            r2(node_bs[1]), r2(node_bs[2]), r2(node_bs[3]), gn,
                            ones)
    g_out = _glob_mlp(nsum, esums, graph_globals, wgn, wge, wgg,
                      glob_Ws[1], glob_Ws[2], glob_Ws[3],
                      r2(glob_bs[0]), r2(glob_bs[1]), r2(glob_bs[2]), r2(glob_bs[3]))
    return (n_out, e_out, g_out)

# --- scband reference (transcript-rebuilt; emitter-appended) ---
"""Pipeline reference for scband-mlpgraph-network-18975165514614 (READ-ONLY COPY).

The authoritative reference and input builder live on the scoring server;
editing this copy changes nothing except your own understanding.
"""

import jax, jax.numpy as jnp
import numpy as np

N = 10000
E = 320000
DF = 128
DE = 16
DG = 128
H = 128
NL = 4


def _ln(x, eps=1e-5):
    m = jnp.mean(x, axis=-1, keepdims=True)
    v = jnp.var(x, axis=-1, keepdims=True)
    return (x - m) / jnp.sqrt(v + eps)


def _mlp(h, Ws, bs):
    # PyG MLP: (Linear -> norm -> ReLU) x (L-1), final plain Linear
    for i in range(len(Ws) - 1):
        h = jax.nn.relu(_ln(h @ Ws[i] + bs[i]))
    return h @ Ws[-1] + bs[-1]


def _make_mlp_params(key, din, hid, dout, nlayers):
    dims = [din] + [hid] * (nlayers - 1) + [dout]
    Ws, bs = [], []
    for i in range(nlayers):
        key, k = jax.random.split(key)
        Ws.append(jax.random.normal(k, (dims[i], dims[i + 1]), dtype=jnp.float32) * 0.02)
        bs.append(jnp.zeros((dims[i + 1],), dtype=jnp.float32))
    return Ws, bs


def setup_inputs(seed: int = 0) -> dict:
    key = jax.random.key(seed)
    k1, k2, k3, k4, k5, k6, k7 = jax.random.split(key, 7)
    x = jax.random.normal(k1, (N, DF), dtype=jnp.float32)
    edge_index = jax.random.randint(k2, (2, E), 0, N, dtype=jnp.int64)
    edge_attr = jax.random.normal(k3, (E, DE), dtype=jnp.float32)
    graph_globals = jax.random.normal(k4, (1, DG), dtype=jnp.float32)
    # edge MLP: [edge_attr, x_src, x_dst, global] -> edge_output_size
    edge_Ws, edge_bs = _make_mlp_params(k5, DE + 2 * DF + DG, H, 128, NL)
    # node MLP: [x, agg_edges, global] -> node_output_size
    node_Ws, node_bs = _make_mlp_params(k6, DF + 128 + DG, H, 128, NL)
    # global MLP: [mean(nodes'), mean(edges'), global] -> node_output_size (per source code)
    glob_Ws, glob_bs = _make_mlp_params(k7, 128 + 128 + DG, H, 128, NL)
    return {
        "x": x,
        "edge_index": edge_index,
        "edge_attr": edge_attr,
        "graph_globals": graph_globals,
        "edge_Ws": edge_Ws,
        "edge_bs": edge_bs,
        "node_Ws": node_Ws,
        "node_bs": node_bs,
        "glob_Ws": glob_Ws,
        "glob_bs": glob_bs,
    }


def reference(x, edge_index, edge_attr, graph_globals, edge_Ws, edge_bs, node_Ws, node_bs, glob_Ws, glob_bs):
    src = edge_index[0]
    dst = edge_index[1]
    n_nodes = x.shape[0]
    n_edges = edge_attr.shape[0]
    # --- edge update ---
    g_e = jnp.broadcast_to(graph_globals, (n_edges, graph_globals.shape[-1]))
    e_in = jnp.concatenate([edge_attr, jnp.take(x, src, axis=0), jnp.take(x, dst, axis=0), g_e], axis=-1)
    e_out = _mlp(e_in, edge_Ws, edge_bs)
    # --- node update (scatter-add aggregation of incoming edges) ---
    agg = jax.ops.segment_sum(e_out, dst, num_segments=n_nodes)
    g_n = jnp.broadcast_to(graph_globals, (n_nodes, graph_globals.shape[-1]))
    n_in = jnp.concatenate([x, agg, g_n], axis=-1)
    n_out = _mlp(n_in, node_Ws, node_bs)
    # --- global update ---
    g_in = jnp.concatenate([jnp.mean(n_out, axis=0), jnp.mean(e_out, axis=0), graph_globals[0]], axis=-1)
    g_out = _mlp(g_in[None, :], glob_Ws, glob_bs)
    return (n_out, e_out, g_out)

if __name__ == "__main__":
    import jax
    _d = setup_inputs()
    print(jax.jit(kernel)(*tuple(_d.values())))

</pallas_src>

<mosaic_0001>
#map = affine_map<(d0, d1) -> (0, 0)>
#map1 = affine_map<(d0, d1) -> (0)>
#map2 = affine_map<(d0, d1) -> (0, 0, 0)>
module attributes {stable_mosaic.version = 14 : i64} {
  func.func @k(%arg0: i32, %arg1: i32, %arg2: memref<115200x128xf32, #tpu.memory_space<hbm>>, %arg3: memref<320000xi32, #tpu.memory_space<hbm>>, %arg4: memref<2x10000x128xf32, #tpu.memory_space<hbm>>, %arg5: memref<80xi32, #tpu.memory_space<vmem>>, %arg6: memref<80xi32, #tpu.memory_space<vmem>>, %arg7: memref<80x128xf32, #tpu.memory_space<vmem>>, %arg8: memref<80x128xf32, #tpu.memory_space<vmem>>, %arg9: memref<10000x128xf32, #tpu.memory_space<vmem_shared>>, %arg10: memref<!tpu.dma_semaphore, #tpu.memory_space<semaphore_mem>>, %arg11: memref<!tpu.dma_semaphore, #tpu.memory_space<semaphore_mem>>, %arg12: memref<!tpu.dma_semaphore, #tpu.memory_space<semaphore_mem>>, %arg13: memref<!tpu.dma_semaphore, #tpu.memory_space<semaphore_mem>>) attributes {dimension_semantics = [#tpu.dimension_semantics<core_parallel>, #tpu.dimension_semantics<subcore_parallel>], iteration_bounds = array<i64: 2, 16>, scalar_prefetch = 0 : i64, scratch_operands = 9 : i64, tpu.core_type = #tpu.core_type<sc_vector_subcore>, window_params = [{transform_indices = #map}, {transform_indices = #map1}, {transform_indices = #map2}]} {
    %le3A = arith.constant 12 : i32
    %le3A_0 = arith.cmpi sle, %arg1, %le3A : i32
    %jit3A = arith.constant 8 : i32
    %jit3A_1 = arith.constant 7 : i32
    %select_n3A = arith.select %le3A_0, %jit3A, %jit3A_1 : i32
    %scan3A = arith.constant 0 : i32
    %scan3A_2 = arith.constant 0 : i32
    %scan3A_3 = arith.constant 80 : i32
    %scan3A_4 = arith.addi %scan3A_2, %scan3A_3 : i32
    %scan3A_5 = arith.constant 1 : i32
    scf.for %scan3A_43 = %scan3A_2 to %scan3A_4 step %scan3A_5  : i32 {
      %broadcast_in_dim3A = arith.constant 0.000000e+00 : f32
      %broadcast_in_dim3A_44 = vector.broadcast %broadcast_in_dim3A : f32 to vector<16xf32>
      %swap3A = arith.index_cast %scan3A_43 : i32 to index
      %swap3A_45 = arith.constant 0 : index
      %swap3A_46 = tpu.vector_load %arg7[%swap3A, %swap3A_45] {strides = array<i32>} : memref<80x128xf32, #tpu.memory_space<vmem>>, vector<1x16xf32>,
      %swap3A_47 = vector.shape_cast %swap3A_46 : vector<1x16xf32> to vector<16xf32>
      %swap3A_48 = vector.shape_cast %broadcast_in_dim3A_44 : vector<16xf32> to vector<1x16xf32>
      tpu.vector_store %arg7[%swap3A, %swap3A_45], %swap3A_48 {strides = array<i32>} : memref<80x128xf32, #tpu.memory_space<vmem>>, vector<1x16xf32>,
      %broadcast_in_dim3A_49 = arith.constant 0.000000e+00 : f32
      %broadcast_in_dim3A_50 = vector.broadcast %broadcast_in_dim3A_49 : f32 to vector<16xf32>
      %swap3A_51 = arith.index_cast %scan3A_43 : i32 to index
      %swap3A_52 = arith.constant 16 : index
      %swap3A_53 = tpu.vector_load %arg7[%swap3A_51, %swap3A_52] {strides = array<i32>} : memref<80x128xf32, #tpu.memory_space<vmem>>, vector<1x16xf32>,
      %swap3A_54 = vector.shape_cast %swap3A_53 : vector<1x16xf32> to vector<16xf32>
      %swap3A_55 = vector.shape_cast %broadcast_in_dim3A_50 : vector<16xf32> to vector<1x16xf32>
      tpu.vector_store %arg7[%swap3A_51, %swap3A_52], %swap3A_55 {strides = array<i32>} : memref<80x128xf32, #tpu.memory_space<vmem>>, vector<1x16xf32>,
      %broadcast_in_dim3A_56 = arith.constant 0.000000e+00 : f32
      %broadcast_in_dim3A_57 = vector.broadcast %broadcast_in_dim3A_56 : f32 to vector<16xf32>
      %swap3A_58 = arith.index_cast %scan3A_43 : i32 to index
      %swap3A_59 = arith.constant 32 : index
      %swap3A_60 = tpu.vector_load %arg7[%swap3A_58, %swap3A_59] {strides = array<i32>} : memref<80x128xf32, #tpu.memory_space<vmem>>, vector<1x16xf32>,
      %swap3A_61 = vector.shape_cast %swap3A_60 : vector<1x16xf32> to vector<16xf32>
      %swap3A_62 = vector.shape_cast %broadcast_in_dim3A_57 : vector<16xf32> to vector<1x16xf32>
      tpu.vector_store %arg7[%swap3A_58, %swap3A_59], %swap3A_62 {strides = array<i32>} : memref<80x128xf32, #tpu.memory_space<vmem>>, vector<1x16xf32>,
      %broadcast_in_dim3A_63 = arith.constant 0.000000e+00 : f32
      %broadcast_in_dim3A_64 = vector.broadcast %broadcast_in_dim3A_63 : f32 to vector<16xf32>
      %swap3A_65 = arith.index_cast %scan3A_43 : i32 to index
      %swap3A_66 = arith.constant 48 : index
      %swap3A_67 = tpu.vector_load %arg7[%swap3A_65, %swap3A_66] {strides = array<i32>} : memref<80x128xf32, #tpu.memory_space<vmem>>, vector<1x16xf32>,
      %swap3A_68 = vector.shape_cast %swap3A_67 : vector<1x16xf32> to vector<16xf32>
      %swap3A_69 = vector.shape_cast %broadcast_in_dim3A_64 : vector<16xf32> to vector<1x16xf32>
      tpu.vector_store %arg7[%swap3A_65, %swap3A_66], %swap3A_69 {strides = array<i32>} : memref<80x128xf32, #tpu.memory_space<vmem>>, vector<1x16xf32>,
      %broadcast_in_dim3A_70 = arith.constant 0.000000e+00 : f32
      %broadcast_in_dim3A_71 = vector.broadcast %broadcast_in_dim3A_70 : f32 to vector<16xf32>
      %swap3A_72 = arith.index_cast %scan3A_43 : i32 to index
      %swap3A_73 = arith.constant 64 : index
      %swap3A_74 = tpu.vector_load %arg7[%swap3A_72, %swap3A_73] {strides = array<i32>} : memref<80x128xf32, #tpu.memory_space<vmem>>, vector<1x16xf32>,
      %swap3A_75 = vector.shape_cast %swap3A_74 : vector<1x16xf32> to vector<16xf32>
      %swap3A_76 = vector.shape_cast %broadcast_in_dim3A_71 : vector<16xf32> to vector<1x16xf32>
      tpu.vector_store %arg7[%swap3A_72, %swap3A_73], %swap3A_76 {strides = array<i32>} : memref<80x128xf32, #tpu.memory_space<vmem>>, vector<1x16xf32>,
      %broadcast_in_dim3A_77 = arith.constant 0.000000e+00 : f32
      %broadcast_in_dim3A_78 = vector.broadcast %broadcast_in_dim3A_77 : f32 to vector<16xf32>
      %swap3A_79 = arith.index_cast %scan3A_43 : i32 to index
      %swap3A_80 = arith.constant 80 : index
      %swap3A_81 = tpu.vector_load %arg7[%swap3A_79, %swap3A_80] {strides = array<i32>} : memref<80x128xf32, #tpu.memory_space<vmem>>, vector<1x16xf32>,
      %swap3A_82 = vector.shape_cast %swap3A_81 : vector<1x16xf32> to vector<16xf32>
      %swap3A_83 = vector.shape_cast %broadcast_in_dim3A_78 : vector<16xf32> to vector<1x16xf32>
      tpu.vector_store %arg7[%swap3A_79, %swap3A_80], %swap3A_83 {strides = array<i32>} : memref<80x128xf32, #tpu.memory_space<vmem>>, vector<1x16xf32>,
      %broadcast_in_dim3A_84 = arith.constant 0.000000e+00 : f32
      %broadcast_in_dim3A_85 = vector.broadcast %broadcast_in_dim3A_84 : f32 to vector<16xf32>
      %swap3A_86 = arith.index_cast %scan3A_43 : i32 to index
      %swap3A_87 = arith.constant 96 : index
      %swap3A_88 = tpu.vector_load %arg7[%swap3A_86, %swap3A_87] {strides = array<i32>} : memref<80x128xf32, #tpu.memory_space<vmem>>, vector<1x16xf32>,
      %swap3A_89 = vector.shape_cast %swap3A_88 : vector<1x16xf32> to vector<16xf32>
      %swap3A_90 = vector.shape_cast %broadcast_in_dim3A_85 : vector<16xf32> to vector<1x16xf32>
      tpu.vector_store %arg7[%swap3A_86, %swap3A_87], %swap3A_90 {strides = array<i32>} : memref<80x128xf32, #tpu.memory_space<vmem>>, vector<1x16xf32>,
      %broadcast_in_dim3A_91 = arith.constant 0.000000e+00 : f32
      %broadcast_in_dim3A_92 = vector.broadcast %broadcast_in_dim3A_91 : f32 to vector<16xf32>
      %swap3A_93 = arith.index_cast %scan3A_43 : i32 to index
      %swap3A_94 = arith.constant 112 : index
      %swap3A_95 = tpu.vector_load %arg7[%swap3A_93, %swap3A_94] {strides = array<i32>} : memref<80x128xf32, #tpu.memory_space<vmem>>, vector<1x16xf32>,
      %swap3A_96 = vector.shape_cast %swap3A_95 : vector<1x16xf32> to vector<16xf32>
      %swap3A_97 = vector.shape_cast %broadcast_in_dim3A_92 : vector<16xf32> to vector<1x16xf32>
      tpu.vector_store %arg7[%swap3A_93, %swap3A_94], %swap3A_97 {strides = array<i32>} : memref<80x128xf32, #tpu.memory_space<vmem>>, vector<1x16xf32>,
    }
    %scan3A_6 = arith.constant 80 : i32
    %while3A = arith.constant 0 : i32
    %while3A_7 = arith.constant 0 : i32
    %while3A_8 = arith.subi %select_n3A, %while3A_7 : i32
    %while3A_9 = arith.addi %while3A_7, %while3A_8 : i32
    %while3A_10 = arith.constant 1 : i32
    %while3A_11 = arith.divsi %while3A_8, %while3A_10 : i32
    %while3A_12 = arith.muli %while3A_11, %while3A_10 : i32
    %while3A_13 = arith.addi %while3A_7, %while3A_12 : i32
    %while3A_14 = arith.constant 1 : i32
    scf.for %while3A_43 = %while3A_7 to %while3A_13 step %while3A_14  : i32 {
      %mul3A_44 = arith.constant 16 : i32
      %mul3A_45 = arith.muli %mul3A_44, %while3A_43 : i32
      %add3A_46 = arith.addi %arg1, %mul3A_45 : i32
      %mul3A_47 = arith.constant 80 : i32
      %mul3A_48 = arith.muli %add3A_46, %mul3A_47 : i32
      "tpu.region"() ({
        %run_scoped3A = tpu.sem_alloc : memref<!tpu.dma_semaphore, #tpu.memory_space<semaphore_mem>>
        %dma_start3A_49 = arith.constant 0 : i32
        %dma_start3A_50 = tpu.memref_slice %arg9[%mul3A_48, %dma_start3A_49] : memref<10000x128xf32, #tpu.memory_space<vmem_shared>> -> memref<80x128xf32, #tpu.memory_space<vmem_shared>>
        %dma_start3A_51 = arith.constant 0 : i32
        %dma_start3A_52 = tpu.memref_slice %arg9[%mul3A_48, %dma_start3A_51] : memref<10000x128xf32, #tpu.memory_space<vmem_shared>> -> memref<80x128xf32, #tpu.memory_space<vmem_shared>>
        tpu.enqueue_dma source(%arg7 : memref<80x128xf32, #tpu.memory_space<vmem>>) target(%dma_start3A_52 : memref<80x128xf32, #tpu.memory_space<vmem_shared>>) target_semaphore(%run_scoped3A : memref<!tpu.dma_semaphore, #tpu.memory_space<semaphore_mem>>)
        %dma_wait3A = arith.constant 0 : i32
        %dma_wait3A_53 = tpu.memref_slice %arg9[%mul3A_48, %dma_wait3A] : memref<10000x128xf32, #tpu.memory_space<vmem_shared>> -> memref<80x128xf32, #tpu.memory_space<vmem_shared>>
        %dma_wait3A_54 = arith.constant 0 : i32
        %dma_wait3A_55 = tpu.memref_slice %arg9[%mul3A_48, %dma_wait3A_54] : memref<10000x128xf32, #tpu.memory_space<vmem_shared>> -> memref<80x128xf32, #tpu.memory_space<vmem_shared>>
        tpu.wait_dma2 semaphore(%run_scoped3A : memref<!tpu.dma_semaphore, #tpu.memory_space<semaphore_mem>>) src(%arg7 : memref<80x128xf32, #tpu.memory_space<vmem>>) dst(%dma_wait3A_55 : memref<80x128xf32, #tpu.memory_space<vmem_shared>>)
        tpu.yield
      }) : () -> ()
    }
    %while3A_15 = arith.constant 1 : i32
    scf.for %while3A_43 = %while3A_13 to %while3A_9 step %while3A_15  : i32 {
      %mul3A_44 = arith.constant 16 : i32
      %mul3A_45 = arith.muli %mul3A_44, %while3A_43 : i32
      %add3A_46 = arith.addi %arg1, %mul3A_45 : i32
      %mul3A_47 = arith.constant 80 : i32
      %mul3A_48 = arith.muli %add3A_46, %mul3A_47 : i32
      "tpu.region"() ({
        %run_scoped3A = tpu.sem_alloc : memref<!tpu.dma_semaphore, #tpu.memory_space<semaphore_mem>>
        %dma_start3A_49 = arith.constant 0 : i32
        %dma_start3A_50 = tpu.memref_slice %arg9[%mul3A_48, %dma_start3A_49] : memref<10000x128xf32, #tpu.memory_space<vmem_shared>> -> memref<80x128xf32, #tpu.memory_space<vmem_shared>>
        %dma_start3A_51 = arith.constant 0 : i32
        %dma_start3A_52 = tpu.memref_slice %arg9[%mul3A_48, %dma_start3A_51] : memref<10000x128xf32, #tpu.memory_space<vmem_shared>> -> memref<80x128xf32, #tpu.memory_space<vmem_shared>>
        tpu.enqueue_dma source(%arg7 : memref<80x128xf32, #tpu.memory_space<vmem>>) target(%dma_start3A_52 : memref<80x128xf32, #tpu.memory_space<vmem_shared>>) target_semaphore(%run_scoped3A : memref<!tpu.dma_semaphore, #tpu.memory_space<semaphore_mem>>)
        %dma_wait3A = arith.constant 0 : i32
        %dma_wait3A_53 = tpu.memref_slice %arg9[%mul3A_48, %dma_wait3A] : memref<10000x128xf32, #tpu.memory_space<vmem_shared>> -> memref<80x128xf32, #tpu.memory_space<vmem_shared>>
        %dma_wait3A_54 = arith.constant 0 : i32
        %dma_wait3A_55 = tpu.memref_slice %arg9[%mul3A_48, %dma_wait3A_54] : memref<10000x128xf32, #tpu.memory_space<vmem_shared>> -> memref<80x128xf32, #tpu.memory_space<vmem_shared>>
        tpu.wait_dma2 semaphore(%run_scoped3A : memref<!tpu.dma_semaphore, #tpu.memory_space<semaphore_mem>>) src(%arg7 : memref<80x128xf32, #tpu.memory_space<vmem>>) dst(%dma_wait3A_55 : memref<80x128xf32, #tpu.memory_space<vmem_shared>>)
        tpu.yield
      }) : () -> ()
    }
    %barrier3A = arith.constant 0 : index
    tpu.barrier barrier_id(%barrier3A)
    %mul3A = arith.constant 16 : i32
    %mul3A_16 = arith.muli %arg0, %mul3A : i32
    %add3A = arith.addi %mul3A_16, %arg1 : i32
    %mul3A_17 = arith.constant 3600 : i32
    %mul3A_18 = arith.muli %add3A, %mul3A_17 : i32
    %add3A_19 = arith.constant 0 : i32
    %add3A_20 = arith.addi %add3A_19, %mul3A_18 : i32
    %dma_start3A = tpu.memref_slice %arg3[%add3A_20] : memref<320000xi32, #tpu.memory_space<hbm>> -> memref<80xi32, #tpu.memory_space<hbm>>
    %dma_start3A_21 = tpu.memref_slice %arg3[%add3A_20] : memref<320000xi32, #tpu.memory_space<hbm>> -> memref<80xi32, #tpu.memory_space<hbm>>
    tpu.enqueue_dma source(%dma_start3A_21 : memref<80xi32, #tpu.memory_space<hbm>>) target(%arg5 : memref<80xi32, #tpu.memory_space<vmem>>) target_semaphore(%arg12 : memref<!tpu.dma_semaphore, #tpu.memory_space<semaphore_mem>>)
    %dma_start3A_22 = arith.constant 0 : i32
    %dma_start3A_23 = tpu.memref_slice %arg2[%mul3A_18, %dma_start3A_22] : memref<115200x128xf32, #tpu.memory_space<hbm>> -> memref<80x128xf32, #tpu.memory_space<hbm>>
    %dma_start3A_24 = arith.constant 0 : i32
    %dma_start3A_25 = tpu.memref_slice %arg2[%mul3A_18, %dma_start3A_24] : memref<115200x128xf32, #tpu.memory_space<hbm>> -> memref<80x128xf32, #tpu.memory_space<hbm>>
    tpu.enqueue_dma source(%dma_start3A_25 : memref<80x128xf32, #tpu.memory_space<hbm>>) target(%arg7 : memref<80x128xf32, #tpu.memory_space<vmem>>) target_semaphore(%arg10 : memref<!tpu.dma_semaphore, #tpu.memory_space<semaphore_mem>>)
    %scan3A_26 = arith.constant 0 : i32
    %scan3A_27 = arith.constant 0 : i32
    %scan3A_28 = arith.constant 23 : i32
    %scan3A_29 = arith.addi %scan3A_27, %scan3A_28 : i32
    %scan3A_30 = arith.constant 1 : i32
    scf.for %scan3A_43 = %scan3A_27 to %scan3A_29 step %scan3A_30  : i32 {
      %mul3A_44 = arith.constant 2 : i32
      %mul3A_45 = arith.muli %mul3A_44, %scan3A_43 : i32
      %add3A_46 = arith.constant 0 : i32
      %add3A_47 = arith.addi %mul3A_45, %add3A_46 : i32
      %le3A_48 = arith.constant 44 : i32
      %le3A_49 = arith.cmpi sle, %add3A_47, %le3A_48 : i32
      %convert_element_type3A = arith.extui %le3A_49 : i1 to i32
      %cond3A = arith.constant 0 : i32
      %cond3A_50 = arith.cmpi ne, %convert_element_type3A, %cond3A : i32
      scf.if %cond3A_50 {
        %dma_wait3A = tpu.memref_slice %arg3[%mul3A_18] : memref<320000xi32, #tpu.memory_space<hbm>> -> memref<80xi32, #tpu.memory_space<hbm>>
        %dma_wait3A_60 = tpu.memref_slice %arg3[%mul3A_18] : memref<320000xi32, #tpu.memory_space<hbm>> -> memref<80xi32, #tpu.memory_space<hbm>>
        tpu.wait_dma2 semaphore(%arg12 : memref<!tpu.dma_semaphore, #tpu.memory_space<semaphore_mem>>) src(%dma_wait3A_60 : memref<80xi32, #tpu.memory_space<hbm>>) dst(%arg5 : memref<80xi32, #tpu.memory_space<vmem>>)
        %dma_wait3A_61 = arith.constant 0 : i32
        %dma_wait3A_62 = tpu.memref_slice %arg2[%mul3A_18, %dma_wait3A_61] : memref<115200x128xf32, #tpu.memory_space<hbm>> -> memref<80x128xf32, #tpu.memory_space<hbm>>
        %dma_wait3A_63 = arith.constant 0 : i32
        %dma_wait3A_64 = tpu.memref_slice %arg2[%mul3A_18, %dma_wait3A_63] : memref<115200x128xf32, #tpu.memory_space<hbm>> -> memref<80x128xf32, #tpu.memory_space<hbm>>
        tpu.wait_dma2 semaphore(%arg10 : memref<!tpu.dma_semaphore, #tpu.memory_space<semaphore_mem>>) src(%dma_wait3A_64 : memref<80x128xf32, #tpu.memory_space<hbm>>) dst(%arg7 : memref<80x128xf32, #tpu.memory_space<vmem>>)
        %add3A_65 = arith.constant 1 : i32
        %add3A_66 = arith.addi %add3A_47, %add3A_65 : i32
        %le3A_67 = arith.constant 44 : i32
        %le3A_68 = arith.cmpi sle, %add3A_66, %le3A_67 : i32
        %convert_element_type3A_69 = arith.extui %le3A_68 : i1 to i32
        %cond3A_70 = arith.constant 0 : i32
        %cond3A_71 = arith.cmpi ne, %convert_element_type3A_69, %cond3A_70 : i32
        scf.if %cond3A_71 {
          %add3A_72 = arith.constant 1 : i32
          %add3A_73 = arith.addi %add3A_47, %add3A_72 : i32
          %mul3A_74 = arith.constant 80 : i32
          %mul3A_75 = arith.muli %add3A_73, %mul3A_74 : i32
          %add3A_76 = arith.addi %mul3A_18, %mul3A_75 : i32
          %add3A_77 = arith.constant 0 : i32
          %add3A_78 = arith.addi %add3A_77, %add3A_76 : i32
          %dma_start3A_79 = tpu.memref_slice %arg3[%add3A_78] : memref<320000xi32, #tpu.memory_space<hbm>> -> memref<80xi32, #tpu.memory_space<hbm>>
          %dma_start3A_80 = tpu.memref_slice %arg3[%add3A_78] : memref<320000xi32, #tpu.memory_space<hbm>> -> memref<80xi32, #tpu.memory_space<hbm>>
          tpu.enqueue_dma source(%dma_start3A_80 : memref<80xi32, #tpu.memory_space<hbm>>) target(%arg6 : memref<80xi32, #tpu.memory_space<vmem>>) target_semaphore(%arg13 : memref<!tpu.dma_semaphore, #tpu.memory_space<semaphore_mem>>)
          %dma_start3A_81 = arith.constant 0 : i32
          %dma_start3A_82 = tpu.memref_slice %arg2[%add3A_76, %dma_start3A_81] : memref<115200x128xf32, #tpu.memory_space<hbm>> -> memref<80x128xf32, #tpu.memory_space<hbm>>
          %dma_start3A_83 = arith.constant 0 : i32
          %dma_start3A_84 = tpu.memref_slice %arg2[%add3A_76, %dma_start3A_83] : memref<115200x128xf32, #tpu.memory_space<hbm>> -> memref<80x128xf32, #tpu.memory_space<hbm>>
          tpu.enqueue_dma source(%dma_start3A_84 : memref<80x128xf32, #tpu.memory_space<hbm>>) target(%arg8 : memref<80x128xf32, #tpu.memory_space<vmem>>) target_semaphore(%arg11 : memref<!tpu.dma_semaphore, #tpu.memory_space<semaphore_mem>>)
        } else {
        }
        "tpu.region"() ({
          %run_scoped3A = tpu.sem_alloc : memref<!tpu.dma_semaphore, #tpu.memory_space<semaphore_mem>>
          %dma_start3A_72 = arith.constant 0 : i32
          %dma_start3A_73 = arith.constant 0 : i32
          %dma_start3A_74 = tpu.memref_slice %arg9[%dma_start3A_72, %dma_start3A_73] : memref<10000x128xf32, #tpu.memory_space<vmem_shared>> -> memref<10000x128xf32, #tpu.memory_space<vmem_shared>>
          tpu.enqueue_indirect_dma source(%arg7 : memref<80x128xf32, #tpu.memory_space<vmem>>) target(%dma_start3A_74 : memref<10000x128xf32, #tpu.memory_space<vmem_shared>>) offsets(%arg5 : memref<80xi32, #tpu.memory_space<vmem>>) semaphore(%run_scoped3A : memref<!tpu.dma_semaphore, #tpu.memory_space<semaphore_mem>>) {add = true}
          %dma_wait3A_75 = arith.constant 0 : i32
          %dma_wait3A_76 = arith.constant 0 : i32
          %dma_wait3A_77 = tpu.memref_slice %arg9[%dma_wait3A_75, %dma_wait3A_76] : memref<10000x128xf32, #tpu.memory_space<vmem_shared>> -> memref<10000x128xf32, #tpu.memory_space<vmem_shared>>
          tpu.wait_indirect_dma semaphore(%run_scoped3A : memref<!tpu.dma_semaphore, #tpu.memory_space<semaphore_mem>>) src(%arg7 : memref<80x128xf32, #tpu.memory_space<vmem>>) dst(%dma_wait3A_77 : memref<10000x128xf32, #tpu.memory_space<vmem_shared>>)
          tpu.yield
        }) : () -> ()
      } else {
      }
      %mul3A_51 = arith.constant 2 : i32
      %mul3A_52 = arith.muli %mul3A_51, %scan3A_43 : i32
      %add3A_53 = arith.constant 1 : i32
      %add3A_54 = arith.addi %mul3A_52, %add3A_53 : i32
      %le3A_55 = arith.constant 44 : i32
      %le3A_56 = arith.cmpi sle, %add3A_54, %le3A_55 : i32
      %convert_element_type3A_57 = arith.extui %le3A_56 : i1 to i32
      %cond3A_58 = arith.constant 0 : i32
      %cond3A_59 = arith.cmpi ne, %convert_element_type3A_57, %cond3A_58 : i32
      scf.if %cond3A_59 {
        %dma_wait3A = tpu.memref_slice %arg3[%mul3A_18] : memref<320000xi32, #tpu.memory_space<hbm>> -> memref<80xi32, #tpu.memory_space<hbm>>
        %dma_wait3A_60 = tpu.memref_slice %arg3[%mul3A_18] : memref<320000xi32, #tpu.memory_space<hbm>> -> memref<80xi32, #tpu.memory_space<hbm>>
        tpu.wait_dma2 semaphore(%arg13 : memref<!tpu.dma_semaphore, #tpu.memory_space<semaphore_mem>>) src(%dma_wait3A_60 : memref<80xi32, #tpu.memory_space<hbm>>) dst(%arg6 : memref<80xi32, #tpu.memory_space<vmem>>)
        %dma_wait3A_61 = arith.constant 0 : i32
        %dma_wait3A_62 = tpu.memref_slice %arg2[%mul3A_18, %dma_wait3A_61] : memref<115200x128xf32, #tpu.memory_space<hbm>> -> memref<80x128xf32, #tpu.memory_space<hbm>>
        %dma_wait3A_63 = arith.constant 0 : i32
        %dma_wait3A_64 = tpu.memref_slice %arg2[%mul3A_18, %dma_wait3A_63] : memref<115200x128xf32, #tpu.memory_space<hbm>> -> memref<80x128xf32, #tpu.memory_space<hbm>>
        tpu.wait_dma2 semaphore(%arg11 : memref<!tpu.dma_semaphore, #tpu.memory_space<semaphore_mem>>) src(%dma_wait3A_64 : memref<80x128xf32, #tpu.memory_space<hbm>>) dst(%arg8 : memref<80x128xf32, #tpu.memory_space<vmem>>)
        %add3A_65 = arith.constant 1 : i32
        %add3A_66 = arith.addi %add3A_54, %add3A_65 : i32
        %le3A_67 = arith.constant 44 : i32
        %le3A_68 = arith.cmpi sle, %add3A_66, %le3A_67 : i32
        %convert_element_type3A_69 = arith.extui %le3A_68 : i1 to i32
        %cond3A_70 = arith.constant 0 : i32
        %cond3A_71 = arith.cmpi ne, %convert_element_type3A_69, %cond3A_70 : i32
        scf.if %cond3A_71 {
          %add3A_72 = arith.constant 1 : i32
          %add3A_73 = arith.addi %add3A_54, %add3A_72 : i32
          %mul3A_74 = arith.constant 80 : i32
          %mul3A_75 = arith.muli %add3A_73, %mul3A_74 : i32
          %add3A_76 = arith.addi %mul3A_18, %mul3A_75 : i32
          %add3A_77 = arith.constant 0 : i32
          %add3A_78 = arith.addi %add3A_77, %add3A_76 : i32
          %dma_start3A_79 = tpu.memref_slice %arg3[%add3A_78] : memref<320000xi32, #tpu.memory_space<hbm>> -> memref<80xi32, #tpu.memory_space<hbm>>
          %dma_start3A_80 = tpu.memref_slice %arg3[%add3A_78] : memref<320000xi32, #tpu.memory_space<hbm>> -> memref<80xi32, #tpu.memory_space<hbm>>
          tpu.enqueue_dma source(%dma_start3A_80 : memref<80xi32, #tpu.memory_space<hbm>>) target(%arg5 : memref<80xi32, #tpu.memory_space<vmem>>) target_semaphore(%arg12 : memref<!tpu.dma_semaphore, #tpu.memory_space<semaphore_mem>>)
          %dma_start3A_81 = arith.constant 0 : i32
          %dma_start3A_82 = tpu.memref_slice %arg2[%add3A_76, %dma_start3A_81] : memref<115200x128xf32, #tpu.memory_space<hbm>> -> memref<80x128xf32, #tpu.memory_space<hbm>>
          %dma_start3A_83 = arith.constant 0 : i32
          %dma_start3A_84 = tpu.memref_slice %arg2[%add3A_76, %dma_start3A_83] : memref<115200x128xf32, #tpu.memory_space<hbm>> -> memref<80x128xf32, #tpu.memory_space<hbm>>
          tpu.enqueue_dma source(%dma_start3A_84 : memref<80x128xf32, #tpu.memory_space<hbm>>) target(%arg7 : memref<80x128xf32, #tpu.memory_space<vmem>>) target_semaphore(%arg10 : memref<!tpu.dma_semaphore, #tpu.memory_space<semaphore_mem>>)
        } else {
        }
        "tpu.region"() ({
          %run_scoped3A = tpu.sem_alloc : memref<!tpu.dma_semaphore, #tpu.memory_space<semaphore_mem>>
          %dma_start3A_72 = arith.constant 0 : i32
          %dma_start3A_73 = arith.constant 0 : i32
          %dma_start3A_74 = tpu.memref_slice %arg9[%dma_start3A_72, %dma_start3A_73] : memref<10000x128xf32, #tpu.memory_space<vmem_shared>> -> memref<10000x128xf32, #tpu.memory_space<vmem_shared>>
          tpu.enqueue_indirect_dma source(%arg8 : memref<80x128xf32, #tpu.memory_space<vmem>>) target(%dma_start3A_74 : memref<10000x128xf32, #tpu.memory_space<vmem_shared>>) offsets(%arg6 : memref<80xi32, #tpu.memory_space<vmem>>) semaphore(%run_scoped3A : memref<!tpu.dma_semaphore, #tpu.memory_space<semaphore_mem>>) {add = true}
          %dma_wait3A_75 = arith.constant 0 : i32
          %dma_wait3A_76 = arith.constant 0 : i32
          %dma_wait3A_77 = tpu.memref_slice %arg9[%dma_wait3A_75, %dma_wait3A_76] : memref<10000x128xf32, #tpu.memory_space<vmem_shared>> -> memref<10000x128xf32, #tpu.memory_space<vmem_shared>>
          tpu.wait_indirect_dma semaphore(%run_scoped3A : memref<!tpu.dma_semaphore, #tpu.memory_space<semaphore_mem>>) src(%arg8 : memref<80x128xf32, #tpu.memory_space<vmem>>) dst(%dma_wait3A_77 : memref<10000x128xf32, #tpu.memory_space<vmem_shared>>)
          tpu.yield
        }) : () -> ()
      } else {
      }
    }
    %scan3A_31 = arith.constant 23 : i32
    %barrier3A_32 = arith.constant 0 : index
    tpu.barrier barrier_id(%barrier3A_32)
    %while3A_33 = arith.constant 0 : i32
    %while3A_34 = arith.constant 0 : i32
    %while3A_35 = arith.subi %select_n3A, %while3A_34 : i32
    %while3A_36 = arith.addi %while3A_34, %while3A_35 : i32
    %while3A_37 = arith.constant 1 : i32
    %while3A_38 = arith.divsi %while3A_35, %while3A_37 : i32
    %while3A_39 = arith.muli %while3A_38, %while3A_37 : i32
    %while3A_40 = arith.addi %while3A_34, %while3A_39 : i32
    %while3A_41 = arith.constant 1 : i32
    scf.for %while3A_43 = %while3A_34 to %while3A_40 step %while3A_41  : i32 {
      %mul3A_44 = arith.constant 16 : i32
      %mul3A_45 = arith.muli %mul3A_44, %while3A_43 : i32
      %add3A_46 = arith.addi %arg1, %mul3A_45 : i32
      %mul3A_47 = arith.constant 80 : i32
      %mul3A_48 = arith.muli %add3A_46, %mul3A_47 : i32
      %mul3A_49 = arith.constant 80 : i32
      %mul3A_50 = arith.muli %add3A_46, %mul3A_49 : i32
      "tpu.region"() ({
        %run_scoped3A = tpu.sem_alloc : memref<!tpu.dma_semaphore, #tpu.memory_space<semaphore_mem>>
        %dma_start3A_51 = arith.constant 0 : i32
        %dma_start3A_52 = tpu.memref_slice %arg4[%arg0, %mul3A_50, %dma_start3A_51] : memref<2x10000x128xf32, #tpu.memory_space<hbm>> -> memref<1x80x128xf32, #tpu.memory_space<hbm>>
        %dma_start3A_53 = tpu.memref_squeeze %dma_start3A_52 : memref<1x80x128xf32, #tpu.memory_space<hbm>> -> memref<80x128xf32, #tpu.memory_space<hbm>>
        %dma_start3A_54 = arith.constant 0 : i32
        %dma_start3A_55 = tpu.memref_slice %arg9[%mul3A_48, %dma_start3A_54] : memref<10000x128xf32, #tpu.memory_space<vmem_shared>> -> memref<80x128xf32, #tpu.memory_space<vmem_shared>>
        tpu.enqueue_dma source(%dma_start3A_55 : memref<80x128xf32, #tpu.memory_space<vmem_shared>>) target(%dma_start3A_53 : memref<80x128xf32, #tpu.memory_space<hbm>>) target_semaphore(%run_scoped3A : memref<!tpu.dma_semaphore, #tpu.memory_space<semaphore_mem>>)
        %dma_wait3A = arith.constant 0 : i32
        %dma_wait3A_56 = tpu.memref_slice %arg4[%arg0, %mul3A_50, %dma_wait3A] : memref<2x10000x128xf32, #tpu.memory_space<hbm>> -> memref<1x80x128xf32, #tpu.memory_space<hbm>>
        %dma_wait3A_57 = tpu.memref_squeeze %dma_wait3A_56 : memref<1x80x128xf32, #tpu.memory_space<hbm>> -> memref<80x128xf32, #tpu.memory_space<hbm>>
        %dma_wait3A_58 = arith.constant 0 : i32
        %dma_wait3A_59 = tpu.memref_slice %arg9[%mul3A_48, %dma_wait3A_58] : memref<10000x128xf32, #tpu.memory_space<vmem_shared>> -> memref<80x128xf32, #tpu.memory_space<vmem_shared>>
        tpu.wait_dma2 semaphore(%run_scoped3A : memref<!tpu.dma_semaphore, #tpu.memory_space<semaphore_mem>>) src(%dma_wait3A_59 : memref<80x128xf32, #tpu.memory_space<vmem_shared>>) dst(%dma_wait3A_57 : memref<80x128xf32, #tpu.memory_space<hbm>>)
        tpu.yield
      }) : () -> ()
    }
    %while3A_42 = arith.constant 1 : i32
    scf.for %while3A_43 = %while3A_40 to %while3A_36 step %while3A_42  : i32 {
      %mul3A_44 = arith.constant 16 : i32
      %mul3A_45 = arith.muli %mul3A_44, %while3A_43 : i32
      %add3A_46 = arith.addi %arg1, %mul3A_45 : i32
      %mul3A_47 = arith.constant 80 : i32
      %mul3A_48 = arith.muli %add3A_46, %mul3A_47 : i32
      %mul3A_49 = arith.constant 80 : i32
      %mul3A_50 = arith.muli %add3A_46, %mul3A_49 : i32
      "tpu.region"() ({
        %run_scoped3A = tpu.sem_alloc : memref<!tpu.dma_semaphore, #tpu.memory_space<semaphore_mem>>
        %dma_start3A_51 = arith.constant 0 : i32
        %dma_start3A_52 = tpu.memref_slice %arg4[%arg0, %mul3A_50, %dma_start3A_51] : memref<2x10000x128xf32, #tpu.memory_space<hbm>> -> memref<1x80x128xf32, #tpu.memory_space<hbm>>
        %dma_start3A_53 = tpu.memref_squeeze %dma_start3A_52 : memref<1x80x128xf32, #tpu.memory_space<hbm>> -> memref<80x128xf32, #tpu.memory_space<hbm>>
        %dma_start3A_54 = arith.constant 0 : i32
        %dma_start3A_55 = tpu.memref_slice %arg9[%mul3A_48, %dma_start3A_54] : memref<10000x128xf32, #tpu.memory_space<vmem_shared>> -> memref<80x128xf32, #tpu.memory_space<vmem_shared>>
        tpu.enqueue_dma source(%dma_start3A_55 : memref<80x128xf32, #tpu.memory_space<vmem_shared>>) target(%dma_start3A_53 : memref<80x128xf32, #tpu.memory_space<hbm>>) target_semaphore(%run_scoped3A : memref<!tpu.dma_semaphore, #tpu.memory_space<semaphore_mem>>)
        %dma_wait3A = arith.constant 0 : i32
        %dma_wait3A_56 = tpu.memref_slice %arg4[%arg0, %mul3A_50, %dma_wait3A] : memref<2x10000x128xf32, #tpu.memory_space<hbm>> -> memref<1x80x128xf32, #tpu.memory_space<hbm>>
        %dma_wait3A_57 = tpu.memref_squeeze %dma_wait3A_56 : memref<1x80x128xf32, #tpu.memory_space<hbm>> -> memref<80x128xf32, #tpu.memory_space<hbm>>
        %dma_wait3A_58 = arith.constant 0 : i32
        %dma_wait3A_59 = tpu.memref_slice %arg9[%mul3A_48, %dma_wait3A_58] : memref<10000x128xf32, #tpu.memory_space<vmem_shared>> -> memref<80x128xf32, #tpu.memory_space<vmem_shared>>
        tpu.wait_dma2 semaphore(%run_scoped3A : memref<!tpu.dma_semaphore, #tpu.memory_space<semaphore_mem>>) src(%dma_wait3A_59 : memref<80x128xf32, #tpu.memory_space<vmem_shared>>) dst(%dma_wait3A_57 : memref<80x128xf32, #tpu.memory_space<hbm>>)
        tpu.yield
      }) : () -> ()
    }
    return
  }
}

#map = affine_map<(d0, d1) -> (0, 0)>
#map1 = affine_map<(d0, d1) -> (0)>
module attributes {stable_mosaic.version = 14 : i64} {
  func.func @k(%arg0: i32, %arg1: i32, %arg2: memref<10000x128xf32, #tpu.memory_space<hbm>>, %arg3: memref<10000x128xf32, #tpu.memory_space<hbm>>, %arg4: memref<320000xi32, #tpu.memory_space<hbm>>, %arg5: memref<320000xi32, #tpu.memory_space<hbm>>, %arg6: memref<115200x128xf32, #tpu.memory_space<hbm>>, %arg7: memref<3600xi32, #tpu.memory_space<vmem>>, %arg8: memref<3600xi32, #tpu.memory_space<vmem>>, %arg9: memref<80x128xf32, #tpu.memory_space<vmem>>, %arg10: memref<80x128xf32, #tpu.memory_space<vmem>>, %arg11: memref<80x128xf32, #tpu.memory_space<vmem>>, %arg12: memref<80x128xf32, #tpu.memory_space<vmem>>, %arg13: memref<!tpu.dma_semaphore, #tpu.memory_space<semaphore_mem>>, %arg14: memref<!tpu.dma_semaphore, #tpu.memory_space<semaphore_mem>>, %arg15: memref<!tpu.dma_semaphore, #tpu.memory_space<semaphore_mem>>, %arg16: memref<!tpu.dma_semaphore, #tpu.memory_space<semaphore_mem>>, %arg17: memref<!tpu.dma_semaphore, #tpu.memory_space<semaphore_mem>>, %arg18: memref<!tpu.dma_semaphore, #tpu.memory_space<semaphore_mem>>) attributes {dimension_semantics = [#tpu.dimension_semantics<core_parallel>, #tpu.dimension_semantics<subcore_parallel>], iteration_bounds = array<i64: 2, 16>, scalar_prefetch = 0 : i64, scratch_operands = 12 : i64, tpu.core_type = #tpu.core_type<sc_vector_subcore>, window_params = [{transform_indices = #map}, {transform_indices = #map}, {transform_indices = #map1}, {transform_indices = #map1}, {transform_indices = #map}]} {
    %mul3A = arith.constant 2 : i32
    %mul3A_0 = arith.muli %arg1, %mul3A : i32
    %add3A = arith.addi %mul3A_0, %arg0 : i32
    %mul3A_1 = arith.constant 3600 : i32
    %mul3A_2 = arith.muli %add3A, %mul3A_1 : i32
    %add3A_3 = arith.constant 0 : i32
    %add3A_4 = arith.addi %add3A_3, %mul3A_2 : i32
    "tpu.region"() ({
      %run_scoped3A = tpu.sem_alloc : memref<!tpu.dma_semaphore, #tpu.memory_space<semaphore_mem>>
      %dma_start3A_24 = tpu.memref_slice %arg4[%add3A_4] : memref<320000xi32, #tpu.memory_space<hbm>> -> memref<3600xi32, #tpu.memory_space<hbm>>
      %dma_start3A_25 = tpu.memref_slice %arg4[%add3A_4] : memref<320000xi32, #tpu.memory_space<hbm>> -> memref<3600xi32, #tpu.memory_space<hbm>>
      tpu.enqueue_dma source(%dma_start3A_25 : memref<3600xi32, #tpu.memory_space<hbm>>) target(%arg7 : memref<3600xi32, #tpu.memory_space<vmem>>) target_semaphore(%run_scoped3A : memref<!tpu.dma_semaphore, #tpu.memory_space<semaphore_mem>>)
      %dma_wait3A_26 = tpu.memref_slice %arg4[%add3A_4] : memref<320000xi32, #tpu.memory_space<hbm>> -> memref<3600xi32, #tpu.memory_space<hbm>>
      %dma_wait3A_27 = tpu.memref_slice %arg4[%add3A_4] : memref<320000xi32, #tpu.memory_space<hbm>> -> memref<3600xi32, #tpu.memory_space<hbm>>
      tpu.wait_dma2 semaphore(%run_scoped3A : memref<!tpu.dma_semaphore, #tpu.memory_space<semaphore_mem>>) src(%dma_wait3A_27 : memref<3600xi32, #tpu.memory_space<hbm>>) dst(%arg7 : memref<3600xi32, #tpu.memory_space<vmem>>)
      tpu.yield
    }) : () -> ()
    %add3A_5 = arith.constant 0 : i32
    %add3A_6 = arith.addi %add3A_5, %mul3A_2 : i32
    "tpu.region"() ({
      %run_scoped3A = tpu.sem_alloc : memref<!tpu.dma_semaphore, #tpu.memory_space<semaphore_mem>>
      %dma_start3A_24 = tpu.memref_slice %arg5[%add3A_6] : memref<320000xi32, #tpu.memory_space<hbm>> -> memref<3600xi32, #tpu.memory_space<hbm>>
      %dma_start3A_25 = tpu.memref_slice %arg5[%add3A_6] : memref<320000xi32, #tpu.memory_space<hbm>> -> memref<3600xi32, #tpu.memory_space<hbm>>
      tpu.enqueue_dma source(%dma_start3A_25 : memref<3600xi32, #tpu.memory_space<hbm>>) target(%arg8 : memref<3600xi32, #tpu.memory_space<vmem>>) target_semaphore(%run_scoped3A : memref<!tpu.dma_semaphore, #tpu.memory_space<semaphore_mem>>)
      %dma_wait3A_26 = tpu.memref_slice %arg5[%add3A_6] : memref<320000xi32, #tpu.memory_space<hbm>> -> memref<3600xi32, #tpu.memory_space<hbm>>
      %dma_wait3A_27 = tpu.memref_slice %arg5[%add3A_6] : memref<320000xi32, #tpu.memory_space<hbm>> -> memref<3600xi32, #tpu.memory_space<hbm>>
      tpu.wait_dma2 semaphore(%run_scoped3A : memref<!tpu.dma_semaphore, #tpu.memory_space<semaphore_mem>>) src(%dma_wait3A_27 : memref<3600xi32, #tpu.memory_space<hbm>>) dst(%arg8 : memref<3600xi32, #tpu.memory_space<vmem>>)
      tpu.yield
    }) : () -> ()
    %dma_start3A = arith.constant 0 : i32
    %dma_start3A_7 = tpu.memref_slice %arg7[%dma_start3A] : memref<3600xi32, #tpu.memory_space<vmem>> -> memref<80xi32, #tpu.memory_space<vmem>>
    %dma_start3A_8 = arith.constant 0 : i32
    %dma_start3A_9 = arith.constant 0 : i32
    %dma_start3A_10 = tpu.memref_slice %arg2[%dma_start3A_8, %dma_start3A_9] : memref<10000x128xf32, #tpu.memory_space<hbm>> -> memref<10000x128xf32, #tpu.memory_space<hbm>>
    tpu.enqueue_indirect_dma source(%dma_start3A_10 : memref<10000x128xf32, #tpu.memory_space<hbm>>) target(%arg9 : memref<80x128xf32, #tpu.memory_space<vmem>>) offsets(%dma_start3A_7 : memref<80xi32, #tpu.memory_space<vmem>>) semaphore(%arg13 : memref<!tpu.dma_semaphore, #tpu.memory_space<semaphore_mem>>)
    %dma_start3A_11 = arith.constant 0 : i32
    %dma_start3A_12 = tpu.memref_slice %arg8[%dma_start3A_11] : memref<3600xi32, #tpu.memory_space<vmem>> -> memref<80xi32, #tpu.memory_space<vmem>>
    %dma_start3A_13 = arith.constant 0 : i32
    %dma_start3A_14 = arith.constant 0 : i32
    %dma_start3A_15 = tpu.memref_slice %arg3[%dma_start3A_13, %dma_start3A_14] : memref<10000x128xf32, #tpu.memory_space<hbm>> -> memref<10000x128xf32, #tpu.memory_space<hbm>>
    tpu.enqueue_indirect_dma source(%dma_start3A_15 : memref<10000x128xf32, #tpu.memory_space<hbm>>) target(%arg11 : memref<80x128xf32, #tpu.memory_space<vmem>>) offsets(%dma_start3A_12 : memref<80xi32, #tpu.memory_space<vmem>>) semaphore(%arg15 : memref<!tpu.dma_semaphore, #tpu.memory_space<semaphore_mem>>)
    %scan3A = arith.constant 0 : i32
    %scan3A_16 = arith.constant 0 : i32
    %scan3A_17 = arith.constant 23 : i32
    %scan3A_18 = arith.addi %scan3A_16, %scan3A_17 : i32
    %scan3A_19 = arith.constant 1 : i32
    scf.for %scan3A_24 = %scan3A_16 to %scan3A_18 step %scan3A_19  : i32 {
      %mul3A_25 = arith.constant 2 : i32
      %mul3A_26 = arith.muli %mul3A_25, %scan3A_24 : i32
      %add3A_27 = arith.constant 0 : i32
      %add3A_28 = arith.addi %mul3A_26, %add3A_27 : i32
      %le3A = arith.constant 44 : i32
      %le3A_29 = arith.cmpi sle, %add3A_28, %le3A : i32
      %convert_element_type3A = arith.extui %le3A_29 : i1 to i32
      %cond3A = arith.constant 0 : i32
      %cond3A_30 = arith.cmpi ne, %convert_element_type3A, %cond3A : i32
      scf.if %cond3A_30 {
        %dma_wait3A_40 = arith.constant 0 : i32
        %dma_wait3A_41 = tpu.memref_slice %arg7[%dma_wait3A_40] : memref<3600xi32, #tpu.memory_space<vmem>> -> memref<80xi32, #tpu.memory_space<vmem>>
        %dma_wait3A_42 = arith.constant 0 : i32
        %dma_wait3A_43 = arith.constant 0 : i32
        %dma_wait3A_44 = tpu.memref_slice %arg2[%dma_wait3A_42, %dma_wait3A_43] : memref<10000x128xf32, #tpu.memory_space<hbm>> -> memref<10000x128xf32, #tpu.memory_space<hbm>>
        tpu.wait_indirect_dma semaphore(%arg13 : memref<!tpu.dma_semaphore, #tpu.memory_space<semaphore_mem>>) src(%dma_wait3A_44 : memref<10000x128xf32, #tpu.memory_space<hbm>>) dst(%arg9 : memref<80x128xf32, #tpu.memory_space<vmem>>)
        %dma_wait3A_45 = arith.constant 0 : i32
        %dma_wait3A_46 = tpu.memref_slice %arg8[%dma_wait3A_45] : memref<3600xi32, #tpu.memory_space<vmem>> -> memref<80xi32, #tpu.memory_space<vmem>>
        %dma_wait3A_47 = arith.constant 0 : i32
        %dma_wait3A_48 = arith.constant 0 : i32
        %dma_wait3A_49 = tpu.memref_slice %arg3[%dma_wait3A_47, %dma_wait3A_48] : memref<10000x128xf32, #tpu.memory_space<hbm>> -> memref<10000x128xf32, #tpu.memory_space<hbm>>
        tpu.wait_indirect_dma semaphore(%arg15 : memref<!tpu.dma_semaphore, #tpu.memory_space<semaphore_mem>>) src(%dma_wait3A_49 : memref<10000x128xf32, #tpu.memory_space<hbm>>) dst(%arg11 : memref<80x128xf32, #tpu.memory_space<vmem>>)
        %ge3A = arith.constant 1 : i32
        %ge3A_50 = arith.cmpi sge, %add3A_28, %ge3A : i32
        %convert_element_type3A_51 = arith.extui %ge3A_50 : i1 to i32
        %cond3A_52 = arith.constant 0 : i32
        %cond3A_53 = arith.cmpi ne, %convert_element_type3A_51, %cond3A_52 : i32
        scf.if %cond3A_53 {
          %dma_wait3A_74 = arith.constant 0 : i32
          %dma_wait3A_75 = tpu.memref_slice %arg6[%mul3A_2, %dma_wait3A_74] : memref<115200x128xf32, #tpu.memory_space<hbm>> -> memref<80x128xf32, #tpu.memory_space<hbm>>
          %dma_wait3A_76 = arith.constant 0 : i32
          %dma_wait3A_77 = tpu.memref_slice %arg6[%mul3A_2, %dma_wait3A_76] : memref<115200x128xf32, #tpu.memory_space<hbm>> -> memref<80x128xf32, #tpu.memory_space<hbm>>
          tpu.wait_dma2 semaphore(%arg18 : memref<!tpu.dma_semaphore, #tpu.memory_space<semaphore_mem>>) src(%arg10 : memref<80x128xf32, #tpu.memory_space<vmem>>) dst(%dma_wait3A_77 : memref<80x128xf32, #tpu.memory_space<hbm>>)
        } else {
        }
        %add3A_54 = arith.constant 1 : i32
        %add3A_55 = arith.addi %add3A_28, %add3A_54 : i32
        %le3A_56 = arith.constant 44 : i32
        %le3A_57 = arith.cmpi sle, %add3A_55, %le3A_56 : i32
        %convert_element_type3A_58 = arith.extui %le3A_57 : i1 to i32
        %cond3A_59 = arith.constant 0 : i32
        %cond3A_60 = arith.cmpi ne, %convert_element_type3A_58, %cond3A_59 : i32
        scf.if %cond3A_60 {
          %add3A_74 = arith.constant 1 : i32
          %add3A_75 = arith.addi %add3A_28, %add3A_74 : i32
          %mul3A_76 = arith.constant 80 : i32
          %mul3A_77 = arith.muli %add3A_75, %mul3A_76 : i32
          %dma_start3A_78 = tpu.memref_slice %arg7[%mul3A_77] : memref<3600xi32, #tpu.memory_space<vmem>> -> memref<80xi32, #tpu.memory_space<vmem>>
          %dma_start3A_79 = arith.constant 0 : i32
          %dma_start3A_80 = arith.constant 0 : i32
          %dma_start3A_81 = tpu.memref_slice %arg2[%dma_start3A_79, %dma_start3A_80] : memref<10000x128xf32, #tpu.memory_space<hbm>> -> memref<10000x128xf32, #tpu.memory_space<hbm>>
          tpu.enqueue_indirect_dma source(%dma_start3A_81 : memref<10000x128xf32, #tpu.memory_space<hbm>>) target(%arg10 : memref<80x128xf32, #tpu.memory_space<vmem>>) offsets(%dma_start3A_78 : memref<80xi32, #tpu.memory_space<vmem>>) semaphore(%arg14 : memref<!tpu.dma_semaphore, #tpu.memory_space<semaphore_mem>>)
          %mul3A_82 = arith.constant 80 : i32
          %mul3A_83 = arith.muli %add3A_75, %mul3A_82 : i32
          %dma_start3A_84 = tpu.memref_slice %arg8[%mul3A_83] : memref<3600xi32, #tpu.memory_space<vmem>> -> memref<80xi32, #tpu.memory_space<vmem>>
          %dma_start3A_85 = arith.constant 0 : i32
          %dma_start3A_86 = arith.constant 0 : i32
          %dma_start3A_87 = tpu.memref_slice %arg3[%dma_start3A_85, %dma_start3A_86] : memref<10000x128xf32, #tpu.memory_space<hbm>> -> memref<10000x128xf32, #tpu.memory_space<hbm>>
          tpu.enqueue_indirect_dma source(%dma_start3A_87 : memref<10000x128xf32, #tpu.memory_space<hbm>>) target(%arg12 : memref<80x128xf32, #tpu.memory_space<vmem>>) offsets(%dma_start3A_84 : memref<80xi32, #tpu.memory_space<vmem>>) semaphore(%arg16 : memref<!tpu.dma_semaphore, #tpu.memory_space<semaphore_mem>>)
        } else {
        }
        %scan3A_61 = arith.constant 0 : i32
        %scan3A_62 = arith.constant 0 : i32
        %scan3A_63 = arith.constant 80 : i32
        %scan3A_64 = arith.addi %scan3A_62, %scan3A_63 : i32
        %scan3A_65 = arith.constant 1 : i32
        scf.for %scan3A_74 = %scan3A_62 to %scan3A_64 step %scan3A_65  : i32 {
          %get3A = arith.index_cast %scan3A_74 : i32 to index
          %get3A_75 = arith.constant 0 : index
          %get3A_76 = tpu.vector_load %arg9[%get3A, %get3A_75] {strides = array<i32>} : memref<80x128xf32, #tpu.memory_space<vmem>>, vector<1x16xf32>,
          %get3A_77 = vector.shape_cast %get3A_76 : vector<1x16xf32> to vector<16xf32>
          %get3A_78 = arith.index_cast %scan3A_74 : i32 to index
          %get3A_79 = arith.constant 0 : index
          %get3A_80 = tpu.vector_load %arg11[%get3A_78, %get3A_79] {strides = array<i32>} : memref<80x128xf32, #tpu.memory_space<vmem>>, vector<1x16xf32>,
          %get3A_81 = vector.shape_cast %get3A_80 : vector<1x16xf32> to vector<16xf32>
          %add3A_82 = arith.addf %get3A_77, %get3A_81 : vector<16xf32>
          %swap3A = arith.index_cast %scan3A_74 : i32 to index
          %swap3A_83 = arith.constant 0 : index
          %swap3A_84 = tpu.vector_load %arg9[%swap3A, %swap3A_83] {strides = array<i32>} : memref<80x128xf32, #tpu.memory_space<vmem>>, vector<1x16xf32>,
          %swap3A_85 = vector.shape_cast %swap3A_84 : vector<1x16xf32> to vector<16xf32>
          %swap3A_86 = vector.shape_cast %add3A_82 : vector<16xf32> to vector<1x16xf32>
          tpu.vector_store %arg9[%swap3A, %swap3A_83], %swap3A_86 {strides = array<i32>} : memref<80x128xf32, #tpu.memory_space<vmem>>, vector<1x16xf32>,
          %get3A_87 = arith.index_cast %scan3A_74 : i32 to index
          %get3A_88 = arith.constant 16 : index
          %get3A_89 = tpu.vector_load %arg9[%get3A_87, %get3A_88] {strides = array<i32>} : memref<80x128xf32, #tpu.memory_space<vmem>>, vector<1x16xf32>,
          %get3A_90 = vector.shape_cast %get3A_89 : vector<1x16xf32> to vector<16xf32>
          %get3A_91 = arith.index_cast %scan3A_74 : i32 to index
          %get3A_92 = arith.constant 16 : index
          %get3A_93 = tpu.vector_load %arg11[%get3A_91, %get3A_92] {strides = array<i32>} : memref<80x128xf32, #tpu.memory_space<vmem>>, vector<1x16xf32>,
          %get3A_94 = vector.shape_cast %get3A_93 : vector<1x16xf32> to vector<16xf32>
          %add3A_95 = arith.addf %get3A_90, %get3A_94 : vector<16xf32>
          %swap3A_96 = arith.index_cast %scan3A_74 : i32 to index
          %swap3A_97 = arith.constant 16 : index
          %swap3A_98 = tpu.vector_load %arg9[%swap3A_96, %swap3A_97] {strides = array<i32>} : memref<80x128xf32, #tpu.memory_space<vmem>>, vector<1x16xf32>,
          %swap3A_99 = vector.shape_cast %swap3A_98 : vector<1x16xf32> to vector<16xf32>
          %swap3A_100 = vector.shape_cast %add3A_95 : vector<16xf32> to vector<1x16xf32>
          tpu.vector_store %arg9[%swap3A_96, %swap3A_97], %swap3A_100 {strides = array<i32>} : memref<80x128xf32, #tpu.memory_space<vmem>>, vector<1x16xf32>,
          %get3A_101 = arith.index_cast %scan3A_74 : i32 to index
          %get3A_102 = arith.constant 32 : index
          %get3A_103 = tpu.vector_load %arg9[%get3A_101, %get3A_102] {strides = array<i32>} : memref<80x128xf32, #tpu.memory_space<vmem>>, vector<1x16xf32>,
          %get3A_104 = vector.shape_cast %get3A_103 : vector<1x16xf32> to vector<16xf32>
          %get3A_105 = arith.index_cast %scan3A_74 : i32 to index
          %get3A_106 = arith.constant 32 : index
          %get3A_107 = tpu.vector_load %arg11[%get3A_105, %get3A_106] {strides = array<i32>} : memref<80x128xf32, #tpu.memory_space<vmem>>, vector<1x16xf32>,
          %get3A_108 = vector.shape_cast %get3A_107 : vector<1x16xf32> to vector<16xf32>
          %add3A_109 = arith.addf %get3A_104, %get3A_108 : vector<16xf32>
          %swap3A_110 = arith.index_cast %scan3A_74 : i32 to index
          %swap3A_111 = arith.constant 32 : index
          %swap3A_112 = tpu.vector_load %arg9[%swap3A_110, %swap3A_111] {strides = array<i32>} : memref<80x128xf32, #tpu.memory_space<vmem>>, vector<1x16xf32>,
          %swap3A_113 = vector.shape_cast %swap3A_112 : vector<1x16xf32> to vector<16xf32>
          %swap3A_114 = vector.shape_cast %add3A_109 : vector<16xf32> to vector<1x16xf32>
          tpu.vector_store %arg9[%swap3A_110, %swap3A_111], %swap3A_114 {strides = array<i32>} : memref<80x128xf32, #tpu.memory_space<vmem>>, vector<1x16xf32>,
          %get3A_115 = arith.index_cast %scan3A_74 : i32 to index
          %get3A_116 = arith.constant 48 : index
          %get3A_117 = tpu.vector_load %arg9[%get3A_115, %get3A_116] {strides = array<i32>} : memref<80x128xf32, #tpu.memory_space<vmem>>, vector<1x16xf32>,
          %get3A_118 = vector.shape_cast %get3A_117 : vector<1x16xf32> to vector<16xf32>
          %get3A_119 = arith.index_cast %scan3A_74 : i32 to index
          %get3A_120 = arith.constant 48 : index
          %get3A_121 = tpu.vector_load %arg11[%get3A_119, %get3A_120] {strides = array<i32>} : memref<80x128xf32, #tpu.memory_space<vmem>>, vector<1x16xf32>,
          %get3A_122 = vector.shape_cast %get3A_121 : vector<1x16xf32> to vector<16xf32>
          %add3A_123 = arith.addf %get3A_118, %get3A_122 : vector<16xf32>
          %swap3A_124 = arith.index_cast %scan3A_74 : i32 to index
          %swap3A_125 = arith.constant 48 : index
          %swap3A_126 = tpu.vector_load %arg9[%swap3A_124, %swap3A_125] {strides = array<i32>} : memref<80x128xf32, #tpu.memory_space<vmem>>, vector<1x16xf32>,
          %swap3A_127 = vector.shape_cast %swap3A_126 : vector<1x16xf32> to vector<16xf32>
          %swap3A_128 = vector.shape_cast %add3A_123 : vector<16xf32> to vector<1x16xf32>
          tpu.vector_store %arg9[%swap3A_124, %swap3A_125], %swap3A_128 {strides = array<i32>} : memref<80x128xf32, #tpu.memory_space<vmem>>, vector<1x16xf32>,
          %get3A_129 = arith.index_cast %scan3A_74 : i32 to index
          %get3A_130 = arith.constant 64 : index
          %get3A_131 = tpu.vector_load %arg9[%get3A_129, %get3A_130] {strides = array<i32>} : memref<80x128xf32, #tpu.memory_space<vmem>>, vector<1x16xf32>,
          %get3A_132 = vector.shape_cast %get3A_131 : vector<1x16xf32> to vector<16xf32>
          %get3A_133 = arith.index_cast %scan3A_74 : i32 to index
          %get3A_134 = arith.constant 64 : index
          %get3A_135 = tpu.vector_load %arg11[%get3A_133, %get3A_134] {strides = array<i32>} : memref<80x128xf32, #tpu.memory_space<vmem>>, vector<1x16xf32>,
          %get3A_136 = vector.shape_cast %get3A_135 : vector<1x16xf32> to vector<16xf32>
          %add3A_137 = arith.addf %get3A_132, %get3A_136 : vector<16xf32>
          %swap3A_138 = arith.index_cast %scan3A_74 : i32 to index
          %swap3A_139 = arith.constant 64 : index
          %swap3A_140 = tpu.vector_load %arg9[%swap3A_138, %swap3A_139] {strides = array<i32>} : memref<80x128xf32, #tpu.memory_space<vmem>>, vector<1x16xf32>,
          %swap3A_141 = vector.shape_cast %swap3A_140 : vector<1x16xf32> to vector<16xf32>
          %swap3A_142 = vector.shape_cast %add3A_137 : vector<16xf32> to vector<1x16xf32>
          tpu.vector_store %arg9[%swap3A_138, %swap3A_139], %swap3A_142 {strides = array<i32>} : memref<80x128xf32, #tpu.memory_space<vmem>>, vector<1x16xf32>,
          %get3A_143 = arith.index_cast %scan3A_74 : i32 to index
          %get3A_144 = arith.constant 80 : index
          %get3A_145 = tpu.vector_load %arg9[%get3A_143, %get3A_144] {strides = array<i32>} : memref<80x128xf32, #tpu.memory_space<vmem>>, vector<1x16xf32>,
          %get3A_146 = vector.shape_cast %get3A_145 : vector<1x16xf32> to vector<16xf32>
          %get3A_147 = arith.index_cast %scan3A_74 : i32 to index
          %get3A_148 = arith.constant 80 : index
          %get3A_149 = tpu.vector_load %arg11[%get3A_147, %get3A_148] {strides = array<i32>} : memref<80x128xf32, #tpu.memory_space<vmem>>, vector<1x16xf32>,
          %get3A_150 = vector.shape_cast %get3A_149 : vector<1x16xf32> to vector<16xf32>
          %add3A_151 = arith.addf %get3A_146, %get3A_150 : vector<16xf32>
          %swap3A_152 = arith.index_cast %scan3A_74 : i32 to index
          %swap3A_153 = arith.constant 80 : index
          %swap3A_154 = tpu.vector_load %arg9[%swap3A_152, %swap3A_153] {strides = array<i32>} : memref<80x128xf32, #tpu.memory_space<vmem>>, vector<1x16xf32>,
          %swap3A_155 = vector.shape_cast %swap3A_154 : vector<1x16xf32> to vector<16xf32>
          %swap3A_156 = vector.shape_cast %add3A_151 : vector<16xf32> to vector<1x16xf32>
          tpu.vector_store %arg9[%swap3A_152, %swap3A_153], %swap3A_156 {strides = array<i32>} : memref<80x128xf32, #tpu.memory_space<vmem>>, vector<1x16xf32>,
          %get3A_157 = arith.index_cast %scan3A_74 : i32 to index
          %get3A_158 = arith.constant 96 : index
          %get3A_159 = tpu.vector_load %arg9[%get3A_157, %get3A_158] {strides = array<i32>} : memref<80x128xf32, #tpu.memory_space<vmem>>, vector<1x16xf32>,
          %get3A_160 = vector.shape_cast %get3A_159 : vector<1x16xf32> to vector<16xf32>
          %get3A_161 = arith.index_cast %scan3A_74 : i32 to index
          %get3A_162 = arith.constant 96 : index
          %get3A_163 = tpu.vector_load %arg11[%get3A_161, %get3A_162] {strides = array<i32>} : memref<80x128xf32, #tpu.memory_space<vmem>>, vector<1x16xf32>,
          %get3A_164 = vector.shape_cast %get3A_163 : vector<1x16xf32> to vector<16xf32>
          %add3A_165 = arith.addf %get3A_160, %get3A_164 : vector<16xf32>
          %swap3A_166 = arith.index_cast %scan3A_74 : i32 to index
          %swap3A_167 = arith.constant 96 : index
          %swap3A_168 = tpu.vector_load %arg9[%swap3A_166, %swap3A_167] {strides = array<i32>} : memref<80x128xf32, #tpu.memory_space<vmem>>, vector<1x16xf32>,
          %swap3A_169 = vector.shape_cast %swap3A_168 : vector<1x16xf32> to vector<16xf32>
          %swap3A_170 = vector.shape_cast %add3A_165 : vector<16xf32> to vector<1x16xf32>
          tpu.vector_store %arg9[%swap3A_166, %swap3A_167], %swap3A_170 {strides = array<i32>} : memref<80x128xf32, #tpu.memory_space<vmem>>, vector<1x16xf32>,
          %get3A_171 = arith.index_cast %scan3A_74 : i32 to index
          %get3A_172 = arith.constant 112 : index
          %get3A_173 = tpu.vector_load %arg9[%get3A_171, %get3A_172] {strides = array<i32>} : memref<80x128xf32, #tpu.memory_space<vmem>>, vector<1x16xf32>,
          %get3A_174 = vector.shape_cast %get3A_173 : vector<1x16xf32> to vector<16xf32>
          %get3A_175 = arith.index_cast %scan3A_74 : i32 to index
          %get3A_176 = arith.constant 112 : index
          %get3A_177 = tpu.vector_load %arg11[%get3A_175, %get3A_176] {strides = array<i32>} : memref<80x128xf32, #tpu.memory_space<vmem>>, vector<1x16xf32>,
          %get3A_178 = vector.shape_cast %get3A_177 : vector<1x16xf32> to vector<16xf32>
          %add3A_179 = arith.addf %get3A_174, %get3A_178 : vector<16xf32>
          %swap3A_180 = arith.index_cast %scan3A_74 : i32 to index
          %swap3A_181 = arith.constant 112 : index
          %swap3A_182 = tpu.vector_load %arg9[%swap3A_180, %swap3A_181] {strides = array<i32>} : memref<80x128xf32, #tpu.memory_space<vmem>>, vector<1x16xf32>,
          %swap3A_183 = vector.shape_cast %swap3A_182 : vector<1x16xf32> to vector<16xf32>
          %swap3A_184 = vector.shape_cast %add3A_179 : vector<16xf32> to vector<1x16xf32>
          tpu.vector_store %arg9[%swap3A_180, %swap3A_181], %swap3A_184 {strides = array<i32>} : memref<80x128xf32, #tpu.memory_space<vmem>>, vector<1x16xf32>,
        }
        %scan3A_66 = arith.constant 80 : i32
        %mul3A_67 = arith.constant 80 : i32
        %mul3A_68 = arith.muli %add3A_28, %mul3A_67 : i32
        %add3A_69 = arith.addi %mul3A_2, %mul3A_68 : i32
        %dma_start3A_70 = arith.constant 0 : i32
        %dma_start3A_71 = tpu.memref_slice %arg6[%add3A_69, %dma_start3A_70] : memref<115200x128xf32, #tpu.memory_space<hbm>> -> memref<80x128xf32, #tpu.memory_space<hbm>>
        %dma_start3A_72 = arith.constant 0 : i32
        %dma_start3A_73 = tpu.memref_slice %arg6[%add3A_69, %dma_start3A_72] : memref<115200x128xf32, #tpu.memory_space<hbm>> -> memref<80x128xf32, #tpu.memory_space<hbm>>
        tpu.enqueue_dma source(%arg9 : memref<80x128xf32, #tpu.memory_space<vmem>>) target(%dma_start3A_73 : memref<80x128xf32, #tpu.memory_space<hbm>>) target_semaphore(%arg17 : memref<!tpu.dma_semaphore, #tpu.memory_space<semaphore_mem>>)
      } else {
      }
      %mul3A_31 = arith.constant 2 : i32
      %mul3A_32 = arith.muli %mul3A_31, %scan3A_24 : i32
      %add3A_33 = arith.constant 1 : i32
      %add3A_34 = arith.addi %mul3A_32, %add3A_33 : i32
      %le3A_35 = arith.constant 44 : i32
      %le3A_36 = arith.cmpi sle, %add3A_34, %le3A_35 : i32
      %convert_element_type3A_37 = arith.extui %le3A_36 : i1 to i32
      %cond3A_38 = arith.constant 0 : i32
      %cond3A_39 = arith.cmpi ne, %convert_element_type3A_37, %cond3A_38 : i32
      scf.if %cond3A_39 {
        %dma_wait3A_40 = arith.constant 0 : i32
        %dma_wait3A_41 = tpu.memref_slice %arg7[%dma_wait3A_40] : memref<3600xi32, #tpu.memory_space<vmem>> -> memref<80xi32, #tpu.memory_space<vmem>>
        %dma_wait3A_42 = arith.constant 0 : i32
        %dma_wait3A_43 = arith.constant 0 : i32
        %dma_wait3A_44 = tpu.memref_slice %arg2[%dma_wait3A_42, %dma_wait3A_43] : memref<10000x128xf32, #tpu.memory_space<hbm>> -> memref<10000x128xf32, #tpu.memory_space<hbm>>
        tpu.wait_indirect_dma semaphore(%arg14 : memref<!tpu.dma_semaphore, #tpu.memory_space<semaphore_mem>>) src(%dma_wait3A_44 : memref<10000x128xf32, #tpu.memory_space<hbm>>) dst(%arg10 : memref<80x128xf32, #tpu.memory_space<vmem>>)
        %dma_wait3A_45 = arith.constant 0 : i32
        %dma_wait3A_46 = tpu.memref_slice %arg8[%dma_wait3A_45] : memref<3600xi32, #tpu.memory_space<vmem>> -> memref<80xi32, #tpu.memory_space<vmem>>
        %dma_wait3A_47 = arith.constant 0 : i32
        %dma_wait3A_48 = arith.constant 0 : i32
        %dma_wait3A_49 = tpu.memref_slice %arg3[%dma_wait3A_47, %dma_wait3A_48] : memref<10000x128xf32, #tpu.memory_space<hbm>> -> memref<10000x128xf32, #tpu.memory_space<hbm>>
        tpu.wait_indirect_dma semaphore(%arg16 : memref<!tpu.dma_semaphore, #tpu.memory_space<semaphore_mem>>) src(%dma_wait3A_49 : memref<10000x128xf32, #tpu.memory_space<hbm>>) dst(%arg12 : memref<80x128xf32, #tpu.memory_space<vmem>>)
        %ge3A = arith.constant 1 : i32
        %ge3A_50 = arith.cmpi sge, %add3A_34, %ge3A : i32
        %convert_element_type3A_51 = arith.extui %ge3A_50 : i1 to i32
        %cond3A_52 = arith.constant 0 : i32
        %cond3A_53 = arith.cmpi ne, %convert_element_type3A_51, %cond3A_52 : i32
        scf.if %cond3A_53 {
          %dma_wait3A_74 = arith.constant 0 : i32
          %dma_wait3A_75 = tpu.memref_slice %arg6[%mul3A_2, %dma_wait3A_74] : memref<115200x128xf32, #tpu.memory_space<hbm>> -> memref<80x128xf32, #tpu.memory_space<hbm>>
          %dma_wait3A_76 = arith.constant 0 : i32
          %dma_wait3A_77 = tpu.memref_slice %arg6[%mul3A_2, %dma_wait3A_76] : memref<115200x128xf32, #tpu.memory_space<hbm>> -> memref<80x128xf32, #tpu.memory_space<hbm>>
          tpu.wait_dma2 semaphore(%arg17 : memref<!tpu.dma_semaphore, #tpu.memory_space<semaphore_mem>>) src(%arg9 : memref<80x128xf32, #tpu.memory_space<vmem>>) dst(%dma_wait3A_77 : memref<80x128xf32, #tpu.memory_space<hbm>>)
        } else {
        }
        %add3A_54 = arith.constant 1 : i32
        %add3A_55 = arith.addi %add3A_34, %add3A_54 : i32
        %le3A_56 = arith.constant 44 : i32
        %le3A_57 = arith.cmpi sle, %add3A_55, %le3A_56 : i32
        %convert_element_type3A_58 = arith.extui %le3A_57 : i1 to i32
        %cond3A_59 = arith.constant 0 : i32
        %cond3A_60 = arith.cmpi ne, %convert_element_type3A_58, %cond3A_59 : i32
        scf.if %cond3A_60 {
          %add3A_74 = arith.constant 1 : i32
          %add3A_75 = arith.addi %add3A_34, %add3A_74 : i32
          %mul3A_76 = arith.constant 80 : i32
          %mul3A_77 = arith.muli %add3A_75, %mul3A_76 : i32
          %dma_start3A_78 = tpu.memref_slice %arg7[%mul3A_77] : memref<3600xi32, #tpu.memory_space<vmem>> -> memref<80xi32, #tpu.memory_space<vmem>>
          %dma_start3A_79 = arith.constant 0 : i32
          %dma_start3A_80 = arith.constant 0 : i32
          %dma_start3A_81 = tpu.memref_slice %arg2[%dma_start3A_79, %dma_start3A_80] : memref<10000x128xf32, #tpu.memory_space<hbm>> -> memref<10000x128xf32, #tpu.memory_space<hbm>>
          tpu.enqueue_indirect_dma source(%dma_start3A_81 : memref<10000x128xf32, #tpu.memory_space<hbm>>) target(%arg9 : memref<80x128xf32, #tpu.memory_space<vmem>>) offsets(%dma_start3A_78 : memref<80xi32, #tpu.memory_space<vmem>>) semaphore(%arg13 : memref<!tpu.dma_semaphore, #tpu.memory_space<semaphore_mem>>)
          %mul3A_82 = arith.constant 80 : i32
          %mul3A_83 = arith.muli %add3A_75, %mul3A_82 : i32
          %dma_start3A_84 = tpu.memref_slice %arg8[%mul3A_83] : memref<3600xi32, #tpu.memory_space<vmem>> -> memref<80xi32, #tpu.memory_space<vmem>>
          %dma_start3A_85 = arith.constant 0 : i32
          %dma_start3A_86 = arith.constant 0 : i32
          %dma_start3A_87 = tpu.memref_slice %arg3[%dma_start3A_85, %dma_start3A_86] : memref<10000x128xf32, #tpu.memory_space<hbm>> -> memref<10000x128xf32, #tpu.memory_space<hbm>>
          tpu.enqueue_indirect_dma source(%dma_start3A_87 : memref<10000x128xf32, #tpu.memory_space<hbm>>) target(%arg11 : memref<80x128xf32, #tpu.memory_space<vmem>>) offsets(%dma_start3A_84 : memref<80xi32, #tpu.memory_space<vmem>>) semaphore(%arg15 : memref<!tpu.dma_semaphore, #tpu.memory_space<semaphore_mem>>)
        } else {
        }
        %scan3A_61 = arith.constant 0 : i32
        %scan3A_62 = arith.constant 0 : i32
        %scan3A_63 = arith.constant 80 : i32
        %scan3A_64 = arith.addi %scan3A_62, %scan3A_63 : i32
        %scan3A_65 = arith.constant 1 : i32
        scf.for %scan3A_74 = %scan3A_62 to %scan3A_64 step %scan3A_65  : i32 {
          %get3A = arith.index_cast %scan3A_74 : i32 to index
          %get3A_75 = arith.constant 0 : index
          %get3A_76 = tpu.vector_load %arg10[%get3A, %get3A_75] {strides = array<i32>} : memref<80x128xf32, #tpu.memory_space<vmem>>, vector<1x16xf32>,
          %get3A_77 = vector.shape_cast %get3A_76 : vector<1x16xf32> to vector<16xf32>
          %get3A_78 = arith.index_cast %scan3A_74 : i32 to index
          %get3A_79 = arith.constant 0 : index
          %get3A_80 = tpu.vector_load %arg12[%get3A_78, %get3A_79] {strides = array<i32>} : memref<80x128xf32, #tpu.memory_space<vmem>>, vector<1x16xf32>,
          %get3A_81 = vector.shape_cast %get3A_80 : vector<1x16xf32> to vector<16xf32>
          %add3A_82 = arith.addf %get3A_77, %get3A_81 : vector<16xf32>
          %swap3A = arith.index_cast %scan3A_74 : i32 to index
          %swap3A_83 = arith.constant 0 : index
          %swap3A_84 = tpu.vector_load %arg10[%swap3A, %swap3A_83] {strides = array<i32>} : memref<80x128xf32, #tpu.memory_space<vmem>>, vector<1x16xf32>,
          %swap3A_85 = vector.shape_cast %swap3A_84 : vector<1x16xf32> to vector<16xf32>
          %swap3A_86 = vector.shape_cast %add3A_82 : vector<16xf32> to vector<1x16xf32>
          tpu.vector_store %arg10[%swap3A, %swap3A_83], %swap3A_86 {strides = array<i32>} : memref<80x128xf32, #tpu.memory_space<vmem>>, vector<1x16xf32>,
          %get3A_87 = arith.index_cast %scan3A_74 : i32 to index
          %get3A_88 = arith.constant 16 : index
          %get3A_89 = tpu.vector_load %arg10[%get3A_87, %get3A_88] {strides = array<i32>} : memref<80x128xf32, #tpu.memory_space<vmem>>, vector<1x16xf32>,
          %get3A_90 = vector.shape_cast %get3A_89 : vector<1x16xf32> to vector<16xf32>
          %get3A_91 = arith.index_cast %scan3A_74 : i32 to index
          %get3A_92 = arith.constant 16 : index
          %get3A_93 = tpu.vector_load %arg12[%get3A_91, %get3A_92] {strides = array<i32>} : memref<80x128xf32, #tpu.memory_space<vmem>>, vector<1x16xf32>,
          %get3A_94 = vector.shape_cast %get3A_93 : vector<1x16xf32> to vector<16xf32>
          %add3A_95 = arith.addf %get3A_90, %get3A_94 : vector<16xf32>
          %swap3A_96 = arith.index_cast %scan3A_74 : i32 to index
          %swap3A_97 = arith.constant 16 : index
          %swap3A_98 = tpu.vector_load %arg10[%swap3A_96, %swap3A_97] {strides = array<i32>} : memref<80x128xf32, #tpu.memory_space<vmem>>, vector<1x16xf32>,
          %swap3A_99 = vector.shape_cast %swap3A_98 : vector<1x16xf32> to vector<16xf32>
          %swap3A_100 = vector.shape_cast %add3A_95 : vector<16xf32> to vector<1x16xf32>
          tpu.vector_store %arg10[%swap3A_96, %swap3A_97], %swap3A_100 {strides = array<i32>} : memref<80x128xf32, #tpu.memory_space<vmem>>, vector<1x16xf32>,
          %get3A_101 = arith.index_cast %scan3A_74 : i32 to index
          %get3A_102 = arith.constant 32 : index
          %get3A_103 = tpu.vector_load %arg10[%get3A_101, %get3A_102] {strides = array<i32>} : memref<80x128xf32, #tpu.memory_space<vmem>>, vector<1x16xf32>,
          %get3A_104 = vector.shape_cast %get3A_103 : vector<1x16xf32> to vector<16xf32>
          %get3A_105 = arith.index_cast %scan3A_74 : i32 to index
          %get3A_106 = arith.constant 32 : index
          %get3A_107 = tpu.vector_load %arg12[%get3A_105, %get3A_106] {strides = array<i32>} : memref<80x128xf32, #tpu.memory_space<vmem>>, vector<1x16xf32>,
          %get3A_108 = vector.shape_cast %get3A_107 : vector<1x16xf32> to vector<16xf32>
          %add3A_109 = arith.addf %get3A_104, %get3A_108 : vector<16xf32>
          %swap3A_110 = arith.index_cast %scan3A_74 : i32 to index
          %swap3A_111 = arith.constant 32 : index
          %swap3A_112 = tpu.vector_load %arg10[%swap3A_110, %swap3A_111] {strides = array<i32>} : memref<80x128xf32, #tpu.memory_space<vmem>>, vector<1x16xf32>,
          %swap3A_113 = vector.shape_cast %swap3A_112 : vector<1x16xf32> to vector<16xf32>
          %swap3A_114 = vector.shape_cast %add3A_109 : vector<16xf32> to vector<1x16xf32>
          tpu.vector_store %arg10[%swap3A_110, %swap3A_111], %swap3A_114 {strides = array<i32>} : memref<80x128xf32, #tpu.memory_space<vmem>>, vector<1x16xf32>,
          %get3A_115 = arith.index_cast %scan3A_74 : i32 to index
          %get3A_116 = arith.constant 48 : index
          %get3A_117 = tpu.vector_load %arg10[%get3A_115, %get3A_116] {strides = array<i32>} : memref<80x128xf32, #tpu.memory_space<vmem>>, vector<1x16xf32>,
          %get3A_118 = vector.shape_cast %get3A_117 : vector<1x16xf32> to vector<16xf32>
          %get3A_119 = arith.index_cast %scan3A_74 : i32 to index
          %get3A_120 = arith.constant 48 : index
          %get3A_121 = tpu.vector_load %arg12[%get3A_119, %get3A_120] {strides = array<i32>} : memref<80x128xf32, #tpu.memory_space<vmem>>, vector<1x16xf32>,
          %get3A_122 = vector.shape_cast %get3A_121 : vector<1x16xf32> to vector<16xf32>
          %add3A_123 = arith.addf %get3A_118, %get3A_122 : vector<16xf32>
          %swap3A_124 = arith.index_cast %scan3A_74 : i32 to index
          %swap3A_125 = arith.constant 48 : index
          %swap3A_126 = tpu.vector_load %arg10[%swap3A_124, %swap3A_125] {strides = array<i32>} : memref<80x128xf32, #tpu.memory_space<vmem>>, vector<1x16xf32>,
          %swap3A_127 = vector.shape_cast %swap3A_126 : vector<1x16xf32> to vector<16xf32>
          %swap3A_128 = vector.shape_cast %add3A_123 : vector<16xf32> to vector<1x16xf32>
          tpu.vector_store %arg10[%swap3A_124, %swap3A_125], %swap3A_128 {strides = array<i32>} : memref<80x128xf32, #tpu.memory_space<vmem>>, vector<1x16xf32>,
          %get3A_129 = arith.index_cast %scan3A_74 : i32 to index
          %get3A_130 = arith.constant 64 : index
          %get3A_131 = tpu.vector_load %arg10[%get3A_129, %get3A_130] {strides = array<i32>} : memref<80x128xf32, #tpu.memory_space<vmem>>, vector<1x16xf32>,
          %get3A_132 = vector.shape_cast %get3A_131 : vector<1x16xf32> to vector<16xf32>
          %get3A_133 = arith.index_cast %scan3A_74 : i32 to index
          %get3A_134 = arith.constant 64 : index
          %get3A_135 = tpu.vector_load %arg12[%get3A_133, %get3A_134] {strides = array<i32>} : memref<80x128xf32, #tpu.memory_space<vmem>>, vector<1x16xf32>,
          %get3A_136 = vector.shape_cast %get3A_135 : vector<1x16xf32> to vector<16xf32>
          %add3A_137 = arith.addf %get3A_132, %get3A_136 : vector<16xf32>
          %swap3A_138 = arith.index_cast %scan3A_74 : i32 to index
          %swap3A_139 = arith.constant 64 : index
          %swap3A_140 = tpu.vector_load %arg10[%swap3A_138, %swap3A_139] {strides = array<i32>} : memref<80x128xf32, #tpu.memory_space<vmem>>, vector<1x16xf32>,
          %swap3A_141 = vector.shape_cast %swap3A_140 : vector<1x16xf32> to vector<16xf32>
          %swap3A_142 = vector.shape_cast %add3A_137 : vector<16xf32> to vector<1x16xf32>
          tpu.vector_store %arg10[%swap3A_138, %swap3A_139], %swap3A_142 {strides = array<i32>} : memref<80x128xf32, #tpu.memory_space<vmem>>, vector<1x16xf32>,
          %get3A_143 = arith.index_cast %scan3A_74 : i32 to index
          %get3A_144 = arith.constant 80 : index
          %get3A_145 = tpu.vector_load %arg10[%get3A_143, %get3A_144] {strides = array<i32>} : memref<80x128xf32, #tpu.memory_space<vmem>>, vector<1x16xf32>,
          %get3A_146 = vector.shape_cast %get3A_145 : vector<1x16xf32> to vector<16xf32>
          %get3A_147 = arith.index_cast %scan3A_74 : i32 to index
          %get3A_148 = arith.constant 80 : index
          %get3A_149 = tpu.vector_load %arg12[%get3A_147, %get3A_148] {strides = array<i32>} : memref<80x128xf32, #tpu.memory_space<vmem>>, vector<1x16xf32>,
          %get3A_150 = vector.shape_cast %get3A_149 : vector<1x16xf32> to vector<16xf32>
          %add3A_151 = arith.addf %get3A_146, %get3A_150 : vector<16xf32>
          %swap3A_152 = arith.index_cast %scan3A_74 : i32 to index
          %swap3A_153 = arith.constant 80 : index
          %swap3A_154 = tpu.vector_load %arg10[%swap3A_152, %swap3A_153] {strides = array<i32>} : memref<80x128xf32, #tpu.memory_space<vmem>>, vector<1x16xf32>,
          %swap3A_155 = vector.shape_cast %swap3A_154 : vector<1x16xf32> to vector<16xf32>
          %swap3A_156 = vector.shape_cast %add3A_151 : vector<16xf32> to vector<1x16xf32>
          tpu.vector_store %arg10[%swap3A_152, %swap3A_153], %swap3A_156 {strides = array<i32>} : memref<80x128xf32, #tpu.memory_space<vmem>>, vector<1x16xf32>,
          %get3A_157 = arith.index_cast %scan3A_74 : i32 to index
          %get3A_158 = arith.constant 96 : index
          %get3A_159 = tpu.vector_load %arg10[%get3A_157, %get3A_158] {strides = array<i32>} : memref<80x128xf32, #tpu.memory_space<vmem>>, vector<1x16xf32>,
          %get3A_160 = vector.shape_cast %get3A_159 : vector<1x16xf32> to vector<16xf32>
          %get3A_161 = arith.index_cast %scan3A_74 : i32 to index
          %get3A_162 = arith.constant 96 : index
          %get3A_163 = tpu.vector_load %arg12[%get3A_161, %get3A_162] {strides = array<i32>} : memref<80x128xf32, #tpu.memory_space<vmem>>, vector<1x16xf32>,
          %get3A_164 = vector.shape_cast %get3A_163 : vector<1x16xf32> to vector<16xf32>
          %add3A_165 = arith.addf %get3A_160, %get3A_164 : vector<16xf32>
          %swap3A_166 = arith.index_cast %scan3A_74 : i32 to index
          %swap3A_167 = arith.constant 96 : index
          %swap3A_168 = tpu.vector_load %arg10[%swap3A_166, %swap3A_167] {strides = array<i32>} : memref<80x128xf32, #tpu.memory_space<vmem>>, vector<1x16xf32>,
          %swap3A_169 = vector.shape_cast %swap3A_168 : vector<1x16xf32> to vector<16xf32>
          %swap3A_170 = vector.shape_cast %add3A_165 : vector<16xf32> to vector<1x16xf32>
          tpu.vector_store %arg10[%swap3A_166, %swap3A_167], %swap3A_170 {strides = array<i32>} : memref<80x128xf32, #tpu.memory_space<vmem>>, vector<1x16xf32>,
          %get3A_171 = arith.index_cast %scan3A_74 : i32 to index
          %get3A_172 = arith.constant 112 : index
          %get3A_173 = tpu.vector_load %arg10[%get3A_171, %get3A_172] {strides = array<i32>} : memref<80x128xf32, #tpu.memory_space<vmem>>, vector<1x16xf32>,
          %get3A_174 = vector.shape_cast %get3A_173 : vector<1x16xf32> to vector<16xf32>
          %get3A_175 = arith.index_cast %scan3A_74 : i32 to index
          %get3A_176 = arith.constant 112 : index
          %get3A_177 = tpu.vector_load %arg12[%get3A_175, %get3A_176] {strides = array<i32>} : memref<80x128xf32, #tpu.memory_space<vmem>>, vector<1x16xf32>,
          %get3A_178 = vector.shape_cast %get3A_177 : vector<1x16xf32> to vector<16xf32>
          %add3A_179 = arith.addf %get3A_174, %get3A_178 : vector<16xf32>
          %swap3A_180 = arith.index_cast %scan3A_74 : i32 to index
          %swap3A_181 = arith.constant 112 : index
          %swap3A_182 = tpu.vector_load %arg10[%swap3A_180, %swap3A_181] {strides = array<i32>} : memref<80x128xf32, #tpu.memory_space<vmem>>, vector<1x16xf32>,
          %swap3A_183 = vector.shape_cast %swap3A_182 : vector<1x16xf32> to vector<16xf32>
          %swap3A_184 = vector.shape_cast %add3A_179 : vector<16xf32> to vector<1x16xf32>
          tpu.vector_store %arg10[%swap3A_180, %swap3A_181], %swap3A_184 {strides = array<i32>} : memref<80x128xf32, #tpu.memory_space<vmem>>, vector<1x16xf32>,
        }
        %scan3A_66 = arith.constant 80 : i32
        %mul3A_67 = arith.constant 80 : i32
        %mul3A_68 = arith.muli %add3A_34, %mul3A_67 : i32
        %add3A_69 = arith.addi %mul3A_2, %mul3A_68 : i32
        %dma_start3A_70 = arith.constant 0 : i32
        %dma_start3A_71 = tpu.memref_slice %arg6[%add3A_69, %dma_start3A_70] : memref<115200x128xf32, #tpu.memory_space<hbm>> -> memref<80x128xf32, #tpu.memory_space<hbm>>
        %dma_start3A_72 = arith.constant 0 : i32
        %dma_start3A_73 = tpu.memref_slice %arg6[%add3A_69, %dma_start3A_72] : memref<115200x128xf32, #tpu.memory_space<hbm>> -> memref<80x128xf32, #tpu.memory_space<hbm>>
        tpu.enqueue_dma source(%arg10 : memref<80x128xf32, #tpu.memory_space<vmem>>) target(%dma_start3A_73 : memref<80x128xf32, #tpu.memory_space<hbm>>) target_semaphore(%arg18 : memref<!tpu.dma_semaphore, #tpu.memory_space<semaphore_mem>>)
      } else {
      }
    }
    %scan3A_20 = arith.constant 23 : i32
    %dma_wait3A = arith.constant 0 : i32
    %dma_wait3A_21 = tpu.memref_slice %arg6[%mul3A_2, %dma_wait3A] : memref<115200x128xf32, #tpu.memory_space<hbm>> -> memref<80x128xf32, #tpu.memory_space<hbm>>
    %dma_wait3A_22 = arith.constant 0 : i32
    %dma_wait3A_23 = tpu.memref_slice %arg6[%mul3A_2, %dma_wait3A_22] : memref<115200x128xf32, #tpu.memory_space<hbm>> -> memref<80x128xf32, #tpu.memory_space<hbm>>
    tpu.wait_dma2 semaphore(%arg17 : memref<!tpu.dma_semaphore, #tpu.memory_space<semaphore_mem>>) src(%arg9 : memref<80x128xf32, #tpu.memory_space<vmem>>) dst(%dma_wait3A_23 : memref<80x128xf32, #tpu.memory_space<hbm>>)
    return
  }
}

#map = affine_map<(d0, d1) -> (0, 0)>
#map1 = affine_map<(d0, d1) -> (0)>
module attributes {stable_mosaic.version = 14 : i64} {
  func.func @k(%arg0: i32, %arg1: i32, %arg2: memref<10000x128xf32, #tpu.memory_space<hbm>>, %arg3: memref<10000x128xf32, #tpu.memory_space<hbm>>, %arg4: memref<320000xi32, #tpu.memory_space<hbm>>, %arg5: memref<320000xi32, #tpu.memory_space<hbm>>, %arg6: memref<102400x128xf32, #tpu.memory_space<hbm>>, %arg7: memref<3200xi32, #tpu.memory_space<vmem>>, %arg8: memref<3200xi32, #tpu.memory_space<vmem>>, %arg9: memref<80x128xf32, #tpu.memory_space<vmem>>, %arg10: memref<80x128xf32, #tpu.memory_space<vmem>>, %arg11: memref<80x128xf32, #tpu.memory_space<vmem>>, %arg12: memref<80x128xf32, #tpu.memory_space<vmem>>, %arg13: memref<!tpu.dma_semaphore, #tpu.memory_space<semaphore_mem>>, %arg14: memref<!tpu.dma_semaphore, #tpu.memory_space<semaphore_mem>>, %arg15: memref<!tpu.dma_semaphore, #tpu.memory_space<semaphore_mem>>, %arg16: memref<!tpu.dma_semaphore, #tpu.memory_space<semaphore_mem>>, %arg17: memref<!tpu.dma_semaphore, #tpu.memory_space<semaphore_mem>>, %arg18: memref<!tpu.dma_semaphore, #tpu.memory_space<semaphore_mem>>) attributes {dimension_semantics = [#tpu.dimension_semantics<core_parallel>, #tpu.dimension_semantics<subcore_parallel>], iteration_bounds = array<i64: 2, 16>, scalar_prefetch = 0 : i64, scratch_operands = 12 : i64, tpu.core_type = #tpu.core_type<sc_vector_subcore>, window_params = [{transform_indices = #map}, {transform_indices = #map}, {transform_indices = #map1}, {transform_indices = #map1}, {transform_indices = #map}]} {
    %mul3A = arith.constant 2 : i32
    %mul3A_0 = arith.muli %arg1, %mul3A : i32
    %add3A = arith.addi %mul3A_0, %arg0 : i32
    %mul3A_1 = arith.constant 3200 : i32
    %mul3A_2 = arith.muli %add3A, %mul3A_1 : i32
    %add3A_3 = arith.constant 115200 : i32
    %add3A_4 = arith.addi %add3A_3, %mul3A_2 : i32
    "tpu.region"() ({
      %run_scoped3A = tpu.sem_alloc : memref<!tpu.dma_semaphore, #tpu.memory_space<semaphore_mem>>
      %dma_start3A_24 = tpu.memref_slice %arg4[%add3A_4] : memref<320000xi32, #tpu.memory_space<hbm>> -> memref<3200xi32, #tpu.memory_space<hbm>>
      %dma_start3A_25 = tpu.memref_slice %arg4[%add3A_4] : memref<320000xi32, #tpu.memory_space<hbm>> -> memref<3200xi32, #tpu.memory_space<hbm>>
      tpu.enqueue_dma source(%dma_start3A_25 : memref<3200xi32, #tpu.memory_space<hbm>>) target(%arg7 : memref<3200xi32, #tpu.memory_space<vmem>>) target_semaphore(%run_scoped3A : memref<!tpu.dma_semaphore, #tpu.memory_space<semaphore_mem>>)
      %dma_wait3A_26 = tpu.memref_slice %arg4[%add3A_4] : memref<320000xi32, #tpu.memory_space<hbm>> -> memref<3200xi32, #tpu.memory_space<hbm>>
      %dma_wait3A_27 = tpu.memref_slice %arg4[%add3A_4] : memref<320000xi32, #tpu.memory_space<hbm>> -> memref<3200xi32, #tpu.memory_space<hbm>>
      tpu.wait_dma2 semaphore(%run_scoped3A : memref<!tpu.dma_semaphore, #tpu.memory_space<semaphore_mem>>) src(%dma_wait3A_27 : memref<3200xi32, #tpu.memory_space<hbm>>) dst(%arg7 : memref<3200xi32, #tpu.memory_space<vmem>>)
      tpu.yield
    }) : () -> ()
    %add3A_5 = arith.constant 115200 : i32
    %add3A_6 = arith.addi %add3A_5, %mul3A_2 : i32
    "tpu.region"() ({
      %run_scoped3A = tpu.sem_alloc : memref<!tpu.dma_semaphore, #tpu.memory_space<semaphore_mem>>
      %dma_start3A_24 = tpu.memref_slice %arg5[%add3A_6] : memref<320000xi32, #tpu.memory_space<hbm>> -> memref<3200xi32, #tpu.memory_space<hbm>>
      %dma_start3A_25 = tpu.memref_slice %arg5[%add3A_6] : memref<320000xi32, #tpu.memory_space<hbm>> -> memref<3200xi32, #tpu.memory_space<hbm>>
      tpu.enqueue_dma source(%dma_start3A_25 : memref<3200xi32, #tpu.memory_space<hbm>>) target(%arg8 : memref<3200xi32, #tpu.memory_space<vmem>>) target_semaphore(%run_scoped3A : memref<!tpu.dma_semaphore, #tpu.memory_space<semaphore_mem>>)
      %dma_wait3A_26 = tpu.memref_slice %arg5[%add3A_6] : memref<320000xi32, #tpu.memory_space<hbm>> -> memref<3200xi32, #tpu.memory_space<hbm>>
      %dma_wait3A_27 = tpu.memref_slice %arg5[%add3A_6] : memref<320000xi32, #tpu.memory_space<hbm>> -> memref<3200xi32, #tpu.memory_space<hbm>>
      tpu.wait_dma2 semaphore(%run_scoped3A : memref<!tpu.dma_semaphore, #tpu.memory_space<semaphore_mem>>) src(%dma_wait3A_27 : memref<3200xi32, #tpu.memory_space<hbm>>) dst(%arg8 : memref<3200xi32, #tpu.memory_space<vmem>>)
      tpu.yield
    }) : () -> ()
    %dma_start3A = arith.constant 0 : i32
    %dma_start3A_7 = tpu.memref_slice %arg7[%dma_start3A] : memref<3200xi32, #tpu.memory_space<vmem>> -> memref<80xi32, #tpu.memory_space<vmem>>
    %dma_start3A_8 = arith.constant 0 : i32
    %dma_start3A_9 = arith.constant 0 : i32
    %dma_start3A_10 = tpu.memref_slice %arg2[%dma_start3A_8, %dma_start3A_9] : memref<10000x128xf32, #tpu.memory_space<hbm>> -> memref<10000x128xf32, #tpu.memory_space<hbm>>
    tpu.enqueue_indirect_dma source(%dma_start3A_10 : memref<10000x128xf32, #tpu.memory_space<hbm>>) target(%arg9 : memref<80x128xf32, #tpu.memory_space<vmem>>) offsets(%dma_start3A_7 : memref<80xi32, #tpu.memory_space<vmem>>) semaphore(%arg13 : memref<!tpu.dma_semaphore, #tpu.memory_space<semaphore_mem>>)
    %dma_start3A_11 = arith.constant 0 : i32
    %dma_start3A_12 = tpu.memref_slice %arg8[%dma_start3A_11] : memref<3200xi32, #tpu.memory_space<vmem>> -> memref<80xi32, #tpu.memory_space<vmem>>
    %dma_start3A_13 = arith.constant 0 : i32
    %dma_start3A_14 = arith.constant 0 : i32
    %dma_start3A_15 = tpu.memref_slice %arg3[%dma_start3A_13, %dma_start3A_14] : memref<10000x128xf32, #tpu.memory_space<hbm>> -> memref<10000x128xf32, #tpu.memory_space<hbm>>
    tpu.enqueue_indirect_dma source(%dma_start3A_15 : memref<10000x128xf32, #tpu.memory_space<hbm>>) target(%arg11 : memref<80x128xf32, #tpu.memory_space<vmem>>) offsets(%dma_start3A_12 : memref<80xi32, #tpu.memory_space<vmem>>) semaphore(%arg15 : memref<!tpu.dma_semaphore, #tpu.memory_space<semaphore_mem>>)
    %scan3A = arith.constant 0 : i32
    %scan3A_16 = arith.constant 0 : i32
    %scan3A_17 = arith.constant 20 : i32
    %scan3A_18 = arith.addi %scan3A_16, %scan3A_17 : i32
    %scan3A_19 = arith.constant 1 : i32
    scf.for %scan3A_24 = %scan3A_16 to %scan3A_18 step %scan3A_19  : i32 {
      %mul3A_25 = arith.constant 2 : i32
      %mul3A_26 = arith.muli %mul3A_25, %scan3A_24 : i32
      %add3A_27 = arith.constant 0 : i32
      %add3A_28 = arith.addi %mul3A_26, %add3A_27 : i32
      %le3A = arith.constant 39 : i32
      %le3A_29 = arith.cmpi sle, %add3A_28, %le3A : i32
      %convert_element_type3A = arith.extui %le3A_29 : i1 to i32
      %cond3A = arith.constant 0 : i32
      %cond3A_30 = arith.cmpi ne, %convert_element_type3A, %cond3A : i32
      scf.if %cond3A_30 {
        %dma_wait3A_40 = arith.constant 0 : i32
        %dma_wait3A_41 = tpu.memref_slice %arg7[%dma_wait3A_40] : memref<3200xi32, #tpu.memory_space<vmem>> -> memref<80xi32, #tpu.memory_space<vmem>>
        %dma_wait3A_42 = arith.constant 0 : i32
        %dma_wait3A_43 = arith.constant 0 : i32
        %dma_wait3A_44 = tpu.memref_slice %arg2[%dma_wait3A_42, %dma_wait3A_43] : memref<10000x128xf32, #tpu.memory_space<hbm>> -> memref<10000x128xf32, #tpu.memory_space<hbm>>
        tpu.wait_indirect_dma semaphore(%arg13 : memref<!tpu.dma_semaphore, #tpu.memory_space<semaphore_mem>>) src(%dma_wait3A_44 : memref<10000x128xf32, #tpu.memory_space<hbm>>) dst(%arg9 : memref<80x128xf32, #tpu.memory_space<vmem>>)
        %dma_wait3A_45 = arith.constant 0 : i32
        %dma_wait3A_46 = tpu.memref_slice %arg8[%dma_wait3A_45] : memref<3200xi32, #tpu.memory_space<vmem>> -> memref<80xi32, #tpu.memory_space<vmem>>
        %dma_wait3A_47 = arith.constant 0 : i32
        %dma_wait3A_48 = arith.constant 0 : i32
        %dma_wait3A_49 = tpu.memref_slice %arg3[%dma_wait3A_47, %dma_wait3A_48] : memref<10000x128xf32, #tpu.memory_space<hbm>> -> memref<10000x128xf32, #tpu.memory_space<hbm>>
        tpu.wait_indirect_dma semaphore(%arg15 : memref<!tpu.dma_semaphore, #tpu.memory_space<semaphore_mem>>) src(%dma_wait3A_49 : memref<10000x128xf32, #tpu.memory_space<hbm>>) dst(%arg11 : memref<80x128xf32, #tpu.memory_space<vmem>>)
        %ge3A = arith.constant 1 : i32
        %ge3A_50 = arith.cmpi sge, %add3A_28, %ge3A : i32
        %convert_element_type3A_51 = arith.extui %ge3A_50 : i1 to i32
        %cond3A_52 = arith.constant 0 : i32
        %cond3A_53 = arith.cmpi ne, %convert_element_type3A_51, %cond3A_52 : i32
        scf.if %cond3A_53 {
          %dma_wait3A_74 = arith.constant 0 : i32
          %dma_wait3A_75 = tpu.memref_slice %arg6[%mul3A_2, %dma_wait3A_74] : memref<102400x128xf32, #tpu.memory_space<hbm>> -> memref<80x128xf32, #tpu.memory_space<hbm>>
          %dma_wait3A_76 = arith.constant 0 : i32
          %dma_wait3A_77 = tpu.memref_slice %arg6[%mul3A_2, %dma_wait3A_76] : memref<102400x128xf32, #tpu.memory_space<hbm>> -> memref<80x128xf32, #tpu.memory_space<hbm>>
          tpu.wait_dma2 semaphore(%arg18 : memref<!tpu.dma_semaphore, #tpu.memory_space<semaphore_mem>>) src(%arg10 : memref<80x128xf32, #tpu.memory_space<vmem>>) dst(%dma_wait3A_77 : memref<80x128xf32, #tpu.memory_space<hbm>>)
        } else {
        }
        %add3A_54 = arith.constant 1 : i32
        %add3A_55 = arith.addi %add3A_28, %add3A_54 : i32
        %le3A_56 = arith.constant 39 : i32
        %le3A_57 = arith.cmpi sle, %add3A_55, %le3A_56 : i32
        %convert_element_type3A_58 = arith.extui %le3A_57 : i1 to i32
        %cond3A_59 = arith.constant 0 : i32
        %cond3A_60 = arith.cmpi ne, %convert_element_type3A_58, %cond3A_59 : i32
        scf.if %cond3A_60 {
          %add3A_74 = arith.constant 1 : i32
          %add3A_75 = arith.addi %add3A_28, %add3A_74 : i32
          %mul3A_76 = arith.constant 80 : i32
          %mul3A_77 = arith.muli %add3A_75, %mul3A_76 : i32
          %dma_start3A_78 = tpu.memref_slice %arg7[%mul3A_77] : memref<3200xi32, #tpu.memory_space<vmem>> -> memref<80xi32, #tpu.memory_space<vmem>>
          %dma_start3A_79 = arith.constant 0 : i32
          %dma_start3A_80 = arith.constant 0 : i32
          %dma_start3A_81 = tpu.memref_slice %arg2[%dma_start3A_79, %dma_start3A_80] : memref<10000x128xf32, #tpu.memory_space<hbm>> -> memref<10000x128xf32, #tpu.memory_space<hbm>>
          tpu.enqueue_indirect_dma source(%dma_start3A_81 : memref<10000x128xf32, #tpu.memory_space<hbm>>) target(%arg10 : memref<80x128xf32, #tpu.memory_space<vmem>>) offsets(%dma_start3A_78 : memref<80xi32, #tpu.memory_space<vmem>>) semaphore(%arg14 : memref<!tpu.dma_semaphore, #tpu.memory_space<semaphore_mem>>)
          %mul3A_82 = arith.constant 80 : i32
          %mul3A_83 = arith.muli %add3A_75, %mul3A_82 : i32
          %dma_start3A_84 = tpu.memref_slice %arg8[%mul3A_83] : memref<3200xi32, #tpu.memory_space<vmem>> -> memref<80xi32, #tpu.memory_space<vmem>>
          %dma_start3A_85 = arith.constant 0 : i32
          %dma_start3A_86 = arith.constant 0 : i32
          %dma_start3A_87 = tpu.memref_slice %arg3[%dma_start3A_85, %dma_start3A_86] : memref<10000x128xf32, #tpu.memory_space<hbm>> -> memref<10000x128xf32, #tpu.memory_space<hbm>>
          tpu.enqueue_indirect_dma source(%dma_start3A_87 : memref<10000x128xf32, #tpu.memory_space<hbm>>) target(%arg12 : memref<80x128xf32, #tpu.memory_space<vmem>>) offsets(%dma_start3A_84 : memref<80xi32, #tpu.memory_space<vmem>>) semaphore(%arg16 : memref<!tpu.dma_semaphore, #tpu.memory_space<semaphore_mem>>)
        } else {
        }
        %scan3A_61 = arith.constant 0 : i32
        %scan3A_62 = arith.constant 0 : i32
        %scan3A_63 = arith.constant 80 : i32
        %scan3A_64 = arith.addi %scan3A_62, %scan3A_63 : i32
        %scan3A_65 = arith.constant 1 : i32
        scf.for %scan3A_74 = %scan3A_62 to %scan3A_64 step %scan3A_65  : i32 {
          %get3A = arith.index_cast %scan3A_74 : i32 to index
          %get3A_75 = arith.constant 0 : index
          %get3A_76 = tpu.vector_load %arg9[%get3A, %get3A_75] {strides = array<i32>} : memref<80x128xf32, #tpu.memory_space<vmem>>, vector<1x16xf32>,
          %get3A_77 = vector.shape_cast %get3A_76 : vector<1x16xf32> to vector<16xf32>
          %get3A_78 = arith.index_cast %scan3A_74 : i32 to index
          %get3A_79 = arith.constant 0 : index
          %get3A_80 = tpu.vector_load %arg11[%get3A_78, %get3A_79] {strides = array<i32>} : memref<80x128xf32, #tpu.memory_space<vmem>>, vector<1x16xf32>,
          %get3A_81 = vector.shape_cast %get3A_80 : vector<1x16xf32> to vector<16xf32>
          %add3A_82 = arith.addf %get3A_77, %get3A_81 : vector<16xf32>
          %swap3A = arith.index_cast %scan3A_74 : i32 to index
          %swap3A_83 = arith.constant 0 : index
          %swap3A_84 = tpu.vector_load %arg9[%swap3A, %swap3A_83] {strides = array<i32>} : memref<80x128xf32, #tpu.memory_space<vmem>>, vector<1x16xf32>,
          %swap3A_85 = vector.shape_cast %swap3A_84 : vector<1x16xf32> to vector<16xf32>
          %swap3A_86 = vector.shape_cast %add3A_82 : vector<16xf32> to vector<1x16xf32>
          tpu.vector_store %arg9[%swap3A, %swap3A_83], %swap3A_86 {strides = array<i32>} : memref<80x128xf32, #tpu.memory_space<vmem>>, vector<1x16xf32>,
          %get3A_87 = arith.index_cast %scan3A_74 : i32 to index
          %get3A_88 = arith.constant 16 : index
          %get3A_89 = tpu.vector_load %arg9[%get3A_87, %get3A_88] {strides = array<i32>} : memref<80x128xf32, #tpu.memory_space<vmem>>, vector<1x16xf32>,
          %get3A_90 = vector.shape_cast %get3A_89 : vector<1x16xf32> to vector<16xf32>
          %get3A_91 = arith.index_cast %scan3A_74 : i32 to index
          %get3A_92 = arith.constant 16 : index
          %get3A_93 = tpu.vector_load %arg11[%get3A_91, %get3A_92] {strides = array<i32>} : memref<80x128xf32, #tpu.memory_space<vmem>>, vector<1x16xf32>,
          %get3A_94 = vector.shape_cast %get3A_93 : vector<1x16xf32> to vector<16xf32>
          %add3A_95 = arith.addf %get3A_90, %get3A_94 : vector<16xf32>
          %swap3A_96 = arith.index_cast %scan3A_74 : i32 to index
          %swap3A_97 = arith.constant 16 : index
          %swap3A_98 = tpu.vector_load %arg9[%swap3A_96, %swap3A_97] {strides = array<i32>} : memref<80x128xf32, #tpu.memory_space<vmem>>, vector<1x16xf32>,
          %swap3A_99 = vector.shape_cast %swap3A_98 : vector<1x16xf32> to vector<16xf32>
          %swap3A_100 = vector.shape_cast %add3A_95 : vector<16xf32> to vector<1x16xf32>
          tpu.vector_store %arg9[%swap3A_96, %swap3A_97], %swap3A_100 {strides = array<i32>} : memref<80x128xf32, #tpu.memory_space<vmem>>, vector<1x16xf32>,
          %get3A_101 = arith.index_cast %scan3A_74 : i32 to index
          %get3A_102 = arith.constant 32 : index
          %get3A_103 = tpu.vector_load %arg9[%get3A_101, %get3A_102] {strides = array<i32>} : memref<80x128xf32, #tpu.memory_space<vmem>>, vector<1x16xf32>,
          %get3A_104 = vector.shape_cast %get3A_103 : vector<1x16xf32> to vector<16xf32>
          %get3A_105 = arith.index_cast %scan3A_74 : i32 to index
          %get3A_106 = arith.constant 32 : index
          %get3A_107 = tpu.vector_load %arg11[%get3A_105, %get3A_106] {strides = array<i32>} : memref<80x128xf32, #tpu.memory_space<vmem>>, vector<1x16xf32>,
          %get3A_108 = vector.shape_cast %get3A_107 : vector<1x16xf32> to vector<16xf32>
          %add3A_109 = arith.addf %get3A_104, %get3A_108 : vector<16xf32>
          %swap3A_110 = arith.index_cast %scan3A_74 : i32 to index
          %swap3A_111 = arith.constant 32 : index
          %swap3A_112 = tpu.vector_load %arg9[%swap3A_110, %swap3A_111] {strides = array<i32>} : memref<80x128xf32, #tpu.memory_space<vmem>>, vector<1x16xf32>,
          %swap3A_113 = vector.shape_cast %swap3A_112 : vector<1x16xf32> to vector<16xf32>
          %swap3A_114 = vector.shape_cast %add3A_109 : vector<16xf32> to vector<1x16xf32>
          tpu.vector_store %arg9[%swap3A_110, %swap3A_111], %swap3A_114 {strides = array<i32>} : memref<80x128xf32, #tpu.memory_space<vmem>>, vector<1x16xf32>,
          %get3A_115 = arith.index_cast %scan3A_74 : i32 to index
          %get3A_116 = arith.constant 48 : index
          %get3A_117 = tpu.vector_load %arg9[%get3A_115, %get3A_116] {strides = array<i32>} : memref<80x128xf32, #tpu.memory_space<vmem>>, vector<1x16xf32>,
          %get3A_118 = vector.shape_cast %get3A_117 : vector<1x16xf32> to vector<16xf32>
          %get3A_119 = arith.index_cast %scan3A_74 : i32 to index
          %get3A_120 = arith.constant 48 : index
          %get3A_121 = tpu.vector_load %arg11[%get3A_119, %get3A_120] {strides = array<i32>} : memref<80x128xf32, #tpu.memory_space<vmem>>, vector<1x16xf32>,
          %get3A_122 = vector.shape_cast %get3A_121 : vector<1x16xf32> to vector<16xf32>
          %add3A_123 = arith.addf %get3A_118, %get3A_122 : vector<16xf32>
          %swap3A_124 = arith.index_cast %scan3A_74 : i32 to index
          %swap3A_125 = arith.constant 48 : index
          %swap3A_126 = tpu.vector_load %arg9[%swap3A_124, %swap3A_125] {strides = array<i32>} : memref<80x128xf32, #tpu.memory_space<vmem>>, vector<1x16xf32>,
          %swap3A_127 = vector.shape_cast %swap3A_126 : vector<1x16xf32> to vector<16xf32>
          %swap3A_128 = vector.shape_cast %add3A_123 : vector<16xf32> to vector<1x16xf32>
          tpu.vector_store %arg9[%swap3A_124, %swap3A_125], %swap3A_128 {strides = array<i32>} : memref<80x128xf32, #tpu.memory_space<vmem>>, vector<1x16xf32>,
          %get3A_129 = arith.index_cast %scan3A_74 : i32 to index
          %get3A_130 = arith.constant 64 : index
          %get3A_131 = tpu.vector_load %arg9[%get3A_129, %get3A_130] {strides = array<i32>} : memref<80x128xf32, #tpu.memory_space<vmem>>, vector<1x16xf32>,
          %get3A_132 = vector.shape_cast %get3A_131 : vector<1x16xf32> to vector<16xf32>
          %get3A_133 = arith.index_cast %scan3A_74 : i32 to index
          %get3A_134 = arith.constant 64 : index
          %get3A_135 = tpu.vector_load %arg11[%get3A_133, %get3A_134] {strides = array<i32>} : memref<80x128xf32, #tpu.memory_space<vmem>>, vector<1x16xf32>,
          %get3A_136 = vector.shape_cast %get3A_135 : vector<1x16xf32> to vector<16xf32>
          %add3A_137 = arith.addf %get3A_132, %get3A_136 : vector<16xf32>
          %swap3A_138 = arith.index_cast %scan3A_74 : i32 to index
          %swap3A_139 = arith.constant 64 : index
          %swap3A_140 = tpu.vector_load %arg9[%swap3A_138, %swap3A_139] {strides = array<i32>} : memref<80x128xf32, #tpu.memory_space<vmem>>, vector<1x16xf32>,
          %swap3A_141 = vector.shape_cast %swap3A_140 : vector<1x16xf32> to vector<16xf32>
          %swap3A_142 = vector.shape_cast %add3A_137 : vector<16xf32> to vector<1x16xf32>
          tpu.vector_store %arg9[%swap3A_138, %swap3A_139], %swap3A_142 {strides = array<i32>} : memref<80x128xf32, #tpu.memory_space<vmem>>, vector<1x16xf32>,
          %get3A_143 = arith.index_cast %scan3A_74 : i32 to index
          %get3A_144 = arith.constant 80 : index
          %get3A_145 = tpu.vector_load %arg9[%get3A_143, %get3A_144] {strides = array<i32>} : memref<80x128xf32, #tpu.memory_space<vmem>>, vector<1x16xf32>,
          %get3A_146 = vector.shape_cast %get3A_145 : vector<1x16xf32> to vector<16xf32>
          %get3A_147 = arith.index_cast %scan3A_74 : i32 to index
          %get3A_148 = arith.constant 80 : index
          %get3A_149 = tpu.vector_load %arg11[%get3A_147, %get3A_148] {strides = array<i32>} : memref<80x128xf32, #tpu.memory_space<vmem>>, vector<1x16xf32>,
          %get3A_150 = vector.shape_cast %get3A_149 : vector<1x16xf32> to vector<16xf32>
          %add3A_151 = arith.addf %get3A_146, %get3A_150 : vector<16xf32>
          %swap3A_152 = arith.index_cast %scan3A_74 : i32 to index
          %swap3A_153 = arith.constant 80 : index
          %swap3A_154 = tpu.vector_load %arg9[%swap3A_152, %swap3A_153] {strides = array<i32>} : memref<80x128xf32, #tpu.memory_space<vmem>>, vector<1x16xf32>,
          %swap3A_155 = vector.shape_cast %swap3A_154 : vector<1x16xf32> to vector<16xf32>
          %swap3A_156 = vector.shape_cast %add3A_151 : vector<16xf32> to vector<1x16xf32>
          tpu.vector_store %arg9[%swap3A_152, %swap3A_153], %swap3A_156 {strides = array<i32>} : memref<80x128xf32, #tpu.memory_space<vmem>>, vector<1x16xf32>,
          %get3A_157 = arith.index_cast %scan3A_74 : i32 to index
          %get3A_158 = arith.constant 96 : index
          %get3A_159 = tpu.vector_load %arg9[%get3A_157, %get3A_158] {strides = array<i32>} : memref<80x128xf32, #tpu.memory_space<vmem>>, vector<1x16xf32>,
          %get3A_160 = vector.shape_cast %get3A_159 : vector<1x16xf32> to vector<16xf32>
          %get3A_161 = arith.index_cast %scan3A_74 : i32 to index
          %get3A_162 = arith.constant 96 : index
          %get3A_163 = tpu.vector_load %arg11[%get3A_161, %get3A_162] {strides = array<i32>} : memref<80x128xf32, #tpu.memory_space<vmem>>, vector<1x16xf32>,
          %get3A_164 = vector.shape_cast %get3A_163 : vector<1x16xf32> to vector<16xf32>
          %add3A_165 = arith.addf %get3A_160, %get3A_164 : vector<16xf32>
          %swap3A_166 = arith.index_cast %scan3A_74 : i32 to index
          %swap3A_167 = arith.constant 96 : index
          %swap3A_168 = tpu.vector_load %arg9[%swap3A_166, %swap3A_167] {strides = array<i32>} : memref<80x128xf32, #tpu.memory_space<vmem>>, vector<1x16xf32>,
          %swap3A_169 = vector.shape_cast %swap3A_168 : vector<1x16xf32> to vector<16xf32>
          %swap3A_170 = vector.shape_cast %add3A_165 : vector<16xf32> to vector<1x16xf32>
          tpu.vector_store %arg9[%swap3A_166, %swap3A_167], %swap3A_170 {strides = array<i32>} : memref<80x128xf32, #tpu.memory_space<vmem>>, vector<1x16xf32>,
          %get3A_171 = arith.index_cast %scan3A_74 : i32 to index
          %get3A_172 = arith.constant 112 : index
          %get3A_173 = tpu.vector_load %arg9[%get3A_171, %get3A_172] {strides = array<i32>} : memref<80x128xf32, #tpu.memory_space<vmem>>, vector<1x16xf32>,
          %get3A_174 = vector.shape_cast %get3A_173 : vector<1x16xf32> to vector<16xf32>
          %get3A_175 = arith.index_cast %scan3A_74 : i32 to index
          %get3A_176 = arith.constant 112 : index
          %get3A_177 = tpu.vector_load %arg11[%get3A_175, %get3A_176] {strides = array<i32>} : memref<80x128xf32, #tpu.memory_space<vmem>>, vector<1x16xf32>,
          %get3A_178 = vector.shape_cast %get3A_177 : vector<1x16xf32> to vector<16xf32>
          %add3A_179 = arith.addf %get3A_174, %get3A_178 : vector<16xf32>
          %swap3A_180 = arith.index_cast %scan3A_74 : i32 to index
          %swap3A_181 = arith.constant 112 : index
          %swap3A_182 = tpu.vector_load %arg9[%swap3A_180, %swap3A_181] {strides = array<i32>} : memref<80x128xf32, #tpu.memory_space<vmem>>, vector<1x16xf32>,
          %swap3A_183 = vector.shape_cast %swap3A_182 : vector<1x16xf32> to vector<16xf32>
          %swap3A_184 = vector.shape_cast %add3A_179 : vector<16xf32> to vector<1x16xf32>
          tpu.vector_store %arg9[%swap3A_180, %swap3A_181], %swap3A_184 {strides = array<i32>} : memref<80x128xf32, #tpu.memory_space<vmem>>, vector<1x16xf32>,
        }
        %scan3A_66 = arith.constant 80 : i32
        %mul3A_67 = arith.constant 80 : i32
        %mul3A_68 = arith.muli %add3A_28, %mul3A_67 : i32
        %add3A_69 = arith.addi %mul3A_2, %mul3A_68 : i32
        %dma_start3A_70 = arith.constant 0 : i32
        %dma_start3A_71 = tpu.memref_slice %arg6[%add3A_69, %dma_start3A_70] : memref<102400x128xf32, #tpu.memory_space<hbm>> -> memref<80x128xf32, #tpu.memory_space<hbm>>
        %dma_start3A_72 = arith.constant 0 : i32
        %dma_start3A_73 = tpu.memref_slice %arg6[%add3A_69, %dma_start3A_72] : memref<102400x128xf32, #tpu.memory_space<hbm>> -> memref<80x128xf32, #tpu.memory_space<hbm>>
        tpu.enqueue_dma source(%arg9 : memref<80x128xf32, #tpu.memory_space<vmem>>) target(%dma_start3A_73 : memref<80x128xf32, #tpu.memory_space<hbm>>) target_semaphore(%arg17 : memref<!tpu.dma_semaphore, #tpu.memory_space<semaphore_mem>>)
      } else {
      }
      %mul3A_31 = arith.constant 2 : i32
      %mul3A_32 = arith.muli %mul3A_31, %scan3A_24 : i32
      %add3A_33 = arith.constant 1 : i32
      %add3A_34 = arith.addi %mul3A_32, %add3A_33 : i32
      %le3A_35 = arith.constant 39 : i32
      %le3A_36 = arith.cmpi sle, %add3A_34, %le3A_35 : i32
      %convert_element_type3A_37 = arith.extui %le3A_36 : i1 to i32
      %cond3A_38 = arith.constant 0 : i32
      %cond3A_39 = arith.cmpi ne, %convert_element_type3A_37, %cond3A_38 : i32
      scf.if %cond3A_39 {
        %dma_wait3A_40 = arith.constant 0 : i32
        %dma_wait3A_41 = tpu.memref_slice %arg7[%dma_wait3A_40] : memref<3200xi32, #tpu.memory_space<vmem>> -> memref<80xi32, #tpu.memory_space<vmem>>
        %dma_wait3A_42 = arith.constant 0 : i32
        %dma_wait3A_43 = arith.constant 0 : i32
        %dma_wait3A_44 = tpu.memref_slice %arg2[%dma_wait3A_42, %dma_wait3A_43] : memref<10000x128xf32, #tpu.memory_space<hbm>> -> memref<10000x128xf32, #tpu.memory_space<hbm>>
        tpu.wait_indirect_dma semaphore(%arg14 : memref<!tpu.dma_semaphore, #tpu.memory_space<semaphore_mem>>) src(%dma_wait3A_44 : memref<10000x128xf32, #tpu.memory_space<hbm>>) dst(%arg10 : memref<80x128xf32, #tpu.memory_space<vmem>>)
        %dma_wait3A_45 = arith.constant 0 : i32
        %dma_wait3A_46 = tpu.memref_slice %arg8[%dma_wait3A_45] : memref<3200xi32, #tpu.memory_space<vmem>> -> memref<80xi32, #tpu.memory_space<vmem>>
        %dma_wait3A_47 = arith.constant 0 : i32
        %dma_wait3A_48 = arith.constant 0 : i32
        %dma_wait3A_49 = tpu.memref_slice %arg3[%dma_wait3A_47, %dma_wait3A_48] : memref<10000x128xf32, #tpu.memory_space<hbm>> -> memref<10000x128xf32, #tpu.memory_space<hbm>>
        tpu.wait_indirect_dma semaphore(%arg16 : memref<!tpu.dma_semaphore, #tpu.memory_space<semaphore_mem>>) src(%dma_wait3A_49 : memref<10000x128xf32, #tpu.memory_space<hbm>>) dst(%arg12 : memref<80x128xf32, #tpu.memory_space<vmem>>)
        %ge3A = arith.constant 1 : i32
        %ge3A_50 = arith.cmpi sge, %add3A_34, %ge3A : i32
        %convert_element_type3A_51 = arith.extui %ge3A_50 : i1 to i32
        %cond3A_52 = arith.constant 0 : i32
        %cond3A_53 = arith.cmpi ne, %convert_element_type3A_51, %cond3A_52 : i32
        scf.if %cond3A_53 {
          %dma_wait3A_74 = arith.constant 0 : i32
          %dma_wait3A_75 = tpu.memref_slice %arg6[%mul3A_2, %dma_wait3A_74] : memref<102400x128xf32, #tpu.memory_space<hbm>> -> memref<80x128xf32, #tpu.memory_space<hbm>>
          %dma_wait3A_76 = arith.constant 0 : i32
          %dma_wait3A_77 = tpu.memref_slice %arg6[%mul3A_2, %dma_wait3A_76] : memref<102400x128xf32, #tpu.memory_space<hbm>> -> memref<80x128xf32, #tpu.memory_space<hbm>>
          tpu.wait_dma2 semaphore(%arg17 : memref<!tpu.dma_semaphore, #tpu.memory_space<semaphore_mem>>) src(%arg9 : memref<80x128xf32, #tpu.memory_space<vmem>>) dst(%dma_wait3A_77 : memref<80x128xf32, #tpu.memory_space<hbm>>)
        } else {
        }
        %add3A_54 = arith.constant 1 : i32
        %add3A_55 = arith.addi %add3A_34, %add3A_54 : i32
        %le3A_56 = arith.constant 39 : i32
        %le3A_57 = arith.cmpi sle, %add3A_55, %le3A_56 : i32
        %convert_element_type3A_58 = arith.extui %le3A_57 : i1 to i32
        %cond3A_59 = arith.constant 0 : i32
        %cond3A_60 = arith.cmpi ne, %convert_element_type3A_58, %cond3A_59 : i32
        scf.if %cond3A_60 {
          %add3A_74 = arith.constant 1 : i32
          %add3A_75 = arith.addi %add3A_34, %add3A_74 : i32
          %mul3A_76 = arith.constant 80 : i32
          %mul3A_77 = arith.muli %add3A_75, %mul3A_76 : i32
          %dma_start3A_78 = tpu.memref_slice %arg7[%mul3A_77] : memref<3200xi32, #tpu.memory_space<vmem>> -> memref<80xi32, #tpu.memory_space<vmem>>
          %dma_start3A_79 = arith.constant 0 : i32
          %dma_start3A_80 = arith.constant 0 : i32
          %dma_start3A_81 = tpu.memref_slice %arg2[%dma_start3A_79, %dma_start3A_80] : memref<10000x128xf32, #tpu.memory_space<hbm>> -> memref<10000x128xf32, #tpu.memory_space<hbm>>
          tpu.enqueue_indirect_dma source(%dma_start3A_81 : memref<10000x128xf32, #tpu.memory_space<hbm>>) target(%arg9 : memref<80x128xf32, #tpu.memory_space<vmem>>) offsets(%dma_start3A_78 : memref<80xi32, #tpu.memory_space<vmem>>) semaphore(%arg13 : memref<!tpu.dma_semaphore, #tpu.memory_space<semaphore_mem>>)
          %mul3A_82 = arith.constant 80 : i32
          %mul3A_83 = arith.muli %add3A_75, %mul3A_82 : i32
          %dma_start3A_84 = tpu.memref_slice %arg8[%mul3A_83] : memref<3200xi32, #tpu.memory_space<vmem>> -> memref<80xi32, #tpu.memory_space<vmem>>
          %dma_start3A_85 = arith.constant 0 : i32
          %dma_start3A_86 = arith.constant 0 : i32
          %dma_start3A_87 = tpu.memref_slice %arg3[%dma_start3A_85, %dma_start3A_86] : memref<10000x128xf32, #tpu.memory_space<hbm>> -> memref<10000x128xf32, #tpu.memory_space<hbm>>
          tpu.enqueue_indirect_dma source(%dma_start3A_87 : memref<10000x128xf32, #tpu.memory_space<hbm>>) target(%arg11 : memref<80x128xf32, #tpu.memory_space<vmem>>) offsets(%dma_start3A_84 : memref<80xi32, #tpu.memory_space<vmem>>) semaphore(%arg15 : memref<!tpu.dma_semaphore, #tpu.memory_space<semaphore_mem>>)
        } else {
        }
        %scan3A_61 = arith.constant 0 : i32
        %scan3A_62 = arith.constant 0 : i32
        %scan3A_63 = arith.constant 80 : i32
        %scan3A_64 = arith.addi %scan3A_62, %scan3A_63 : i32
        %scan3A_65 = arith.constant 1 : i32
        scf.for %scan3A_74 = %scan3A_62 to %scan3A_64 step %scan3A_65  : i32 {
          %get3A = arith.index_cast %scan3A_74 : i32 to index
          %get3A_75 = arith.constant 0 : index
          %get3A_76 = tpu.vector_load %arg10[%get3A, %get3A_75] {strides = array<i32>} : memref<80x128xf32, #tpu.memory_space<vmem>>, vector<1x16xf32>,
          %get3A_77 = vector.shape_cast %get3A_76 : vector<1x16xf32> to vector<16xf32>
          %get3A_78 = arith.index_cast %scan3A_74 : i32 to index
          %get3A_79 = arith.constant 0 : index
          %get3A_80 = tpu.vector_load %arg12[%get3A_78, %get3A_79] {strides = array<i32>} : memref<80x128xf32, #tpu.memory_space<vmem>>, vector<1x16xf32>,
          %get3A_81 = vector.shape_cast %get3A_80 : vector<1x16xf32> to vector<16xf32>
          %add3A_82 = arith.addf %get3A_77, %get3A_81 : vector<16xf32>
          %swap3A = arith.index_cast %scan3A_74 : i32 to index
          %swap3A_83 = arith.constant 0 : index
          %swap3A_84 = tpu.vector_load %arg10[%swap3A, %swap3A_83] {strides = array<i32>} : memref<80x128xf32, #tpu.memory_space<vmem>>, vector<1x16xf32>,
          %swap3A_85 = vector.shape_cast %swap3A_84 : vector<1x16xf32> to vector<16xf32>
          %swap3A_86 = vector.shape_cast %add3A_82 : vector<16xf32> to vector<1x16xf32>
          tpu.vector_store %arg10[%swap3A, %swap3A_83], %swap3A_86 {strides = array<i32>} : memref<80x128xf32, #tpu.memory_space<vmem>>, vector<1x16xf32>,
          %get3A_87 = arith.index_cast %scan3A_74 : i32 to index
          %get3A_88 = arith.constant 16 : index
          %get3A_89 = tpu.vector_load %arg10[%get3A_87, %get3A_88] {strides = array<i32>} : memref<80x128xf32, #tpu.memory_space<vmem>>, vector<1x16xf32>,
          %get3A_90 = vector.shape_cast %get3A_89 : vector<1x16xf32> to vector<16xf32>
          %get3A_91 = arith.index_cast %scan3A_74 : i32 to index
          %get3A_92 = arith.constant 16 : index
          %get3A_93 = tpu.vector_load %arg12[%get3A_91, %get3A_92] {strides = array<i32>} : memref<80x128xf32, #tpu.memory_space<vmem>>, vector<1x16xf32>,
          %get3A_94 = vector.shape_cast %get3A_93 : vector<1x16xf32> to vector<16xf32>
          %add3A_95 = arith.addf %get3A_90, %get3A_94 : vector<16xf32>
          %swap3A_96 = arith.index_cast %scan3A_74 : i32 to index
          %swap3A_97 = arith.constant 16 : index
          %swap3A_98 = tpu.vector_load %arg10[%swap3A_96, %swap3A_97] {strides = array<i32>} : memref<80x128xf32, #tpu.memory_space<vmem>>, vector<1x16xf32>,
          %swap3A_99 = vector.shape_cast %swap3A_98 : vector<1x16xf32> to vector<16xf32>
          %swap3A_100 = vector.shape_cast %add3A_95 : vector<16xf32> to vector<1x16xf32>
          tpu.vector_store %arg10[%swap3A_96, %swap3A_97], %swap3A_100 {strides = array<i32>} : memref<80x128xf32, #tpu.memory_space<vmem>>, vector<1x16xf32>,
          %get3A_101 = arith.index_cast %scan3A_74 : i32 to index
          %get3A_102 = arith.constant 32 : index
          %get3A_103 = tpu.vector_load %arg10[%get3A_101, %get3A_102] {strides = array<i32>} : memref<80x128xf32, #tpu.memory_space<vmem>>, vector<1x16xf32>,
          %get3A_104 = vector.shape_cast %get3A_103 : vector<1x16xf32> to vector<16xf32>
          %get3A_105 = arith.index_cast %scan3A_74 : i32 to index
          %get3A_106 = arith.constant 32 : index
          %get3A_107 = tpu.vector_load %arg12[%get3A_105, %get3A_106] {strides = array<i32>} : memref<80x128xf32, #tpu.memory_space<vmem>>, vector<1x16xf32>,
          %get3A_108 = vector.shape_cast %get3A_107 : vector<1x16xf32> to vector<16xf32>
          %add3A_109 = arith.addf %get3A_104, %get3A_108 : vector<16xf32>
          %swap3A_110 = arith.index_cast %scan3A_74 : i32 to index
          %swap3A_111 = arith.constant 32 : index
          %swap3A_112 = tpu.vector_load %arg10[%swap3A_110, %swap3A_111] {strides = array<i32>} : memref<80x128xf32, #tpu.memory_space<vmem>>, vector<1x16xf32>,
          %swap3A_113 = vector.shape_cast %swap3A_112 : vector<1x16xf32> to vector<16xf32>
          %swap3A_114 = vector.shape_cast %add3A_109 : vector<16xf32> to vector<1x16xf32>
          tpu.vector_store %arg10[%swap3A_110, %swap3A_111], %swap3A_114 {strides = array<i32>} : memref<80x128xf32, #tpu.memory_space<vmem>>, vector<1x16xf32>,
          %get3A_115 = arith.index_cast %scan3A_74 : i32 to index
          %get3A_116 = arith.constant 48 : index
          %get3A_117 = tpu.vector_load %arg10[%get3A_115, %get3A_116] {strides = array<i32>} : memref<80x128xf32, #tpu.memory_space<vmem>>, vector<1x16xf32>,
          %get3A_118 = vector.shape_cast %get3A_117 : vector<1x16xf32> to vector<16xf32>
          %get3A_119 = arith.index_cast %scan3A_74 : i32 to index
          %get3A_120 = arith.constant 48 : index
          %get3A_121 = tpu.vector_load %arg12[%get3A_119, %get3A_120] {strides = array<i32>} : memref<80x128xf32, #tpu.memory_space<vmem>>, vector<1x16xf32>,
          %get3A_122 = vector.shape_cast %get3A_121 : vector<1x16xf32> to vector<16xf32>
          %add3A_123 = arith.addf %get3A_118, %get3A_122 : vector<16xf32>
          %swap3A_124 = arith.index_cast %scan3A_74 : i32 to index
          %swap3A_125 = arith.constant 48 : index
          %swap3A_126 = tpu.vector_load %arg10[%swap3A_124, %swap3A_125] {strides = array<i32>} : memref<80x128xf32, #tpu.memory_space<vmem>>, vector<1x16xf32>,
          %swap3A_127 = vector.shape_cast %swap3A_126 : vector<1x16xf32> to vector<16xf32>
          %swap3A_128 = vector.shape_cast %add3A_123 : vector<16xf32> to vector<1x16xf32>
          tpu.vector_store %arg10[%swap3A_124, %swap3A_125], %swap3A_128 {strides = array<i32>} : memref<80x128xf32, #tpu.memory_space<vmem>>, vector<1x16xf32>,
          %get3A_129 = arith.index_cast %scan3A_74 : i32 to index
          %get3A_130 = arith.constant 64 : index
          %get3A_131 = tpu.vector_load %arg10[%get3A_129, %get3A_130] {strides = array<i32>} : memref<80x128xf32, #tpu.memory_space<vmem>>, vector<1x16xf32>,
          %get3A_132 = vector.shape_cast %get3A_131 : vector<1x16xf32> to vector<16xf32>
          %get3A_133 = arith.index_cast %scan3A_74 : i32 to index
          %get3A_134 = arith.constant 64 : index
          %get3A_135 = tpu.vector_load %arg12[%get3A_133, %get3A_134] {strides = array<i32>} : memref<80x128xf32, #tpu.memory_space<vmem>>, vector<1x16xf32>,
          %get3A_136 = vector.shape_cast %get3A_135 : vector<1x16xf32> to vector<16xf32>
          %add3A_137 = arith.addf %get3A_132, %get3A_136 : vector<16xf32>
          %swap3A_138 = arith.index_cast %scan3A_74 : i32 to index
          %swap3A_139 = arith.constant 64 : index
          %swap3A_140 = tpu.vector_load %arg10[%swap3A_138, %swap3A_139] {strides = array<i32>} : memref<80x128xf32, #tpu.memory_space<vmem>>, vector<1x16xf32>,
          %swap3A_141 = vector.shape_cast %swap3A_140 : vector<1x16xf32> to vector<16xf32>
          %swap3A_142 = vector.shape_cast %add3A_137 : vector<16xf32> to vector<1x16xf32>
          tpu.vector_store %arg10[%swap3A_138, %swap3A_139], %swap3A_142 {strides = array<i32>} : memref<80x128xf32, #tpu.memory_space<vmem>>, vector<1x16xf32>,
          %get3A_143 = arith.index_cast %scan3A_74 : i32 to index
          %get3A_144 = arith.constant 80 : index
          %get3A_145 = tpu.vector_load %arg10[%get3A_143, %get3A_144] {strides = array<i32>} : memref<80x128xf32, #tpu.memory_space<vmem>>, vector<1x16xf32>,
          %get3A_146 = vector.shape_cast %get3A_145 : vector<1x16xf32> to vector<16xf32>
          %get3A_147 = arith.index_cast %scan3A_74 : i32 to index
          %get3A_148 = arith.constant 80 : index
          %get3A_149 = tpu.vector_load %arg12[%get3A_147, %get3A_148] {strides = array<i32>} : memref<80x128xf32, #tpu.memory_space<vmem>>, vector<1x16xf32>,
          %get3A_150 = vector.shape_cast %get3A_149 : vector<1x16xf32> to vector<16xf32>
          %add3A_151 = arith.addf %get3A_146, %get3A_150 : vector<16xf32>
          %swap3A_152 = arith.index_cast %scan3A_74 : i32 to index
          %swap3A_153 = arith.constant 80 : index
          %swap3A_154 = tpu.vector_load %arg10[%swap3A_152, %swap3A_153] {strides = array<i32>} : memref<80x128xf32, #tpu.memory_space<vmem>>, vector<1x16xf32>,
          %swap3A_155 = vector.shape_cast %swap3A_154 : vector<1x16xf32> to vector<16xf32>
          %swap3A_156 = vector.shape_cast %add3A_151 : vector<16xf32> to vector<1x16xf32>
          tpu.vector_store %arg10[%swap3A_152, %swap3A_153], %swap3A_156 {strides = array<i32>} : memref<80x128xf32, #tpu.memory_space<vmem>>, vector<1x16xf32>,
          %get3A_157 = arith.index_cast %scan3A_74 : i32 to index
          %get3A_158 = arith.constant 96 : index
          %get3A_159 = tpu.vector_load %arg10[%get3A_157, %get3A_158] {strides = array<i32>} : memref<80x128xf32, #tpu.memory_space<vmem>>, vector<1x16xf32>,
          %get3A_160 = vector.shape_cast %get3A_159 : vector<1x16xf32> to vector<16xf32>
          %get3A_161 = arith.index_cast %scan3A_74 : i32 to index
          %get3A_162 = arith.constant 96 : index
          %get3A_163 = tpu.vector_load %arg12[%get3A_161, %get3A_162] {strides = array<i32>} : memref<80x128xf32, #tpu.memory_space<vmem>>, vector<1x16xf32>,
          %get3A_164 = vector.shape_cast %get3A_163 : vector<1x16xf32> to vector<16xf32>
          %add3A_165 = arith.addf %get3A_160, %get3A_164 : vector<16xf32>
          %swap3A_166 = arith.index_cast %scan3A_74 : i32 to index
          %swap3A_167 = arith.constant 96 : index
          %swap3A_168 = tpu.vector_load %arg10[%swap3A_166, %swap3A_167] {strides = array<i32>} : memref<80x128xf32, #tpu.memory_space<vmem>>, vector<1x16xf32>,
          %swap3A_169 = vector.shape_cast %swap3A_168 : vector<1x16xf32> to vector<16xf32>
          %swap3A_170 = vector.shape_cast %add3A_165 : vector<16xf32> to vector<1x16xf32>
          tpu.vector_store %arg10[%swap3A_166, %swap3A_167], %swap3A_170 {strides = array<i32>} : memref<80x128xf32, #tpu.memory_space<vmem>>, vector<1x16xf32>,
          %get3A_171 = arith.index_cast %scan3A_74 : i32 to index
          %get3A_172 = arith.constant 112 : index
          %get3A_173 = tpu.vector_load %arg10[%get3A_171, %get3A_172] {strides = array<i32>} : memref<80x128xf32, #tpu.memory_space<vmem>>, vector<1x16xf32>,
          %get3A_174 = vector.shape_cast %get3A_173 : vector<1x16xf32> to vector<16xf32>
          %get3A_175 = arith.index_cast %scan3A_74 : i32 to index
          %get3A_176 = arith.constant 112 : index
          %get3A_177 = tpu.vector_load %arg12[%get3A_175, %get3A_176] {strides = array<i32>} : memref<80x128xf32, #tpu.memory_space<vmem>>, vector<1x16xf32>,
          %get3A_178 = vector.shape_cast %get3A_177 : vector<1x16xf32> to vector<16xf32>
          %add3A_179 = arith.addf %get3A_174, %get3A_178 : vector<16xf32>
          %swap3A_180 = arith.index_cast %scan3A_74 : i32 to index
          %swap3A_181 = arith.constant 112 : index
          %swap3A_182 = tpu.vector_load %arg10[%swap3A_180, %swap3A_181] {strides = array<i32>} : memref<80x128xf32, #tpu.memory_space<vmem>>, vector<1x16xf32>,
          %swap3A_183 = vector.shape_cast %swap3A_182 : vector<1x16xf32> to vector<16xf32>
          %swap3A_184 = vector.shape_cast %add3A_179 : vector<16xf32> to vector<1x16xf32>
          tpu.vector_store %arg10[%swap3A_180, %swap3A_181], %swap3A_184 {strides = array<i32>} : memref<80x128xf32, #tpu.memory_space<vmem>>, vector<1x16xf32>,
        }
        %scan3A_66 = arith.constant 80 : i32
        %mul3A_67 = arith.constant 80 : i32
        %mul3A_68 = arith.muli %add3A_34, %mul3A_67 : i32
        %add3A_69 = arith.addi %mul3A_2, %mul3A_68 : i32
        %dma_start3A_70 = arith.constant 0 : i32
        %dma_start3A_71 = tpu.memref_slice %arg6[%add3A_69, %dma_start3A_70] : memref<102400x128xf32, #tpu.memory_space<hbm>> -> memref<80x128xf32, #tpu.memory_space<hbm>>
        %dma_start3A_72 = arith.constant 0 : i32
        %dma_start3A_73 = tpu.memref_slice %arg6[%add3A_69, %dma_start3A_72] : memref<102400x128xf32, #tpu.memory_space<hbm>> -> memref<80x128xf32, #tpu.memory_space<hbm>>
        tpu.enqueue_dma source(%arg10 : memref<80x128xf32, #tpu.memory_space<vmem>>) target(%dma_start3A_73 : memref<80x128xf32, #tpu.memory_space<hbm>>) target_semaphore(%arg18 : memref<!tpu.dma_semaphore, #tpu.memory_space<semaphore_mem>>)
      } else {
      }
    }
    %scan3A_20 = arith.constant 20 : i32
    %dma_wait3A = arith.constant 0 : i32
    %dma_wait3A_21 = tpu.memref_slice %arg6[%mul3A_2, %dma_wait3A] : memref<102400x128xf32, #tpu.memory_space<hbm>> -> memref<80x128xf32, #tpu.memory_space<hbm>>
    %dma_wait3A_22 = arith.constant 0 : i32
    %dma_wait3A_23 = tpu.memref_slice %arg6[%mul3A_2, %dma_wait3A_22] : memref<102400x128xf32, #tpu.memory_space<hbm>> -> memref<80x128xf32, #tpu.memory_space<hbm>>
    tpu.wait_dma2 semaphore(%arg18 : memref<!tpu.dma_semaphore, #tpu.memory_space<semaphore_mem>>) src(%arg10 : memref<80x128xf32, #tpu.memory_space<vmem>>) dst(%dma_wait3A_23 : memref<80x128xf32, #tpu.memory_space<hbm>>)
    return
  }
}

#map = affine_map<(d0, d1) -> (0, 0)>
#map1 = affine_map<(d0, d1) -> (0)>
module attributes {stable_mosaic.version = 14 : i64} {
  func.func @k(%arg0: i32, %arg1: i32, %arg2: memref<10000x128xf32, #tpu.memory_space<hbm>>, %arg3: memref<10000x128xf32, #tpu.memory_space<hbm>>, %arg4: memref<320000xi32, #tpu.memory_space<hbm>>, %arg5: memref<320000xi32, #tpu.memory_space<hbm>>, %arg6: memref<102400x128xf32, #tpu.memory_space<hbm>>, %arg7: memref<3200xi32, #tpu.memory_space<vmem>>, %arg8: memref<3200xi32, #tpu.memory_space<vmem>>, %arg9: memref<80x128xf32, #tpu.memory_space<vmem>>, %arg10: memref<80x128xf32, #tpu.memory_space<vmem>>, %arg11: memref<80x128xf32, #tpu.memory_space<vmem>>, %arg12: memref<80x128xf32, #tpu.memory_space<vmem>>, %arg13: memref<!tpu.dma_semaphore, #tpu.memory_space<semaphore_mem>>, %arg14: memref<!tpu.dma_semaphore, #tpu.memory_space<semaphore_mem>>, %arg15: memref<!tpu.dma_semaphore, #tpu.memory_space<semaphore_mem>>, %arg16: memref<!tpu.dma_semaphore, #tpu.memory_space<semaphore_mem>>, %arg17: memref<!tpu.dma_semaphore, #tpu.memory_space<semaphore_mem>>, %arg18: memref<!tpu.dma_semaphore, #tpu.memory_space<semaphore_mem>>) attributes {dimension_semantics = [#tpu.dimension_semantics<core_parallel>, #tpu.dimension_semantics<subcore_parallel>], iteration_bounds = array<i64: 2, 16>, scalar_prefetch = 0 : i64, scratch_operands = 12 : i64, tpu.core_type = #tpu.core_type<sc_vector_subcore>, window_params = [{transform_indices = #map}, {transform_indices = #map}, {transform_indices = #map1}, {transform_indices = #map1}, {transform_indices = #map}]} {
    %mul3A = arith.constant 2 : i32
    %mul3A_0 = arith.muli %arg1, %mul3A : i32
    %add3A = arith.addi %mul3A_0, %arg0 : i32
    %mul3A_1 = arith.constant 3200 : i32
    %mul3A_2 = arith.muli %add3A, %mul3A_1 : i32
    %add3A_3 = arith.constant 217600 : i32
    %add3A_4 = arith.addi %add3A_3, %mul3A_2 : i32
    "tpu.region"() ({
      %run_scoped3A = tpu.sem_alloc : memref<!tpu.dma_semaphore, #tpu.memory_space<semaphore_mem>>
      %dma_start3A_24 = tpu.memref_slice %arg4[%add3A_4] : memref<320000xi32, #tpu.memory_space<hbm>> -> memref<3200xi32, #tpu.memory_space<hbm>>
      %dma_start3A_25 = tpu.memref_slice %arg4[%add3A_4] : memref<320000xi32, #tpu.memory_space<hbm>> -> memref<3200xi32, #tpu.memory_space<hbm>>
      tpu.enqueue_dma source(%dma_start3A_25 : memref<3200xi32, #tpu.memory_space<hbm>>) target(%arg7 : memref<3200xi32, #tpu.memory_space<vmem>>) target_semaphore(%run_scoped3A : memref<!tpu.dma_semaphore, #tpu.memory_space<semaphore_mem>>)
      %dma_wait3A_26 = tpu.memref_slice %arg4[%add3A_4] : memref<320000xi32, #tpu.memory_space<hbm>> -> memref<3200xi32, #tpu.memory_space<hbm>>
      %dma_wait3A_27 = tpu.memref_slice %arg4[%add3A_4] : memref<320000xi32, #tpu.memory_space<hbm>> -> memref<3200xi32, #tpu.memory_space<hbm>>
      tpu.wait_dma2 semaphore(%run_scoped3A : memref<!tpu.dma_semaphore, #tpu.memory_space<semaphore_mem>>) src(%dma_wait3A_27 : memref<3200xi32, #tpu.memory_space<hbm>>) dst(%arg7 : memref<3200xi32, #tpu.memory_space<vmem>>)
      tpu.yield
    }) : () -> ()
    %add3A_5 = arith.constant 217600 : i32
    %add3A_6 = arith.addi %add3A_5, %mul3A_2 : i32
    "tpu.region"() ({
      %run_scoped3A = tpu.sem_alloc : memref<!tpu.dma_semaphore, #tpu.memory_space<semaphore_mem>>
      %dma_start3A_24 = tpu.memref_slice %arg5[%add3A_6] : memref<320000xi32, #tpu.memory_space<hbm>> -> memref<3200xi32, #tpu.memory_space<hbm>>
      %dma_start3A_25 = tpu.memref_slice %arg5[%add3A_6] : memref<320000xi32, #tpu.memory_space<hbm>> -> memref<3200xi32, #tpu.memory_space<hbm>>
      tpu.enqueue_dma source(%dma_start3A_25 : memref<3200xi32, #tpu.memory_space<hbm>>) target(%arg8 : memref<3200xi32, #tpu.memory_space<vmem>>) target_semaphore(%run_scoped3A : memref<!tpu.dma_semaphore, #tpu.memory_space<semaphore_mem>>)
      %dma_wait3A_26 = tpu.memref_slice %arg5[%add3A_6] : memref<320000xi32, #tpu.memory_space<hbm>> -> memref<3200xi32, #tpu.memory_space<hbm>>
      %dma_wait3A_27 = tpu.memref_slice %arg5[%add3A_6] : memref<320000xi32, #tpu.memory_space<hbm>> -> memref<3200xi32, #tpu.memory_space<hbm>>
      tpu.wait_dma2 semaphore(%run_scoped3A : memref<!tpu.dma_semaphore, #tpu.memory_space<semaphore_mem>>) src(%dma_wait3A_27 : memref<3200xi32, #tpu.memory_space<hbm>>) dst(%arg8 : memref<3200xi32, #tpu.memory_space<vmem>>)
      tpu.yield
    }) : () -> ()
    %dma_start3A = arith.constant 0 : i32
    %dma_start3A_7 = tpu.memref_slice %arg7[%dma_start3A] : memref<3200xi32, #tpu.memory_space<vmem>> -> memref<80xi32, #tpu.memory_space<vmem>>
    %dma_start3A_8 = arith.constant 0 : i32
    %dma_start3A_9 = arith.constant 0 : i32
    %dma_start3A_10 = tpu.memref_slice %arg2[%dma_start3A_8, %dma_start3A_9] : memref<10000x128xf32, #tpu.memory_space<hbm>> -> memref<10000x128xf32, #tpu.memory_space<hbm>>
    tpu.enqueue_indirect_dma source(%dma_start3A_10 : memref<10000x128xf32, #tpu.memory_space<hbm>>) target(%arg9 : memref<80x128xf32, #tpu.memory_space<vmem>>) offsets(%dma_start3A_7 : memref<80xi32, #tpu.memory_space<vmem>>) semaphore(%arg13 : memref<!tpu.dma_semaphore, #tpu.memory_space<semaphore_mem>>)
    %dma_start3A_11 = arith.constant 0 : i32
    %dma_start3A_12 = tpu.memref_slice %arg8[%dma_start3A_11] : memref<3200xi32, #tpu.memory_space<vmem>> -> memref<80xi32, #tpu.memory_space<vmem>>
    %dma_start3A_13 = arith.constant 0 : i32
    %dma_start3A_14 = arith.constant 0 : i32
    %dma_start3A_15 = tpu.memref_slice %arg3[%dma_start3A_13, %dma_start3A_14] : memref<10000x128xf32, #tpu.memory_space<hbm>> -> memref<10000x128xf32, #tpu.memory_space<hbm>>
    tpu.enqueue_indirect_dma source(%dma_start3A_15 : memref<10000x128xf32, #tpu.memory_space<hbm>>) target(%arg11 : memref<80x128xf32, #tpu.memory_space<vmem>>) offsets(%dma_start3A_12 : memref<80xi32, #tpu.memory_space<vmem>>) semaphore(%arg15 : memref<!tpu.dma_semaphore, #tpu.memory_space<semaphore_mem>>)
    %scan3A = arith.constant 0 : i32
    %scan3A_16 = arith.constant 0 : i32
    %scan3A_17 = arith.constant 20 : i32
    %scan3A_18 = arith.addi %scan3A_16, %scan3A_17 : i32
    %scan3A_19 = arith.constant 1 : i32
    scf.for %scan3A_24 = %scan3A_16 to %scan3A_18 step %scan3A_19  : i32 {
      %mul3A_25 = arith.constant 2 : i32
      %mul3A_26 = arith.muli %mul3A_25, %scan3A_24 : i32
      %add3A_27 = arith.constant 0 : i32
      %add3A_28 = arith.addi %mul3A_26, %add3A_27 : i32
      %le3A = arith.constant 39 : i32
      %le3A_29 = arith.cmpi sle, %add3A_28, %le3A : i32
      %convert_element_type3A = arith.extui %le3A_29 : i1 to i32
      %cond3A = arith.constant 0 : i32
      %cond3A_30 = arith.cmpi ne, %convert_element_type3A, %cond3A : i32
      scf.if %cond3A_30 {
        %dma_wait3A_40 = arith.constant 0 : i32
        %dma_wait3A_41 = tpu.memref_slice %arg7[%dma_wait3A_40] : memref<3200xi32, #tpu.memory_space<vmem>> -> memref<80xi32, #tpu.memory_space<vmem>>
        %dma_wait3A_42 = arith.constant 0 : i32
        %dma_wait3A_43 = arith.constant 0 : i32
        %dma_wait3A_44 = tpu.memref_slice %arg2[%dma_wait3A_42, %dma_wait3A_43] : memref<10000x128xf32, #tpu.memory_space<hbm>> -> memref<10000x128xf32, #tpu.memory_space<hbm>>
        tpu.wait_indirect_dma semaphore(%arg13 : memref<!tpu.dma_semaphore, #tpu.memory_space<semaphore_mem>>) src(%dma_wait3A_44 : memref<10000x128xf32, #tpu.memory_space<hbm>>) dst(%arg9 : memref<80x128xf32, #tpu.memory_space<vmem>>)
        %dma_wait3A_45 = arith.constant 0 : i32
        %dma_wait3A_46 = tpu.memref_slice %arg8[%dma_wait3A_45] : memref<3200xi32, #tpu.memory_space<vmem>> -> memref<80xi32, #tpu.memory_space<vmem>>
        %dma_wait3A_47 = arith.constant 0 : i32
        %dma_wait3A_48 = arith.constant 0 : i32
        %dma_wait3A_49 = tpu.memref_slice %arg3[%dma_wait3A_47, %dma_wait3A_48] : memref<10000x128xf32, #tpu.memory_space<hbm>> -> memref<10000x128xf32, #tpu.memory_space<hbm>>
        tpu.wait_indirect_dma semaphore(%arg15 : memref<!tpu.dma_semaphore, #tpu.memory_space<semaphore_mem>>) src(%dma_wait3A_49 : memref<10000x128xf32, #tpu.memory_space<hbm>>) dst(%arg11 : memref<80x128xf32, #tpu.memory_space<vmem>>)
        %ge3A = arith.constant 1 : i32
        %ge3A_50 = arith.cmpi sge, %add3A_28, %ge3A : i32
        %convert_element_type3A_51 = arith.extui %ge3A_50 : i1 to i32
        %cond3A_52 = arith.constant 0 : i32
        %cond3A_53 = arith.cmpi ne, %convert_element_type3A_51, %cond3A_52 : i32
        scf.if %cond3A_53 {
          %dma_wait3A_74 = arith.constant 0 : i32
          %dma_wait3A_75 = tpu.memref_slice %arg6[%mul3A_2, %dma_wait3A_74] : memref<102400x128xf32, #tpu.memory_space<hbm>> -> memref<80x128xf32, #tpu.memory_space<hbm>>
          %dma_wait3A_76 = arith.constant 0 : i32
          %dma_wait3A_77 = tpu.memref_slice %arg6[%mul3A_2, %dma_wait3A_76] : memref<102400x128xf32, #tpu.memory_space<hbm>> -> memref<80x128xf32, #tpu.memory_space<hbm>>
          tpu.wait_dma2 semaphore(%arg18 : memref<!tpu.dma_semaphore, #tpu.memory_space<semaphore_mem>>) src(%arg10 : memref<80x128xf32, #tpu.memory_space<vmem>>) dst(%dma_wait3A_77 : memref<80x128xf32, #tpu.memory_space<hbm>>)
        } else {
        }
        %add3A_54 = arith.constant 1 : i32
        %add3A_55 = arith.addi %add3A_28, %add3A_54 : i32
        %le3A_56 = arith.constant 39 : i32
        %le3A_57 = arith.cmpi sle, %add3A_55, %le3A_56 : i32
        %convert_element_type3A_58 = arith.extui %le3A_57 : i1 to i32
        %cond3A_59 = arith.constant 0 : i32
        %cond3A_60 = arith.cmpi ne, %convert_element_type3A_58, %cond3A_59 : i32
        scf.if %cond3A_60 {
          %add3A_74 = arith.constant 1 : i32
          %add3A_75 = arith.addi %add3A_28, %add3A_74 : i32
          %mul3A_76 = arith.constant 80 : i32
          %mul3A_77 = arith.muli %add3A_75, %mul3A_76 : i32
          %dma_start3A_78 = tpu.memref_slice %arg7[%mul3A_77] : memref<3200xi32, #tpu.memory_space<vmem>> -> memref<80xi32, #tpu.memory_space<vmem>>
          %dma_start3A_79 = arith.constant 0 : i32
          %dma_start3A_80 = arith.constant 0 : i32
          %dma_start3A_81 = tpu.memref_slice %arg2[%dma_start3A_79, %dma_start3A_80] : memref<10000x128xf32, #tpu.memory_space<hbm>> -> memref<10000x128xf32, #tpu.memory_space<hbm>>
          tpu.enqueue_indirect_dma source(%dma_start3A_81 : memref<10000x128xf32, #tpu.memory_space<hbm>>) target(%arg10 : memref<80x128xf32, #tpu.memory_space<vmem>>) offsets(%dma_start3A_78 : memref<80xi32, #tpu.memory_space<vmem>>) semaphore(%arg14 : memref<!tpu.dma_semaphore, #tpu.memory_space<semaphore_mem>>)
          %mul3A_82 = arith.constant 80 : i32
          %mul3A_83 = arith.muli %add3A_75, %mul3A_82 : i32
          %dma_start3A_84 = tpu.memref_slice %arg8[%mul3A_83] : memref<3200xi32, #tpu.memory_space<vmem>> -> memref<80xi32, #tpu.memory_space<vmem>>
          %dma_start3A_85 = arith.constant 0 : i32
          %dma_start3A_86 = arith.constant 0 : i32
          %dma_start3A_87 = tpu.memref_slice %arg3[%dma_start3A_85, %dma_start3A_86] : memref<10000x128xf32, #tpu.memory_space<hbm>> -> memref<10000x128xf32, #tpu.memory_space<hbm>>
          tpu.enqueue_indirect_dma source(%dma_start3A_87 : memref<10000x128xf32, #tpu.memory_space<hbm>>) target(%arg12 : memref<80x128xf32, #tpu.memory_space<vmem>>) offsets(%dma_start3A_84 : memref<80xi32, #tpu.memory_space<vmem>>) semaphore(%arg16 : memref<!tpu.dma_semaphore, #tpu.memory_space<semaphore_mem>>)
        } else {
        }
        %scan3A_61 = arith.constant 0 : i32
        %scan3A_62 = arith.constant 0 : i32
        %scan3A_63 = arith.constant 80 : i32
        %scan3A_64 = arith.addi %scan3A_62, %scan3A_63 : i32
        %scan3A_65 = arith.constant 1 : i32
        scf.for %scan3A_74 = %scan3A_62 to %scan3A_64 step %scan3A_65  : i32 {
          %get3A = arith.index_cast %scan3A_74 : i32 to index
          %get3A_75 = arith.constant 0 : index
          %get3A_76 = tpu.vector_load %arg9[%get3A, %get3A_75] {strides = array<i32>} : memref<80x128xf32, #tpu.memory_space<vmem>>, vector<1x16xf32>,
          %get3A_77 = vector.shape_cast %get3A_76 : vector<1x16xf32> to vector<16xf32>
          %get3A_78 = arith.index_cast %scan3A_74 : i32 to index
          %get3A_79 = arith.constant 0 : index
          %get3A_80 = tpu.vector_load %arg11[%get3A_78, %get3A_79] {strides = array<i32>} : memref<80x128xf32, #tpu.memory_space<vmem>>, vector<1x16xf32>,
          %get3A_81 = vector.shape_cast %get3A_80 : vector<1x16xf32> to vector<16xf32>
          %add3A_82 = arith.addf %get3A_77, %get3A_81 : vector<16xf32>
          %swap3A = arith.index_cast %scan3A_74 : i32 to index
          %swap3A_83 = arith.constant 0 : index
          %swap3A_84 = tpu.vector_load %arg9[%swap3A, %swap3A_83] {strides = array<i32>} : memref<80x128xf32, #tpu.memory_space<vmem>>, vector<1x16xf32>,
          %swap3A_85 = vector.shape_cast %swap3A_84 : vector<1x16xf32> to vector<16xf32>
          %swap3A_86 = vector.shape_cast %add3A_82 : vector<16xf32> to vector<1x16xf32>
          tpu.vector_store %arg9[%swap3A, %swap3A_83], %swap3A_86 {strides = array<i32>} : memref<80x128xf32, #tpu.memory_space<vmem>>, vector<1x16xf32>,
          %get3A_87 = arith.index_cast %scan3A_74 : i32 to index
          %get3A_88 = arith.constant 16 : index
          %get3A_89 = tpu.vector_load %arg9[%get3A_87, %get3A_88] {strides = array<i32>} : memref<80x128xf32, #tpu.memory_space<vmem>>, vector<1x16xf32>,
          %get3A_90 = vector.shape_cast %get3A_89 : vector<1x16xf32> to vector<16xf32>
          %get3A_91 = arith.index_cast %scan3A_74 : i32 to index
          %get3A_92 = arith.constant 16 : index
          %get3A_93 = tpu.vector_load %arg11[%get3A_91, %get3A_92] {strides = array<i32>} : memref<80x128xf32, #tpu.memory_space<vmem>>, vector<1x16xf32>,
          %get3A_94 = vector.shape_cast %get3A_93 : vector<1x16xf32> to vector<16xf32>
          %add3A_95 = arith.addf %get3A_90, %get3A_94 : vector<16xf32>
          %swap3A_96 = arith.index_cast %scan3A_74 : i32 to index
          %swap3A_97 = arith.constant 16 : index
          %swap3A_98 = tpu.vector_load %arg9[%swap3A_96, %swap3A_97] {strides = array<i32>} : memref<80x128xf32, #tpu.memory_space<vmem>>, vector<1x16xf32>,
          %swap3A_99 = vector.shape_cast %swap3A_98 : vector<1x16xf32> to vector<16xf32>
          %swap3A_100 = vector.shape_cast %add3A_95 : vector<16xf32> to vector<1x16xf32>
          tpu.vector_store %arg9[%swap3A_96, %swap3A_97], %swap3A_100 {strides = array<i32>} : memref<80x128xf32, #tpu.memory_space<vmem>>, vector<1x16xf32>,
          %get3A_101 = arith.index_cast %scan3A_74 : i32 to index
          %get3A_102 = arith.constant 32 : index
          %get3A_103 = tpu.vector_load %arg9[%get3A_101, %get3A_102] {strides = array<i32>} : memref<80x128xf32, #tpu.memory_space<vmem>>, vector<1x16xf32>,
          %get3A_104 = vector.shape_cast %get3A_103 : vector<1x16xf32> to vector<16xf32>
          %get3A_105 = arith.index_cast %scan3A_74 : i32 to index
          %get3A_106 = arith.constant 32 : index
          %get3A_107 = tpu.vector_load %arg11[%get3A_105, %get3A_106] {strides = array<i32>} : memref<80x128xf32, #tpu.memory_space<vmem>>, vector<1x16xf32>,
          %get3A_108 = vector.shape_cast %get3A_107 : vector<1x16xf32> to vector<16xf32>
          %add3A_109 = arith.addf %get3A_104, %get3A_108 : vector<16xf32>
          %swap3A_110 = arith.index_cast %scan3A_74 : i32 to index
          %swap3A_111 = arith.constant 32 : index
          %swap3A_112 = tpu.vector_load %arg9[%swap3A_110, %swap3A_111] {strides = array<i32>} : memref<80x128xf32, #tpu.memory_space<vmem>>, vector<1x16xf32>,
          %swap3A_113 = vector.shape_cast %swap3A_112 : vector<1x16xf32> to vector<16xf32>
          %swap3A_114 = vector.shape_cast %add3A_109 : vector<16xf32> to vector<1x16xf32>
          tpu.vector_store %arg9[%swap3A_110, %swap3A_111], %swap3A_114 {strides = array<i32>} : memref<80x128xf32, #tpu.memory_space<vmem>>, vector<1x16xf32>,
          %get3A_115 = arith.index_cast %scan3A_74 : i32 to index
          %get3A_116 = arith.constant 48 : index
          %get3A_117 = tpu.vector_load %arg9[%get3A_115, %get3A_116] {strides = array<i32>} : memref<80x128xf32, #tpu.memory_space<vmem>>, vector<1x16xf32>,
          %get3A_118 = vector.shape_cast %get3A_117 : vector<1x16xf32> to vector<16xf32>
          %get3A_119 = arith.index_cast %scan3A_74 : i32 to index
          %get3A_120 = arith.constant 48 : index
          %get3A_121 = tpu.vector_load %arg11[%get3A_119, %get3A_120] {strides = array<i32>} : memref<80x128xf32, #tpu.memory_space<vmem>>, vector<1x16xf32>,
          %get3A_122 = vector.shape_cast %get3A_121 : vector<1x16xf32> to vector<16xf32>
          %add3A_123 = arith.addf %get3A_118, %get3A_122 : vector<16xf32>
          %swap3A_124 = arith.index_cast %scan3A_74 : i32 to index
          %swap3A_125 = arith.constant 48 : index
          %swap3A_126 = tpu.vector_load %arg9[%swap3A_124, %swap3A_125] {strides = array<i32>} : memref<80x128xf32, #tpu.memory_space<vmem>>, vector<1x16xf32>,
          %swap3A_127 = vector.shape_cast %swap3A_126 : vector<1x16xf32> to vector<16xf32>
          %swap3A_128 = vector.shape_cast %add3A_123 : vector<16xf32> to vector<1x16xf32>
          tpu.vector_store %arg9[%swap3A_124, %swap3A_125], %swap3A_128 {strides = array<i32>} : memref<80x128xf32, #tpu.memory_space<vmem>>, vector<1x16xf32>,
          %get3A_129 = arith.index_cast %scan3A_74 : i32 to index
          %get3A_130 = arith.constant 64 : index
          %get3A_131 = tpu.vector_load %arg9[%get3A_129, %get3A_130] {strides = array<i32>} : memref<80x128xf32, #tpu.memory_space<vmem>>, vector<1x16xf32>,
          %get3A_132 = vector.shape_cast %get3A_131 : vector<1x16xf32> to vector<16xf32>
          %get3A_133 = arith.index_cast %scan3A_74 : i32 to index
          %get3A_134 = arith.constant 64 : index
          %get3A_135 = tpu.vector_load %arg11[%get3A_133, %get3A_134] {strides = array<i32>} : memref<80x128xf32, #tpu.memory_space<vmem>>, vector<1x16xf32>,
          %get3A_136 = vector.shape_cast %get3A_135 : vector<1x16xf32> to vector<16xf32>
          %add3A_137 = arith.addf %get3A_132, %get3A_136 : vector<16xf32>
          %swap3A_138 = arith.index_cast %scan3A_74 : i32 to index
          %swap3A_139 = arith.constant 64 : index
          %swap3A_140 = tpu.vector_load %arg9[%swap3A_138, %swap3A_139] {strides = array<i32>} : memref<80x128xf32, #tpu.memory_space<vmem>>, vector<1x16xf32>,
          %swap3A_141 = vector.shape_cast %swap3A_140 : vector<1x16xf32> to vector<16xf32>
          %swap3A_142 = vector.shape_cast %add3A_137 : vector<16xf32> to vector<1x16xf32>
          tpu.vector_store %arg9[%swap3A_138, %swap3A_139], %swap3A_142 {strides = array<i32>} : memref<80x128xf32, #tpu.memory_space<vmem>>, vector<1x16xf32>,
          %get3A_143 = arith.index_cast %scan3A_74 : i32 to index
          %get3A_144 = arith.constant 80 : index
          %get3A_145 = tpu.vector_load %arg9[%get3A_143, %get3A_144] {strides = array<i32>} : memref<80x128xf32, #tpu.memory_space<vmem>>, vector<1x16xf32>,
          %get3A_146 = vector.shape_cast %get3A_145 : vector<1x16xf32> to vector<16xf32>
          %get3A_147 = arith.index_cast %scan3A_74 : i32 to index
          %get3A_148 = arith.constant 80 : index
          %get3A_149 = tpu.vector_load %arg11[%get3A_147, %get3A_148] {strides = array<i32>} : memref<80x128xf32, #tpu.memory_space<vmem>>, vector<1x16xf32>,
          %get3A_150 = vector.shape_cast %get3A_149 : vector<1x16xf32> to vector<16xf32>
          %add3A_151 = arith.addf %get3A_146, %get3A_150 : vector<16xf32>
          %swap3A_152 = arith.index_cast %scan3A_74 : i32 to index
          %swap3A_153 = arith.constant 80 : index
          %swap3A_154 = tpu.vector_load %arg9[%swap3A_152, %swap3A_153] {strides = array<i32>} : memref<80x128xf32, #tpu.memory_space<vmem>>, vector<1x16xf32>,
          %swap3A_155 = vector.shape_cast %swap3A_154 : vector<1x16xf32> to vector<16xf32>
          %swap3A_156 = vector.shape_cast %add3A_151 : vector<16xf32> to vector<1x16xf32>
          tpu.vector_store %arg9[%swap3A_152, %swap3A_153], %swap3A_156 {strides = array<i32>} : memref<80x128xf32, #tpu.memory_space<vmem>>, vector<1x16xf32>,
          %get3A_157 = arith.index_cast %scan3A_74 : i32 to index
          %get3A_158 = arith.constant 96 : index
          %get3A_159 = tpu.vector_load %arg9[%get3A_157, %get3A_158] {strides = array<i32>} : memref<80x128xf32, #tpu.memory_space<vmem>>, vector<1x16xf32>,
          %get3A_160 = vector.shape_cast %get3A_159 : vector<1x16xf32> to vector<16xf32>
          %get3A_161 = arith.index_cast %scan3A_74 : i32 to index
          %get3A_162 = arith.constant 96 : index
          %get3A_163 = tpu.vector_load %arg11[%get3A_161, %get3A_162] {strides = array<i32>} : memref<80x128xf32, #tpu.memory_space<vmem>>, vector<1x16xf32>,
          %get3A_164 = vector.shape_cast %get3A_163 : vector<1x16xf32> to vector<16xf32>
          %add3A_165 = arith.addf %get3A_160, %get3A_164 : vector<16xf32>
          %swap3A_166 = arith.index_cast %scan3A_74 : i32 to index
          %swap3A_167 = arith.constant 96 : index
          %swap3A_168 = tpu.vector_load %arg9[%swap3A_166, %swap3A_167] {strides = array<i32>} : memref<80x128xf32, #tpu.memory_space<vmem>>, vector<1x16xf32>,
          %swap3A_169 = vector.shape_cast %swap3A_168 : vector<1x16xf32> to vector<16xf32>
          %swap3A_170 = vector.shape_cast %add3A_165 : vector<16xf32> to vector<1x16xf32>
          tpu.vector_store %arg9[%swap3A_166, %swap3A_167], %swap3A_170 {strides = array<i32>} : memref<80x128xf32, #tpu.memory_space<vmem>>, vector<1x16xf32>,
          %get3A_171 = arith.index_cast %scan3A_74 : i32 to index
          %get3A_172 = arith.constant 112 : index
          %get3A_173 = tpu.vector_load %arg9[%get3A_171, %get3A_172] {strides = array<i32>} : memref<80x128xf32, #tpu.memory_space<vmem>>, vector<1x16xf32>,
          %get3A_174 = vector.shape_cast %get3A_173 : vector<1x16xf32> to vector<16xf32>
          %get3A_175 = arith.index_cast %scan3A_74 : i32 to index
          %get3A_176 = arith.constant 112 : index
          %get3A_177 = tpu.vector_load %arg11[%get3A_175, %get3A_176] {strides = array<i32>} : memref<80x128xf32, #tpu.memory_space<vmem>>, vector<1x16xf32>,
          %get3A_178 = vector.shape_cast %get3A_177 : vector<1x16xf32> to vector<16xf32>
          %add3A_179 = arith.addf %get3A_174, %get3A_178 : vector<16xf32>
          %swap3A_180 = arith.index_cast %scan3A_74 : i32 to index
          %swap3A_181 = arith.constant 112 : index
          %swap3A_182 = tpu.vector_load %arg9[%swap3A_180, %swap3A_181] {strides = array<i32>} : memref<80x128xf32, #tpu.memory_space<vmem>>, vector<1x16xf32>,
          %swap3A_183 = vector.shape_cast %swap3A_182 : vector<1x16xf32> to vector<16xf32>
          %swap3A_184 = vector.shape_cast %add3A_179 : vector<16xf32> to vector<1x16xf32>
          tpu.vector_store %arg9[%swap3A_180, %swap3A_181], %swap3A_184 {strides = array<i32>} : memref<80x128xf32, #tpu.memory_space<vmem>>, vector<1x16xf32>,
        }
        %scan3A_66 = arith.constant 80 : i32
        %mul3A_67 = arith.constant 80 : i32
        %mul3A_68 = arith.muli %add3A_28, %mul3A_67 : i32
        %add3A_69 = arith.addi %mul3A_2, %mul3A_68 : i32
        %dma_start3A_70 = arith.constant 0 : i32
        %dma_start3A_71 = tpu.memref_slice %arg6[%add3A_69, %dma_start3A_70] : memref<102400x128xf32, #tpu.memory_space<hbm>> -> memref<80x128xf32, #tpu.memory_space<hbm>>
        %dma_start3A_72 = arith.constant 0 : i32
        %dma_start3A_73 = tpu.memref_slice %arg6[%add3A_69, %dma_start3A_72] : memref<102400x128xf32, #tpu.memory_space<hbm>> -> memref<80x128xf32, #tpu.memory_space<hbm>>
        tpu.enqueue_dma source(%arg9 : memref<80x128xf32, #tpu.memory_space<vmem>>) target(%dma_start3A_73 : memref<80x128xf32, #tpu.memory_space<hbm>>) target_semaphore(%arg17 : memref<!tpu.dma_semaphore, #tpu.memory_space<semaphore_mem>>)
      } else {
      }
      %mul3A_31 = arith.constant 2 : i32
      %mul3A_32 = arith.muli %mul3A_31, %scan3A_24 : i32
      %add3A_33 = arith.constant 1 : i32
      %add3A_34 = arith.addi %mul3A_32, %add3A_33 : i32
      %le3A_35 = arith.constant 39 : i32
      %le3A_36 = arith.cmpi sle, %add3A_34, %le3A_35 : i32
      %convert_element_type3A_37 = arith.extui %le3A_36 : i1 to i32
      %cond3A_38 = arith.constant 0 : i32
      %cond3A_39 = arith.cmpi ne, %convert_element_type3A_37, %cond3A_38 : i32
      scf.if %cond3A_39 {
        %dma_wait3A_40 = arith.constant 0 : i32
        %dma_wait3A_41 = tpu.memref_slice %arg7[%dma_wait3A_40] : memref<3200xi32, #tpu.memory_space<vmem>> -> memref<80xi32, #tpu.memory_space<vmem>>
        %dma_wait3A_42 = arith.constant 0 : i32
        %dma_wait3A_43 = arith.constant 0 : i32
        %dma_wait3A_44 = tpu.memref_slice %arg2[%dma_wait3A_42, %dma_wait3A_43] : memref<10000x128xf32, #tpu.memory_space<hbm>> -> memref<10000x128xf32, #tpu.memory_space<hbm>>
        tpu.wait_indirect_dma semaphore(%arg14 : memref<!tpu.dma_semaphore, #tpu.memory_space<semaphore_mem>>) src(%dma_wait3A_44 : memref<10000x128xf32, #tpu.memory_space<hbm>>) dst(%arg10 : memref<80x128xf32, #tpu.memory_space<vmem>>)
        %dma_wait3A_45 = arith.constant 0 : i32
        %dma_wait3A_46 = tpu.memref_slice %arg8[%dma_wait3A_45] : memref<3200xi32, #tpu.memory_space<vmem>> -> memref<80xi32, #tpu.memory_space<vmem>>
        %dma_wait3A_47 = arith.constant 0 : i32
        %dma_wait3A_48 = arith.constant 0 : i32
        %dma_wait3A_49 = tpu.memref_slice %arg3[%dma_wait3A_47, %dma_wait3A_48] : memref<10000x128xf32, #tpu.memory_space<hbm>> -> memref<10000x128xf32, #tpu.memory_space<hbm>>
        tpu.wait_indirect_dma semaphore(%arg16 : memref<!tpu.dma_semaphore, #tpu.memory_space<semaphore_mem>>) src(%dma_wait3A_49 : memref<10000x128xf32, #tpu.memory_space<hbm>>) dst(%arg12 : memref<80x128xf32, #tpu.memory_space<vmem>>)
        %ge3A = arith.constant 1 : i32
        %ge3A_50 = arith.cmpi sge, %add3A_34, %ge3A : i32
        %convert_element_type3A_51 = arith.extui %ge3A_50 : i1 to i32
        %cond3A_52 = arith.constant 0 : i32
        %cond3A_53 = arith.cmpi ne, %convert_element_type3A_51, %cond3A_52 : i32
        scf.if %cond3A_53 {
          %dma_wait3A_74 = arith.constant 0 : i32
          %dma_wait3A_75 = tpu.memref_slice %arg6[%mul3A_2, %dma_wait3A_74] : memref<102400x128xf32, #tpu.memory_space<hbm>> -> memref<80x128xf32, #tpu.memory_space<hbm>>
          %dma_wait3A_76 = arith.constant 0 : i32
          %dma_wait3A_77 = tpu.memref_slice %arg6[%mul3A_2, %dma_wait3A_76] : memref<102400x128xf32, #tpu.memory_space<hbm>> -> memref<80x128xf32, #tpu.memory_space<hbm>>
          tpu.wait_dma2 semaphore(%arg17 : memref<!tpu.dma_semaphore, #tpu.memory_space<semaphore_mem>>) src(%arg9 : memref<80x128xf32, #tpu.memory_space<vmem>>) dst(%dma_wait3A_77 : memref<80x128xf32, #tpu.memory_space<hbm>>)
        } else {
        }
        %add3A_54 = arith.constant 1 : i32
        %add3A_55 = arith.addi %add3A_34, %add3A_54 : i32
        %le3A_56 = arith.constant 39 : i32
        %le3A_57 = arith.cmpi sle, %add3A_55, %le3A_56 : i32
        %convert_element_type3A_58 = arith.extui %le3A_57 : i1 to i32
        %cond3A_59 = arith.constant 0 : i32
        %cond3A_60 = arith.cmpi ne, %convert_element_type3A_58, %cond3A_59 : i32
        scf.if %cond3A_60 {
          %add3A_74 = arith.constant 1 : i32
          %add3A_75 = arith.addi %add3A_34, %add3A_74 : i32
          %mul3A_76 = arith.constant 80 : i32
          %mul3A_77 = arith.muli %add3A_75, %mul3A_76 : i32
          %dma_start3A_78 = tpu.memref_slice %arg7[%mul3A_77] : memref<3200xi32, #tpu.memory_space<vmem>> -> memref<80xi32, #tpu.memory_space<vmem>>
          %dma_start3A_79 = arith.constant 0 : i32
          %dma_start3A_80 = arith.constant 0 : i32
          %dma_start3A_81 = tpu.memref_slice %arg2[%dma_start3A_79, %dma_start3A_80] : memref<10000x128xf32, #tpu.memory_space<hbm>> -> memref<10000x128xf32, #tpu.memory_space<hbm>>
          tpu.enqueue_indirect_dma source(%dma_start3A_81 : memref<10000x128xf32, #tpu.memory_space<hbm>>) target(%arg9 : memref<80x128xf32, #tpu.memory_space<vmem>>) offsets(%dma_start3A_78 : memref<80xi32, #tpu.memory_space<vmem>>) semaphore(%arg13 : memref<!tpu.dma_semaphore, #tpu.memory_space<semaphore_mem>>)
          %mul3A_82 = arith.constant 80 : i32
          %mul3A_83 = arith.muli %add3A_75, %mul3A_82 : i32
          %dma_start3A_84 = tpu.memref_slice %arg8[%mul3A_83] : memref<3200xi32, #tpu.memory_space<vmem>> -> memref<80xi32, #tpu.memory_space<vmem>>
          %dma_start3A_85 = arith.constant 0 : i32
          %dma_start3A_86 = arith.constant 0 : i32
          %dma_start3A_87 = tpu.memref_slice %arg3[%dma_start3A_85, %dma_start3A_86] : memref<10000x128xf32, #tpu.memory_space<hbm>> -> memref<10000x128xf32, #tpu.memory_space<hbm>>
          tpu.enqueue_indirect_dma source(%dma_start3A_87 : memref<10000x128xf32, #tpu.memory_space<hbm>>) target(%arg11 : memref<80x128xf32, #tpu.memory_space<vmem>>) offsets(%dma_start3A_84 : memref<80xi32, #tpu.memory_space<vmem>>) semaphore(%arg15 : memref<!tpu.dma_semaphore, #tpu.memory_space<semaphore_mem>>)
        } else {
        }
        %scan3A_61 = arith.constant 0 : i32
        %scan3A_62 = arith.constant 0 : i32
        %scan3A_63 = arith.constant 80 : i32
        %scan3A_64 = arith.addi %scan3A_62, %scan3A_63 : i32
        %scan3A_65 = arith.constant 1 : i32
        scf.for %scan3A_74 = %scan3A_62 to %scan3A_64 step %scan3A_65  : i32 {
          %get3A = arith.index_cast %scan3A_74 : i32 to index
          %get3A_75 = arith.constant 0 : index
          %get3A_76 = tpu.vector_load %arg10[%get3A, %get3A_75] {strides = array<i32>} : memref<80x128xf32, #tpu.memory_space<vmem>>, vector<1x16xf32>,
          %get3A_77 = vector.shape_cast %get3A_76 : vector<1x16xf32> to vector<16xf32>
          %get3A_78 = arith.index_cast %scan3A_74 : i32 to index
          %get3A_79 = arith.constant 0 : index
          %get3A_80 = tpu.vector_load %arg12[%get3A_78, %get3A_79] {strides = array<i32>} : memref<80x128xf32, #tpu.memory_space<vmem>>, vector<1x16xf32>,
          %get3A_81 = vector.shape_cast %get3A_80 : vector<1x16xf32> to vector<16xf32>
          %add3A_82 = arith.addf %get3A_77, %get3A_81 : vector<16xf32>
          %swap3A = arith.index_cast %scan3A_74 : i32 to index
          %swap3A_83 = arith.constant 0 : index
          %swap3A_84 = tpu.vector_load %arg10[%swap3A, %swap3A_83] {strides = array<i32>} : memref<80x128xf32, #tpu.memory_space<vmem>>, vector<1x16xf32>,
          %swap3A_85 = vector.shape_cast %swap3A_84 : vector<1x16xf32> to vector<16xf32>
          %swap3A_86 = vector.shape_cast %add3A_82 : vector<16xf32> to vector<1x16xf32>
          tpu.vector_store %arg10[%swap3A, %swap3A_83], %swap3A_86 {strides = array<i32>} : memref<80x128xf32, #tpu.memory_space<vmem>>, vector<1x16xf32>,
          %get3A_87 = arith.index_cast %scan3A_74 : i32 to index
          %get3A_88 = arith.constant 16 : index
          %get3A_89 = tpu.vector_load %arg10[%get3A_87, %get3A_88] {strides = array<i32>} : memref<80x128xf32, #tpu.memory_space<vmem>>, vector<1x16xf32>,
          %get3A_90 = vector.shape_cast %get3A_89 : vector<1x16xf32> to vector<16xf32>
          %get3A_91 = arith.index_cast %scan3A_74 : i32 to index
          %get3A_92 = arith.constant 16 : index
          %get3A_93 = tpu.vector_load %arg12[%get3A_91, %get3A_92] {strides = array<i32>} : memref<80x128xf32, #tpu.memory_space<vmem>>, vector<1x16xf32>,
          %get3A_94 = vector.shape_cast %get3A_93 : vector<1x16xf32> to vector<16xf32>
          %add3A_95 = arith.addf %get3A_90, %get3A_94 : vector<16xf32>
          %swap3A_96 = arith.index_cast %scan3A_74 : i32 to index
          %swap3A_97 = arith.constant 16 : index
          %swap3A_98 = tpu.vector_load %arg10[%swap3A_96, %swap3A_97] {strides = array<i32>} : memref<80x128xf32, #tpu.memory_space<vmem>>, vector<1x16xf32>,
          %swap3A_99 = vector.shape_cast %swap3A_98 : vector<1x16xf32> to vector<16xf32>
          %swap3A_100 = vector.shape_cast %add3A_95 : vector<16xf32> to vector<1x16xf32>
          tpu.vector_store %arg10[%swap3A_96, %swap3A_97], %swap3A_100 {strides = array<i32>} : memref<80x128xf32, #tpu.memory_space<vmem>>, vector<1x16xf32>,
          %get3A_101 = arith.index_cast %scan3A_74 : i32 to index
          %get3A_102 = arith.constant 32 : index
          %get3A_103 = tpu.vector_load %arg10[%get3A_101, %get3A_102] {strides = array<i32>} : memref<80x128xf32, #tpu.memory_space<vmem>>, vector<1x16xf32>,
          %get3A_104 = vector.shape_cast %get3A_103 : vector<1x16xf32> to vector<16xf32>
          %get3A_105 = arith.index_cast %scan3A_74 : i32 to index
          %get3A_106 = arith.constant 32 : index
          %get3A_107 = tpu.vector_load %arg12[%get3A_105, %get3A_106] {strides = array<i32>} : memref<80x128xf32, #tpu.memory_space<vmem>>, vector<1x16xf32>,
          %get3A_108 = vector.shape_cast %get3A_107 : vector<1x16xf32> to vector<16xf32>
          %add3A_109 = arith.addf %get3A_104, %get3A_108 : vector<16xf32>
          %swap3A_110 = arith.index_cast %scan3A_74 : i32 to index
          %swap3A_111 = arith.constant 32 : index
          %swap3A_112 = tpu.vector_load %arg10[%swap3A_110, %swap3A_111] {strides = array<i32>} : memref<80x128xf32, #tpu.memory_space<vmem>>, vector<1x16xf32>,
          %swap3A_113 = vector.shape_cast %swap3A_112 : vector<1x16xf32> to vector<16xf32>
          %swap3A_114 = vector.shape_cast %add3A_109 : vector<16xf32> to vector<1x16xf32>
          tpu.vector_store %arg10[%swap3A_110, %swap3A_111], %swap3A_114 {strides = array<i32>} : memref<80x128xf32, #tpu.memory_space<vmem>>, vector<1x16xf32>,
          %get3A_115 = arith.index_cast %scan3A_74 : i32 to index
          %get3A_116 = arith.constant 48 : index
          %get3A_117 = tpu.vector_load %arg10[%get3A_115, %get3A_116] {strides = array<i32>} : memref<80x128xf32, #tpu.memory_space<vmem>>, vector<1x16xf32>,
          %get3A_118 = vector.shape_cast %get3A_117 : vector<1x16xf32> to vector<16xf32>
          %get3A_119 = arith.index_cast %scan3A_74 : i32 to index
          %get3A_120 = arith.constant 48 : index
          %get3A_121 = tpu.vector_load %arg12[%get3A_119, %get3A_120] {strides = array<i32>} : memref<80x128xf32, #tpu.memory_space<vmem>>, vector<1x16xf32>,
          %get3A_122 = vector.shape_cast %get3A_121 : vector<1x16xf32> to vector<16xf32>
          %add3A_123 = arith.addf %get3A_118, %get3A_122 : vector<16xf32>
          %swap3A_124 = arith.index_cast %scan3A_74 : i32 to index
          %swap3A_125 = arith.constant 48 : index
          %swap3A_126 = tpu.vector_load %arg10[%swap3A_124, %swap3A_125] {strides = array<i32>} : memref<80x128xf32, #tpu.memory_space<vmem>>, vector<1x16xf32>,
          %swap3A_127 = vector.shape_cast %swap3A_126 : vector<1x16xf32> to vector<16xf32>
          %swap3A_128 = vector.shape_cast %add3A_123 : vector<16xf32> to vector<1x16xf32>
          tpu.vector_store %arg10[%swap3A_124, %swap3A_125], %swap3A_128 {strides = array<i32>} : memref<80x128xf32, #tpu.memory_space<vmem>>, vector<1x16xf32>,
          %get3A_129 = arith.index_cast %scan3A_74 : i32 to index
          %get3A_130 = arith.constant 64 : index
          %get3A_131 = tpu.vector_load %arg10[%get3A_129, %get3A_130] {strides = array<i32>} : memref<80x128xf32, #tpu.memory_space<vmem>>, vector<1x16xf32>,
          %get3A_132 = vector.shape_cast %get3A_131 : vector<1x16xf32> to vector<16xf32>
          %get3A_133 = arith.index_cast %scan3A_74 : i32 to index
          %get3A_134 = arith.constant 64 : index
          %get3A_135 = tpu.vector_load %arg12[%get3A_133, %get3A_134] {strides = array<i32>} : memref<80x128xf32, #tpu.memory_space<vmem>>, vector<1x16xf32>,
          %get3A_136 = vector.shape_cast %get3A_135 : vector<1x16xf32> to vector<16xf32>
          %add3A_137 = arith.addf %get3A_132, %get3A_136 : vector<16xf32>
          %swap3A_138 = arith.index_cast %scan3A_74 : i32 to index
          %swap3A_139 = arith.constant 64 : index
          %swap3A_140 = tpu.vector_load %arg10[%swap3A_138, %swap3A_139] {strides = array<i32>} : memref<80x128xf32, #tpu.memory_space<vmem>>, vector<1x16xf32>,
          %swap3A_141 = vector.shape_cast %swap3A_140 : vector<1x16xf32> to vector<16xf32>
          %swap3A_142 = vector.shape_cast %add3A_137 : vector<16xf32> to vector<1x16xf32>
          tpu.vector_store %arg10[%swap3A_138, %swap3A_139], %swap3A_142 {strides = array<i32>} : memref<80x128xf32, #tpu.memory_space<vmem>>, vector<1x16xf32>,
          %get3A_143 = arith.index_cast %scan3A_74 : i32 to index
          %get3A_144 = arith.constant 80 : index
          %get3A_145 = tpu.vector_load %arg10[%get3A_143, %get3A_144] {strides = array<i32>} : memref<80x128xf32, #tpu.memory_space<vmem>>, vector<1x16xf32>,
          %get3A_146 = vector.shape_cast %get3A_145 : vector<1x16xf32> to vector<16xf32>
          %get3A_147 = arith.index_cast %scan3A_74 : i32 to index
          %get3A_148 = arith.constant 80 : index
          %get3A_149 = tpu.vector_load %arg12[%get3A_147, %get3A_148] {strides = array<i32>} : memref<80x128xf32, #tpu.memory_space<vmem>>, vector<1x16xf32>,
          %get3A_150 = vector.shape_cast %get3A_149 : vector<1x16xf32> to vector<16xf32>
          %add3A_151 = arith.addf %get3A_146, %get3A_150 : vector<16xf32>
          %swap3A_152 = arith.index_cast %scan3A_74 : i32 to index
          %swap3A_153 = arith.constant 80 : index
          %swap3A_154 = tpu.vector_load %arg10[%swap3A_152, %swap3A_153] {strides = array<i32>} : memref<80x128xf32, #tpu.memory_space<vmem>>, vector<1x16xf32>,
          %swap3A_155 = vector.shape_cast %swap3A_154 : vector<1x16xf32> to vector<16xf32>
          %swap3A_156 = vector.shape_cast %add3A_151 : vector<16xf32> to vector<1x16xf32>
          tpu.vector_store %arg10[%swap3A_152, %swap3A_153], %swap3A_156 {strides = array<i32>} : memref<80x128xf32, #tpu.memory_space<vmem>>, vector<1x16xf32>,
          %get3A_157 = arith.index_cast %scan3A_74 : i32 to index
          %get3A_158 = arith.constant 96 : index
          %get3A_159 = tpu.vector_load %arg10[%get3A_157, %get3A_158] {strides = array<i32>} : memref<80x128xf32, #tpu.memory_space<vmem>>, vector<1x16xf32>,
          %get3A_160 = vector.shape_cast %get3A_159 : vector<1x16xf32> to vector<16xf32>
          %get3A_161 = arith.index_cast %scan3A_74 : i32 to index
          %get3A_162 = arith.constant 96 : index
          %get3A_163 = tpu.vector_load %arg12[%get3A_161, %get3A_162] {strides = array<i32>} : memref<80x128xf32, #tpu.memory_space<vmem>>, vector<1x16xf32>,
          %get3A_164 = vector.shape_cast %get3A_163 : vector<1x16xf32> to vector<16xf32>
          %add3A_165 = arith.addf %get3A_160, %get3A_164 : vector<16xf32>
          %swap3A_166 = arith.index_cast %scan3A_74 : i32 to index
          %swap3A_167 = arith.constant 96 : index
          %swap3A_168 = tpu.vector_load %arg10[%swap3A_166, %swap3A_167] {strides = array<i32>} : memref<80x128xf32, #tpu.memory_space<vmem>>, vector<1x16xf32>,
          %swap3A_169 = vector.shape_cast %swap3A_168 : vector<1x16xf32> to vector<16xf32>
          %swap3A_170 = vector.shape_cast %add3A_165 : vector<16xf32> to vector<1x16xf32>
          tpu.vector_store %arg10[%swap3A_166, %swap3A_167], %swap3A_170 {strides = array<i32>} : memref<80x128xf32, #tpu.memory_space<vmem>>, vector<1x16xf32>,
          %get3A_171 = arith.index_cast %scan3A_74 : i32 to index
          %get3A_172 = arith.constant 112 : index
          %get3A_173 = tpu.vector_load %arg10[%get3A_171, %get3A_172] {strides = array<i32>} : memref<80x128xf32, #tpu.memory_space<vmem>>, vector<1x16xf32>,
          %get3A_174 = vector.shape_cast %get3A_173 : vector<1x16xf32> to vector<16xf32>
          %get3A_175 = arith.index_cast %scan3A_74 : i32 to index
          %get3A_176 = arith.constant 112 : index
          %get3A_177 = tpu.vector_load %arg12[%get3A_175, %get3A_176] {strides = array<i32>} : memref<80x128xf32, #tpu.memory_space<vmem>>, vector<1x16xf32>,
          %get3A_178 = vector.shape_cast %get3A_177 : vector<1x16xf32> to vector<16xf32>
          %add3A_179 = arith.addf %get3A_174, %get3A_178 : vector<16xf32>
          %swap3A_180 = arith.index_cast %scan3A_74 : i32 to index
          %swap3A_181 = arith.constant 112 : index
          %swap3A_182 = tpu.vector_load %arg10[%swap3A_180, %swap3A_181] {strides = array<i32>} : memref<80x128xf32, #tpu.memory_space<vmem>>, vector<1x16xf32>,
          %swap3A_183 = vector.shape_cast %swap3A_182 : vector<1x16xf32> to vector<16xf32>
          %swap3A_184 = vector.shape_cast %add3A_179 : vector<16xf32> to vector<1x16xf32>
          tpu.vector_store %arg10[%swap3A_180, %swap3A_181], %swap3A_184 {strides = array<i32>} : memref<80x128xf32, #tpu.memory_space<vmem>>, vector<1x16xf32>,
        }
        %scan3A_66 = arith.constant 80 : i32
        %mul3A_67 = arith.constant 80 : i32
        %mul3A_68 = arith.muli %add3A_34, %mul3A_67 : i32
        %add3A_69 = arith.addi %mul3A_2, %mul3A_68 : i32
        %dma_start3A_70 = arith.constant 0 : i32
        %dma_start3A_71 = tpu.memref_slice %arg6[%add3A_69, %dma_start3A_70] : memref<102400x128xf32, #tpu.memory_space<hbm>> -> memref<80x128xf32, #tpu.memory_space<hbm>>
        %dma_start3A_72 = arith.constant 0 : i32
        %dma_start3A_73 = tpu.memref_slice %arg6[%add3A_69, %dma_start3A_72] : memref<102400x128xf32, #tpu.memory_space<hbm>> -> memref<80x128xf32, #tpu.memory_space<hbm>>
        tpu.enqueue_dma source(%arg10 : memref<80x128xf32, #tpu.memory_space<vmem>>) target(%dma_start3A_73 : memref<80x128xf32, #tpu.memory_space<hbm>>) target_semaphore(%arg18 : memref<!tpu.dma_semaphore, #tpu.memory_space<semaphore_mem>>)
      } else {
      }
    }
    %scan3A_20 = arith.constant 20 : i32
    %dma_wait3A = arith.constant 0 : i32
    %dma_wait3A_21 = tpu.memref_slice %arg6[%mul3A_2, %dma_wait3A] : memref<102400x128xf32, #tpu.memory_space<hbm>> -> memref<80x128xf32, #tpu.memory_space<hbm>>
    %dma_wait3A_22 = arith.constant 0 : i32
    %dma_wait3A_23 = tpu.memref_slice %arg6[%mul3A_2, %dma_wait3A_22] : memref<102400x128xf32, #tpu.memory_space<hbm>> -> memref<80x128xf32, #tpu.memory_space<hbm>>
    tpu.wait_dma2 semaphore(%arg18 : memref<!tpu.dma_semaphore, #tpu.memory_space<semaphore_mem>>) src(%arg10 : memref<80x128xf32, #tpu.memory_space<vmem>>) dst(%dma_wait3A_23 : memref<80x128xf32, #tpu.memory_space<hbm>>)
    return
  }
}

#map = affine_map<(d0, d1) -> (0, 0)>
#map1 = affine_map<(d0, d1) -> (0)>
#map2 = affine_map<(d0, d1) -> (0, 0, 0)>
module attributes {stable_mosaic.version = 14 : i64} {
  func.func @k(%arg0: i32, %arg1: i32, %arg2: memref<102400x128xf32, #tpu.memory_space<hbm>>, %arg3: memref<320000xi32, #tpu.memory_space<hbm>>, %arg4: memref<2x10000x128xf32, #tpu.memory_space<hbm>>, %arg5: memref<80xi32, #tpu.memory_space<vmem>>, %arg6: memref<80xi32, #tpu.memory_space<vmem>>, %arg7: memref<80x128xf32, #tpu.memory_space<vmem>>, %arg8: memref<80x128xf32, #tpu.memory_space<vmem>>, %arg9: memref<10000x128xf32, #tpu.memory_space<vmem_shared>>, %arg10: memref<!tpu.dma_semaphore, #tpu.memory_space<semaphore_mem>>, %arg11: memref<!tpu.dma_semaphore, #tpu.memory_space<semaphore_mem>>, %arg12: memref<!tpu.dma_semaphore, #tpu.memory_space<semaphore_mem>>, %arg13: memref<!tpu.dma_semaphore, #tpu.memory_space<semaphore_mem>>) attributes {dimension_semantics = [#tpu.dimension_semantics<core_parallel>, #tpu.dimension_semantics<subcore_parallel>], iteration_bounds = array<i64: 2, 16>, scalar_prefetch = 0 : i64, scratch_operands = 9 : i64, tpu.core_type = #tpu.core_type<sc_vector_subcore>, window_params = [{transform_indices = #map}, {transform_indices = #map1}, {transform_indices = #map2}]} {
    %le3A = arith.constant 12 : i32
    %le3A_0 = arith.cmpi sle, %arg1, %le3A : i32
    %jit3A = arith.constant 8 : i32
    %jit3A_1 = arith.constant 7 : i32
    %select_n3A = arith.select %le3A_0, %jit3A, %jit3A_1 : i32
    %scan3A = arith.constant 0 : i32
    %scan3A_2 = arith.constant 0 : i32
    %scan3A_3 = arith.constant 80 : i32
    %scan3A_4 = arith.addi %scan3A_2, %scan3A_3 : i32
    %scan3A_5 = arith.constant 1 : i32
    scf.for %scan3A_43 = %scan3A_2 to %scan3A_4 step %scan3A_5  : i32 {
      %broadcast_in_dim3A = arith.constant 0.000000e+00 : f32
      %broadcast_in_dim3A_44 = vector.broadcast %broadcast_in_dim3A : f32 to vector<16xf32>
      %swap3A = arith.index_cast %scan3A_43 : i32 to index
      %swap3A_45 = arith.constant 0 : index
      %swap3A_46 = tpu.vector_load %arg7[%swap3A, %swap3A_45] {strides = array<i32>} : memref<80x128xf32, #tpu.memory_space<vmem>>, vector<1x16xf32>,
      %swap3A_47 = vector.shape_cast %swap3A_46 : vector<1x16xf32> to vector<16xf32>
      %swap3A_48 = vector.shape_cast %broadcast_in_dim3A_44 : vector<16xf32> to vector<1x16xf32>
      tpu.vector_store %arg7[%swap3A, %swap3A_45], %swap3A_48 {strides = array<i32>} : memref<80x128xf32, #tpu.memory_space<vmem>>, vector<1x16xf32>,
      %broadcast_in_dim3A_49 = arith.constant 0.000000e+00 : f32
      %broadcast_in_dim3A_50 = vector.broadcast %broadcast_in_dim3A_49 : f32 to vector<16xf32>
      %swap3A_51 = arith.index_cast %scan3A_43 : i32 to index
      %swap3A_52 = arith.constant 16 : index
      %swap3A_53 = tpu.vector_load %arg7[%swap3A_51, %swap3A_52] {strides = array<i32>} : memref<80x128xf32, #tpu.memory_space<vmem>>, vector<1x16xf32>,
      %swap3A_54 = vector.shape_cast %swap3A_53 : vector<1x16xf32> to vector<16xf32>
      %swap3A_55 = vector.shape_cast %broadcast_in_dim3A_50 : vector<16xf32> to vector<1x16xf32>
      tpu.vector_store %arg7[%swap3A_51, %swap3A_52], %swap3A_55 {strides = array<i32>} : memref<80x128xf32, #tpu.memory_space<vmem>>, vector<1x16xf32>,
      %broadcast_in_dim3A_56 = arith.constant 0.000000e+00 : f32
      %broadcast_in_dim3A_57 = vector.broadcast %broadcast_in_dim3A_56 : f32 to vector<16xf32>
      %swap3A_58 = arith.index_cast %scan3A_43 : i32 to index
      %swap3A_59 = arith.constant 32 : index
      %swap3A_60 = tpu.vector_load %arg7[%swap3A_58, %swap3A_59] {strides = array<i32>} : memref<80x128xf32, #tpu.memory_space<vmem>>, vector<1x16xf32>,
      %swap3A_61 = vector.shape_cast %swap3A_60 : vector<1x16xf32> to vector<16xf32>
      %swap3A_62 = vector.shape_cast %broadcast_in_dim3A_57 : vector<16xf32> to vector<1x16xf32>
      tpu.vector_store %arg7[%swap3A_58, %swap3A_59], %swap3A_62 {strides = array<i32>} : memref<80x128xf32, #tpu.memory_space<vmem>>, vector<1x16xf32>,
      %broadcast_in_dim3A_63 = arith.constant 0.000000e+00 : f32
      %broadcast_in_dim3A_64 = vector.broadcast %broadcast_in_dim3A_63 : f32 to vector<16xf32>
      %swap3A_65 = arith.index_cast %scan3A_43 : i32 to index
      %swap3A_66 = arith.constant 48 : index
      %swap3A_67 = tpu.vector_load %arg7[%swap3A_65, %swap3A_66] {strides = array<i32>} : memref<80x128xf32, #tpu.memory_space<vmem>>, vector<1x16xf32>,
      %swap3A_68 = vector.shape_cast %swap3A_67 : vector<1x16xf32> to vector<16xf32>
      %swap3A_69 = vector.shape_cast %broadcast_in_dim3A_64 : vector<16xf32> to vector<1x16xf32>
      tpu.vector_store %arg7[%swap3A_65, %swap3A_66], %swap3A_69 {strides = array<i32>} : memref<80x128xf32, #tpu.memory_space<vmem>>, vector<1x16xf32>,
      %broadcast_in_dim3A_70 = arith.constant 0.000000e+00 : f32
      %broadcast_in_dim3A_71 = vector.broadcast %broadcast_in_dim3A_70 : f32 to vector<16xf32>
      %swap3A_72 = arith.index_cast %scan3A_43 : i32 to index
      %swap3A_73 = arith.constant 64 : index
      %swap3A_74 = tpu.vector_load %arg7[%swap3A_72, %swap3A_73] {strides = array<i32>} : memref<80x128xf32, #tpu.memory_space<vmem>>, vector<1x16xf32>,
      %swap3A_75 = vector.shape_cast %swap3A_74 : vector<1x16xf32> to vector<16xf32>
      %swap3A_76 = vector.shape_cast %broadcast_in_dim3A_71 : vector<16xf32> to vector<1x16xf32>
      tpu.vector_store %arg7[%swap3A_72, %swap3A_73], %swap3A_76 {strides = array<i32>} : memref<80x128xf32, #tpu.memory_space<vmem>>, vector<1x16xf32>,
      %broadcast_in_dim3A_77 = arith.constant 0.000000e+00 : f32
      %broadcast_in_dim3A_78 = vector.broadcast %broadcast_in_dim3A_77 : f32 to vector<16xf32>
      %swap3A_79 = arith.index_cast %scan3A_43 : i32 to index
      %swap3A_80 = arith.constant 80 : index
      %swap3A_81 = tpu.vector_load %arg7[%swap3A_79, %swap3A_80] {strides = array<i32>} : memref<80x128xf32, #tpu.memory_space<vmem>>, vector<1x16xf32>,
      %swap3A_82 = vector.shape_cast %swap3A_81 : vector<1x16xf32> to vector<16xf32>
      %swap3A_83 = vector.shape_cast %broadcast_in_dim3A_78 : vector<16xf32> to vector<1x16xf32>
      tpu.vector_store %arg7[%swap3A_79, %swap3A_80], %swap3A_83 {strides = array<i32>} : memref<80x128xf32, #tpu.memory_space<vmem>>, vector<1x16xf32>,
      %broadcast_in_dim3A_84 = arith.constant 0.000000e+00 : f32
      %broadcast_in_dim3A_85 = vector.broadcast %broadcast_in_dim3A_84 : f32 to vector<16xf32>
      %swap3A_86 = arith.index_cast %scan3A_43 : i32 to index
      %swap3A_87 = arith.constant 96 : index
      %swap3A_88 = tpu.vector_load %arg7[%swap3A_86, %swap3A_87] {strides = array<i32>} : memref<80x128xf32, #tpu.memory_space<vmem>>, vector<1x16xf32>,
      %swap3A_89 = vector.shape_cast %swap3A_88 : vector<1x16xf32> to vector<16xf32>
      %swap3A_90 = vector.shape_cast %broadcast_in_dim3A_85 : vector<16xf32> to vector<1x16xf32>
      tpu.vector_store %arg7[%swap3A_86, %swap3A_87], %swap3A_90 {strides = array<i32>} : memref<80x128xf32, #tpu.memory_space<vmem>>, vector<1x16xf32>,
      %broadcast_in_dim3A_91 = arith.constant 0.000000e+00 : f32
      %broadcast_in_dim3A_92 = vector.broadcast %broadcast_in_dim3A_91 : f32 to vector<16xf32>
      %swap3A_93 = arith.index_cast %scan3A_43 : i32 to index
      %swap3A_94 = arith.constant 112 : index
      %swap3A_95 = tpu.vector_load %arg7[%swap3A_93, %swap3A_94] {strides = array<i32>} : memref<80x128xf32, #tpu.memory_space<vmem>>, vector<1x16xf32>,
      %swap3A_96 = vector.shape_cast %swap3A_95 : vector<1x16xf32> to vector<16xf32>
      %swap3A_97 = vector.shape_cast %broadcast_in_dim3A_92 : vector<16xf32> to vector<1x16xf32>
      tpu.vector_store %arg7[%swap3A_93, %swap3A_94], %swap3A_97 {strides = array<i32>} : memref<80x128xf32, #tpu.memory_space<vmem>>, vector<1x16xf32>,
    }
    %scan3A_6 = arith.constant 80 : i32
    %while3A = arith.constant 0 : i32
    %while3A_7 = arith.constant 0 : i32
    %while3A_8 = arith.subi %select_n3A, %while3A_7 : i32
    %while3A_9 = arith.addi %while3A_7, %while3A_8 : i32
    %while3A_10 = arith.constant 1 : i32
    %while3A_11 = arith.divsi %while3A_8, %while3A_10 : i32
    %while3A_12 = arith.muli %while3A_11, %while3A_10 : i32
    %while3A_13 = arith.addi %while3A_7, %while3A_12 : i32
    %while3A_14 = arith.constant 1 : i32
    scf.for %while3A_43 = %while3A_7 to %while3A_13 step %while3A_14  : i32 {
      %mul3A_44 = arith.constant 16 : i32
      %mul3A_45 = arith.muli %mul3A_44, %while3A_43 : i32
      %add3A_46 = arith.addi %arg1, %mul3A_45 : i32
      %mul3A_47 = arith.constant 80 : i32
      %mul3A_48 = arith.muli %add3A_46, %mul3A_47 : i32
      "tpu.region"() ({
        %run_scoped3A = tpu.sem_alloc : memref<!tpu.dma_semaphore, #tpu.memory_space<semaphore_mem>>
        %dma_start3A_49 = arith.constant 0 : i32
        %dma_start3A_50 = tpu.memref_slice %arg9[%mul3A_48, %dma_start3A_49] : memref<10000x128xf32, #tpu.memory_space<vmem_shared>> -> memref<80x128xf32, #tpu.memory_space<vmem_shared>>
        %dma_start3A_51 = arith.constant 0 : i32
        %dma_start3A_52 = tpu.memref_slice %arg9[%mul3A_48, %dma_start3A_51] : memref<10000x128xf32, #tpu.memory_space<vmem_shared>> -> memref<80x128xf32, #tpu.memory_space<vmem_shared>>
        tpu.enqueue_dma source(%arg7 : memref<80x128xf32, #tpu.memory_space<vmem>>) target(%dma_start3A_52 : memref<80x128xf32, #tpu.memory_space<vmem_shared>>) target_semaphore(%run_scoped3A : memref<!tpu.dma_semaphore, #tpu.memory_space<semaphore_mem>>)
        %dma_wait3A = arith.constant 0 : i32
        %dma_wait3A_53 = tpu.memref_slice %arg9[%mul3A_48, %dma_wait3A] : memref<10000x128xf32, #tpu.memory_space<vmem_shared>> -> memref<80x128xf32, #tpu.memory_space<vmem_shared>>
        %dma_wait3A_54 = arith.constant 0 : i32
        %dma_wait3A_55 = tpu.memref_slice %arg9[%mul3A_48, %dma_wait3A_54] : memref<10000x128xf32, #tpu.memory_space<vmem_shared>> -> memref<80x128xf32, #tpu.memory_space<vmem_shared>>
        tpu.wait_dma2 semaphore(%run_scoped3A : memref<!tpu.dma_semaphore, #tpu.memory_space<semaphore_mem>>) src(%arg7 : memref<80x128xf32, #tpu.memory_space<vmem>>) dst(%dma_wait3A_55 : memref<80x128xf32, #tpu.memory_space<vmem_shared>>)
        tpu.yield
      }) : () -> ()
    }
    %while3A_15 = arith.constant 1 : i32
    scf.for %while3A_43 = %while3A_13 to %while3A_9 step %while3A_15  : i32 {
      %mul3A_44 = arith.constant 16 : i32
      %mul3A_45 = arith.muli %mul3A_44, %while3A_43 : i32
      %add3A_46 = arith.addi %arg1, %mul3A_45 : i32
      %mul3A_47 = arith.constant 80 : i32
      %mul3A_48 = arith.muli %add3A_46, %mul3A_47 : i32
      "tpu.region"() ({
        %run_scoped3A = tpu.sem_alloc : memref<!tpu.dma_semaphore, #tpu.memory_space<semaphore_mem>>
        %dma_start3A_49 = arith.constant 0 : i32
        %dma_start3A_50 = tpu.memref_slice %arg9[%mul3A_48, %dma_start3A_49] : memref<10000x128xf32, #tpu.memory_space<vmem_shared>> -> memref<80x128xf32, #tpu.memory_space<vmem_shared>>
        %dma_start3A_51 = arith.constant 0 : i32
        %dma_start3A_52 = tpu.memref_slice %arg9[%mul3A_48, %dma_start3A_51] : memref<10000x128xf32, #tpu.memory_space<vmem_shared>> -> memref<80x128xf32, #tpu.memory_space<vmem_shared>>
        tpu.enqueue_dma source(%arg7 : memref<80x128xf32, #tpu.memory_space<vmem>>) target(%dma_start3A_52 : memref<80x128xf32, #tpu.memory_space<vmem_shared>>) target_semaphore(%run_scoped3A : memref<!tpu.dma_semaphore, #tpu.memory_space<semaphore_mem>>)
        %dma_wait3A = arith.constant 0 : i32
        %dma_wait3A_53 = tpu.memref_slice %arg9[%mul3A_48, %dma_wait3A] : memref<10000x128xf32, #tpu.memory_space<vmem_shared>> -> memref<80x128xf32, #tpu.memory_space<vmem_shared>>
        %dma_wait3A_54 = arith.constant 0 : i32
        %dma_wait3A_55 = tpu.memref_slice %arg9[%mul3A_48, %dma_wait3A_54] : memref<10000x128xf32, #tpu.memory_space<vmem_shared>> -> memref<80x128xf32, #tpu.memory_space<vmem_shared>>
        tpu.wait_dma2 semaphore(%run_scoped3A : memref<!tpu.dma_semaphore, #tpu.memory_space<semaphore_mem>>) src(%arg7 : memref<80x128xf32, #tpu.memory_space<vmem>>) dst(%dma_wait3A_55 : memref<80x128xf32, #tpu.memory_space<vmem_shared>>)
        tpu.yield
      }) : () -> ()
    }
    %barrier3A = arith.constant 0 : index
    tpu.barrier barrier_id(%barrier3A)
    %mul3A = arith.constant 16 : i32
    %mul3A_16 = arith.muli %arg0, %mul3A : i32
    %add3A = arith.addi %mul3A_16, %arg1 : i32
    %mul3A_17 = arith.constant 3200 : i32
    %mul3A_18 = arith.muli %add3A, %mul3A_17 : i32
    %add3A_19 = arith.constant 115200 : i32
    %add3A_20 = arith.addi %add3A_19, %mul3A_18 : i32
    %dma_start3A = tpu.memref_slice %arg3[%add3A_20] : memref<320000xi32, #tpu.memory_space<hbm>> -> memref<80xi32, #tpu.memory_space<hbm>>
    %dma_start3A_21 = tpu.memref_slice %arg3[%add3A_20] : memref<320000xi32, #tpu.memory_space<hbm>> -> memref<80xi32, #tpu.memory_space<hbm>>
    tpu.enqueue_dma source(%dma_start3A_21 : memref<80xi32, #tpu.memory_space<hbm>>) target(%arg5 : memref<80xi32, #tpu.memory_space<vmem>>) target_semaphore(%arg12 : memref<!tpu.dma_semaphore, #tpu.memory_space<semaphore_mem>>)
    %dma_start3A_22 = arith.constant 0 : i32
    %dma_start3A_23 = tpu.memref_slice %arg2[%mul3A_18, %dma_start3A_22] : memref<102400x128xf32, #tpu.memory_space<hbm>> -> memref<80x128xf32, #tpu.memory_space<hbm>>
    %dma_start3A_24 = arith.constant 0 : i32
    %dma_start3A_25 = tpu.memref_slice %arg2[%mul3A_18, %dma_start3A_24] : memref<102400x128xf32, #tpu.memory_space<hbm>> -> memref<80x128xf32, #tpu.memory_space<hbm>>
    tpu.enqueue_dma source(%dma_start3A_25 : memref<80x128xf32, #tpu.memory_space<hbm>>) target(%arg7 : memref<80x128xf32, #tpu.memory_space<vmem>>) target_semaphore(%arg10 : memref<!tpu.dma_semaphore, #tpu.memory_space<semaphore_mem>>)
    %scan3A_26 = arith.constant 0 : i32
    %scan3A_27 = arith.constant 0 : i32
    %scan3A_28 = arith.constant 20 : i32
    %scan3A_29 = arith.addi %scan3A_27, %scan3A_28 : i32
    %scan3A_30 = arith.constant 1 : i32
    scf.for %scan3A_43 = %scan3A_27 to %scan3A_29 step %scan3A_30  : i32 {
      %mul3A_44 = arith.constant 2 : i32
      %mul3A_45 = arith.muli %mul3A_44, %scan3A_43 : i32
      %add3A_46 = arith.constant 0 : i32
      %add3A_47 = arith.addi %mul3A_45, %add3A_46 : i32
      %le3A_48 = arith.constant 39 : i32
      %le3A_49 = arith.cmpi sle, %add3A_47, %le3A_48 : i32
      %convert_element_type3A = arith.extui %le3A_49 : i1 to i32
      %cond3A = arith.constant 0 : i32
      %cond3A_50 = arith.cmpi ne, %convert_element_type3A, %cond3A : i32
      scf.if %cond3A_50 {
        %dma_wait3A = tpu.memref_slice %arg3[%mul3A_18] : memref<320000xi32, #tpu.memory_space<hbm>> -> memref<80xi32, #tpu.memory_space<hbm>>
        %dma_wait3A_60 = tpu.memref_slice %arg3[%mul3A_18] : memref<320000xi32, #tpu.memory_space<hbm>> -> memref<80xi32, #tpu.memory_space<hbm>>
        tpu.wait_dma2 semaphore(%arg12 : memref<!tpu.dma_semaphore, #tpu.memory_space<semaphore_mem>>) src(%dma_wait3A_60 : memref<80xi32, #tpu.memory_space<hbm>>) dst(%arg5 : memref<80xi32, #tpu.memory_space<vmem>>)
        %dma_wait3A_61 = arith.constant 0 : i32
        %dma_wait3A_62 = tpu.memref_slice %arg2[%mul3A_18, %dma_wait3A_61] : memref<102400x128xf32, #tpu.memory_space<hbm>> -> memref<80x128xf32, #tpu.memory_space<hbm>>
        %dma_wait3A_63 = arith.constant 0 : i32
        %dma_wait3A_64 = tpu.memref_slice %arg2[%mul3A_18, %dma_wait3A_63] : memref<102400x128xf32, #tpu.memory_space<hbm>> -> memref<80x128xf32, #tpu.memory_space<hbm>>
        tpu.wait_dma2 semaphore(%arg10 : memref<!tpu.dma_semaphore, #tpu.memory_space<semaphore_mem>>) src(%dma_wait3A_64 : memref<80x128xf32, #tpu.memory_space<hbm>>) dst(%arg7 : memref<80x128xf32, #tpu.memory_space<vmem>>)
        %add3A_65 = arith.constant 1 : i32
        %add3A_66 = arith.addi %add3A_47, %add3A_65 : i32
        %le3A_67 = arith.constant 39 : i32
        %le3A_68 = arith.cmpi sle, %add3A_66, %le3A_67 : i32
        %convert_element_type3A_69 = arith.extui %le3A_68 : i1 to i32
        %cond3A_70 = arith.constant 0 : i32
        %cond3A_71 = arith.cmpi ne, %convert_element_type3A_69, %cond3A_70 : i32
        scf.if %cond3A_71 {
          %add3A_72 = arith.constant 1 : i32
          %add3A_73 = arith.addi %add3A_47, %add3A_72 : i32
          %mul3A_74 = arith.constant 80 : i32
          %mul3A_75 = arith.muli %add3A_73, %mul3A_74 : i32
          %add3A_76 = arith.addi %mul3A_18, %mul3A_75 : i32
          %add3A_77 = arith.constant 115200 : i32
          %add3A_78 = arith.addi %add3A_77, %add3A_76 : i32
          %dma_start3A_79 = tpu.memref_slice %arg3[%add3A_78] : memref<320000xi32, #tpu.memory_space<hbm>> -> memref<80xi32, #tpu.memory_space<hbm>>
          %dma_start3A_80 = tpu.memref_slice %arg3[%add3A_78] : memref<320000xi32, #tpu.memory_space<hbm>> -> memref<80xi32, #tpu.memory_space<hbm>>
          tpu.enqueue_dma source(%dma_start3A_80 : memref<80xi32, #tpu.memory_space<hbm>>) target(%arg6 : memref<80xi32, #tpu.memory_space<vmem>>) target_semaphore(%arg13 : memref<!tpu.dma_semaphore, #tpu.memory_space<semaphore_mem>>)
          %dma_start3A_81 = arith.constant 0 : i32
          %dma_start3A_82 = tpu.memref_slice %arg2[%add3A_76, %dma_start3A_81] : memref<102400x128xf32, #tpu.memory_space<hbm>> -> memref<80x128xf32, #tpu.memory_space<hbm>>
          %dma_start3A_83 = arith.constant 0 : i32
          %dma_start3A_84 = tpu.memref_slice %arg2[%add3A_76, %dma_start3A_83] : memref<102400x128xf32, #tpu.memory_space<hbm>> -> memref<80x128xf32, #tpu.memory_space<hbm>>
          tpu.enqueue_dma source(%dma_start3A_84 : memref<80x128xf32, #tpu.memory_space<hbm>>) target(%arg8 : memref<80x128xf32, #tpu.memory_space<vmem>>) target_semaphore(%arg11 : memref<!tpu.dma_semaphore, #tpu.memory_space<semaphore_mem>>)
        } else {
        }
        "tpu.region"() ({
          %run_scoped3A = tpu.sem_alloc : memref<!tpu.dma_semaphore, #tpu.memory_space<semaphore_mem>>
          %dma_start3A_72 = arith.constant 0 : i32
          %dma_start3A_73 = arith.constant 0 : i32
          %dma_start3A_74 = tpu.memref_slice %arg9[%dma_start3A_72, %dma_start3A_73] : memref<10000x128xf32, #tpu.memory_space<vmem_shared>> -> memref<10000x128xf32, #tpu.memory_space<vmem_shared>>
          tpu.enqueue_indirect_dma source(%arg7 : memref<80x128xf32, #tpu.memory_space<vmem>>) target(%dma_start3A_74 : memref<10000x128xf32, #tpu.memory_space<vmem_shared>>) offsets(%arg5 : memref<80xi32, #tpu.memory_space<vmem>>) semaphore(%run_scoped3A : memref<!tpu.dma_semaphore, #tpu.memory_space<semaphore_mem>>) {add = true}
          %dma_wait3A_75 = arith.constant 0 : i32
          %dma_wait3A_76 = arith.constant 0 : i32
          %dma_wait3A_77 = tpu.memref_slice %arg9[%dma_wait3A_75, %dma_wait3A_76] : memref<10000x128xf32, #tpu.memory_space<vmem_shared>> -> memref<10000x128xf32, #tpu.memory_space<vmem_shared>>
          tpu.wait_indirect_dma semaphore(%run_scoped3A : memref<!tpu.dma_semaphore, #tpu.memory_space<semaphore_mem>>) src(%arg7 : memref<80x128xf32, #tpu.memory_space<vmem>>) dst(%dma_wait3A_77 : memref<10000x128xf32, #tpu.memory_space<vmem_shared>>)
          tpu.yield
        }) : () -> ()
      } else {
      }
      %mul3A_51 = arith.constant 2 : i32
      %mul3A_52 = arith.muli %mul3A_51, %scan3A_43 : i32
      %add3A_53 = arith.constant 1 : i32
      %add3A_54 = arith.addi %mul3A_52, %add3A_53 : i32
      %le3A_55 = arith.constant 39 : i32
      %le3A_56 = arith.cmpi sle, %add3A_54, %le3A_55 : i32
      %convert_element_type3A_57 = arith.extui %le3A_56 : i1 to i32
      %cond3A_58 = arith.constant 0 : i32
      %cond3A_59 = arith.cmpi ne, %convert_element_type3A_57, %cond3A_58 : i32
      scf.if %cond3A_59 {
        %dma_wait3A = tpu.memref_slice %arg3[%mul3A_18] : memref<320000xi32, #tpu.memory_space<hbm>> -> memref<80xi32, #tpu.memory_space<hbm>>
        %dma_wait3A_60 = tpu.memref_slice %arg3[%mul3A_18] : memref<320000xi32, #tpu.memory_space<hbm>> -> memref<80xi32, #tpu.memory_space<hbm>>
        tpu.wait_dma2 semaphore(%arg13 : memref<!tpu.dma_semaphore, #tpu.memory_space<semaphore_mem>>) src(%dma_wait3A_60 : memref<80xi32, #tpu.memory_space<hbm>>) dst(%arg6 : memref<80xi32, #tpu.memory_space<vmem>>)
        %dma_wait3A_61 = arith.constant 0 : i32
        %dma_wait3A_62 = tpu.memref_slice %arg2[%mul3A_18, %dma_wait3A_61] : memref<102400x128xf32, #tpu.memory_space<hbm>> -> memref<80x128xf32, #tpu.memory_space<hbm>>
        %dma_wait3A_63 = arith.constant 0 : i32
        %dma_wait3A_64 = tpu.memref_slice %arg2[%mul3A_18, %dma_wait3A_63] : memref<102400x128xf32, #tpu.memory_space<hbm>> -> memref<80x128xf32, #tpu.memory_space<hbm>>
        tpu.wait_dma2 semaphore(%arg11 : memref<!tpu.dma_semaphore, #tpu.memory_space<semaphore_mem>>) src(%dma_wait3A_64 : memref<80x128xf32, #tpu.memory_space<hbm>>) dst(%arg8 : memref<80x128xf32, #tpu.memory_space<vmem>>)
        %add3A_65 = arith.constant 1 : i32
        %add3A_66 = arith.addi %add3A_54, %add3A_65 : i32
        %le3A_67 = arith.constant 39 : i32
        %le3A_68 = arith.cmpi sle, %add3A_66, %le3A_67 : i32
        %convert_element_type3A_69 = arith.extui %le3A_68 : i1 to i32
        %cond3A_70 = arith.constant 0 : i32
        %cond3A_71 = arith.cmpi ne, %convert_element_type3A_69, %cond3A_70 : i32
        scf.if %cond3A_71 {
          %add3A_72 = arith.constant 1 : i32
          %add3A_73 = arith.addi %add3A_54, %add3A_72 : i32
          %mul3A_74 = arith.constant 80 : i32
          %mul3A_75 = arith.muli %add3A_73, %mul3A_74 : i32
          %add3A_76 = arith.addi %mul3A_18, %mul3A_75 : i32
          %add3A_77 = arith.constant 115200 : i32
          %add3A_78 = arith.addi %add3A_77, %add3A_76 : i32
          %dma_start3A_79 = tpu.memref_slice %arg3[%add3A_78] : memref<320000xi32, #tpu.memory_space<hbm>> -> memref<80xi32, #tpu.memory_space<hbm>>
          %dma_start3A_80 = tpu.memref_slice %arg3[%add3A_78] : memref<320000xi32, #tpu.memory_space<hbm>> -> memref<80xi32, #tpu.memory_space<hbm>>
          tpu.enqueue_dma source(%dma_start3A_80 : memref<80xi32, #tpu.memory_space<hbm>>) target(%arg5 : memref<80xi32, #tpu.memory_space<vmem>>) target_semaphore(%arg12 : memref<!tpu.dma_semaphore, #tpu.memory_space<semaphore_mem>>)
          %dma_start3A_81 = arith.constant 0 : i32
          %dma_start3A_82 = tpu.memref_slice %arg2[%add3A_76, %dma_start3A_81] : memref<102400x128xf32, #tpu.memory_space<hbm>> -> memref<80x128xf32, #tpu.memory_space<hbm>>
          %dma_start3A_83 = arith.constant 0 : i32
          %dma_start3A_84 = tpu.memref_slice %arg2[%add3A_76, %dma_start3A_83] : memref<102400x128xf32, #tpu.memory_space<hbm>> -> memref<80x128xf32, #tpu.memory_space<hbm>>
          tpu.enqueue_dma source(%dma_start3A_84 : memref<80x128xf32, #tpu.memory_space<hbm>>) target(%arg7 : memref<80x128xf32, #tpu.memory_space<vmem>>) target_semaphore(%arg10 : memref<!tpu.dma_semaphore, #tpu.memory_space<semaphore_mem>>)
        } else {
        }
        "tpu.region"() ({
          %run_scoped3A = tpu.sem_alloc : memref<!tpu.dma_semaphore, #tpu.memory_space<semaphore_mem>>
          %dma_start3A_72 = arith.constant 0 : i32
          %dma_start3A_73 = arith.constant 0 : i32
          %dma_start3A_74 = tpu.memref_slice %arg9[%dma_start3A_72, %dma_start3A_73] : memref<10000x128xf32, #tpu.memory_space<vmem_shared>> -> memref<10000x128xf32, #tpu.memory_space<vmem_shared>>
          tpu.enqueue_indirect_dma source(%arg8 : memref<80x128xf32, #tpu.memory_space<vmem>>) target(%dma_start3A_74 : memref<10000x128xf32, #tpu.memory_space<vmem_shared>>) offsets(%arg6 : memref<80xi32, #tpu.memory_space<vmem>>) semaphore(%run_scoped3A : memref<!tpu.dma_semaphore, #tpu.memory_space<semaphore_mem>>) {add = true}
          %dma_wait3A_75 = arith.constant 0 : i32
          %dma_wait3A_76 = arith.constant 0 : i32
          %dma_wait3A_77 = tpu.memref_slice %arg9[%dma_wait3A_75, %dma_wait3A_76] : memref<10000x128xf32, #tpu.memory_space<vmem_shared>> -> memref<10000x128xf32, #tpu.memory_space<vmem_shared>>
          tpu.wait_indirect_dma semaphore(%run_scoped3A : memref<!tpu.dma_semaphore, #tpu.memory_space<semaphore_mem>>) src(%arg8 : memref<80x128xf32, #tpu.memory_space<vmem>>) dst(%dma_wait3A_77 : memref<10000x128xf32, #tpu.memory_space<vmem_shared>>)
          tpu.yield
        }) : () -> ()
      } else {
      }
    }
    %scan3A_31 = arith.constant 20 : i32
    %barrier3A_32 = arith.constant 0 : index
    tpu.barrier barrier_id(%barrier3A_32)
    %while3A_33 = arith.constant 0 : i32
    %while3A_34 = arith.constant 0 : i32
    %while3A_35 = arith.subi %select_n3A, %while3A_34 : i32
    %while3A_36 = arith.addi %while3A_34, %while3A_35 : i32
    %while3A_37 = arith.constant 1 : i32
    %while3A_38 = arith.divsi %while3A_35, %while3A_37 : i32
    %while3A_39 = arith.muli %while3A_38, %while3A_37 : i32
    %while3A_40 = arith.addi %while3A_34, %while3A_39 : i32
    %while3A_41 = arith.constant 1 : i32
    scf.for %while3A_43 = %while3A_34 to %while3A_40 step %while3A_41  : i32 {
      %mul3A_44 = arith.constant 16 : i32
      %mul3A_45 = arith.muli %mul3A_44, %while3A_43 : i32
      %add3A_46 = arith.addi %arg1, %mul3A_45 : i32
      %mul3A_47 = arith.constant 80 : i32
      %mul3A_48 = arith.muli %add3A_46, %mul3A_47 : i32
      %mul3A_49 = arith.constant 80 : i32
      %mul3A_50 = arith.muli %add3A_46, %mul3A_49 : i32
      "tpu.region"() ({
        %run_scoped3A = tpu.sem_alloc : memref<!tpu.dma_semaphore, #tpu.memory_space<semaphore_mem>>
        %dma_start3A_51 = arith.constant 0 : i32
        %dma_start3A_52 = tpu.memref_slice %arg4[%arg0, %mul3A_50, %dma_start3A_51] : memref<2x10000x128xf32, #tpu.memory_space<hbm>> -> memref<1x80x128xf32, #tpu.memory_space<hbm>>
        %dma_start3A_53 = tpu.memref_squeeze %dma_start3A_52 : memref<1x80x128xf32, #tpu.memory_space<hbm>> -> memref<80x128xf32, #tpu.memory_space<hbm>>
        %dma_start3A_54 = arith.constant 0 : i32
        %dma_start3A_55 = tpu.memref_slice %arg9[%mul3A_48, %dma_start3A_54] : memref<10000x128xf32, #tpu.memory_space<vmem_shared>> -> memref<80x128xf32, #tpu.memory_space<vmem_shared>>
        tpu.enqueue_dma source(%dma_start3A_55 : memref<80x128xf32, #tpu.memory_space<vmem_shared>>) target(%dma_start3A_53 : memref<80x128xf32, #tpu.memory_space<hbm>>) target_semaphore(%run_scoped3A : memref<!tpu.dma_semaphore, #tpu.memory_space<semaphore_mem>>)
        %dma_wait3A = arith.constant 0 : i32
        %dma_wait3A_56 = tpu.memref_slice %arg4[%arg0, %mul3A_50, %dma_wait3A] : memref<2x10000x128xf32, #tpu.memory_space<hbm>> -> memref<1x80x128xf32, #tpu.memory_space<hbm>>
        %dma_wait3A_57 = tpu.memref_squeeze %dma_wait3A_56 : memref<1x80x128xf32, #tpu.memory_space<hbm>> -> memref<80x128xf32, #tpu.memory_space<hbm>>
        %dma_wait3A_58 = arith.constant 0 : i32
        %dma_wait3A_59 = tpu.memref_slice %arg9[%mul3A_48, %dma_wait3A_58] : memref<10000x128xf32, #tpu.memory_space<vmem_shared>> -> memref<80x128xf32, #tpu.memory_space<vmem_shared>>
        tpu.wait_dma2 semaphore(%run_scoped3A : memref<!tpu.dma_semaphore, #tpu.memory_space<semaphore_mem>>) src(%dma_wait3A_59 : memref<80x128xf32, #tpu.memory_space<vmem_shared>>) dst(%dma_wait3A_57 : memref<80x128xf32, #tpu.memory_space<hbm>>)
        tpu.yield
      }) : () -> ()
    }
    %while3A_42 = arith.constant 1 : i32
    scf.for %while3A_43 = %while3A_40 to %while3A_36 step %while3A_42  : i32 {
      %mul3A_44 = arith.constant 16 : i32
      %mul3A_45 = arith.muli %mul3A_44, %while3A_43 : i32
      %add3A_46 = arith.addi %arg1, %mul3A_45 : i32
      %mul3A_47 = arith.constant 80 : i32
      %mul3A_48 = arith.muli %add3A_46, %mul3A_47 : i32
      %mul3A_49 = arith.constant 80 : i32
      %mul3A_50 = arith.muli %add3A_46, %mul3A_49 : i32
      "tpu.region"() ({
        %run_scoped3A = tpu.sem_alloc : memref<!tpu.dma_semaphore, #tpu.memory_space<semaphore_mem>>
        %dma_start3A_51 = arith.constant 0 : i32
        %dma_start3A_52 = tpu.memref_slice %arg4[%arg0, %mul3A_50, %dma_start3A_51] : memref<2x10000x128xf32, #tpu.memory_space<hbm>> -> memref<1x80x128xf32, #tpu.memory_space<hbm>>
        %dma_start3A_53 = tpu.memref_squeeze %dma_start3A_52 : memref<1x80x128xf32, #tpu.memory_space<hbm>> -> memref<80x128xf32, #tpu.memory_space<hbm>>
        %dma_start3A_54 = arith.constant 0 : i32
        %dma_start3A_55 = tpu.memref_slice %arg9[%mul3A_48, %dma_start3A_54] : memref<10000x128xf32, #tpu.memory_space<vmem_shared>> -> memref<80x128xf32, #tpu.memory_space<vmem_shared>>
        tpu.enqueue_dma source(%dma_start3A_55 : memref<80x128xf32, #tpu.memory_space<vmem_shared>>) target(%dma_start3A_53 : memref<80x128xf32, #tpu.memory_space<hbm>>) target_semaphore(%run_scoped3A : memref<!tpu.dma_semaphore, #tpu.memory_space<semaphore_mem>>)
        %dma_wait3A = arith.constant 0 : i32
        %dma_wait3A_56 = tpu.memref_slice %arg4[%arg0, %mul3A_50, %dma_wait3A] : memref<2x10000x128xf32, #tpu.memory_space<hbm>> -> memref<1x80x128xf32, #tpu.memory_space<hbm>>
        %dma_wait3A_57 = tpu.memref_squeeze %dma_wait3A_56 : memref<1x80x128xf32, #tpu.memory_space<hbm>> -> memref<80x128xf32, #tpu.memory_space<hbm>>
        %dma_wait3A_58 = arith.constant 0 : i32
        %dma_wait3A_59 = tpu.memref_slice %arg9[%mul3A_48, %dma_wait3A_58] : memref<10000x128xf32, #tpu.memory_space<vmem_shared>> -> memref<80x128xf32, #tpu.memory_space<vmem_shared>>
        tpu.wait_dma2 semaphore(%run_scoped3A : memref<!tpu.dma_semaphore, #tpu.memory_space<semaphore_mem>>) src(%dma_wait3A_59 : memref<80x128xf32, #tpu.memory_space<vmem_shared>>) dst(%dma_wait3A_57 : memref<80x128xf32, #tpu.memory_space<hbm>>)
        tpu.yield
      }) : () -> ()
    }
    return
  }
}

#map = affine_map<(d0, d1) -> (0, 0)>
#map1 = affine_map<(d0, d1) -> (0)>
#map2 = affine_map<(d0, d1) -> (0, 0, 0)>
module attributes {stable_mosaic.version = 14 : i64} {
  func.func @k(%arg0: i32, %arg1: i32, %arg2: memref<102400x128xf32, #tpu.memory_space<hbm>>, %arg3: memref<320000xi32, #tpu.memory_space<hbm>>, %arg4: memref<2x10000x128xf32, #tpu.memory_space<hbm>>, %arg5: memref<80xi32, #tpu.memory_space<vmem>>, %arg6: memref<80xi32, #tpu.memory_space<vmem>>, %arg7: memref<80x128xf32, #tpu.memory_space<vmem>>, %arg8: memref<80x128xf32, #tpu.memory_space<vmem>>, %arg9: memref<10000x128xf32, #tpu.memory_space<vmem_shared>>, %arg10: memref<!tpu.dma_semaphore, #tpu.memory_space<semaphore_mem>>, %arg11: memref<!tpu.dma_semaphore, #tpu.memory_space<semaphore_mem>>, %arg12: memref<!tpu.dma_semaphore, #tpu.memory_space<semaphore_mem>>, %arg13: memref<!tpu.dma_semaphore, #tpu.memory_space<semaphore_mem>>) attributes {dimension_semantics = [#tpu.dimension_semantics<core_parallel>, #tpu.dimension_semantics<subcore_parallel>], iteration_bounds = array<i64: 2, 16>, scalar_prefetch = 0 : i64, scratch_operands = 9 : i64, tpu.core_type = #tpu.core_type<sc_vector_subcore>, window_params = [{transform_indices = #map}, {transform_indices = #map1}, {transform_indices = #map2}]} {
    %le3A = arith.constant 12 : i32
    %le3A_0 = arith.cmpi sle, %arg1, %le3A : i32
    %jit3A = arith.constant 8 : i32
    %jit3A_1 = arith.constant 7 : i32
    %select_n3A = arith.select %le3A_0, %jit3A, %jit3A_1 : i32
    %scan3A = arith.constant 0 : i32
    %scan3A_2 = arith.constant 0 : i32
    %scan3A_3 = arith.constant 80 : i32
    %scan3A_4 = arith.addi %scan3A_2, %scan3A_3 : i32
    %scan3A_5 = arith.constant 1 : i32
    scf.for %scan3A_43 = %scan3A_2 to %scan3A_4 step %scan3A_5  : i32 {
      %broadcast_in_dim3A = arith.constant 0.000000e+00 : f32
      %broadcast_in_dim3A_44 = vector.broadcast %broadcast_in_dim3A : f32 to vector<16xf32>
      %swap3A = arith.index_cast %scan3A_43 : i32 to index
      %swap3A_45 = arith.constant 0 : index
      %swap3A_46 = tpu.vector_load %arg7[%swap3A, %swap3A_45] {strides = array<i32>} : memref<80x128xf32, #tpu.memory_space<vmem>>, vector<1x16xf32>,
      %swap3A_47 = vector.shape_cast %swap3A_46 : vector<1x16xf32> to vector<16xf32>
      %swap3A_48 = vector.shape_cast %broadcast_in_dim3A_44 : vector<16xf32> to vector<1x16xf32>
      tpu.vector_store %arg7[%swap3A, %swap3A_45], %swap3A_48 {strides = array<i32>} : memref<80x128xf32, #tpu.memory_space<vmem>>, vector<1x16xf32>,
      %broadcast_in_dim3A_49 = arith.constant 0.000000e+00 : f32
      %broadcast_in_dim3A_50 = vector.broadcast %broadcast_in_dim3A_49 : f32 to vector<16xf32>
      %swap3A_51 = arith.index_cast %scan3A_43 : i32 to index
      %swap3A_52 = arith.constant 16 : index
      %swap3A_53 = tpu.vector_load %arg7[%swap3A_51, %swap3A_52] {strides = array<i32>} : memref<80x128xf32, #tpu.memory_space<vmem>>, vector<1x16xf32>,
      %swap3A_54 = vector.shape_cast %swap3A_53 : vector<1x16xf32> to vector<16xf32>
      %swap3A_55 = vector.shape_cast %broadcast_in_dim3A_50 : vector<16xf32> to vector<1x16xf32>
      tpu.vector_store %arg7[%swap3A_51, %swap3A_52], %swap3A_55 {strides = array<i32>} : memref<80x128xf32, #tpu.memory_space<vmem>>, vector<1x16xf32>,
      %broadcast_in_dim3A_56 = arith.constant 0.000000e+00 : f32
      %broadcast_in_dim3A_57 = vector.broadcast %broadcast_in_dim3A_56 : f32 to vector<16xf32>
      %swap3A_58 = arith.index_cast %scan3A_43 : i32 to index
      %swap3A_59 = arith.constant 32 : index
      %swap3A_60 = tpu.vector_load %arg7[%swap3A_58, %swap3A_59] {strides = array<i32>} : memref<80x128xf32, #tpu.memory_space<vmem>>, vector<1x16xf32>,
      %swap3A_61 = vector.shape_cast %swap3A_60 : vector<1x16xf32> to vector<16xf32>
      %swap3A_62 = vector.shape_cast %broadcast_in_dim3A_57 : vector<16xf32> to vector<1x16xf32>
      tpu.vector_store %arg7[%swap3A_58, %swap3A_59], %swap3A_62 {strides = array<i32>} : memref<80x128xf32, #tpu.memory_space<vmem>>, vector<1x16xf32>,
      %broadcast_in_dim3A_63 = arith.constant 0.000000e+00 : f32
      %broadcast_in_dim3A_64 = vector.broadcast %broadcast_in_dim3A_63 : f32 to vector<16xf32>
      %swap3A_65 = arith.index_cast %scan3A_43 : i32 to index
      %swap3A_66 = arith.constant 48 : index
      %swap3A_67 = tpu.vector_load %arg7[%swap3A_65, %swap3A_66] {strides = array<i32>} : memref<80x128xf32, #tpu.memory_space<vmem>>, vector<1x16xf32>,
      %swap3A_68 = vector.shape_cast %swap3A_67 : vector<1x16xf32> to vector<16xf32>
      %swap3A_69 = vector.shape_cast %broadcast_in_dim3A_64 : vector<16xf32> to vector<1x16xf32>
      tpu.vector_store %arg7[%swap3A_65, %swap3A_66], %swap3A_69 {strides = array<i32>} : memref<80x128xf32, #tpu.memory_space<vmem>>, vector<1x16xf32>,
      %broadcast_in_dim3A_70 = arith.constant 0.000000e+00 : f32
      %broadcast_in_dim3A_71 = vector.broadcast %broadcast_in_dim3A_70 : f32 to vector<16xf32>
      %swap3A_72 = arith.index_cast %scan3A_43 : i32 to index
      %swap3A_73 = arith.constant 64 : index
      %swap3A_74 = tpu.vector_load %arg7[%swap3A_72, %swap3A_73] {strides = array<i32>} : memref<80x128xf32, #tpu.memory_space<vmem>>, vector<1x16xf32>,
      %swap3A_75 = vector.shape_cast %swap3A_74 : vector<1x16xf32> to vector<16xf32>
      %swap3A_76 = vector.shape_cast %broadcast_in_dim3A_71 : vector<16xf32> to vector<1x16xf32>
      tpu.vector_store %arg7[%swap3A_72, %swap3A_73], %swap3A_76 {strides = array<i32>} : memref<80x128xf32, #tpu.memory_space<vmem>>, vector<1x16xf32>,
      %broadcast_in_dim3A_77 = arith.constant 0.000000e+00 : f32
      %broadcast_in_dim3A_78 = vector.broadcast %broadcast_in_dim3A_77 : f32 to vector<16xf32>
      %swap3A_79 = arith.index_cast %scan3A_43 : i32 to index
      %swap3A_80 = arith.constant 80 : index
      %swap3A_81 = tpu.vector_load %arg7[%swap3A_79, %swap3A_80] {strides = array<i32>} : memref<80x128xf32, #tpu.memory_space<vmem>>, vector<1x16xf32>,
      %swap3A_82 = vector.shape_cast %swap3A_81 : vector<1x16xf32> to vector<16xf32>
      %swap3A_83 = vector.shape_cast %broadcast_in_dim3A_78 : vector<16xf32> to vector<1x16xf32>
      tpu.vector_store %arg7[%swap3A_79, %swap3A_80], %swap3A_83 {strides = array<i32>} : memref<80x128xf32, #tpu.memory_space<vmem>>, vector<1x16xf32>,
      %broadcast_in_dim3A_84 = arith.constant 0.000000e+00 : f32
      %broadcast_in_dim3A_85 = vector.broadcast %broadcast_in_dim3A_84 : f32 to vector<16xf32>
      %swap3A_86 = arith.index_cast %scan3A_43 : i32 to index
      %swap3A_87 = arith.constant 96 : index
      %swap3A_88 = tpu.vector_load %arg7[%swap3A_86, %swap3A_87] {strides = array<i32>} : memref<80x128xf32, #tpu.memory_space<vmem>>, vector<1x16xf32>,
      %swap3A_89 = vector.shape_cast %swap3A_88 : vector<1x16xf32> to vector<16xf32>
      %swap3A_90 = vector.shape_cast %broadcast_in_dim3A_85 : vector<16xf32> to vector<1x16xf32>
      tpu.vector_store %arg7[%swap3A_86, %swap3A_87], %swap3A_90 {strides = array<i32>} : memref<80x128xf32, #tpu.memory_space<vmem>>, vector<1x16xf32>,
      %broadcast_in_dim3A_91 = arith.constant 0.000000e+00 : f32
      %broadcast_in_dim3A_92 = vector.broadcast %broadcast_in_dim3A_91 : f32 to vector<16xf32>
      %swap3A_93 = arith.index_cast %scan3A_43 : i32 to index
      %swap3A_94 = arith.constant 112 : index
      %swap3A_95 = tpu.vector_load %arg7[%swap3A_93, %swap3A_94] {strides = array<i32>} : memref<80x128xf32, #tpu.memory_space<vmem>>, vector<1x16xf32>,
      %swap3A_96 = vector.shape_cast %swap3A_95 : vector<1x16xf32> to vector<16xf32>
      %swap3A_97 = vector.shape_cast %broadcast_in_dim3A_92 : vector<16xf32> to vector<1x16xf32>
      tpu.vector_store %arg7[%swap3A_93, %swap3A_94], %swap3A_97 {strides = array<i32>} : memref<80x128xf32, #tpu.memory_space<vmem>>, vector<1x16xf32>,
    }
    %scan3A_6 = arith.constant 80 : i32
    %while3A = arith.constant 0 : i32
    %while3A_7 = arith.constant 0 : i32
    %while3A_8 = arith.subi %select_n3A, %while3A_7 : i32
    %while3A_9 = arith.addi %while3A_7, %while3A_8 : i32
    %while3A_10 = arith.constant 1 : i32
    %while3A_11 = arith.divsi %while3A_8, %while3A_10 : i32
    %while3A_12 = arith.muli %while3A_11, %while3A_10 : i32
    %while3A_13 = arith.addi %while3A_7, %while3A_12 : i32
    %while3A_14 = arith.constant 1 : i32
    scf.for %while3A_43 = %while3A_7 to %while3A_13 step %while3A_14  : i32 {
      %mul3A_44 = arith.constant 16 : i32
      %mul3A_45 = arith.muli %mul3A_44, %while3A_43 : i32
      %add3A_46 = arith.addi %arg1, %mul3A_45 : i32
      %mul3A_47 = arith.constant 80 : i32
      %mul3A_48 = arith.muli %add3A_46, %mul3A_47 : i32
      "tpu.region"() ({
        %run_scoped3A = tpu.sem_alloc : memref<!tpu.dma_semaphore, #tpu.memory_space<semaphore_mem>>
        %dma_start3A_49 = arith.constant 0 : i32
        %dma_start3A_50 = tpu.memref_slice %arg9[%mul3A_48, %dma_start3A_49] : memref<10000x128xf32, #tpu.memory_space<vmem_shared>> -> memref<80x128xf32, #tpu.memory_space<vmem_shared>>
        %dma_start3A_51 = arith.constant 0 : i32
        %dma_start3A_52 = tpu.memref_slice %arg9[%mul3A_48, %dma_start3A_51] : memref<10000x128xf32, #tpu.memory_space<vmem_shared>> -> memref<80x128xf32, #tpu.memory_space<vmem_shared>>
        tpu.enqueue_dma source(%arg7 : memref<80x128xf32, #tpu.memory_space<vmem>>) target(%dma_start3A_52 : memref<80x128xf32, #tpu.memory_space<vmem_shared>>) target_semaphore(%run_scoped3A : memref<!tpu.dma_semaphore, #tpu.memory_space<semaphore_mem>>)
        %dma_wait3A = arith.constant 0 : i32
        %dma_wait3A_53 = tpu.memref_slice %arg9[%mul3A_48, %dma_wait3A] : memref<10000x128xf32, #tpu.memory_space<vmem_shared>> -> memref<80x128xf32, #tpu.memory_space<vmem_shared>>
        %dma_wait3A_54 = arith.constant 0 : i32
        %dma_wait3A_55 = tpu.memref_slice %arg9[%mul3A_48, %dma_wait3A_54] : memref<10000x128xf32, #tpu.memory_space<vmem_shared>> -> memref<80x128xf32, #tpu.memory_space<vmem_shared>>
        tpu.wait_dma2 semaphore(%run_scoped3A : memref<!tpu.dma_semaphore, #tpu.memory_space<semaphore_mem>>) src(%arg7 : memref<80x128xf32, #tpu.memory_space<vmem>>) dst(%dma_wait3A_55 : memref<80x128xf32, #tpu.memory_space<vmem_shared>>)
        tpu.yield
      }) : () -> ()
    }
    %while3A_15 = arith.constant 1 : i32
    scf.for %while3A_43 = %while3A_13 to %while3A_9 step %while3A_15  : i32 {
      %mul3A_44 = arith.constant 16 : i32
      %mul3A_45 = arith.muli %mul3A_44, %while3A_43 : i32
      %add3A_46 = arith.addi %arg1, %mul3A_45 : i32
      %mul3A_47 = arith.constant 80 : i32
      %mul3A_48 = arith.muli %add3A_46, %mul3A_47 : i32
      "tpu.region"() ({
        %run_scoped3A = tpu.sem_alloc : memref<!tpu.dma_semaphore, #tpu.memory_space<semaphore_mem>>
        %dma_start3A_49 = arith.constant 0 : i32
        %dma_start3A_50 = tpu.memref_slice %arg9[%mul3A_48, %dma_start3A_49] : memref<10000x128xf32, #tpu.memory_space<vmem_shared>> -> memref<80x128xf32, #tpu.memory_space<vmem_shared>>
        %dma_start3A_51 = arith.constant 0 : i32
        %dma_start3A_52 = tpu.memref_slice %arg9[%mul3A_48, %dma_start3A_51] : memref<10000x128xf32, #tpu.memory_space<vmem_shared>> -> memref<80x128xf32, #tpu.memory_space<vmem_shared>>
        tpu.enqueue_dma source(%arg7 : memref<80x128xf32, #tpu.memory_space<vmem>>) target(%dma_start3A_52 : memref<80x128xf32, #tpu.memory_space<vmem_shared>>) target_semaphore(%run_scoped3A : memref<!tpu.dma_semaphore, #tpu.memory_space<semaphore_mem>>)
        %dma_wait3A = arith.constant 0 : i32
        %dma_wait3A_53 = tpu.memref_slice %arg9[%mul3A_48, %dma_wait3A] : memref<10000x128xf32, #tpu.memory_space<vmem_shared>> -> memref<80x128xf32, #tpu.memory_space<vmem_shared>>
        %dma_wait3A_54 = arith.constant 0 : i32
        %dma_wait3A_55 = tpu.memref_slice %arg9[%mul3A_48, %dma_wait3A_54] : memref<10000x128xf32, #tpu.memory_space<vmem_shared>> -> memref<80x128xf32, #tpu.memory_space<vmem_shared>>
        tpu.wait_dma2 semaphore(%run_scoped3A : memref<!tpu.dma_semaphore, #tpu.memory_space<semaphore_mem>>) src(%arg7 : memref<80x128xf32, #tpu.memory_space<vmem>>) dst(%dma_wait3A_55 : memref<80x128xf32, #tpu.memory_space<vmem_shared>>)
        tpu.yield
      }) : () -> ()
    }
    %barrier3A = arith.constant 0 : index
    tpu.barrier barrier_id(%barrier3A)
    %mul3A = arith.constant 16 : i32
    %mul3A_16 = arith.muli %arg0, %mul3A : i32
    %add3A = arith.addi %mul3A_16, %arg1 : i32
    %mul3A_17 = arith.constant 3200 : i32
    %mul3A_18 = arith.muli %add3A, %mul3A_17 : i32
    %add3A_19 = arith.constant 217600 : i32
    %add3A_20 = arith.addi %add3A_19, %mul3A_18 : i32
    %dma_start3A = tpu.memref_slice %arg3[%add3A_20] : memref<320000xi32, #tpu.memory_space<hbm>> -> memref<80xi32, #tpu.memory_space<hbm>>
    %dma_start3A_21 = tpu.memref_slice %arg3[%add3A_20] : memref<320000xi32, #tpu.memory_space<hbm>> -> memref<80xi32, #tpu.memory_space<hbm>>
    tpu.enqueue_dma source(%dma_start3A_21 : memref<80xi32, #tpu.memory_space<hbm>>) target(%arg5 : memref<80xi32, #tpu.memory_space<vmem>>) target_semaphore(%arg12 : memref<!tpu.dma_semaphore, #tpu.memory_space<semaphore_mem>>)
    %dma_start3A_22 = arith.constant 0 : i32
    %dma_start3A_23 = tpu.memref_slice %arg2[%mul3A_18, %dma_start3A_22] : memref<102400x128xf32, #tpu.memory_space<hbm>> -> memref<80x128xf32, #tpu.memory_space<hbm>>
    %dma_start3A_24 = arith.constant 0 : i32
    %dma_start3A_25 = tpu.memref_slice %arg2[%mul3A_18, %dma_start3A_24] : memref<102400x128xf32, #tpu.memory_space<hbm>> -> memref<80x128xf32, #tpu.memory_space<hbm>>
    tpu.enqueue_dma source(%dma_start3A_25 : memref<80x128xf32, #tpu.memory_space<hbm>>) target(%arg7 : memref<80x128xf32, #tpu.memory_space<vmem>>) target_semaphore(%arg10 : memref<!tpu.dma_semaphore, #tpu.memory_space<semaphore_mem>>)
    %scan3A_26 = arith.constant 0 : i32
    %scan3A_27 = arith.constant 0 : i32
    %scan3A_28 = arith.constant 20 : i32
    %scan3A_29 = arith.addi %scan3A_27, %scan3A_28 : i32
    %scan3A_30 = arith.constant 1 : i32
    scf.for %scan3A_43 = %scan3A_27 to %scan3A_29 step %scan3A_30  : i32 {
      %mul3A_44 = arith.constant 2 : i32
      %mul3A_45 = arith.muli %mul3A_44, %scan3A_43 : i32
      %add3A_46 = arith.constant 0 : i32
      %add3A_47 = arith.addi %mul3A_45, %add3A_46 : i32
      %le3A_48 = arith.constant 39 : i32
      %le3A_49 = arith.cmpi sle, %add3A_47, %le3A_48 : i32
      %convert_element_type3A = arith.extui %le3A_49 : i1 to i32
      %cond3A = arith.constant 0 : i32
      %cond3A_50 = arith.cmpi ne, %convert_element_type3A, %cond3A : i32
      scf.if %cond3A_50 {
        %dma_wait3A = tpu.memref_slice %arg3[%mul3A_18] : memref<320000xi32, #tpu.memory_space<hbm>> -> memref<80xi32, #tpu.memory_space<hbm>>
        %dma_wait3A_60 = tpu.memref_slice %arg3[%mul3A_18] : memref<320000xi32, #tpu.memory_space<hbm>> -> memref<80xi32, #tpu.memory_space<hbm>>
        tpu.wait_dma2 semaphore(%arg12 : memref<!tpu.dma_semaphore, #tpu.memory_space<semaphore_mem>>) src(%dma_wait3A_60 : memref<80xi32, #tpu.memory_space<hbm>>) dst(%arg5 : memref<80xi32, #tpu.memory_space<vmem>>)
        %dma_wait3A_61 = arith.constant 0 : i32
        %dma_wait3A_62 = tpu.memref_slice %arg2[%mul3A_18, %dma_wait3A_61] : memref<102400x128xf32, #tpu.memory_space<hbm>> -> memref<80x128xf32, #tpu.memory_space<hbm>>
        %dma_wait3A_63 = arith.constant 0 : i32
        %dma_wait3A_64 = tpu.memref_slice %arg2[%mul3A_18, %dma_wait3A_63] : memref<102400x128xf32, #tpu.memory_space<hbm>> -> memref<80x128xf32, #tpu.memory_space<hbm>>
        tpu.wait_dma2 semaphore(%arg10 : memref<!tpu.dma_semaphore, #tpu.memory_space<semaphore_mem>>) src(%dma_wait3A_64 : memref<80x128xf32, #tpu.memory_space<hbm>>) dst(%arg7 : memref<80x128xf32, #tpu.memory_space<vmem>>)
        %add3A_65 = arith.constant 1 : i32
        %add3A_66 = arith.addi %add3A_47, %add3A_65 : i32
        %le3A_67 = arith.constant 39 : i32
        %le3A_68 = arith.cmpi sle, %add3A_66, %le3A_67 : i32
        %convert_element_type3A_69 = arith.extui %le3A_68 : i1 to i32
        %cond3A_70 = arith.constant 0 : i32
        %cond3A_71 = arith.cmpi ne, %convert_element_type3A_69, %cond3A_70 : i32
        scf.if %cond3A_71 {
          %add3A_72 = arith.constant 1 : i32
          %add3A_73 = arith.addi %add3A_47, %add3A_72 : i32
          %mul3A_74 = arith.constant 80 : i32
          %mul3A_75 = arith.muli %add3A_73, %mul3A_74 : i32
          %add3A_76 = arith.addi %mul3A_18, %mul3A_75 : i32
          %add3A_77 = arith.constant 217600 : i32
          %add3A_78 = arith.addi %add3A_77, %add3A_76 : i32
          %dma_start3A_79 = tpu.memref_slice %arg3[%add3A_78] : memref<320000xi32, #tpu.memory_space<hbm>> -> memref<80xi32, #tpu.memory_space<hbm>>
          %dma_start3A_80 = tpu.memref_slice %arg3[%add3A_78] : memref<320000xi32, #tpu.memory_space<hbm>> -> memref<80xi32, #tpu.memory_space<hbm>>
          tpu.enqueue_dma source(%dma_start3A_80 : memref<80xi32, #tpu.memory_space<hbm>>) target(%arg6 : memref<80xi32, #tpu.memory_space<vmem>>) target_semaphore(%arg13 : memref<!tpu.dma_semaphore, #tpu.memory_space<semaphore_mem>>)
          %dma_start3A_81 = arith.constant 0 : i32
          %dma_start3A_82 = tpu.memref_slice %arg2[%add3A_76, %dma_start3A_81] : memref<102400x128xf32, #tpu.memory_space<hbm>> -> memref<80x128xf32, #tpu.memory_space<hbm>>
          %dma_start3A_83 = arith.constant 0 : i32
          %dma_start3A_84 = tpu.memref_slice %arg2[%add3A_76, %dma_start3A_83] : memref<102400x128xf32, #tpu.memory_space<hbm>> -> memref<80x128xf32, #tpu.memory_space<hbm>>
          tpu.enqueue_dma source(%dma_start3A_84 : memref<80x128xf32, #tpu.memory_space<hbm>>) target(%arg8 : memref<80x128xf32, #tpu.memory_space<vmem>>) target_semaphore(%arg11 : memref<!tpu.dma_semaphore, #tpu.memory_space<semaphore_mem>>)
        } else {
        }
        "tpu.region"() ({
          %run_scoped3A = tpu.sem_alloc : memref<!tpu.dma_semaphore, #tpu.memory_space<semaphore_mem>>
          %dma_start3A_72 = arith.constant 0 : i32
          %dma_start3A_73 = arith.constant 0 : i32
          %dma_start3A_74 = tpu.memref_slice %arg9[%dma_start3A_72, %dma_start3A_73] : memref<10000x128xf32, #tpu.memory_space<vmem_shared>> -> memref<10000x128xf32, #tpu.memory_space<vmem_shared>>
          tpu.enqueue_indirect_dma source(%arg7 : memref<80x128xf32, #tpu.memory_space<vmem>>) target(%dma_start3A_74 : memref<10000x128xf32, #tpu.memory_space<vmem_shared>>) offsets(%arg5 : memref<80xi32, #tpu.memory_space<vmem>>) semaphore(%run_scoped3A : memref<!tpu.dma_semaphore, #tpu.memory_space<semaphore_mem>>) {add = true}
          %dma_wait3A_75 = arith.constant 0 : i32
          %dma_wait3A_76 = arith.constant 0 : i32
          %dma_wait3A_77 = tpu.memref_slice %arg9[%dma_wait3A_75, %dma_wait3A_76] : memref<10000x128xf32, #tpu.memory_space<vmem_shared>> -> memref<10000x128xf32, #tpu.memory_space<vmem_shared>>
          tpu.wait_indirect_dma semaphore(%run_scoped3A : memref<!tpu.dma_semaphore, #tpu.memory_space<semaphore_mem>>) src(%arg7 : memref<80x128xf32, #tpu.memory_space<vmem>>) dst(%dma_wait3A_77 : memref<10000x128xf32, #tpu.memory_space<vmem_shared>>)
          tpu.yield
        }) : () -> ()
      } else {
      }
      %mul3A_51 = arith.constant 2 : i32
      %mul3A_52 = arith.muli %mul3A_51, %scan3A_43 : i32
      %add3A_53 = arith.constant 1 : i32
      %add3A_54 = arith.addi %mul3A_52, %add3A_53 : i32
      %le3A_55 = arith.constant 39 : i32
      %le3A_56 = arith.cmpi sle, %add3A_54, %le3A_55 : i32
      %convert_element_type3A_57 = arith.extui %le3A_56 : i1 to i32
      %cond3A_58 = arith.constant 0 : i32
      %cond3A_59 = arith.cmpi ne, %convert_element_type3A_57, %cond3A_58 : i32
      scf.if %cond3A_59 {
        %dma_wait3A = tpu.memref_slice %arg3[%mul3A_18] : memref<320000xi32, #tpu.memory_space<hbm>> -> memref<80xi32, #tpu.memory_space<hbm>>
        %dma_wait3A_60 = tpu.memref_slice %arg3[%mul3A_18] : memref<320000xi32, #tpu.memory_space<hbm>> -> memref<80xi32, #tpu.memory_space<hbm>>
        tpu.wait_dma2 semaphore(%arg13 : memref<!tpu.dma_semaphore, #tpu.memory_space<semaphore_mem>>) src(%dma_wait3A_60 : memref<80xi32, #tpu.memory_space<hbm>>) dst(%arg6 : memref<80xi32, #tpu.memory_space<vmem>>)
        %dma_wait3A_61 = arith.constant 0 : i32
        %dma_wait3A_62 = tpu.memref_slice %arg2[%mul3A_18, %dma_wait3A_61] : memref<102400x128xf32, #tpu.memory_space<hbm>> -> memref<80x128xf32, #tpu.memory_space<hbm>>
        %dma_wait3A_63 = arith.constant 0 : i32
        %dma_wait3A_64 = tpu.memref_slice %arg2[%mul3A_18, %dma_wait3A_63] : memref<102400x128xf32, #tpu.memory_space<hbm>> -> memref<80x128xf32, #tpu.memory_space<hbm>>
        tpu.wait_dma2 semaphore(%arg11 : memref<!tpu.dma_semaphore, #tpu.memory_space<semaphore_mem>>) src(%dma_wait3A_64 : memref<80x128xf32, #tpu.memory_space<hbm>>) dst(%arg8 : memref<80x128xf32, #tpu.memory_space<vmem>>)
        %add3A_65 = arith.constant 1 : i32
        %add3A_66 = arith.addi %add3A_54, %add3A_65 : i32
        %le3A_67 = arith.constant 39 : i32
        %le3A_68 = arith.cmpi sle, %add3A_66, %le3A_67 : i32
        %convert_element_type3A_69 = arith.extui %le3A_68 : i1 to i32
        %cond3A_70 = arith.constant 0 : i32
        %cond3A_71 = arith.cmpi ne, %convert_element_type3A_69, %cond3A_70 : i32
        scf.if %cond3A_71 {
          %add3A_72 = arith.constant 1 : i32
          %add3A_73 = arith.addi %add3A_54, %add3A_72 : i32
          %mul3A_74 = arith.constant 80 : i32
          %mul3A_75 = arith.muli %add3A_73, %mul3A_74 : i32
          %add3A_76 = arith.addi %mul3A_18, %mul3A_75 : i32
          %add3A_77 = arith.constant 217600 : i32
          %add3A_78 = arith.addi %add3A_77, %add3A_76 : i32
          %dma_start3A_79 = tpu.memref_slice %arg3[%add3A_78] : memref<320000xi32, #tpu.memory_space<hbm>> -> memref<80xi32, #tpu.memory_space<hbm>>
          %dma_start3A_80 = tpu.memref_slice %arg3[%add3A_78] : memref<320000xi32, #tpu.memory_space<hbm>> -> memref<80xi32, #tpu.memory_space<hbm>>
          tpu.enqueue_dma source(%dma_start3A_80 : memref<80xi32, #tpu.memory_space<hbm>>) target(%arg5 : memref<80xi32, #tpu.memory_space<vmem>>) target_semaphore(%arg12 : memref<!tpu.dma_semaphore, #tpu.memory_space<semaphore_mem>>)
          %dma_start3A_81 = arith.constant 0 : i32
          %dma_start3A_82 = tpu.memref_slice %arg2[%add3A_76, %dma_start3A_81] : memref<102400x128xf32, #tpu.memory_space<hbm>> -> memref<80x128xf32, #tpu.memory_space<hbm>>
          %dma_start3A_83 = arith.constant 0 : i32
          %dma_start3A_84 = tpu.memref_slice %arg2[%add3A_76, %dma_start3A_83] : memref<102400x128xf32, #tpu.memory_space<hbm>> -> memref<80x128xf32, #tpu.memory_space<hbm>>
          tpu.enqueue_dma source(%dma_start3A_84 : memref<80x128xf32, #tpu.memory_space<hbm>>) target(%arg7 : memref<80x128xf32, #tpu.memory_space<vmem>>) target_semaphore(%arg10 : memref<!tpu.dma_semaphore, #tpu.memory_space<semaphore_mem>>)
        } else {
        }
        "tpu.region"() ({
          %run_scoped3A = tpu.sem_alloc : memref<!tpu.dma_semaphore, #tpu.memory_space<semaphore_mem>>
          %dma_start3A_72 = arith.constant 0 : i32
          %dma_start3A_73 = arith.constant 0 : i32
          %dma_start3A_74 = tpu.memref_slice %arg9[%dma_start3A_72, %dma_start3A_73] : memref<10000x128xf32, #tpu.memory_space<vmem_shared>> -> memref<10000x128xf32, #tpu.memory_space<vmem_shared>>
          tpu.enqueue_indirect_dma source(%arg8 : memref<80x128xf32, #tpu.memory_space<vmem>>) target(%dma_start3A_74 : memref<10000x128xf32, #tpu.memory_space<vmem_shared>>) offsets(%arg6 : memref<80xi32, #tpu.memory_space<vmem>>) semaphore(%run_scoped3A : memref<!tpu.dma_semaphore, #tpu.memory_space<semaphore_mem>>) {add = true}
          %dma_wait3A_75 = arith.constant 0 : i32
          %dma_wait3A_76 = arith.constant 0 : i32
          %dma_wait3A_77 = tpu.memref_slice %arg9[%dma_wait3A_75, %dma_wait3A_76] : memref<10000x128xf32, #tpu.memory_space<vmem_shared>> -> memref<10000x128xf32, #tpu.memory_space<vmem_shared>>
          tpu.wait_indirect_dma semaphore(%run_scoped3A : memref<!tpu.dma_semaphore, #tpu.memory_space<semaphore_mem>>) src(%arg8 : memref<80x128xf32, #tpu.memory_space<vmem>>) dst(%dma_wait3A_77 : memref<10000x128xf32, #tpu.memory_space<vmem_shared>>)
          tpu.yield
        }) : () -> ()
      } else {
      }
    }
    %scan3A_31 = arith.constant 20 : i32
    %barrier3A_32 = arith.constant 0 : index
    tpu.barrier barrier_id(%barrier3A_32)
    %while3A_33 = arith.constant 0 : i32
    %while3A_34 = arith.constant 0 : i32
    %while3A_35 = arith.subi %select_n3A, %while3A_34 : i32
    %while3A_36 = arith.addi %while3A_34, %while3A_35 : i32
    %while3A_37 = arith.constant 1 : i32
    %while3A_38 = arith.divsi %while3A_35, %while3A_37 : i32
    %while3A_39 = arith.muli %while3A_38, %while3A_37 : i32
    %while3A_40 = arith.addi %while3A_34, %while3A_39 : i32
    %while3A_41 = arith.constant 1 : i32
    scf.for %while3A_43 = %while3A_34 to %while3A_40 step %while3A_41  : i32 {
      %mul3A_44 = arith.constant 16 : i32
      %mul3A_45 = arith.muli %mul3A_44, %while3A_43 : i32
      %add3A_46 = arith.addi %arg1, %mul3A_45 : i32
      %mul3A_47 = arith.constant 80 : i32
      %mul3A_48 = arith.muli %add3A_46, %mul3A_47 : i32
      %mul3A_49 = arith.constant 80 : i32
      %mul3A_50 = arith.muli %add3A_46, %mul3A_49 : i32
      "tpu.region"() ({
        %run_scoped3A = tpu.sem_alloc : memref<!tpu.dma_semaphore, #tpu.memory_space<semaphore_mem>>
        %dma_start3A_51 = arith.constant 0 : i32
        %dma_start3A_52 = tpu.memref_slice %arg4[%arg0, %mul3A_50, %dma_start3A_51] : memref<2x10000x128xf32, #tpu.memory_space<hbm>> -> memref<1x80x128xf32, #tpu.memory_space<hbm>>
        %dma_start3A_53 = tpu.memref_squeeze %dma_start3A_52 : memref<1x80x128xf32, #tpu.memory_space<hbm>> -> memref<80x128xf32, #tpu.memory_space<hbm>>
        %dma_start3A_54 = arith.constant 0 : i32
        %dma_start3A_55 = tpu.memref_slice %arg9[%mul3A_48, %dma_start3A_54] : memref<10000x128xf32, #tpu.memory_space<vmem_shared>> -> memref<80x128xf32, #tpu.memory_space<vmem_shared>>
        tpu.enqueue_dma source(%dma_start3A_55 : memref<80x128xf32, #tpu.memory_space<vmem_shared>>) target(%dma_start3A_53 : memref<80x128xf32, #tpu.memory_space<hbm>>) target_semaphore(%run_scoped3A : memref<!tpu.dma_semaphore, #tpu.memory_space<semaphore_mem>>)
        %dma_wait3A = arith.constant 0 : i32
        %dma_wait3A_56 = tpu.memref_slice %arg4[%arg0, %mul3A_50, %dma_wait3A] : memref<2x10000x128xf32, #tpu.memory_space<hbm>> -> memref<1x80x128xf32, #tpu.memory_space<hbm>>
        %dma_wait3A_57 = tpu.memref_squeeze %dma_wait3A_56 : memref<1x80x128xf32, #tpu.memory_space<hbm>> -> memref<80x128xf32, #tpu.memory_space<hbm>>
        %dma_wait3A_58 = arith.constant 0 : i32
        %dma_wait3A_59 = tpu.memref_slice %arg9[%mul3A_48, %dma_wait3A_58] : memref<10000x128xf32, #tpu.memory_space<vmem_shared>> -> memref<80x128xf32, #tpu.memory_space<vmem_shared>>
        tpu.wait_dma2 semaphore(%run_scoped3A : memref<!tpu.dma_semaphore, #tpu.memory_space<semaphore_mem>>) src(%dma_wait3A_59 : memref<80x128xf32, #tpu.memory_space<vmem_shared>>) dst(%dma_wait3A_57 : memref<80x128xf32, #tpu.memory_space<hbm>>)
        tpu.yield
      }) : () -> ()
    }
    %while3A_42 = arith.constant 1 : i32
    scf.for %while3A_43 = %while3A_40 to %while3A_36 step %while3A_42  : i32 {
      %mul3A_44 = arith.constant 16 : i32
      %mul3A_45 = arith.muli %mul3A_44, %while3A_43 : i32
      %add3A_46 = arith.addi %arg1, %mul3A_45 : i32
      %mul3A_47 = arith.constant 80 : i32
      %mul3A_48 = arith.muli %add3A_46, %mul3A_47 : i32
      %mul3A_49 = arith.constant 80 : i32
      %mul3A_50 = arith.muli %add3A_46, %mul3A_49 : i32
      "tpu.region"() ({
        %run_scoped3A = tpu.sem_alloc : memref<!tpu.dma_semaphore, #tpu.memory_space<semaphore_mem>>
        %dma_start3A_51 = arith.constant 0 : i32
        %dma_start3A_52 = tpu.memref_slice %arg4[%arg0, %mul3A_50, %dma_start3A_51] : memref<2x10000x128xf32, #tpu.memory_space<hbm>> -> memref<1x80x128xf32, #tpu.memory_space<hbm>>
        %dma_start3A_53 = tpu.memref_squeeze %dma_start3A_52 : memref<1x80x128xf32, #tpu.memory_space<hbm>> -> memref<80x128xf32, #tpu.memory_space<hbm>>
        %dma_start3A_54 = arith.constant 0 : i32
        %dma_start3A_55 = tpu.memref_slice %arg9[%mul3A_48, %dma_start3A_54] : memref<10000x128xf32, #tpu.memory_space<vmem_shared>> -> memref<80x128xf32, #tpu.memory_space<vmem_shared>>
        tpu.enqueue_dma source(%dma_start3A_55 : memref<80x128xf32, #tpu.memory_space<vmem_shared>>) target(%dma_start3A_53 : memref<80x128xf32, #tpu.memory_space<hbm>>) target_semaphore(%run_scoped3A : memref<!tpu.dma_semaphore, #tpu.memory_space<semaphore_mem>>)
        %dma_wait3A = arith.constant 0 : i32
        %dma_wait3A_56 = tpu.memref_slice %arg4[%arg0, %mul3A_50, %dma_wait3A] : memref<2x10000x128xf32, #tpu.memory_space<hbm>> -> memref<1x80x128xf32, #tpu.memory_space<hbm>>
        %dma_wait3A_57 = tpu.memref_squeeze %dma_wait3A_56 : memref<1x80x128xf32, #tpu.memory_space<hbm>> -> memref<80x128xf32, #tpu.memory_space<hbm>>
        %dma_wait3A_58 = arith.constant 0 : i32
        %dma_wait3A_59 = tpu.memref_slice %arg9[%mul3A_48, %dma_wait3A_58] : memref<10000x128xf32, #tpu.memory_space<vmem_shared>> -> memref<80x128xf32, #tpu.memory_space<vmem_shared>>
        tpu.wait_dma2 semaphore(%run_scoped3A : memref<!tpu.dma_semaphore, #tpu.memory_space<semaphore_mem>>) src(%dma_wait3A_59 : memref<80x128xf32, #tpu.memory_space<vmem_shared>>) dst(%dma_wait3A_57 : memref<80x128xf32, #tpu.memory_space<hbm>>)
        tpu.yield
      }) : () -> ()
    }
    return
  }
}

module attributes {stable_mosaic.version = 14 : i64} {
  func.func @_prep_body(%arg0: i32, %arg1: memref<2000x128xf32, #tpu.memory_space<vmem>>, %arg2: memref<128x128xf32, #tpu.memory_space<vmem>>, %arg3: memref<128x128xf32, #tpu.memory_space<vmem>>, %arg4: memref<128x128xf32, #tpu.memory_space<vmem>>, %arg5: memref<1x128xf32, #tpu.memory_space<vmem>>, %arg6: memref<128x128xf32, #tpu.memory_space<vmem>>, %arg7: memref<128x128xf32, #tpu.memory_space<vmem>>, %arg8: memref<1x128xf32, #tpu.memory_space<vmem>>, %arg9: memref<1x128xf32, #tpu.memory_space<vmem>>, %arg10: memref<2000x128xf32, #tpu.memory_space<vmem>>, %arg11: memref<2000x128xf32, #tpu.memory_space<vmem>>, %arg12: memref<2000x128xf32, #tpu.memory_space<vmem>>, %arg13: memref<1x128xf32, #tpu.memory_space<vmem>>, %arg14: memref<1x128xf32, #tpu.memory_space<vmem>>) attributes {dimension_semantics = [#tpu.dimension_semantics<arbitrary>], iteration_bounds = array<i64: 5>, scalar_prefetch = 0 : i64, scratch_operands = 0 : i64, tpu.core_type = #tpu.core_type<tc>, window_params = [{transform_indices = @transform_0, window_bounds = array<i64: 2000, 128>}, {pipeline_mode = #tpu.pipeline_mode<synchronous>, transform_indices = @transform_1, window_bounds = array<i64: 128, 128>}, {pipeline_mode = #tpu.pipeline_mode<synchronous>, transform_indices = @transform_2, window_bounds = array<i64: 128, 128>}, {pipeline_mode = #tpu.pipeline_mode<synchronous>, transform_indices = @transform_3, window_bounds = array<i64: 128, 128>}, {pipeline_mode = #tpu.pipeline_mode<synchronous>, transform_indices = @transform_4, window_bounds = array<i64: 1, 128>}, {pipeline_mode = #tpu.pipeline_mode<synchronous>, transform_indices = @transform_5, window_bounds = array<i64: 128, 128>}, {pipeline_mode = #tpu.pipeline_mode<synchronous>, transform_indices = @transform_6, window_bounds = array<i64: 128, 128>}, {pipeline_mode = #tpu.pipeline_mode<synchronous>, transform_indices = @transform_7, window_bounds = array<i64: 1, 128>}, {pipeline_mode = #tpu.pipeline_mode<synchronous>, transform_indices = @transform_8, window_bounds = array<i64: 1, 128>}, {transform_indices = @transform_9, window_bounds = array<i64: 2000, 128>}, {transform_indices = @transform_10, window_bounds = array<i64: 2000, 128>}, {transform_indices = @transform_11, window_bounds = array<i64: 2000, 128>}, {pipeline_mode = #tpu.pipeline_mode<synchronous>, transform_indices = @transform_12, window_bounds = array<i64: 1, 128>}, {pipeline_mode = #tpu.pipeline_mode<synchronous>, transform_indices = @transform_13, window_bounds = array<i64: 1, 128>}]} {
    %get3A = arith.constant 0 : index
    %get3A_0 = arith.constant 0 : index
    %get3A_1 = vector.load %arg1[%get3A, %get3A_0] : memref<2000x128xf32, #tpu.memory_space<vmem>>, vector<2000x128xf32>
    %get3A_2 = arith.constant 0 : index
    %get3A_3 = arith.constant 0 : index
    %get3A_4 = vector.load %arg2[%get3A_2, %get3A_3] : memref<128x128xf32, #tpu.memory_space<vmem>>, vector<128x128xf32>
    %dot_general3A = arith.constant dense<0.000000e+00> : vector<2000x128xf32>
    %dot_general3A_5 = tpu.matmul %get3A_1, %get3A_4, %dot_general3A {dimension_numbers = #tpu.dot_dimension_numbers<[1], [0], [0], [1], [0, 0, 1, 1], [], []>, transpose_lhs_hint = false} : vector<2000x128xf32>, vector<128x128xf32>, vector<2000x128xf32> -> vector<2000x128xf32>
    %swap3A = arith.constant 0 : index
    %swap3A_6 = arith.constant 0 : index
    %swap3A_7 = vector.load %arg10[%swap3A, %swap3A_6] : memref<2000x128xf32, #tpu.memory_space<vmem>>, vector<2000x128xf32>
    tpu.vector_store %arg10[%swap3A, %swap3A_6], %dot_general3A_5 {strides = array<i32>} : memref<2000x128xf32, #tpu.memory_space<vmem>>, vector<2000x128xf32>,
    %get3A_8 = arith.constant 0 : index
    %get3A_9 = arith.constant 0 : index
    %get3A_10 = vector.load %arg3[%get3A_8, %get3A_9] : memref<128x128xf32, #tpu.memory_space<vmem>>, vector<128x128xf32>
    %dot_general3A_11 = arith.constant dense<0.000000e+00> : vector<2000x128xf32>
    %dot_general3A_12 = tpu.matmul %get3A_1, %get3A_10, %dot_general3A_11 {dimension_numbers = #tpu.dot_dimension_numbers<[1], [0], [0], [1], [0, 0, 1, 1], [], []>, transpose_lhs_hint = false} : vector<2000x128xf32>, vector<128x128xf32>, vector<2000x128xf32> -> vector<2000x128xf32>
    %swap3A_13 = arith.constant 0 : index
    %swap3A_14 = arith.constant 0 : index
    %swap3A_15 = vector.load %arg11[%swap3A_13, %swap3A_14] : memref<2000x128xf32, #tpu.memory_space<vmem>>, vector<2000x128xf32>
    tpu.vector_store %arg11[%swap3A_13, %swap3A_14], %dot_general3A_12 {strides = array<i32>} : memref<2000x128xf32, #tpu.memory_space<vmem>>, vector<2000x128xf32>,
    %get3A_16 = arith.constant 0 : index
    %get3A_17 = arith.constant 0 : index
    %get3A_18 = vector.load %arg4[%get3A_16, %get3A_17] : memref<128x128xf32, #tpu.memory_space<vmem>>, vector<128x128xf32>
    %dot_general3A_19 = arith.constant dense<0.000000e+00> : vector<2000x128xf32>
    %dot_general3A_20 = tpu.matmul %get3A_1, %get3A_18, %dot_general3A_19 {dimension_numbers = #tpu.dot_dimension_numbers<[1], [0], [0], [1], [0, 0, 1, 1], [], []>, transpose_lhs_hint = false} : vector<2000x128xf32>, vector<128x128xf32>, vector<2000x128xf32> -> vector<2000x128xf32>
    %swap3A_21 = arith.constant 0 : index
    %swap3A_22 = arith.constant 0 : index
    %swap3A_23 = vector.load %arg12[%swap3A_21, %swap3A_22] : memref<2000x128xf32, #tpu.memory_space<vmem>>, vector<2000x128xf32>
    tpu.vector_store %arg12[%swap3A_21, %swap3A_22], %dot_general3A_20 {strides = array<i32>} : memref<2000x128xf32, #tpu.memory_space<vmem>>, vector<2000x128xf32>,
    %eq3A = arith.constant 0 : i32
    %eq3A_24 = arith.cmpi eq, %arg0, %eq3A : i32
    %convert_element_type3A = arith.extui %eq3A_24 : i1 to i32
    %cond3A = arith.constant 0 : i32
    %cond3A_25 = arith.cmpi ne, %convert_element_type3A, %cond3A : i32
    scf.if %cond3A_25 {
      %get3A_26 = arith.constant 0 : index
      %get3A_27 = arith.constant 0 : index
      %get3A_28 = vector.load %arg5[%get3A_26, %get3A_27] : memref<1x128xf32, #tpu.memory_space<vmem>>, vector<1x128xf32>
      %get3A_29 = arith.constant 0 : index
      %get3A_30 = arith.constant 0 : index
      %get3A_31 = vector.load %arg6[%get3A_29, %get3A_30] : memref<128x128xf32, #tpu.memory_space<vmem>>, vector<128x128xf32>
      %dot_general3A_32 = arith.constant dense<0.000000e+00> : vector<1x128xf32>
      %dot_general3A_33 = tpu.matmul %get3A_28, %get3A_31, %dot_general3A_32 {dimension_numbers = #tpu.dot_dimension_numbers<[1], [0], [0], [1], [0, 0, 1, 1], [], []>, transpose_lhs_hint = false} : vector<1x128xf32>, vector<128x128xf32>, vector<1x128xf32> -> vector<1x128xf32>
      %get3A_34 = arith.constant 0 : index
      %get3A_35 = arith.constant 0 : index
      %get3A_36 = vector.load %arg8[%get3A_34, %get3A_35] : memref<1x128xf32, #tpu.memory_space<vmem>>, vector<1x128xf32>
      %add3A = arith.addf %dot_general3A_33, %get3A_36 : vector<1x128xf32>
      %swap3A_37 = arith.constant 0 : index
      %swap3A_38 = arith.constant 0 : index
      %swap3A_39 = vector.load %arg13[%swap3A_37, %swap3A_38] : memref<1x128xf32, #tpu.memory_space<vmem>>, vector<1x128xf32>
      tpu.vector_store %arg13[%swap3A_37, %swap3A_38], %add3A {strides = array<i32>} : memref<1x128xf32, #tpu.memory_space<vmem>>, vector<1x128xf32>,
      %get3A_40 = arith.constant 0 : index
      %get3A_41 = arith.constant 0 : index
      %get3A_42 = vector.load %arg7[%get3A_40, %get3A_41] : memref<128x128xf32, #tpu.memory_space<vmem>>, vector<128x128xf32>
      %dot_general3A_43 = arith.constant dense<0.000000e+00> : vector<1x128xf32>
      %dot_general3A_44 = tpu.matmul %get3A_28, %get3A_42, %dot_general3A_43 {dimension_numbers = #tpu.dot_dimension_numbers<[1], [0], [0], [1], [0, 0, 1, 1], [], []>, transpose_lhs_hint = false} : vector<1x128xf32>, vector<128x128xf32>, vector<1x128xf32> -> vector<1x128xf32>
      %get3A_45 = arith.constant 0 : index
      %get3A_46 = arith.constant 0 : index
      %get3A_47 = vector.load %arg9[%get3A_45, %get3A_46] : memref<1x128xf32, #tpu.memory_space<vmem>>, vector<1x128xf32>
      %add3A_48 = arith.addf %dot_general3A_44, %get3A_47 : vector<1x128xf32>
      %swap3A_49 = arith.constant 0 : index
      %swap3A_50 = arith.constant 0 : index
      %swap3A_51 = vector.load %arg14[%swap3A_49, %swap3A_50] : memref<1x128xf32, #tpu.memory_space<vmem>>, vector<1x128xf32>
      tpu.vector_store %arg14[%swap3A_49, %swap3A_50], %add3A_48 {strides = array<i32>} : memref<1x128xf32, #tpu.memory_space<vmem>>, vector<1x128xf32>,
    } else {
    }
    return
  }
  func.func @transform_0(%arg0: i32) -> (i32, i32) {
    %c0_i32 = arith.constant 0 : i32
    %c0_i32_0 = arith.constant 0 : i32
    return %arg0, %c0_i32 : i32, i32
  }
  func.func @transform_1(%arg0: i32) -> (i32, i32) {
    %c0_i32 = arith.constant 0 : i32
    %c0_i32_0 = arith.constant 0 : i32
    %c0_i32_1 = arith.constant 0 : i32
    return %c0_i32, %c0_i32_0 : i32, i32
  }
  func.func @transform_2(%arg0: i32) -> (i32, i32) {
    %c0_i32 = arith.constant 0 : i32
    %c0_i32_0 = arith.constant 0 : i32
    %c0_i32_1 = arith.constant 0 : i32
    return %c0_i32, %c0_i32_0 : i32, i32
  }
  func.func @transform_3(%arg0: i32) -> (i32, i32) {
    %c0_i32 = arith.constant 0 : i32
    %c0_i32_0 = arith.constant 0 : i32
    %c0_i32_1 = arith.constant 0 : i32
    return %c0_i32, %c0_i32_0 : i32, i32
  }
  func.func @transform_4(%arg0: i32) -> (i32, i32) {
    %c0_i32 = arith.constant 0 : i32
    %c0_i32_0 = arith.constant 0 : i32
    %c0_i32_1 = arith.constant 0 : i32
    return %c0_i32, %c0_i32_0 : i32, i32
  }
  func.func @transform_5(%arg0: i32) -> (i32, i32) {
    %c0_i32 = arith.constant 0 : i32
    %c0_i32_0 = arith.constant 0 : i32
    %c0_i32_1 = arith.constant 0 : i32
    return %c0_i32, %c0_i32_0 : i32, i32
  }
  func.func @transform_6(%arg0: i32) -> (i32, i32) {
    %c0_i32 = arith.constant 0 : i32
    %c0_i32_0 = arith.constant 0 : i32
    %c0_i32_1 = arith.constant 0 : i32
    return %c0_i32, %c0_i32_0 : i32, i32
  }
  func.func @transform_7(%arg0: i32) -> (i32, i32) {
    %c0_i32 = arith.constant 0 : i32
    %c0_i32_0 = arith.constant 0 : i32
    %c0_i32_1 = arith.constant 0 : i32
    return %c0_i32, %c0_i32_0 : i32, i32
  }
  func.func @transform_8(%arg0: i32) -> (i32, i32) {
    %c0_i32 = arith.constant 0 : i32
    %c0_i32_0 = arith.constant 0 : i32
    %c0_i32_1 = arith.constant 0 : i32
    return %c0_i32, %c0_i32_0 : i32, i32
  }
  func.func @transform_9(%arg0: i32) -> (i32, i32) {
    %c0_i32 = arith.constant 0 : i32
    %c0_i32_0 = arith.constant 0 : i32
    return %arg0, %c0_i32 : i32, i32
  }
  func.func @transform_10(%arg0: i32) -> (i32, i32) {
    %c0_i32 = arith.constant 0 : i32
    %c0_i32_0 = arith.constant 0 : i32
    return %arg0, %c0_i32 : i32, i32
  }
  func.func @transform_11(%arg0: i32) -> (i32, i32) {
    %c0_i32 = arith.constant 0 : i32
    %c0_i32_0 = arith.constant 0 : i32
    return %arg0, %c0_i32 : i32, i32
  }
  func.func @transform_12(%arg0: i32) -> (i32, i32) {
    %c0_i32 = arith.constant 0 : i32
    %c0_i32_0 = arith.constant 0 : i32
    %c0_i32_1 = arith.constant 0 : i32
    return %c0_i32, %c0_i32_0 : i32, i32
  }
  func.func @transform_13(%arg0: i32) -> (i32, i32) {
    %c0_i32 = arith.constant 0 : i32
    %c0_i32_0 = arith.constant 0 : i32
    %c0_i32_1 = arith.constant 0 : i32
    return %c0_i32, %c0_i32_0 : i32, i32
  }
}

module attributes {stable_mosaic.version = 14 : i64} {
  func.func @_edge_body(%arg0: i32, %arg1: memref<16x6400xf32, #tpu.memory_space<vmem>>, %arg2: memref<6400x128xf32, #tpu.memory_space<vmem>>, %arg3: memref<16x128xf32, #tpu.memory_space<vmem>>, %arg4: memref<128x128xf32, #tpu.memory_space<vmem>>, %arg5: memref<128x128xf32, #tpu.memory_space<vmem>>, %arg6: memref<128x128xf32, #tpu.memory_space<vmem>>, %arg7: memref<1x128xf32, #tpu.memory_space<vmem>>, %arg8: memref<1x128xf32, #tpu.memory_space<vmem>>, %arg9: memref<1x128xf32, #tpu.memory_space<vmem>>, %arg10: memref<1x128xf32, #tpu.memory_space<vmem>>, %arg11: memref<128x128xf32, #tpu.memory_space<vmem>>, %arg12: memref<6400x128xf32, #tpu.memory_space<vmem>>, %arg13: memref<1x128xf32, #tpu.memory_space<vmem>>, %arg14: memref<6400x128xf32, #tpu.memory_space<vmem>>) attributes {dimension_semantics = [#tpu.dimension_semantics<arbitrary>], iteration_bounds = array<i64: 18>, scalar_prefetch = 0 : i64, scratch_operands = 0 : i64, tpu.core_type = #tpu.core_type<tc>, window_params = [{transform_indices = @transform_0, window_bounds = array<i64: 16, 6400>}, {transform_indices = @transform_1, window_bounds = array<i64: 6400, 128>}, {pipeline_mode = #tpu.pipeline_mode<synchronous>, transform_indices = @transform_2, window_bounds = array<i64: 16, 128>}, {pipeline_mode = #tpu.pipeline_mode<synchronous>, transform_indices = @transform_3, window_bounds = array<i64: 128, 128>}, {pipeline_mode = #tpu.pipeline_mode<synchronous>, transform_indices = @transform_4, window_bounds = array<i64: 128, 128>}, {pipeline_mode = #tpu.pipeline_mode<synchronous>, transform_indices = @transform_5, window_bounds = array<i64: 128, 128>}, {pipeline_mode = #tpu.pipeline_mode<synchronous>, transform_indices = @transform_6, window_bounds = array<i64: 1, 128>}, {pipeline_mode = #tpu.pipeline_mode<synchronous>, transform_indices = @transform_7, window_bounds = array<i64: 1, 128>}, {pipeline_mode = #tpu.pipeline_mode<synchronous>, transform_indices = @transform_8, window_bounds = array<i64: 1, 128>}, {pipeline_mode = #tpu.pipeline_mode<synchronous>, transform_indices = @transform_9, window_bounds = array<i64: 1, 128>}, {pipeline_mode = #tpu.pipeline_mode<synchronous>, transform_indices = @transform_10, window_bounds = array<i64: 128, 128>}, {transform_indices = @transform_11, window_bounds = array<i64: 6400, 128>}, {pipeline_mode = #tpu.pipeline_mode<synchronous>, transform_indices = @transform_12, window_bounds = array<i64: 1, 128>}, {transform_indices = @transform_13, window_bounds = array<i64: 6400, 128>}]} {
    %get3A = arith.constant 0 : index
    %get3A_0 = arith.constant 0 : index
    %get3A_1 = vector.load %arg11[%get3A, %get3A_0] : memref<128x128xf32, #tpu.memory_space<vmem>>, vector<128x128xf32>
    %get3A_2 = arith.constant 0 : index
    %get3A_3 = arith.constant 0 : index
    %get3A_4 = vector.load %arg1[%get3A_2, %get3A_3] : memref<16x6400xf32, #tpu.memory_space<vmem>>, vector<16x6400xf32>
    %get3A_5 = arith.constant 0 : index
    %get3A_6 = arith.constant 0 : index
    %get3A_7 = vector.load %arg3[%get3A_5, %get3A_6] : memref<16x128xf32, #tpu.memory_space<vmem>>, vector<16x128xf32>
    %dot_general3A = arith.constant dense<0.000000e+00> : vector<6400x128xf32>
    %dot_general3A_8 = tpu.matmul %get3A_4, %get3A_7, %dot_general3A {dimension_numbers = #tpu.dot_dimension_numbers<[0], [0], [1], [1], [0, 1, 1, 1], [], []>, transpose_lhs_hint = false} : vector<16x6400xf32>, vector<16x128xf32>, vector<6400x128xf32> -> vector<6400x128xf32>
    %get3A_9 = arith.constant 0 : index
    %get3A_10 = arith.constant 0 : index
    %get3A_11 = vector.load %arg2[%get3A_9, %get3A_10] : memref<6400x128xf32, #tpu.memory_space<vmem>>, vector<6400x128xf32>
    %add3A = arith.addf %dot_general3A_8, %get3A_11 : vector<6400x128xf32>
    %get3A_12 = arith.constant 0 : index
    %get3A_13 = arith.constant 0 : index
    %get3A_14 = vector.load %arg10[%get3A_12, %get3A_13] : memref<1x128xf32, #tpu.memory_space<vmem>>, vector<1x128xf32>
    %add3A_15 = vector.broadcast %get3A_14 : vector<1x128xf32> to vector<6400x128xf32>
    %add3A_16 = arith.addf %add3A, %add3A_15 : vector<6400x128xf32>
    %dot_general3A_17 = arith.constant dense<0.000000e+00> : vector<6400x128xf32>
    %dot_general3A_18 = tpu.matmul %add3A_16, %get3A_1, %dot_general3A_17 {dimension_numbers = #tpu.dot_dimension_numbers<[1], [0], [0], [1], [0, 0, 1, 1], [], []>, transpose_lhs_hint = false} : vector<6400x128xf32>, vector<128x128xf32>, vector<6400x128xf32> -> vector<6400x128xf32>
    %mul3A = arith.mulf %add3A_16, %add3A_16 : vector<6400x128xf32>
    %dot_general3A_19 = arith.constant dense<0.000000e+00> : vector<6400x128xf32>
    %dot_general3A_20 = tpu.matmul %mul3A, %get3A_1, %dot_general3A_19 {dimension_numbers = #tpu.dot_dimension_numbers<[1], [0], [0], [1], [0, 0, 1, 1], [], []>, transpose_lhs_hint = false} : vector<6400x128xf32>, vector<128x128xf32>, vector<6400x128xf32> -> vector<6400x128xf32>
    %mul3A_21 = arith.constant 7.812500e-03 : f32
    %mul3A_22 = vector.broadcast %mul3A_21 : f32 to vector<6400x128xf32>
    %mul3A_23 = arith.mulf %dot_general3A_18, %mul3A_22 : vector<6400x128xf32>
    %mul3A_24 = arith.constant 7.812500e-03 : f32
    %mul3A_25 = vector.broadcast %mul3A_24 : f32 to vector<6400x128xf32>
    %mul3A_26 = arith.mulf %dot_general3A_20, %mul3A_25 : vector<6400x128xf32>
    %mul3A_27 = arith.mulf %mul3A_23, %mul3A_23 : vector<6400x128xf32>
    %sub3A = arith.subf %mul3A_26, %mul3A_27 : vector<6400x128xf32>
    %sub3A_28 = arith.subf %add3A_16, %mul3A_23 : vector<6400x128xf32>
    %add3A_29 = arith.constant 9.99999974E-6 : f32
    %add3A_30 = vector.broadcast %add3A_29 : f32 to vector<6400x128xf32>
    %add3A_31 = arith.addf %sub3A, %add3A_30 : vector<6400x128xf32>
    %rsqrt3A = math.rsqrt %add3A_31 : vector<6400x128xf32>
    %mul3A_32 = arith.mulf %sub3A_28, %rsqrt3A : vector<6400x128xf32>
    %max3A = arith.constant 0.000000e+00 : f32
    %max3A_33 = vector.broadcast %max3A : f32 to vector<6400x128xf32>
    %max3A_34 = arith.maximumf %mul3A_32, %max3A_33 : vector<6400x128xf32>
    %get3A_35 = arith.constant 0 : index
    %get3A_36 = arith.constant 0 : index
    %get3A_37 = vector.load %arg4[%get3A_35, %get3A_36] : memref<128x128xf32, #tpu.memory_space<vmem>>, vector<128x128xf32>
    %dot_general3A_38 = arith.constant dense<0.000000e+00> : vector<6400x128xf32>
    %dot_general3A_39 = tpu.matmul %max3A_34, %get3A_37, %dot_general3A_38 {dimension_numbers = #tpu.dot_dimension_numbers<[1], [0], [0], [1], [0, 0, 1, 1], [], []>, transpose_lhs_hint = false} : vector<6400x128xf32>, vector<128x128xf32>, vector<6400x128xf32> -> vector<6400x128xf32>
    %get3A_40 = arith.constant 0 : index
    %get3A_41 = arith.constant 0 : index
    %get3A_42 = vector.load %arg7[%get3A_40, %get3A_41] : memref<1x128xf32, #tpu.memory_space<vmem>>, vector<1x128xf32>
    %add3A_43 = vector.broadcast %get3A_42 : vector<1x128xf32> to vector<6400x128xf32>
    %add3A_44 = arith.addf %dot_general3A_39, %add3A_43 : vector<6400x128xf32>
    %dot_general3A_45 = arith.constant dense<0.000000e+00> : vector<6400x128xf32>
    %dot_general3A_46 = tpu.matmul %add3A_44, %get3A_1, %dot_general3A_45 {dimension_numbers = #tpu.dot_dimension_numbers<[1], [0], [0], [1], [0, 0, 1, 1], [], []>, transpose_lhs_hint = false} : vector<6400x128xf32>, vector<128x128xf32>, vector<6400x128xf32> -> vector<6400x128xf32>
    %mul3A_47 = arith.mulf %add3A_44, %add3A_44 : vector<6400x128xf32>
    %dot_general3A_48 = arith.constant dense<0.000000e+00> : vector<6400x128xf32>
    %dot_general3A_49 = tpu.matmul %mul3A_47, %get3A_1, %dot_general3A_48 {dimension_numbers = #tpu.dot_dimension_numbers<[1], [0], [0], [1], [0, 0, 1, 1], [], []>, transpose_lhs_hint = false} : vector<6400x128xf32>, vector<128x128xf32>, vector<6400x128xf32> -> vector<6400x128xf32>
    %mul3A_50 = arith.constant 7.812500e-03 : f32
    %mul3A_51 = vector.broadcast %mul3A_50 : f32 to vector<6400x128xf32>
    %mul3A_52 = arith.mulf %dot_general3A_46, %mul3A_51 : vector<6400x128xf32>
    %mul3A_53 = arith.constant 7.812500e-03 : f32
    %mul3A_54 = vector.broadcast %mul3A_53 : f32 to vector<6400x128xf32>
    %mul3A_55 = arith.mulf %dot_general3A_49, %mul3A_54 : vector<6400x128xf32>
    %mul3A_56 = arith.mulf %mul3A_52, %mul3A_52 : vector<6400x128xf32>
    %sub3A_57 = arith.subf %mul3A_55, %mul3A_56 : vector<6400x128xf32>
    %sub3A_58 = arith.subf %add3A_44, %mul3A_52 : vector<6400x128xf32>
    %add3A_59 = arith.constant 9.99999974E-6 : f32
    %add3A_60 = vector.broadcast %add3A_59 : f32 to vector<6400x128xf32>
    %add3A_61 = arith.addf %sub3A_57, %add3A_60 : vector<6400x128xf32>
    %rsqrt3A_62 = math.rsqrt %add3A_61 : vector<6400x128xf32>
    %mul3A_63 = arith.mulf %sub3A_58, %rsqrt3A_62 : vector<6400x128xf32>
    %max3A_64 = arith.constant 0.000000e+00 : f32
    %max3A_65 = vector.broadcast %max3A_64 : f32 to vector<6400x128xf32>
    %max3A_66 = arith.maximumf %mul3A_63, %max3A_65 : vector<6400x128xf32>
    %get3A_67 = arith.constant 0 : index
    %get3A_68 = arith.constant 0 : index
    %get3A_69 = vector.load %arg5[%get3A_67, %get3A_68] : memref<128x128xf32, #tpu.memory_space<vmem>>, vector<128x128xf32>
    %dot_general3A_70 = arith.constant dense<0.000000e+00> : vector<6400x128xf32>
    %dot_general3A_71 = tpu.matmul %max3A_66, %get3A_69, %dot_general3A_70 {dimension_numbers = #tpu.dot_dimension_numbers<[1], [0], [0], [1], [0, 0, 1, 1], [], []>, transpose_lhs_hint = false} : vector<6400x128xf32>, vector<128x128xf32>, vector<6400x128xf32> -> vector<6400x128xf32>
    %get3A_72 = arith.constant 0 : index
    %get3A_73 = arith.constant 0 : index
    %get3A_74 = vector.load %arg8[%get3A_72, %get3A_73] : memref<1x128xf32, #tpu.memory_space<vmem>>, vector<1x128xf32>
    %add3A_75 = vector.broadcast %get3A_74 : vector<1x128xf32> to vector<6400x128xf32>
    %add3A_76 = arith.addf %dot_general3A_71, %add3A_75 : vector<6400x128xf32>
    %dot_general3A_77 = arith.constant dense<0.000000e+00> : vector<6400x128xf32>
    %dot_general3A_78 = tpu.matmul %add3A_76, %get3A_1, %dot_general3A_77 {dimension_numbers = #tpu.dot_dimension_numbers<[1], [0], [0], [1], [0, 0, 1, 1], [], []>, transpose_lhs_hint = false} : vector<6400x128xf32>, vector<128x128xf32>, vector<6400x128xf32> -> vector<6400x128xf32>
    %mul3A_79 = arith.mulf %add3A_76, %add3A_76 : vector<6400x128xf32>
    %dot_general3A_80 = arith.constant dense<0.000000e+00> : vector<6400x128xf32>
    %dot_general3A_81 = tpu.matmul %mul3A_79, %get3A_1, %dot_general3A_80 {dimension_numbers = #tpu.dot_dimension_numbers<[1], [0], [0], [1], [0, 0, 1, 1], [], []>, transpose_lhs_hint = false} : vector<6400x128xf32>, vector<128x128xf32>, vector<6400x128xf32> -> vector<6400x128xf32>
    %mul3A_82 = arith.constant 7.812500e-03 : f32
    %mul3A_83 = vector.broadcast %mul3A_82 : f32 to vector<6400x128xf32>
    %mul3A_84 = arith.mulf %dot_general3A_78, %mul3A_83 : vector<6400x128xf32>
    %mul3A_85 = arith.constant 7.812500e-03 : f32
    %mul3A_86 = vector.broadcast %mul3A_85 : f32 to vector<6400x128xf32>
    %mul3A_87 = arith.mulf %dot_general3A_81, %mul3A_86 : vector<6400x128xf32>
    %mul3A_88 = arith.mulf %mul3A_84, %mul3A_84 : vector<6400x128xf32>
    %sub3A_89 = arith.subf %mul3A_87, %mul3A_88 : vector<6400x128xf32>
    %sub3A_90 = arith.subf %add3A_76, %mul3A_84 : vector<6400x128xf32>
    %add3A_91 = arith.constant 9.99999974E-6 : f32
    %add3A_92 = vector.broadcast %add3A_91 : f32 to vector<6400x128xf32>
    %add3A_93 = arith.addf %sub3A_89, %add3A_92 : vector<6400x128xf32>
    %rsqrt3A_94 = math.rsqrt %add3A_93 : vector<6400x128xf32>
    %mul3A_95 = arith.mulf %sub3A_90, %rsqrt3A_94 : vector<6400x128xf32>
    %max3A_96 = arith.constant 0.000000e+00 : f32
    %max3A_97 = vector.broadcast %max3A_96 : f32 to vector<6400x128xf32>
    %max3A_98 = arith.maximumf %mul3A_95, %max3A_97 : vector<6400x128xf32>
    %get3A_99 = arith.constant 0 : index
    %get3A_100 = arith.constant 0 : index
    %get3A_101 = vector.load %arg6[%get3A_99, %get3A_100] : memref<128x128xf32, #tpu.memory_space<vmem>>, vector<128x128xf32>
    %dot_general3A_102 = arith.constant dense<0.000000e+00> : vector<6400x128xf32>
    %dot_general3A_103 = tpu.matmul %max3A_98, %get3A_101, %dot_general3A_102 {dimension_numbers = #tpu.dot_dimension_numbers<[1], [0], [0], [1], [0, 0, 1, 1], [], []>, transpose_lhs_hint = false} : vector<6400x128xf32>, vector<128x128xf32>, vector<6400x128xf32> -> vector<6400x128xf32>
    %get3A_104 = arith.constant 0 : index
    %get3A_105 = arith.constant 0 : index
    %get3A_106 = vector.load %arg9[%get3A_104, %get3A_105] : memref<1x128xf32, #tpu.memory_space<vmem>>, vector<1x128xf32>
    %add3A_107 = vector.broadcast %get3A_106 : vector<1x128xf32> to vector<6400x128xf32>
    %add3A_108 = arith.addf %dot_general3A_103, %add3A_107 : vector<6400x128xf32>
    %swap3A = arith.constant 0 : index
    %swap3A_109 = arith.constant 0 : index
    %swap3A_110 = vector.load %arg12[%swap3A, %swap3A_109] : memref<6400x128xf32, #tpu.memory_space<vmem>>, vector<6400x128xf32>
    tpu.vector_store %arg12[%swap3A, %swap3A_109], %add3A_108 {strides = array<i32>} : memref<6400x128xf32, #tpu.memory_space<vmem>>, vector<6400x128xf32>,
    %swap3A_111 = arith.constant 0 : index
    %swap3A_112 = arith.constant 0 : index
    %swap3A_113 = vector.load %arg14[%swap3A_111, %swap3A_112] : memref<6400x128xf32, #tpu.memory_space<vmem>>, vector<6400x128xf32>
    tpu.vector_store %arg14[%swap3A_111, %swap3A_112], %add3A_108 {strides = array<i32>} : memref<6400x128xf32, #tpu.memory_space<vmem>>, vector<6400x128xf32>,
    %eq3A = arith.constant 0 : i32
    %eq3A_114 = arith.cmpi eq, %arg0, %eq3A : i32
    %convert_element_type3A = arith.extui %eq3A_114 : i1 to i32
    %cond3A = arith.constant 0 : i32
    %cond3A_115 = arith.cmpi ne, %convert_element_type3A, %cond3A : i32
    scf.if %cond3A_115 {
      %broadcast_in_dim3A_124 = arith.constant 0.000000e+00 : f32
      %broadcast_in_dim3A_125 = vector.broadcast %broadcast_in_dim3A_124 : f32 to vector<1x128xf32>
      %swap3A_126 = arith.constant 0 : index
      %swap3A_127 = arith.constant 0 : index
      %swap3A_128 = vector.load %arg13[%swap3A_126, %swap3A_127] : memref<1x128xf32, #tpu.memory_space<vmem>>, vector<1x128xf32>
      tpu.vector_store %arg13[%swap3A_126, %swap3A_127], %broadcast_in_dim3A_125 {strides = array<i32>} : memref<1x128xf32, #tpu.memory_space<vmem>>, vector<1x128xf32>,
    } else {
    }
    %get3A_116 = arith.constant 0 : index
    %get3A_117 = arith.constant 0 : index
    %get3A_118 = vector.load %arg13[%get3A_116, %get3A_117] : memref<1x128xf32, #tpu.memory_space<vmem>>, vector<1x128xf32>
    %reduce_sum3A = arith.constant dense<0.000000e+00> : vector<128xf32>
    %reduce_sum3A_119 = vector.multi_reduction <add>, %add3A_108, %reduce_sum3A [0] : vector<6400x128xf32> to vector<128xf32>
    %broadcast_in_dim3A = vector.shape_cast %reduce_sum3A_119 : vector<128xf32> to vector<1x128xf32>
    %add3A_120 = arith.addf %get3A_118, %broadcast_in_dim3A : vector<1x128xf32>
    %swap3A_121 = arith.constant 0 : index
    %swap3A_122 = arith.constant 0 : index
    %swap3A_123 = vector.load %arg13[%swap3A_121, %swap3A_122] : memref<1x128xf32, #tpu.memory_space<vmem>>, vector<1x128xf32>
    tpu.vector_store %arg13[%swap3A_121, %swap3A_122], %add3A_120 {strides = array<i32>} : memref<1x128xf32, #tpu.memory_space<vmem>>, vector<1x128xf32>,
    return
  }
  func.func @transform_0(%arg0: i32) -> (i32, i32) {
    %add3A = arith.constant 0 : i32
    %add3A_0 = arith.addi %arg0, %add3A : i32
    %c0_i32 = arith.constant 0 : i32
    %c0_i32_1 = arith.constant 0 : i32
    return %c0_i32, %add3A_0 : i32, i32
  }
  func.func @transform_1(%arg0: i32) -> (i32, i32) {
    %c0_i32 = arith.constant 0 : i32
    %c0_i32_0 = arith.constant 0 : i32
    return %arg0, %c0_i32 : i32, i32
  }
  func.func @transform_2(%arg0: i32) -> (i32, i32) {
    %c0_i32 = arith.constant 0 : i32
    %c0_i32_0 = arith.constant 0 : i32
    %c0_i32_1 = arith.constant 0 : i32
    return %c0_i32, %c0_i32_0 : i32, i32
  }
  func.func @transform_3(%arg0: i32) -> (i32, i32) {
    %c0_i32 = arith.constant 0 : i32
    %c0_i32_0 = arith.constant 0 : i32
    %c0_i32_1 = arith.constant 0 : i32
    return %c0_i32, %c0_i32_0 : i32, i32
  }
  func.func @transform_4(%arg0: i32) -> (i32, i32) {
    %c0_i32 = arith.constant 0 : i32
    %c0_i32_0 = arith.constant 0 : i32
    %c0_i32_1 = arith.constant 0 : i32
    return %c0_i32, %c0_i32_0 : i32, i32
  }
  func.func @transform_5(%arg0: i32) -> (i32, i32) {
    %c0_i32 = arith.constant 0 : i32
    %c0_i32_0 = arith.constant 0 : i32
    %c0_i32_1 = arith.constant 0 : i32
    return %c0_i32, %c0_i32_0 : i32, i32
  }
  func.func @transform_6(%arg0: i32) -> (i32, i32) {
    %c0_i32 = arith.constant 0 : i32
    %c0_i32_0 = arith.constant 0 : i32
    %c0_i32_1 = arith.constant 0 : i32
    return %c0_i32, %c0_i32_0 : i32, i32
  }
  func.func @transform_7(%arg0: i32) -> (i32, i32) {
    %c0_i32 = arith.constant 0 : i32
    %c0_i32_0 = arith.constant 0 : i32
    %c0_i32_1 = arith.constant 0 : i32
    return %c0_i32, %c0_i32_0 : i32, i32
  }
  func.func @transform_8(%arg0: i32) -> (i32, i32) {
    %c0_i32 = arith.constant 0 : i32
    %c0_i32_0 = arith.constant 0 : i32
    %c0_i32_1 = arith.constant 0 : i32
    return %c0_i32, %c0_i32_0 : i32, i32
  }
  func.func @transform_9(%arg0: i32) -> (i32, i32) {
    %c0_i32 = arith.constant 0 : i32
    %c0_i32_0 = arith.constant 0 : i32
    %c0_i32_1 = arith.constant 0 : i32
    return %c0_i32, %c0_i32_0 : i32, i32
  }
  func.func @transform_10(%arg0: i32) -> (i32, i32) {
    %c0_i32 = arith.constant 0 : i32
    %c0_i32_0 = arith.constant 0 : i32
    %c0_i32_1 = arith.constant 0 : i32
    return %c0_i32, %c0_i32_0 : i32, i32
  }
  func.func @transform_11(%arg0: i32) -> (i32, i32) {
    %add3A = arith.constant 0 : i32
    %add3A_0 = arith.addi %arg0, %add3A : i32
    %c0_i32 = arith.constant 0 : i32
    %c0_i32_1 = arith.constant 0 : i32
    return %add3A_0, %c0_i32 : i32, i32
  }
  func.func @transform_12(%arg0: i32) -> (i32, i32) {
    %c0_i32 = arith.constant 0 : i32
    %c0_i32_0 = arith.constant 0 : i32
    %c0_i32_1 = arith.constant 0 : i32
    return %c0_i32, %c0_i32_0 : i32, i32
  }
  func.func @transform_13(%arg0: i32) -> (i32, i32) {
    %c0_i32 = arith.constant 0 : i32
    %c0_i32_0 = arith.constant 0 : i32
    return %arg0, %c0_i32 : i32, i32
  }
}

module attributes {stable_mosaic.version = 14 : i64} {
  func.func @_edge_body_alias(%arg0: i32, %arg1: memref<320000x128xf32, #tpu.memory_space<any>>, %arg2: memref<16x6400xf32, #tpu.memory_space<vmem>>, %arg3: memref<6400x128xf32, #tpu.memory_space<vmem>>, %arg4: memref<16x128xf32, #tpu.memory_space<vmem>>, %arg5: memref<128x128xf32, #tpu.memory_space<vmem>>, %arg6: memref<128x128xf32, #tpu.memory_space<vmem>>, %arg7: memref<128x128xf32, #tpu.memory_space<vmem>>, %arg8: memref<1x128xf32, #tpu.memory_space<vmem>>, %arg9: memref<1x128xf32, #tpu.memory_space<vmem>>, %arg10: memref<1x128xf32, #tpu.memory_space<vmem>>, %arg11: memref<1x128xf32, #tpu.memory_space<vmem>>, %arg12: memref<128x128xf32, #tpu.memory_space<vmem>>, %arg13: memref<6400x128xf32, #tpu.memory_space<vmem>>, %arg14: memref<1x128xf32, #tpu.memory_space<vmem>>, %arg15: memref<6400x128xf32, #tpu.memory_space<vmem>>) attributes {dimension_semantics = [#tpu.dimension_semantics<arbitrary>], iteration_bounds = array<i64: 16>, scalar_prefetch = 0 : i64, scratch_operands = 0 : i64, tpu.core_type = #tpu.core_type<tc>, window_params = [{}, {transform_indices = @transform_1, window_bounds = array<i64: 16, 6400>}, {transform_indices = @transform_2, window_bounds = array<i64: 6400, 128>}, {pipeline_mode = #tpu.pipeline_mode<synchronous>, transform_indices = @transform_3, window_bounds = array<i64: 16, 128>}, {pipeline_mode = #tpu.pipeline_mode<synchronous>, transform_indices = @transform_4, window_bounds = array<i64: 128, 128>}, {pipeline_mode = #tpu.pipeline_mode<synchronous>, transform_indices = @transform_5, window_bounds = array<i64: 128, 128>}, {pipeline_mode = #tpu.pipeline_mode<synchronous>, transform_indices = @transform_6, window_bounds = array<i64: 128, 128>}, {pipeline_mode = #tpu.pipeline_mode<synchronous>, transform_indices = @transform_7, window_bounds = array<i64: 1, 128>}, {pipeline_mode = #tpu.pipeline_mode<synchronous>, transform_indices = @transform_8, window_bounds = array<i64: 1, 128>}, {pipeline_mode = #tpu.pipeline_mode<synchronous>, transform_indices = @transform_9, window_bounds = array<i64: 1, 128>}, {pipeline_mode = #tpu.pipeline_mode<synchronous>, transform_indices = @transform_10, window_bounds = array<i64: 1, 128>}, {pipeline_mode = #tpu.pipeline_mode<synchronous>, transform_indices = @transform_11, window_bounds = array<i64: 128, 128>}, {transform_indices = @transform_12, window_bounds = array<i64: 6400, 128>}, {pipeline_mode = #tpu.pipeline_mode<synchronous>, transform_indices = @transform_13, window_bounds = array<i64: 1, 128>}, {transform_indices = @transform_14, window_bounds = array<i64: 6400, 128>}]} {
    %get3A = arith.constant 0 : index
    %get3A_0 = arith.constant 0 : index
    %get3A_1 = vector.load %arg12[%get3A, %get3A_0] : memref<128x128xf32, #tpu.memory_space<vmem>>, vector<128x128xf32>
    %get3A_2 = arith.constant 0 : index
    %get3A_3 = arith.constant 0 : index
    %get3A_4 = vector.load %arg2[%get3A_2, %get3A_3] : memref<16x6400xf32, #tpu.memory_space<vmem>>, vector<16x6400xf32>
    %get3A_5 = arith.constant 0 : index
    %get3A_6 = arith.constant 0 : index
    %get3A_7 = vector.load %arg4[%get3A_5, %get3A_6] : memref<16x128xf32, #tpu.memory_space<vmem>>, vector<16x128xf32>
    %dot_general3A = arith.constant dense<0.000000e+00> : vector<6400x128xf32>
    %dot_general3A_8 = tpu.matmul %get3A_4, %get3A_7, %dot_general3A {dimension_numbers = #tpu.dot_dimension_numbers<[0], [0], [1], [1], [0, 1, 1, 1], [], []>, transpose_lhs_hint = false} : vector<16x6400xf32>, vector<16x128xf32>, vector<6400x128xf32> -> vector<6400x128xf32>
    %get3A_9 = arith.constant 0 : index
    %get3A_10 = arith.constant 0 : index
    %get3A_11 = vector.load %arg3[%get3A_9, %get3A_10] : memref<6400x128xf32, #tpu.memory_space<vmem>>, vector<6400x128xf32>
    %add3A = arith.addf %dot_general3A_8, %get3A_11 : vector<6400x128xf32>
    %get3A_12 = arith.constant 0 : index
    %get3A_13 = arith.constant 0 : index
    %get3A_14 = vector.load %arg11[%get3A_12, %get3A_13] : memref<1x128xf32, #tpu.memory_space<vmem>>, vector<1x128xf32>
    %add3A_15 = vector.broadcast %get3A_14 : vector<1x128xf32> to vector<6400x128xf32>
    %add3A_16 = arith.addf %add3A, %add3A_15 : vector<6400x128xf32>
    %dot_general3A_17 = arith.constant dense<0.000000e+00> : vector<6400x128xf32>
    %dot_general3A_18 = tpu.matmul %add3A_16, %get3A_1, %dot_general3A_17 {dimension_numbers = #tpu.dot_dimension_numbers<[1], [0], [0], [1], [0, 0, 1, 1], [], []>, transpose_lhs_hint = false} : vector<6400x128xf32>, vector<128x128xf32>, vector<6400x128xf32> -> vector<6400x128xf32>
    %mul3A = arith.mulf %add3A_16, %add3A_16 : vector<6400x128xf32>
    %dot_general3A_19 = arith.constant dense<0.000000e+00> : vector<6400x128xf32>
    %dot_general3A_20 = tpu.matmul %mul3A, %get3A_1, %dot_general3A_19 {dimension_numbers = #tpu.dot_dimension_numbers<[1], [0], [0], [1], [0, 0, 1, 1], [], []>, transpose_lhs_hint = false} : vector<6400x128xf32>, vector<128x128xf32>, vector<6400x128xf32> -> vector<6400x128xf32>
    %mul3A_21 = arith.constant 7.812500e-03 : f32
    %mul3A_22 = vector.broadcast %mul3A_21 : f32 to vector<6400x128xf32>
    %mul3A_23 = arith.mulf %dot_general3A_18, %mul3A_22 : vector<6400x128xf32>
    %mul3A_24 = arith.constant 7.812500e-03 : f32
    %mul3A_25 = vector.broadcast %mul3A_24 : f32 to vector<6400x128xf32>
    %mul3A_26 = arith.mulf %dot_general3A_20, %mul3A_25 : vector<6400x128xf32>
    %mul3A_27 = arith.mulf %mul3A_23, %mul3A_23 : vector<6400x128xf32>
    %sub3A = arith.subf %mul3A_26, %mul3A_27 : vector<6400x128xf32>
    %sub3A_28 = arith.subf %add3A_16, %mul3A_23 : vector<6400x128xf32>
    %add3A_29 = arith.constant 9.99999974E-6 : f32
    %add3A_30 = vector.broadcast %add3A_29 : f32 to vector<6400x128xf32>
    %add3A_31 = arith.addf %sub3A, %add3A_30 : vector<6400x128xf32>
    %rsqrt3A = math.rsqrt %add3A_31 : vector<6400x128xf32>
    %mul3A_32 = arith.mulf %sub3A_28, %rsqrt3A : vector<6400x128xf32>
    %max3A = arith.constant 0.000000e+00 : f32
    %max3A_33 = vector.broadcast %max3A : f32 to vector<6400x128xf32>
    %max3A_34 = arith.maximumf %mul3A_32, %max3A_33 : vector<6400x128xf32>
    %get3A_35 = arith.constant 0 : index
    %get3A_36 = arith.constant 0 : index
    %get3A_37 = vector.load %arg5[%get3A_35, %get3A_36] : memref<128x128xf32, #tpu.memory_space<vmem>>, vector<128x128xf32>
    %dot_general3A_38 = arith.constant dense<0.000000e+00> : vector<6400x128xf32>
    %dot_general3A_39 = tpu.matmul %max3A_34, %get3A_37, %dot_general3A_38 {dimension_numbers = #tpu.dot_dimension_numbers<[1], [0], [0], [1], [0, 0, 1, 1], [], []>, transpose_lhs_hint = false} : vector<6400x128xf32>, vector<128x128xf32>, vector<6400x128xf32> -> vector<6400x128xf32>
    %get3A_40 = arith.constant 0 : index
    %get3A_41 = arith.constant 0 : index
    %get3A_42 = vector.load %arg8[%get3A_40, %get3A_41] : memref<1x128xf32, #tpu.memory_space<vmem>>, vector<1x128xf32>
    %add3A_43 = vector.broadcast %get3A_42 : vector<1x128xf32> to vector<6400x128xf32>
    %add3A_44 = arith.addf %dot_general3A_39, %add3A_43 : vector<6400x128xf32>
    %dot_general3A_45 = arith.constant dense<0.000000e+00> : vector<6400x128xf32>
    %dot_general3A_46 = tpu.matmul %add3A_44, %get3A_1, %dot_general3A_45 {dimension_numbers = #tpu.dot_dimension_numbers<[1], [0], [0], [1], [0, 0, 1, 1], [], []>, transpose_lhs_hint = false} : vector<6400x128xf32>, vector<128x128xf32>, vector<6400x128xf32> -> vector<6400x128xf32>
    %mul3A_47 = arith.mulf %add3A_44, %add3A_44 : vector<6400x128xf32>
    %dot_general3A_48 = arith.constant dense<0.000000e+00> : vector<6400x128xf32>
    %dot_general3A_49 = tpu.matmul %mul3A_47, %get3A_1, %dot_general3A_48 {dimension_numbers = #tpu.dot_dimension_numbers<[1], [0], [0], [1], [0, 0, 1, 1], [], []>, transpose_lhs_hint = false} : vector<6400x128xf32>, vector<128x128xf32>, vector<6400x128xf32> -> vector<6400x128xf32>
    %mul3A_50 = arith.constant 7.812500e-03 : f32
    %mul3A_51 = vector.broadcast %mul3A_50 : f32 to vector<6400x128xf32>
    %mul3A_52 = arith.mulf %dot_general3A_46, %mul3A_51 : vector<6400x128xf32>
    %mul3A_53 = arith.constant 7.812500e-03 : f32
    %mul3A_54 = vector.broadcast %mul3A_53 : f32 to vector<6400x128xf32>
    %mul3A_55 = arith.mulf %dot_general3A_49, %mul3A_54 : vector<6400x128xf32>
    %mul3A_56 = arith.mulf %mul3A_52, %mul3A_52 : vector<6400x128xf32>
    %sub3A_57 = arith.subf %mul3A_55, %mul3A_56 : vector<6400x128xf32>
    %sub3A_58 = arith.subf %add3A_44, %mul3A_52 : vector<6400x128xf32>
    %add3A_59 = arith.constant 9.99999974E-6 : f32
    %add3A_60 = vector.broadcast %add3A_59 : f32 to vector<6400x128xf32>
    %add3A_61 = arith.addf %sub3A_57, %add3A_60 : vector<6400x128xf32>
    %rsqrt3A_62 = math.rsqrt %add3A_61 : vector<6400x128xf32>
    %mul3A_63 = arith.mulf %sub3A_58, %rsqrt3A_62 : vector<6400x128xf32>
    %max3A_64 = arith.constant 0.000000e+00 : f32
    %max3A_65 = vector.broadcast %max3A_64 : f32 to vector<6400x128xf32>
    %max3A_66 = arith.maximumf %mul3A_63, %max3A_65 : vector<6400x128xf32>
    %get3A_67 = arith.constant 0 : index
    %get3A_68 = arith.constant 0 : index
    %get3A_69 = vector.load %arg6[%get3A_67, %get3A_68] : memref<128x128xf32, #tpu.memory_space<vmem>>, vector<128x128xf32>
    %dot_general3A_70 = arith.constant dense<0.000000e+00> : vector<6400x128xf32>
    %dot_general3A_71 = tpu.matmul %max3A_66, %get3A_69, %dot_general3A_70 {dimension_numbers = #tpu.dot_dimension_numbers<[1], [0], [0], [1], [0, 0, 1, 1], [], []>, transpose_lhs_hint = false} : vector<6400x128xf32>, vector<128x128xf32>, vector<6400x128xf32> -> vector<6400x128xf32>
    %get3A_72 = arith.constant 0 : index
    %get3A_73 = arith.constant 0 : index
    %get3A_74 = vector.load %arg9[%get3A_72, %get3A_73] : memref<1x128xf32, #tpu.memory_space<vmem>>, vector<1x128xf32>
    %add3A_75 = vector.broadcast %get3A_74 : vector<1x128xf32> to vector<6400x128xf32>
    %add3A_76 = arith.addf %dot_general3A_71, %add3A_75 : vector<6400x128xf32>
    %dot_general3A_77 = arith.constant dense<0.000000e+00> : vector<6400x128xf32>
    %dot_general3A_78 = tpu.matmul %add3A_76, %get3A_1, %dot_general3A_77 {dimension_numbers = #tpu.dot_dimension_numbers<[1], [0], [0], [1], [0, 0, 1, 1], [], []>, transpose_lhs_hint = false} : vector<6400x128xf32>, vector<128x128xf32>, vector<6400x128xf32> -> vector<6400x128xf32>
    %mul3A_79 = arith.mulf %add3A_76, %add3A_76 : vector<6400x128xf32>
    %dot_general3A_80 = arith.constant dense<0.000000e+00> : vector<6400x128xf32>
    %dot_general3A_81 = tpu.matmul %mul3A_79, %get3A_1, %dot_general3A_80 {dimension_numbers = #tpu.dot_dimension_numbers<[1], [0], [0], [1], [0, 0, 1, 1], [], []>, transpose_lhs_hint = false} : vector<6400x128xf32>, vector<128x128xf32>, vector<6400x128xf32> -> vector<6400x128xf32>
    %mul3A_82 = arith.constant 7.812500e-03 : f32
    %mul3A_83 = vector.broadcast %mul3A_82 : f32 to vector<6400x128xf32>
    %mul3A_84 = arith.mulf %dot_general3A_78, %mul3A_83 : vector<6400x128xf32>
    %mul3A_85 = arith.constant 7.812500e-03 : f32
    %mul3A_86 = vector.broadcast %mul3A_85 : f32 to vector<6400x128xf32>
    %mul3A_87 = arith.mulf %dot_general3A_81, %mul3A_86 : vector<6400x128xf32>
    %mul3A_88 = arith.mulf %mul3A_84, %mul3A_84 : vector<6400x128xf32>
    %sub3A_89 = arith.subf %mul3A_87, %mul3A_88 : vector<6400x128xf32>
    %sub3A_90 = arith.subf %add3A_76, %mul3A_84 : vector<6400x128xf32>
    %add3A_91 = arith.constant 9.99999974E-6 : f32
    %add3A_92 = vector.broadcast %add3A_91 : f32 to vector<6400x128xf32>
    %add3A_93 = arith.addf %sub3A_89, %add3A_92 : vector<6400x128xf32>
    %rsqrt3A_94 = math.rsqrt %add3A_93 : vector<6400x128xf32>
    %mul3A_95 = arith.mulf %sub3A_90, %rsqrt3A_94 : vector<6400x128xf32>
    %max3A_96 = arith.constant 0.000000e+00 : f32
    %max3A_97 = vector.broadcast %max3A_96 : f32 to vector<6400x128xf32>
    %max3A_98 = arith.maximumf %mul3A_95, %max3A_97 : vector<6400x128xf32>
    %get3A_99 = arith.constant 0 : index
    %get3A_100 = arith.constant 0 : index
    %get3A_101 = vector.load %arg7[%get3A_99, %get3A_100] : memref<128x128xf32, #tpu.memory_space<vmem>>, vector<128x128xf32>
    %dot_general3A_102 = arith.constant dense<0.000000e+00> : vector<6400x128xf32>
    %dot_general3A_103 = tpu.matmul %max3A_98, %get3A_101, %dot_general3A_102 {dimension_numbers = #tpu.dot_dimension_numbers<[1], [0], [0], [1], [0, 0, 1, 1], [], []>, transpose_lhs_hint = false} : vector<6400x128xf32>, vector<128x128xf32>, vector<6400x128xf32> -> vector<6400x128xf32>
    %get3A_104 = arith.constant 0 : index
    %get3A_105 = arith.constant 0 : index
    %get3A_106 = vector.load %arg10[%get3A_104, %get3A_105] : memref<1x128xf32, #tpu.memory_space<vmem>>, vector<1x128xf32>
    %add3A_107 = vector.broadcast %get3A_106 : vector<1x128xf32> to vector<6400x128xf32>
    %add3A_108 = arith.addf %dot_general3A_103, %add3A_107 : vector<6400x128xf32>
    %swap3A = arith.constant 0 : index
    %swap3A_109 = arith.constant 0 : index
    %swap3A_110 = vector.load %arg13[%swap3A, %swap3A_109] : memref<6400x128xf32, #tpu.memory_space<vmem>>, vector<6400x128xf32>
    tpu.vector_store %arg13[%swap3A, %swap3A_109], %add3A_108 {strides = array<i32>} : memref<6400x128xf32, #tpu.memory_space<vmem>>, vector<6400x128xf32>,
    %swap3A_111 = arith.constant 0 : index
    %swap3A_112 = arith.constant 0 : index
    %swap3A_113 = vector.load %arg15[%swap3A_111, %swap3A_112] : memref<6400x128xf32, #tpu.memory_space<vmem>>, vector<6400x128xf32>
    tpu.vector_store %arg15[%swap3A_111, %swap3A_112], %add3A_108 {strides = array<i32>} : memref<6400x128xf32, #tpu.memory_space<vmem>>, vector<6400x128xf32>,
    %eq3A = arith.constant 0 : i32
    %eq3A_114 = arith.cmpi eq, %arg0, %eq3A : i32
    %convert_element_type3A = arith.extui %eq3A_114 : i1 to i32
    %cond3A = arith.constant 0 : i32
    %cond3A_115 = arith.cmpi ne, %convert_element_type3A, %cond3A : i32
    scf.if %cond3A_115 {
      %broadcast_in_dim3A_124 = arith.constant 0.000000e+00 : f32
      %broadcast_in_dim3A_125 = vector.broadcast %broadcast_in_dim3A_124 : f32 to vector<1x128xf32>
      %swap3A_126 = arith.constant 0 : index
      %swap3A_127 = arith.constant 0 : index
      %swap3A_128 = vector.load %arg14[%swap3A_126, %swap3A_127] : memref<1x128xf32, #tpu.memory_space<vmem>>, vector<1x128xf32>
      tpu.vector_store %arg14[%swap3A_126, %swap3A_127], %broadcast_in_dim3A_125 {strides = array<i32>} : memref<1x128xf32, #tpu.memory_space<vmem>>, vector<1x128xf32>,
    } else {
    }
    %get3A_116 = arith.constant 0 : index
    %get3A_117 = arith.constant 0 : index
    %get3A_118 = vector.load %arg14[%get3A_116, %get3A_117] : memref<1x128xf32, #tpu.memory_space<vmem>>, vector<1x128xf32>
    %reduce_sum3A = arith.constant dense<0.000000e+00> : vector<128xf32>
    %reduce_sum3A_119 = vector.multi_reduction <add>, %add3A_108, %reduce_sum3A [0] : vector<6400x128xf32> to vector<128xf32>
    %broadcast_in_dim3A = vector.shape_cast %reduce_sum3A_119 : vector<128xf32> to vector<1x128xf32>
    %add3A_120 = arith.addf %get3A_118, %broadcast_in_dim3A : vector<1x128xf32>
    %swap3A_121 = arith.constant 0 : index
    %swap3A_122 = arith.constant 0 : index
    %swap3A_123 = vector.load %arg14[%swap3A_121, %swap3A_122] : memref<1x128xf32, #tpu.memory_space<vmem>>, vector<1x128xf32>
    tpu.vector_store %arg14[%swap3A_121, %swap3A_122], %add3A_120 {strides = array<i32>} : memref<1x128xf32, #tpu.memory_space<vmem>>, vector<1x128xf32>,
    return
  }
  func.func @transform_1(%arg0: i32) -> (i32, i32) {
    %add3A = arith.constant 18 : i32
    %add3A_0 = arith.addi %arg0, %add3A : i32
    %c0_i32 = arith.constant 0 : i32
    %c0_i32_1 = arith.constant 0 : i32
    return %c0_i32, %add3A_0 : i32, i32
  }
  func.func @transform_2(%arg0: i32) -> (i32, i32) {
    %c0_i32 = arith.constant 0 : i32
    %c0_i32_0 = arith.constant 0 : i32
    return %arg0, %c0_i32 : i32, i32
  }
  func.func @transform_3(%arg0: i32) -> (i32, i32) {
    %c0_i32 = arith.constant 0 : i32
    %c0_i32_0 = arith.constant 0 : i32
    %c0_i32_1 = arith.constant 0 : i32
    return %c0_i32, %c0_i32_0 : i32, i32
  }
  func.func @transform_4(%arg0: i32) -> (i32, i32) {
    %c0_i32 = arith.constant 0 : i32
    %c0_i32_0 = arith.constant 0 : i32
    %c0_i32_1 = arith.constant 0 : i32
    return %c0_i32, %c0_i32_0 : i32, i32
  }
  func.func @transform_5(%arg0: i32) -> (i32, i32) {
    %c0_i32 = arith.constant 0 : i32
    %c0_i32_0 = arith.constant 0 : i32
    %c0_i32_1 = arith.constant 0 : i32
    return %c0_i32, %c0_i32_0 : i32, i32
  }
  func.func @transform_6(%arg0: i32) -> (i32, i32) {
    %c0_i32 = arith.constant 0 : i32
    %c0_i32_0 = arith.constant 0 : i32
    %c0_i32_1 = arith.constant 0 : i32
    return %c0_i32, %c0_i32_0 : i32, i32
  }
  func.func @transform_7(%arg0: i32) -> (i32, i32) {
    %c0_i32 = arith.constant 0 : i32
    %c0_i32_0 = arith.constant 0 : i32
    %c0_i32_1 = arith.constant 0 : i32
    return %c0_i32, %c0_i32_0 : i32, i32
  }
  func.func @transform_8(%arg0: i32) -> (i32, i32) {
    %c0_i32 = arith.constant 0 : i32
    %c0_i32_0 = arith.constant 0 : i32
    %c0_i32_1 = arith.constant 0 : i32
    return %c0_i32, %c0_i32_0 : i32, i32
  }
  func.func @transform_9(%arg0: i32) -> (i32, i32) {
    %c0_i32 = arith.constant 0 : i32
    %c0_i32_0 = arith.constant 0 : i32
    %c0_i32_1 = arith.constant 0 : i32
    return %c0_i32, %c0_i32_0 : i32, i32
  }
  func.func @transform_10(%arg0: i32) -> (i32, i32) {
    %c0_i32 = arith.constant 0 : i32
    %c0_i32_0 = arith.constant 0 : i32
    %c0_i32_1 = arith.constant 0 : i32
    return %c0_i32, %c0_i32_0 : i32, i32
  }
  func.func @transform_11(%arg0: i32) -> (i32, i32) {
    %c0_i32 = arith.constant 0 : i32
    %c0_i32_0 = arith.constant 0 : i32
    %c0_i32_1 = arith.constant 0 : i32
    return %c0_i32, %c0_i32_0 : i32, i32
  }
  func.func @transform_12(%arg0: i32) -> (i32, i32) {
    %add3A = arith.constant 18 : i32
    %add3A_0 = arith.addi %arg0, %add3A : i32
    %c0_i32 = arith.constant 0 : i32
    %c0_i32_1 = arith.constant 0 : i32
    return %add3A_0, %c0_i32 : i32, i32
  }
  func.func @transform_13(%arg0: i32) -> (i32, i32) {
    %c0_i32 = arith.constant 0 : i32
    %c0_i32_0 = arith.constant 0 : i32
    %c0_i32_1 = arith.constant 0 : i32
    return %c0_i32, %c0_i32_0 : i32, i32
  }
  func.func @transform_14(%arg0: i32) -> (i32, i32) {
    %c0_i32 = arith.constant 0 : i32
    %c0_i32_0 = arith.constant 0 : i32
    return %arg0, %c0_i32 : i32, i32
  }
}

module attributes {stable_mosaic.version = 14 : i64} {
  func.func @_edge_body_alias(%arg0: i32, %arg1: memref<320000x128xf32, #tpu.memory_space<any>>, %arg2: memref<16x6400xf32, #tpu.memory_space<vmem>>, %arg3: memref<6400x128xf32, #tpu.memory_space<vmem>>, %arg4: memref<16x128xf32, #tpu.memory_space<vmem>>, %arg5: memref<128x128xf32, #tpu.memory_space<vmem>>, %arg6: memref<128x128xf32, #tpu.memory_space<vmem>>, %arg7: memref<128x128xf32, #tpu.memory_space<vmem>>, %arg8: memref<1x128xf32, #tpu.memory_space<vmem>>, %arg9: memref<1x128xf32, #tpu.memory_space<vmem>>, %arg10: memref<1x128xf32, #tpu.memory_space<vmem>>, %arg11: memref<1x128xf32, #tpu.memory_space<vmem>>, %arg12: memref<128x128xf32, #tpu.memory_space<vmem>>, %arg13: memref<6400x128xf32, #tpu.memory_space<vmem>>, %arg14: memref<1x128xf32, #tpu.memory_space<vmem>>, %arg15: memref<6400x128xf32, #tpu.memory_space<vmem>>) attributes {dimension_semantics = [#tpu.dimension_semantics<arbitrary>], iteration_bounds = array<i64: 16>, scalar_prefetch = 0 : i64, scratch_operands = 0 : i64, tpu.core_type = #tpu.core_type<tc>, window_params = [{}, {transform_indices = @transform_1, window_bounds = array<i64: 16, 6400>}, {transform_indices = @transform_2, window_bounds = array<i64: 6400, 128>}, {pipeline_mode = #tpu.pipeline_mode<synchronous>, transform_indices = @transform_3, window_bounds = array<i64: 16, 128>}, {pipeline_mode = #tpu.pipeline_mode<synchronous>, transform_indices = @transform_4, window_bounds = array<i64: 128, 128>}, {pipeline_mode = #tpu.pipeline_mode<synchronous>, transform_indices = @transform_5, window_bounds = array<i64: 128, 128>}, {pipeline_mode = #tpu.pipeline_mode<synchronous>, transform_indices = @transform_6, window_bounds = array<i64: 128, 128>}, {pipeline_mode = #tpu.pipeline_mode<synchronous>, transform_indices = @transform_7, window_bounds = array<i64: 1, 128>}, {pipeline_mode = #tpu.pipeline_mode<synchronous>, transform_indices = @transform_8, window_bounds = array<i64: 1, 128>}, {pipeline_mode = #tpu.pipeline_mode<synchronous>, transform_indices = @transform_9, window_bounds = array<i64: 1, 128>}, {pipeline_mode = #tpu.pipeline_mode<synchronous>, transform_indices = @transform_10, window_bounds = array<i64: 1, 128>}, {pipeline_mode = #tpu.pipeline_mode<synchronous>, transform_indices = @transform_11, window_bounds = array<i64: 128, 128>}, {transform_indices = @transform_12, window_bounds = array<i64: 6400, 128>}, {pipeline_mode = #tpu.pipeline_mode<synchronous>, transform_indices = @transform_13, window_bounds = array<i64: 1, 128>}, {transform_indices = @transform_14, window_bounds = array<i64: 6400, 128>}]} {
    %get3A = arith.constant 0 : index
    %get3A_0 = arith.constant 0 : index
    %get3A_1 = vector.load %arg12[%get3A, %get3A_0] : memref<128x128xf32, #tpu.memory_space<vmem>>, vector<128x128xf32>
    %get3A_2 = arith.constant 0 : index
    %get3A_3 = arith.constant 0 : index
    %get3A_4 = vector.load %arg2[%get3A_2, %get3A_3] : memref<16x6400xf32, #tpu.memory_space<vmem>>, vector<16x6400xf32>
    %get3A_5 = arith.constant 0 : index
    %get3A_6 = arith.constant 0 : index
    %get3A_7 = vector.load %arg4[%get3A_5, %get3A_6] : memref<16x128xf32, #tpu.memory_space<vmem>>, vector<16x128xf32>
    %dot_general3A = arith.constant dense<0.000000e+00> : vector<6400x128xf32>
    %dot_general3A_8 = tpu.matmul %get3A_4, %get3A_7, %dot_general3A {dimension_numbers = #tpu.dot_dimension_numbers<[0], [0], [1], [1], [0, 1, 1, 1], [], []>, transpose_lhs_hint = false} : vector<16x6400xf32>, vector<16x128xf32>, vector<6400x128xf32> -> vector<6400x128xf32>
    %get3A_9 = arith.constant 0 : index
    %get3A_10 = arith.constant 0 : index
    %get3A_11 = vector.load %arg3[%get3A_9, %get3A_10] : memref<6400x128xf32, #tpu.memory_space<vmem>>, vector<6400x128xf32>
    %add3A = arith.addf %dot_general3A_8, %get3A_11 : vector<6400x128xf32>
    %get3A_12 = arith.constant 0 : index
    %get3A_13 = arith.constant 0 : index
    %get3A_14 = vector.load %arg11[%get3A_12, %get3A_13] : memref<1x128xf32, #tpu.memory_space<vmem>>, vector<1x128xf32>
    %add3A_15 = vector.broadcast %get3A_14 : vector<1x128xf32> to vector<6400x128xf32>
    %add3A_16 = arith.addf %add3A, %add3A_15 : vector<6400x128xf32>
    %dot_general3A_17 = arith.constant dense<0.000000e+00> : vector<6400x128xf32>
    %dot_general3A_18 = tpu.matmul %add3A_16, %get3A_1, %dot_general3A_17 {dimension_numbers = #tpu.dot_dimension_numbers<[1], [0], [0], [1], [0, 0, 1, 1], [], []>, transpose_lhs_hint = false} : vector<6400x128xf32>, vector<128x128xf32>, vector<6400x128xf32> -> vector<6400x128xf32>
    %mul3A = arith.mulf %add3A_16, %add3A_16 : vector<6400x128xf32>
    %dot_general3A_19 = arith.constant dense<0.000000e+00> : vector<6400x128xf32>
    %dot_general3A_20 = tpu.matmul %mul3A, %get3A_1, %dot_general3A_19 {dimension_numbers = #tpu.dot_dimension_numbers<[1], [0], [0], [1], [0, 0, 1, 1], [], []>, transpose_lhs_hint = false} : vector<6400x128xf32>, vector<128x128xf32>, vector<6400x128xf32> -> vector<6400x128xf32>
    %mul3A_21 = arith.constant 7.812500e-03 : f32
    %mul3A_22 = vector.broadcast %mul3A_21 : f32 to vector<6400x128xf32>
    %mul3A_23 = arith.mulf %dot_general3A_18, %mul3A_22 : vector<6400x128xf32>
    %mul3A_24 = arith.constant 7.812500e-03 : f32
    %mul3A_25 = vector.broadcast %mul3A_24 : f32 to vector<6400x128xf32>
    %mul3A_26 = arith.mulf %dot_general3A_20, %mul3A_25 : vector<6400x128xf32>
    %mul3A_27 = arith.mulf %mul3A_23, %mul3A_23 : vector<6400x128xf32>
    %sub3A = arith.subf %mul3A_26, %mul3A_27 : vector<6400x128xf32>
    %sub3A_28 = arith.subf %add3A_16, %mul3A_23 : vector<6400x128xf32>
    %add3A_29 = arith.constant 9.99999974E-6 : f32
    %add3A_30 = vector.broadcast %add3A_29 : f32 to vector<6400x128xf32>
    %add3A_31 = arith.addf %sub3A, %add3A_30 : vector<6400x128xf32>
    %rsqrt3A = math.rsqrt %add3A_31 : vector<6400x128xf32>
    %mul3A_32 = arith.mulf %sub3A_28, %rsqrt3A : vector<6400x128xf32>
    %max3A = arith.constant 0.000000e+00 : f32
    %max3A_33 = vector.broadcast %max3A : f32 to vector<6400x128xf32>
    %max3A_34 = arith.maximumf %mul3A_32, %max3A_33 : vector<6400x128xf32>
    %get3A_35 = arith.constant 0 : index
    %get3A_36 = arith.constant 0 : index
    %get3A_37 = vector.load %arg5[%get3A_35, %get3A_36] : memref<128x128xf32, #tpu.memory_space<vmem>>, vector<128x128xf32>
    %dot_general3A_38 = arith.constant dense<0.000000e+00> : vector<6400x128xf32>
    %dot_general3A_39 = tpu.matmul %max3A_34, %get3A_37, %dot_general3A_38 {dimension_numbers = #tpu.dot_dimension_numbers<[1], [0], [0], [1], [0, 0, 1, 1], [], []>, transpose_lhs_hint = false} : vector<6400x128xf32>, vector<128x128xf32>, vector<6400x128xf32> -> vector<6400x128xf32>
    %get3A_40 = arith.constant 0 : index
    %get3A_41 = arith.constant 0 : index
    %get3A_42 = vector.load %arg8[%get3A_40, %get3A_41] : memref<1x128xf32, #tpu.memory_space<vmem>>, vector<1x128xf32>
    %add3A_43 = vector.broadcast %get3A_42 : vector<1x128xf32> to vector<6400x128xf32>
    %add3A_44 = arith.addf %dot_general3A_39, %add3A_43 : vector<6400x128xf32>
    %dot_general3A_45 = arith.constant dense<0.000000e+00> : vector<6400x128xf32>
    %dot_general3A_46 = tpu.matmul %add3A_44, %get3A_1, %dot_general3A_45 {dimension_numbers = #tpu.dot_dimension_numbers<[1], [0], [0], [1], [0, 0, 1, 1], [], []>, transpose_lhs_hint = false} : vector<6400x128xf32>, vector<128x128xf32>, vector<6400x128xf32> -> vector<6400x128xf32>
    %mul3A_47 = arith.mulf %add3A_44, %add3A_44 : vector<6400x128xf32>
    %dot_general3A_48 = arith.constant dense<0.000000e+00> : vector<6400x128xf32>
    %dot_general3A_49 = tpu.matmul %mul3A_47, %get3A_1, %dot_general3A_48 {dimension_numbers = #tpu.dot_dimension_numbers<[1], [0], [0], [1], [0, 0, 1, 1], [], []>, transpose_lhs_hint = false} : vector<6400x128xf32>, vector<128x128xf32>, vector<6400x128xf32> -> vector<6400x128xf32>
    %mul3A_50 = arith.constant 7.812500e-03 : f32
    %mul3A_51 = vector.broadcast %mul3A_50 : f32 to vector<6400x128xf32>
    %mul3A_52 = arith.mulf %dot_general3A_46, %mul3A_51 : vector<6400x128xf32>
    %mul3A_53 = arith.constant 7.812500e-03 : f32
    %mul3A_54 = vector.broadcast %mul3A_53 : f32 to vector<6400x128xf32>
    %mul3A_55 = arith.mulf %dot_general3A_49, %mul3A_54 : vector<6400x128xf32>
    %mul3A_56 = arith.mulf %mul3A_52, %mul3A_52 : vector<6400x128xf32>
    %sub3A_57 = arith.subf %mul3A_55, %mul3A_56 : vector<6400x128xf32>
    %sub3A_58 = arith.subf %add3A_44, %mul3A_52 : vector<6400x128xf32>
    %add3A_59 = arith.constant 9.99999974E-6 : f32
    %add3A_60 = vector.broadcast %add3A_59 : f32 to vector<6400x128xf32>
    %add3A_61 = arith.addf %sub3A_57, %add3A_60 : vector<6400x128xf32>
    %rsqrt3A_62 = math.rsqrt %add3A_61 : vector<6400x128xf32>
    %mul3A_63 = arith.mulf %sub3A_58, %rsqrt3A_62 : vector<6400x128xf32>
    %max3A_64 = arith.constant 0.000000e+00 : f32
    %max3A_65 = vector.broadcast %max3A_64 : f32 to vector<6400x128xf32>
    %max3A_66 = arith.maximumf %mul3A_63, %max3A_65 : vector<6400x128xf32>
    %get3A_67 = arith.constant 0 : index
    %get3A_68 = arith.constant 0 : index
    %get3A_69 = vector.load %arg6[%get3A_67, %get3A_68] : memref<128x128xf32, #tpu.memory_space<vmem>>, vector<128x128xf32>
    %dot_general3A_70 = arith.constant dense<0.000000e+00> : vector<6400x128xf32>
    %dot_general3A_71 = tpu.matmul %max3A_66, %get3A_69, %dot_general3A_70 {dimension_numbers = #tpu.dot_dimension_numbers<[1], [0], [0], [1], [0, 0, 1, 1], [], []>, transpose_lhs_hint = false} : vector<6400x128xf32>, vector<128x128xf32>, vector<6400x128xf32> -> vector<6400x128xf32>
    %get3A_72 = arith.constant 0 : index
    %get3A_73 = arith.constant 0 : index
    %get3A_74 = vector.load %arg9[%get3A_72, %get3A_73] : memref<1x128xf32, #tpu.memory_space<vmem>>, vector<1x128xf32>
    %add3A_75 = vector.broadcast %get3A_74 : vector<1x128xf32> to vector<6400x128xf32>
    %add3A_76 = arith.addf %dot_general3A_71, %add3A_75 : vector<6400x128xf32>
    %dot_general3A_77 = arith.constant dense<0.000000e+00> : vector<6400x128xf32>
    %dot_general3A_78 = tpu.matmul %add3A_76, %get3A_1, %dot_general3A_77 {dimension_numbers = #tpu.dot_dimension_numbers<[1], [0], [0], [1], [0, 0, 1, 1], [], []>, transpose_lhs_hint = false} : vector<6400x128xf32>, vector<128x128xf32>, vector<6400x128xf32> -> vector<6400x128xf32>
    %mul3A_79 = arith.mulf %add3A_76, %add3A_76 : vector<6400x128xf32>
    %dot_general3A_80 = arith.constant dense<0.000000e+00> : vector<6400x128xf32>
    %dot_general3A_81 = tpu.matmul %mul3A_79, %get3A_1, %dot_general3A_80 {dimension_numbers = #tpu.dot_dimension_numbers<[1], [0], [0], [1], [0, 0, 1, 1], [], []>, transpose_lhs_hint = false} : vector<6400x128xf32>, vector<128x128xf32>, vector<6400x128xf32> -> vector<6400x128xf32>
    %mul3A_82 = arith.constant 7.812500e-03 : f32
    %mul3A_83 = vector.broadcast %mul3A_82 : f32 to vector<6400x128xf32>
    %mul3A_84 = arith.mulf %dot_general3A_78, %mul3A_83 : vector<6400x128xf32>
    %mul3A_85 = arith.constant 7.812500e-03 : f32
    %mul3A_86 = vector.broadcast %mul3A_85 : f32 to vector<6400x128xf32>
    %mul3A_87 = arith.mulf %dot_general3A_81, %mul3A_86 : vector<6400x128xf32>
    %mul3A_88 = arith.mulf %mul3A_84, %mul3A_84 : vector<6400x128xf32>
    %sub3A_89 = arith.subf %mul3A_87, %mul3A_88 : vector<6400x128xf32>
    %sub3A_90 = arith.subf %add3A_76, %mul3A_84 : vector<6400x128xf32>
    %add3A_91 = arith.constant 9.99999974E-6 : f32
    %add3A_92 = vector.broadcast %add3A_91 : f32 to vector<6400x128xf32>
    %add3A_93 = arith.addf %sub3A_89, %add3A_92 : vector<6400x128xf32>
    %rsqrt3A_94 = math.rsqrt %add3A_93 : vector<6400x128xf32>
    %mul3A_95 = arith.mulf %sub3A_90, %rsqrt3A_94 : vector<6400x128xf32>
    %max3A_96 = arith.constant 0.000000e+00 : f32
    %max3A_97 = vector.broadcast %max3A_96 : f32 to vector<6400x128xf32>
    %max3A_98 = arith.maximumf %mul3A_95, %max3A_97 : vector<6400x128xf32>
    %get3A_99 = arith.constant 0 : index
    %get3A_100 = arith.constant 0 : index
    %get3A_101 = vector.load %arg7[%get3A_99, %get3A_100] : memref<128x128xf32, #tpu.memory_space<vmem>>, vector<128x128xf32>
    %dot_general3A_102 = arith.constant dense<0.000000e+00> : vector<6400x128xf32>
    %dot_general3A_103 = tpu.matmul %max3A_98, %get3A_101, %dot_general3A_102 {dimension_numbers = #tpu.dot_dimension_numbers<[1], [0], [0], [1], [0, 0, 1, 1], [], []>, transpose_lhs_hint = false} : vector<6400x128xf32>, vector<128x128xf32>, vector<6400x128xf32> -> vector<6400x128xf32>
    %get3A_104 = arith.constant 0 : index
    %get3A_105 = arith.constant 0 : index
    %get3A_106 = vector.load %arg10[%get3A_104, %get3A_105] : memref<1x128xf32, #tpu.memory_space<vmem>>, vector<1x128xf32>
    %add3A_107 = vector.broadcast %get3A_106 : vector<1x128xf32> to vector<6400x128xf32>
    %add3A_108 = arith.addf %dot_general3A_103, %add3A_107 : vector<6400x128xf32>
    %swap3A = arith.constant 0 : index
    %swap3A_109 = arith.constant 0 : index
    %swap3A_110 = vector.load %arg13[%swap3A, %swap3A_109] : memref<6400x128xf32, #tpu.memory_space<vmem>>, vector<6400x128xf32>
    tpu.vector_store %arg13[%swap3A, %swap3A_109], %add3A_108 {strides = array<i32>} : memref<6400x128xf32, #tpu.memory_space<vmem>>, vector<6400x128xf32>,
    %swap3A_111 = arith.constant 0 : index
    %swap3A_112 = arith.constant 0 : index
    %swap3A_113 = vector.load %arg15[%swap3A_111, %swap3A_112] : memref<6400x128xf32, #tpu.memory_space<vmem>>, vector<6400x128xf32>
    tpu.vector_store %arg15[%swap3A_111, %swap3A_112], %add3A_108 {strides = array<i32>} : memref<6400x128xf32, #tpu.memory_space<vmem>>, vector<6400x128xf32>,
    %eq3A = arith.constant 0 : i32
    %eq3A_114 = arith.cmpi eq, %arg0, %eq3A : i32
    %convert_element_type3A = arith.extui %eq3A_114 : i1 to i32
    %cond3A = arith.constant 0 : i32
    %cond3A_115 = arith.cmpi ne, %convert_element_type3A, %cond3A : i32
    scf.if %cond3A_115 {
      %broadcast_in_dim3A_124 = arith.constant 0.000000e+00 : f32
      %broadcast_in_dim3A_125 = vector.broadcast %broadcast_in_dim3A_124 : f32 to vector<1x128xf32>
      %swap3A_126 = arith.constant 0 : index
      %swap3A_127 = arith.constant 0 : index
      %swap3A_128 = vector.load %arg14[%swap3A_126, %swap3A_127] : memref<1x128xf32, #tpu.memory_space<vmem>>, vector<1x128xf32>
      tpu.vector_store %arg14[%swap3A_126, %swap3A_127], %broadcast_in_dim3A_125 {strides = array<i32>} : memref<1x128xf32, #tpu.memory_space<vmem>>, vector<1x128xf32>,
    } else {
    }
    %get3A_116 = arith.constant 0 : index
    %get3A_117 = arith.constant 0 : index
    %get3A_118 = vector.load %arg14[%get3A_116, %get3A_117] : memref<1x128xf32, #tpu.memory_space<vmem>>, vector<1x128xf32>
    %reduce_sum3A = arith.constant dense<0.000000e+00> : vector<128xf32>
    %reduce_sum3A_119 = vector.multi_reduction <add>, %add3A_108, %reduce_sum3A [0] : vector<6400x128xf32> to vector<128xf32>
    %broadcast_in_dim3A = vector.shape_cast %reduce_sum3A_119 : vector<128xf32> to vector<1x128xf32>
    %add3A_120 = arith.addf %get3A_118, %broadcast_in_dim3A : vector<1x128xf32>
    %swap3A_121 = arith.constant 0 : index
    %swap3A_122 = arith.constant 0 : index
    %swap3A_123 = vector.load %arg14[%swap3A_121, %swap3A_122] : memref<1x128xf32, #tpu.memory_space<vmem>>, vector<1x128xf32>
    tpu.vector_store %arg14[%swap3A_121, %swap3A_122], %add3A_120 {strides = array<i32>} : memref<1x128xf32, #tpu.memory_space<vmem>>, vector<1x128xf32>,
    return
  }
  func.func @transform_1(%arg0: i32) -> (i32, i32) {
    %add3A = arith.constant 34 : i32
    %add3A_0 = arith.addi %arg0, %add3A : i32
    %c0_i32 = arith.constant 0 : i32
    %c0_i32_1 = arith.constant 0 : i32
    return %c0_i32, %add3A_0 : i32, i32
  }
  func.func @transform_2(%arg0: i32) -> (i32, i32) {
    %c0_i32 = arith.constant 0 : i32
    %c0_i32_0 = arith.constant 0 : i32
    return %arg0, %c0_i32 : i32, i32
  }
  func.func @transform_3(%arg0: i32) -> (i32, i32) {
    %c0_i32 = arith.constant 0 : i32
    %c0_i32_0 = arith.constant 0 : i32
    %c0_i32_1 = arith.constant 0 : i32
    return %c0_i32, %c0_i32_0 : i32, i32
  }
  func.func @transform_4(%arg0: i32) -> (i32, i32) {
    %c0_i32 = arith.constant 0 : i32
    %c0_i32_0 = arith.constant 0 : i32
    %c0_i32_1 = arith.constant 0 : i32
    return %c0_i32, %c0_i32_0 : i32, i32
  }
  func.func @transform_5(%arg0: i32) -> (i32, i32) {
    %c0_i32 = arith.constant 0 : i32
    %c0_i32_0 = arith.constant 0 : i32
    %c0_i32_1 = arith.constant 0 : i32
    return %c0_i32, %c0_i32_0 : i32, i32
  }
  func.func @transform_6(%arg0: i32) -> (i32, i32) {
    %c0_i32 = arith.constant 0 : i32
    %c0_i32_0 = arith.constant 0 : i32
    %c0_i32_1 = arith.constant 0 : i32
    return %c0_i32, %c0_i32_0 : i32, i32
  }
  func.func @transform_7(%arg0: i32) -> (i32, i32) {
    %c0_i32 = arith.constant 0 : i32
    %c0_i32_0 = arith.constant 0 : i32
    %c0_i32_1 = arith.constant 0 : i32
    return %c0_i32, %c0_i32_0 : i32, i32
  }
  func.func @transform_8(%arg0: i32) -> (i32, i32) {
    %c0_i32 = arith.constant 0 : i32
    %c0_i32_0 = arith.constant 0 : i32
    %c0_i32_1 = arith.constant 0 : i32
    return %c0_i32, %c0_i32_0 : i32, i32
  }
  func.func @transform_9(%arg0: i32) -> (i32, i32) {
    %c0_i32 = arith.constant 0 : i32
    %c0_i32_0 = arith.constant 0 : i32
    %c0_i32_1 = arith.constant 0 : i32
    return %c0_i32, %c0_i32_0 : i32, i32
  }
  func.func @transform_10(%arg0: i32) -> (i32, i32) {
    %c0_i32 = arith.constant 0 : i32
    %c0_i32_0 = arith.constant 0 : i32
    %c0_i32_1 = arith.constant 0 : i32
    return %c0_i32, %c0_i32_0 : i32, i32
  }
  func.func @transform_11(%arg0: i32) -> (i32, i32) {
    %c0_i32 = arith.constant 0 : i32
    %c0_i32_0 = arith.constant 0 : i32
    %c0_i32_1 = arith.constant 0 : i32
    return %c0_i32, %c0_i32_0 : i32, i32
  }
  func.func @transform_12(%arg0: i32) -> (i32, i32) {
    %add3A = arith.constant 34 : i32
    %add3A_0 = arith.addi %arg0, %add3A : i32
    %c0_i32 = arith.constant 0 : i32
    %c0_i32_1 = arith.constant 0 : i32
    return %add3A_0, %c0_i32 : i32, i32
  }
  func.func @transform_13(%arg0: i32) -> (i32, i32) {
    %c0_i32 = arith.constant 0 : i32
    %c0_i32_0 = arith.constant 0 : i32
    %c0_i32_1 = arith.constant 0 : i32
    return %c0_i32, %c0_i32_0 : i32, i32
  }
  func.func @transform_14(%arg0: i32) -> (i32, i32) {
    %c0_i32 = arith.constant 0 : i32
    %c0_i32_0 = arith.constant 0 : i32
    return %arg0, %c0_i32 : i32, i32
  }
}

module attributes {stable_mosaic.version = 14 : i64} {
  func.func @_node_body(%arg0: i32, %arg1: memref<2000x128xf32, #tpu.memory_space<vmem>>, %arg2: memref<2x2000x128xf32, #tpu.memory_space<vmem>>, %arg3: memref<2x2000x128xf32, #tpu.memory_space<vmem>>, %arg4: memref<2x2000x128xf32, #tpu.memory_space<vmem>>, %arg5: memref<128x128xf32, #tpu.memory_space<vmem>>, %arg6: memref<128x128xf32, #tpu.memory_space<vmem>>, %arg7: memref<128x128xf32, #tpu.memory_space<vmem>>, %arg8: memref<128x128xf32, #tpu.memory_space<vmem>>, %arg9: memref<1x128xf32, #tpu.memory_space<vmem>>, %arg10: memref<1x128xf32, #tpu.memory_space<vmem>>, %arg11: memref<1x128xf32, #tpu.memory_space<vmem>>, %arg12: memref<1x128xf32, #tpu.memory_space<vmem>>, %arg13: memref<128x128xf32, #tpu.memory_space<vmem>>, %arg14: memref<2000x128xf32, #tpu.memory_space<vmem>>, %arg15: memref<1x128xf32, #tpu.memory_space<vmem>>) attributes {dimension_semantics = [#tpu.dimension_semantics<arbitrary>], iteration_bounds = array<i64: 5>, scalar_prefetch = 0 : i64, scratch_operands = 0 : i64, tpu.core_type = #tpu.core_type<tc>, window_params = [{transform_indices = @transform_0, window_bounds = array<i64: 2000, 128>}, {transform_indices = @transform_1, window_bounds = array<i64: 2, 2000, 128>}, {transform_indices = @transform_2, window_bounds = array<i64: 2, 2000, 128>}, {transform_indices = @transform_3, window_bounds = array<i64: 2, 2000, 128>}, {pipeline_mode = #tpu.pipeline_mode<synchronous>, transform_indices = @transform_4, window_bounds = array<i64: 128, 128>}, {pipeline_mode = #tpu.pipeline_mode<synchronous>, transform_indices = @transform_5, window_bounds = array<i64: 128, 128>}, {pipeline_mode = #tpu.pipeline_mode<synchronous>, transform_indices = @transform_6, window_bounds = array<i64: 128, 128>}, {pipeline_mode = #tpu.pipeline_mode<synchronous>, transform_indices = @transform_7, window_bounds = array<i64: 128, 128>}, {pipeline_mode = #tpu.pipeline_mode<synchronous>, transform_indices = @transform_8, window_bounds = array<i64: 1, 128>}, {pipeline_mode = #tpu.pipeline_mode<synchronous>, transform_indices = @transform_9, window_bounds = array<i64: 1, 128>}, {pipeline_mode = #tpu.pipeline_mode<synchronous>, transform_indices = @transform_10, window_bounds = array<i64: 1, 128>}, {pipeline_mode = #tpu.pipeline_mode<synchronous>, transform_indices = @transform_11, window_bounds = array<i64: 1, 128>}, {pipeline_mode = #tpu.pipeline_mode<synchronous>, transform_indices = @transform_12, window_bounds = array<i64: 128, 128>}, {transform_indices = @transform_13, window_bounds = array<i64: 2000, 128>}, {pipeline_mode = #tpu.pipeline_mode<synchronous>, transform_indices = @transform_14, window_bounds = array<i64: 1, 128>}]} {
    %get3A = arith.constant 0 : index
    %get3A_0 = arith.constant 0 : index
    %get3A_1 = vector.load %arg13[%get3A, %get3A_0] : memref<128x128xf32, #tpu.memory_space<vmem>>, vector<128x128xf32>
    %get3A_2 = arith.constant 0 : index
    %get3A_3 = arith.constant 0 : index
    %get3A_4 = arith.constant 0 : index
    %get3A_5 = vector.load %arg2[%get3A_2, %get3A_3, %get3A_4] : memref<2x2000x128xf32, #tpu.memory_space<vmem>>, vector<1x2000x128xf32>
    %get3A_6 = vector.shape_cast %get3A_5 : vector<1x2000x128xf32> to vector<2000x128xf32>
    %get3A_7 = arith.constant 1 : index
    %get3A_8 = arith.constant 0 : index
    %get3A_9 = arith.constant 0 : index
    %get3A_10 = vector.load %arg2[%get3A_7, %get3A_8, %get3A_9] : memref<2x2000x128xf32, #tpu.memory_space<vmem>>, vector<1x2000x128xf32>
    %get3A_11 = vector.shape_cast %get3A_10 : vector<1x2000x128xf32> to vector<2000x128xf32>
    %add3A = arith.addf %get3A_6, %get3A_11 : vector<2000x128xf32>
    %get3A_12 = arith.constant 0 : index
    %get3A_13 = arith.constant 0 : index
    %get3A_14 = arith.constant 0 : index
    %get3A_15 = vector.load %arg3[%get3A_12, %get3A_13, %get3A_14] : memref<2x2000x128xf32, #tpu.memory_space<vmem>>, vector<1x2000x128xf32>
    %get3A_16 = vector.shape_cast %get3A_15 : vector<1x2000x128xf32> to vector<2000x128xf32>
    %get3A_17 = arith.constant 1 : index
    %get3A_18 = arith.constant 0 : index
    %get3A_19 = arith.constant 0 : index
    %get3A_20 = vector.load %arg3[%get3A_17, %get3A_18, %get3A_19] : memref<2x2000x128xf32, #tpu.memory_space<vmem>>, vector<1x2000x128xf32>
    %get3A_21 = vector.shape_cast %get3A_20 : vector<1x2000x128xf32> to vector<2000x128xf32>
    %add3A_22 = arith.addf %get3A_16, %get3A_21 : vector<2000x128xf32>
    %add3A_23 = arith.addf %add3A, %add3A_22 : vector<2000x128xf32>
    %get3A_24 = arith.constant 0 : index
    %get3A_25 = arith.constant 0 : index
    %get3A_26 = arith.constant 0 : index
    %get3A_27 = vector.load %arg4[%get3A_24, %get3A_25, %get3A_26] : memref<2x2000x128xf32, #tpu.memory_space<vmem>>, vector<1x2000x128xf32>
    %get3A_28 = vector.shape_cast %get3A_27 : vector<1x2000x128xf32> to vector<2000x128xf32>
    %get3A_29 = arith.constant 1 : index
    %get3A_30 = arith.constant 0 : index
    %get3A_31 = arith.constant 0 : index
    %get3A_32 = vector.load %arg4[%get3A_29, %get3A_30, %get3A_31] : memref<2x2000x128xf32, #tpu.memory_space<vmem>>, vector<1x2000x128xf32>
    %get3A_33 = vector.shape_cast %get3A_32 : vector<1x2000x128xf32> to vector<2000x128xf32>
    %add3A_34 = arith.addf %get3A_28, %get3A_33 : vector<2000x128xf32>
    %add3A_35 = arith.addf %add3A_23, %add3A_34 : vector<2000x128xf32>
    %get3A_36 = arith.constant 0 : index
    %get3A_37 = arith.constant 0 : index
    %get3A_38 = vector.load %arg1[%get3A_36, %get3A_37] : memref<2000x128xf32, #tpu.memory_space<vmem>>, vector<2000x128xf32>
    %get3A_39 = arith.constant 0 : index
    %get3A_40 = arith.constant 0 : index
    %get3A_41 = vector.load %arg5[%get3A_39, %get3A_40] : memref<128x128xf32, #tpu.memory_space<vmem>>, vector<128x128xf32>
    %dot_general3A = arith.constant dense<0.000000e+00> : vector<2000x128xf32>
    %dot_general3A_42 = tpu.matmul %add3A_35, %get3A_41, %dot_general3A {dimension_numbers = #tpu.dot_dimension_numbers<[1], [0], [0], [1], [0, 0, 1, 1], [], []>, transpose_lhs_hint = false} : vector<2000x128xf32>, vector<128x128xf32>, vector<2000x128xf32> -> vector<2000x128xf32>
    %add3A_43 = arith.addf %get3A_38, %dot_general3A_42 : vector<2000x128xf32>
    %get3A_44 = arith.constant 0 : index
    %get3A_45 = arith.constant 0 : index
    %get3A_46 = vector.load %arg12[%get3A_44, %get3A_45] : memref<1x128xf32, #tpu.memory_space<vmem>>, vector<1x128xf32>
    %add3A_47 = vector.broadcast %get3A_46 : vector<1x128xf32> to vector<2000x128xf32>
    %add3A_48 = arith.addf %add3A_43, %add3A_47 : vector<2000x128xf32>
    %dot_general3A_49 = arith.constant dense<0.000000e+00> : vector<2000x128xf32>
    %dot_general3A_50 = tpu.matmul %add3A_48, %get3A_1, %dot_general3A_49 {dimension_numbers = #tpu.dot_dimension_numbers<[1], [0], [0], [1], [0, 0, 1, 1], [], []>, transpose_lhs_hint = false} : vector<2000x128xf32>, vector<128x128xf32>, vector<2000x128xf32> -> vector<2000x128xf32>
    %mul3A = arith.mulf %add3A_48, %add3A_48 : vector<2000x128xf32>
    %dot_general3A_51 = arith.constant dense<0.000000e+00> : vector<2000x128xf32>
    %dot_general3A_52 = tpu.matmul %mul3A, %get3A_1, %dot_general3A_51 {dimension_numbers = #tpu.dot_dimension_numbers<[1], [0], [0], [1], [0, 0, 1, 1], [], []>, transpose_lhs_hint = false} : vector<2000x128xf32>, vector<128x128xf32>, vector<2000x128xf32> -> vector<2000x128xf32>
    %mul3A_53 = arith.constant 7.812500e-03 : f32
    %mul3A_54 = vector.broadcast %mul3A_53 : f32 to vector<2000x128xf32>
    %mul3A_55 = arith.mulf %dot_general3A_50, %mul3A_54 : vector<2000x128xf32>
    %mul3A_56 = arith.constant 7.812500e-03 : f32
    %mul3A_57 = vector.broadcast %mul3A_56 : f32 to vector<2000x128xf32>
    %mul3A_58 = arith.mulf %dot_general3A_52, %mul3A_57 : vector<2000x128xf32>
    %mul3A_59 = arith.mulf %mul3A_55, %mul3A_55 : vector<2000x128xf32>
    %sub3A = arith.subf %mul3A_58, %mul3A_59 : vector<2000x128xf32>
    %sub3A_60 = arith.subf %add3A_48, %mul3A_55 : vector<2000x128xf32>
    %add3A_61 = arith.constant 9.99999974E-6 : f32
    %add3A_62 = vector.broadcast %add3A_61 : f32 to vector<2000x128xf32>
    %add3A_63 = arith.addf %sub3A, %add3A_62 : vector<2000x128xf32>
    %rsqrt3A = math.rsqrt %add3A_63 : vector<2000x128xf32>
    %mul3A_64 = arith.mulf %sub3A_60, %rsqrt3A : vector<2000x128xf32>
    %max3A = arith.constant 0.000000e+00 : f32
    %max3A_65 = vector.broadcast %max3A : f32 to vector<2000x128xf32>
    %max3A_66 = arith.maximumf %mul3A_64, %max3A_65 : vector<2000x128xf32>
    %get3A_67 = arith.constant 0 : index
    %get3A_68 = arith.constant 0 : index
    %get3A_69 = vector.load %arg6[%get3A_67, %get3A_68] : memref<128x128xf32, #tpu.memory_space<vmem>>, vector<128x128xf32>
    %dot_general3A_70 = arith.constant dense<0.000000e+00> : vector<2000x128xf32>
    %dot_general3A_71 = tpu.matmul %max3A_66, %get3A_69, %dot_general3A_70 {dimension_numbers = #tpu.dot_dimension_numbers<[1], [0], [0], [1], [0, 0, 1, 1], [], []>, transpose_lhs_hint = false} : vector<2000x128xf32>, vector<128x128xf32>, vector<2000x128xf32> -> vector<2000x128xf32>
    %get3A_72 = arith.constant 0 : index
    %get3A_73 = arith.constant 0 : index
    %get3A_74 = vector.load %arg9[%get3A_72, %get3A_73] : memref<1x128xf32, #tpu.memory_space<vmem>>, vector<1x128xf32>
    %add3A_75 = vector.broadcast %get3A_74 : vector<1x128xf32> to vector<2000x128xf32>
    %add3A_76 = arith.addf %dot_general3A_71, %add3A_75 : vector<2000x128xf32>
    %dot_general3A_77 = arith.constant dense<0.000000e+00> : vector<2000x128xf32>
    %dot_general3A_78 = tpu.matmul %add3A_76, %get3A_1, %dot_general3A_77 {dimension_numbers = #tpu.dot_dimension_numbers<[1], [0], [0], [1], [0, 0, 1, 1], [], []>, transpose_lhs_hint = false} : vector<2000x128xf32>, vector<128x128xf32>, vector<2000x128xf32> -> vector<2000x128xf32>
    %mul3A_79 = arith.mulf %add3A_76, %add3A_76 : vector<2000x128xf32>
    %dot_general3A_80 = arith.constant dense<0.000000e+00> : vector<2000x128xf32>
    %dot_general3A_81 = tpu.matmul %mul3A_79, %get3A_1, %dot_general3A_80 {dimension_numbers = #tpu.dot_dimension_numbers<[1], [0], [0], [1], [0, 0, 1, 1], [], []>, transpose_lhs_hint = false} : vector<2000x128xf32>, vector<128x128xf32>, vector<2000x128xf32> -> vector<2000x128xf32>
    %mul3A_82 = arith.constant 7.812500e-03 : f32
    %mul3A_83 = vector.broadcast %mul3A_82 : f32 to vector<2000x128xf32>
    %mul3A_84 = arith.mulf %dot_general3A_78, %mul3A_83 : vector<2000x128xf32>
    %mul3A_85 = arith.constant 7.812500e-03 : f32
    %mul3A_86 = vector.broadcast %mul3A_85 : f32 to vector<2000x128xf32>
    %mul3A_87 = arith.mulf %dot_general3A_81, %mul3A_86 : vector<2000x128xf32>
    %mul3A_88 = arith.mulf %mul3A_84, %mul3A_84 : vector<2000x128xf32>
    %sub3A_89 = arith.subf %mul3A_87, %mul3A_88 : vector<2000x128xf32>
    %sub3A_90 = arith.subf %add3A_76, %mul3A_84 : vector<2000x128xf32>
    %add3A_91 = arith.constant 9.99999974E-6 : f32
    %add3A_92 = vector.broadcast %add3A_91 : f32 to vector<2000x128xf32>
    %add3A_93 = arith.addf %sub3A_89, %add3A_92 : vector<2000x128xf32>
    %rsqrt3A_94 = math.rsqrt %add3A_93 : vector<2000x128xf32>
    %mul3A_95 = arith.mulf %sub3A_90, %rsqrt3A_94 : vector<2000x128xf32>
    %max3A_96 = arith.constant 0.000000e+00 : f32
    %max3A_97 = vector.broadcast %max3A_96 : f32 to vector<2000x128xf32>
    %max3A_98 = arith.maximumf %mul3A_95, %max3A_97 : vector<2000x128xf32>
    %get3A_99 = arith.constant 0 : index
    %get3A_100 = arith.constant 0 : index
    %get3A_101 = vector.load %arg7[%get3A_99, %get3A_100] : memref<128x128xf32, #tpu.memory_space<vmem>>, vector<128x128xf32>
    %dot_general3A_102 = arith.constant dense<0.000000e+00> : vector<2000x128xf32>
    %dot_general3A_103 = tpu.matmul %max3A_98, %get3A_101, %dot_general3A_102 {dimension_numbers = #tpu.dot_dimension_numbers<[1], [0], [0], [1], [0, 0, 1, 1], [], []>, transpose_lhs_hint = false} : vector<2000x128xf32>, vector<128x128xf32>, vector<2000x128xf32> -> vector<2000x128xf32>
    %get3A_104 = arith.constant 0 : index
    %get3A_105 = arith.constant 0 : index
    %get3A_106 = vector.load %arg10[%get3A_104, %get3A_105] : memref<1x128xf32, #tpu.memory_space<vmem>>, vector<1x128xf32>
    %add3A_107 = vector.broadcast %get3A_106 : vector<1x128xf32> to vector<2000x128xf32>
    %add3A_108 = arith.addf %dot_general3A_103, %add3A_107 : vector<2000x128xf32>
    %dot_general3A_109 = arith.constant dense<0.000000e+00> : vector<2000x128xf32>
    %dot_general3A_110 = tpu.matmul %add3A_108, %get3A_1, %dot_general3A_109 {dimension_numbers = #tpu.dot_dimension_numbers<[1], [0], [0], [1], [0, 0, 1, 1], [], []>, transpose_lhs_hint = false} : vector<2000x128xf32>, vector<128x128xf32>, vector<2000x128xf32> -> vector<2000x128xf32>
    %mul3A_111 = arith.mulf %add3A_108, %add3A_108 : vector<2000x128xf32>
    %dot_general3A_112 = arith.constant dense<0.000000e+00> : vector<2000x128xf32>
    %dot_general3A_113 = tpu.matmul %mul3A_111, %get3A_1, %dot_general3A_112 {dimension_numbers = #tpu.dot_dimension_numbers<[1], [0], [0], [1], [0, 0, 1, 1], [], []>, transpose_lhs_hint = false} : vector<2000x128xf32>, vector<128x128xf32>, vector<2000x128xf32> -> vector<2000x128xf32>
    %mul3A_114 = arith.constant 7.812500e-03 : f32
    %mul3A_115 = vector.broadcast %mul3A_114 : f32 to vector<2000x128xf32>
    %mul3A_116 = arith.mulf %dot_general3A_110, %mul3A_115 : vector<2000x128xf32>
    %mul3A_117 = arith.constant 7.812500e-03 : f32
    %mul3A_118 = vector.broadcast %mul3A_117 : f32 to vector<2000x128xf32>
    %mul3A_119 = arith.mulf %dot_general3A_113, %mul3A_118 : vector<2000x128xf32>
    %mul3A_120 = arith.mulf %mul3A_116, %mul3A_116 : vector<2000x128xf32>
    %sub3A_121 = arith.subf %mul3A_119, %mul3A_120 : vector<2000x128xf32>
    %sub3A_122 = arith.subf %add3A_108, %mul3A_116 : vector<2000x128xf32>
    %add3A_123 = arith.constant 9.99999974E-6 : f32
    %add3A_124 = vector.broadcast %add3A_123 : f32 to vector<2000x128xf32>
    %add3A_125 = arith.addf %sub3A_121, %add3A_124 : vector<2000x128xf32>
    %rsqrt3A_126 = math.rsqrt %add3A_125 : vector<2000x128xf32>
    %mul3A_127 = arith.mulf %sub3A_122, %rsqrt3A_126 : vector<2000x128xf32>
    %max3A_128 = arith.constant 0.000000e+00 : f32
    %max3A_129 = vector.broadcast %max3A_128 : f32 to vector<2000x128xf32>
    %max3A_130 = arith.maximumf %mul3A_127, %max3A_129 : vector<2000x128xf32>
    %get3A_131 = arith.constant 0 : index
    %get3A_132 = arith.constant 0 : index
    %get3A_133 = vector.load %arg8[%get3A_131, %get3A_132] : memref<128x128xf32, #tpu.memory_space<vmem>>, vector<128x128xf32>
    %dot_general3A_134 = arith.constant dense<0.000000e+00> : vector<2000x128xf32>
    %dot_general3A_135 = tpu.matmul %max3A_130, %get3A_133, %dot_general3A_134 {dimension_numbers = #tpu.dot_dimension_numbers<[1], [0], [0], [1], [0, 0, 1, 1], [], []>, transpose_lhs_hint = false} : vector<2000x128xf32>, vector<128x128xf32>, vector<2000x128xf32> -> vector<2000x128xf32>
    %get3A_136 = arith.constant 0 : index
    %get3A_137 = arith.constant 0 : index
    %get3A_138 = vector.load %arg11[%get3A_136, %get3A_137] : memref<1x128xf32, #tpu.memory_space<vmem>>, vector<1x128xf32>
    %add3A_139 = vector.broadcast %get3A_138 : vector<1x128xf32> to vector<2000x128xf32>
    %add3A_140 = arith.addf %dot_general3A_135, %add3A_139 : vector<2000x128xf32>
    %swap3A = arith.constant 0 : index
    %swap3A_141 = arith.constant 0 : index
    %swap3A_142 = vector.load %arg14[%swap3A, %swap3A_141] : memref<2000x128xf32, #tpu.memory_space<vmem>>, vector<2000x128xf32>
    tpu.vector_store %arg14[%swap3A, %swap3A_141], %add3A_140 {strides = array<i32>} : memref<2000x128xf32, #tpu.memory_space<vmem>>, vector<2000x128xf32>,
    %eq3A = arith.constant 0 : i32
    %eq3A_143 = arith.cmpi eq, %arg0, %eq3A : i32
    %convert_element_type3A = arith.extui %eq3A_143 : i1 to i32
    %cond3A = arith.constant 0 : i32
    %cond3A_144 = arith.cmpi ne, %convert_element_type3A, %cond3A : i32
    scf.if %cond3A_144 {
      %broadcast_in_dim3A_153 = arith.constant 0.000000e+00 : f32
      %broadcast_in_dim3A_154 = vector.broadcast %broadcast_in_dim3A_153 : f32 to vector<1x128xf32>
      %swap3A_155 = arith.constant 0 : index
      %swap3A_156 = arith.constant 0 : index
      %swap3A_157 = vector.load %arg15[%swap3A_155, %swap3A_156] : memref<1x128xf32, #tpu.memory_space<vmem>>, vector<1x128xf32>
      tpu.vector_store %arg15[%swap3A_155, %swap3A_156], %broadcast_in_dim3A_154 {strides = array<i32>} : memref<1x128xf32, #tpu.memory_space<vmem>>, vector<1x128xf32>,
    } else {
    }
    %get3A_145 = arith.constant 0 : index
    %get3A_146 = arith.constant 0 : index
    %get3A_147 = vector.load %arg15[%get3A_145, %get3A_146] : memref<1x128xf32, #tpu.memory_space<vmem>>, vector<1x128xf32>
    %reduce_sum3A = arith.constant dense<0.000000e+00> : vector<128xf32>
    %reduce_sum3A_148 = vector.multi_reduction <add>, %add3A_140, %reduce_sum3A [0] : vector<2000x128xf32> to vector<128xf32>
    %broadcast_in_dim3A = vector.shape_cast %reduce_sum3A_148 : vector<128xf32> to vector<1x128xf32>
    %add3A_149 = arith.addf %get3A_147, %broadcast_in_dim3A : vector<1x128xf32>
    %swap3A_150 = arith.constant 0 : index
    %swap3A_151 = arith.constant 0 : index
    %swap3A_152 = vector.load %arg15[%swap3A_150, %swap3A_151] : memref<1x128xf32, #tpu.memory_space<vmem>>, vector<1x128xf32>
    tpu.vector_store %arg15[%swap3A_150, %swap3A_151], %add3A_149 {strides = array<i32>} : memref<1x128xf32, #tpu.memory_space<vmem>>, vector<1x128xf32>,
    return
  }
  func.func @transform_0(%arg0: i32) -> (i32, i32) {
    %c0_i32 = arith.constant 0 : i32
    %c0_i32_0 = arith.constant 0 : i32
    return %arg0, %c0_i32 : i32, i32
  }
  func.func @transform_1(%arg0: i32) -> (i32, i32, i32) {
    %c0_i32 = arith.constant 0 : i32
    %c0_i32_0 = arith.constant 0 : i32
    %c0_i32_1 = arith.constant 0 : i32
    return %c0_i32, %arg0, %c0_i32_0 : i32, i32, i32
  }
  func.func @transform_2(%arg0: i32) -> (i32, i32, i32) {
    %c0_i32 = arith.constant 0 : i32
    %c0_i32_0 = arith.constant 0 : i32
    %c0_i32_1 = arith.constant 0 : i32
    return %c0_i32, %arg0, %c0_i32_0 : i32, i32, i32
  }
  func.func @transform_3(%arg0: i32) -> (i32, i32, i32) {
    %c0_i32 = arith.constant 0 : i32
    %c0_i32_0 = arith.constant 0 : i32
    %c0_i32_1 = arith.constant 0 : i32
    return %c0_i32, %arg0, %c0_i32_0 : i32, i32, i32
  }
  func.func @transform_4(%arg0: i32) -> (i32, i32) {
    %c0_i32 = arith.constant 0 : i32
    %c0_i32_0 = arith.constant 0 : i32
    %c0_i32_1 = arith.constant 0 : i32
    return %c0_i32, %c0_i32_0 : i32, i32
  }
  func.func @transform_5(%arg0: i32) -> (i32, i32) {
    %c0_i32 = arith.constant 0 : i32
    %c0_i32_0 = arith.constant 0 : i32
    %c0_i32_1 = arith.constant 0 : i32
    return %c0_i32, %c0_i32_0 : i32, i32
  }
  func.func @transform_6(%arg0: i32) -> (i32, i32) {
    %c0_i32 = arith.constant 0 : i32
    %c0_i32_0 = arith.constant 0 : i32
    %c0_i32_1 = arith.constant 0 : i32
    return %c0_i32, %c0_i32_0 : i32, i32
  }
  func.func @transform_7(%arg0: i32) -> (i32, i32) {
    %c0_i32 = arith.constant 0 : i32
    %c0_i32_0 = arith.constant 0 : i32
    %c0_i32_1 = arith.constant 0 : i32
    return %c0_i32, %c0_i32_0 : i32, i32
  }
  func.func @transform_8(%arg0: i32) -> (i32, i32) {
    %c0_i32 = arith.constant 0 : i32
    %c0_i32_0 = arith.constant 0 : i32
    %c0_i32_1 = arith.constant 0 : i32
    return %c0_i32, %c0_i32_0 : i32, i32
  }
  func.func @transform_9(%arg0: i32) -> (i32, i32) {
    %c0_i32 = arith.constant 0 : i32
    %c0_i32_0 = arith.constant 0 : i32
    %c0_i32_1 = arith.constant 0 : i32
    return %c0_i32, %c0_i32_0 : i32, i32
  }
  func.func @transform_10(%arg0: i32) -> (i32, i32) {
    %c0_i32 = arith.constant 0 : i32
    %c0_i32_0 = arith.constant 0 : i32
    %c0_i32_1 = arith.constant 0 : i32
    return %c0_i32, %c0_i32_0 : i32, i32
  }
  func.func @transform_11(%arg0: i32) -> (i32, i32) {
    %c0_i32 = arith.constant 0 : i32
    %c0_i32_0 = arith.constant 0 : i32
    %c0_i32_1 = arith.constant 0 : i32
    return %c0_i32, %c0_i32_0 : i32, i32
  }
  func.func @transform_12(%arg0: i32) -> (i32, i32) {
    %c0_i32 = arith.constant 0 : i32
    %c0_i32_0 = arith.constant 0 : i32
    %c0_i32_1 = arith.constant 0 : i32
    return %c0_i32, %c0_i32_0 : i32, i32
  }
  func.func @transform_13(%arg0: i32) -> (i32, i32) {
    %c0_i32 = arith.constant 0 : i32
    %c0_i32_0 = arith.constant 0 : i32
    return %arg0, %c0_i32 : i32, i32
  }
  func.func @transform_14(%arg0: i32) -> (i32, i32) {
    %c0_i32 = arith.constant 0 : i32
    %c0_i32_0 = arith.constant 0 : i32
    %c0_i32_1 = arith.constant 0 : i32
    return %c0_i32, %c0_i32_0 : i32, i32
  }
}

module attributes {stable_mosaic.version = 14 : i64} {
  func.func @_glob_body(%arg0: memref<1x128xf32, #tpu.memory_space<vmem>>, %arg1: memref<1x128xf32, #tpu.memory_space<vmem>>, %arg2: memref<1x128xf32, #tpu.memory_space<vmem>>, %arg3: memref<1x128xf32, #tpu.memory_space<vmem>>, %arg4: memref<1x128xf32, #tpu.memory_space<vmem>>, %arg5: memref<128x128xf32, #tpu.memory_space<vmem>>, %arg6: memref<128x128xf32, #tpu.memory_space<vmem>>, %arg7: memref<128x128xf32, #tpu.memory_space<vmem>>, %arg8: memref<128x128xf32, #tpu.memory_space<vmem>>, %arg9: memref<128x128xf32, #tpu.memory_space<vmem>>, %arg10: memref<128x128xf32, #tpu.memory_space<vmem>>, %arg11: memref<1x128xf32, #tpu.memory_space<vmem>>, %arg12: memref<1x128xf32, #tpu.memory_space<vmem>>, %arg13: memref<1x128xf32, #tpu.memory_space<vmem>>, %arg14: memref<1x128xf32, #tpu.memory_space<vmem>>, %arg15: memref<1x128xf32, #tpu.memory_space<vmem>>) attributes {dimension_semantics = [], scalar_prefetch = 0 : i64, scratch_operands = 0 : i64, tpu.core_type = #tpu.core_type<tc>} {
    %get3A = arith.constant 0 : index
    %get3A_0 = arith.constant 0 : index
    %get3A_1 = vector.load %arg0[%get3A, %get3A_0] : memref<1x128xf32, #tpu.memory_space<vmem>>, vector<1x128xf32>
    %mul3A = arith.constant 9.99999974E-5 : f32
    %mul3A_2 = vector.broadcast %mul3A : f32 to vector<1x128xf32>
    %mul3A_3 = arith.mulf %get3A_1, %mul3A_2 : vector<1x128xf32>
    %get3A_4 = arith.constant 0 : index
    %get3A_5 = arith.constant 0 : index
    %get3A_6 = vector.load %arg1[%get3A_4, %get3A_5] : memref<1x128xf32, #tpu.memory_space<vmem>>, vector<1x128xf32>
    %get3A_7 = arith.constant 0 : index
    %get3A_8 = arith.constant 0 : index
    %get3A_9 = vector.load %arg2[%get3A_7, %get3A_8] : memref<1x128xf32, #tpu.memory_space<vmem>>, vector<1x128xf32>
    %add3A = arith.addf %get3A_6, %get3A_9 : vector<1x128xf32>
    %get3A_10 = arith.constant 0 : index
    %get3A_11 = arith.constant 0 : index
    %get3A_12 = vector.load %arg3[%get3A_10, %get3A_11] : memref<1x128xf32, #tpu.memory_space<vmem>>, vector<1x128xf32>
    %add3A_13 = arith.addf %add3A, %get3A_12 : vector<1x128xf32>
    %mul3A_14 = arith.constant 3.125000e-06 : f32
    %mul3A_15 = vector.broadcast %mul3A_14 : f32 to vector<1x128xf32>
    %mul3A_16 = arith.mulf %add3A_13, %mul3A_15 : vector<1x128xf32>
    %get3A_17 = arith.constant 0 : index
    %get3A_18 = arith.constant 0 : index
    %get3A_19 = vector.load %arg5[%get3A_17, %get3A_18] : memref<128x128xf32, #tpu.memory_space<vmem>>, vector<128x128xf32>
    %dot_general3A = arith.constant dense<0.000000e+00> : vector<1x128xf32>
    %dot_general3A_20 = tpu.matmul %mul3A_3, %get3A_19, %dot_general3A {dimension_numbers = #tpu.dot_dimension_numbers<[1], [0], [0], [1], [0, 0, 1, 1], [], []>, transpose_lhs_hint = false} : vector<1x128xf32>, vector<128x128xf32>, vector<1x128xf32> -> vector<1x128xf32>
    %get3A_21 = arith.constant 0 : index
    %get3A_22 = arith.constant 0 : index
    %get3A_23 = vector.load %arg6[%get3A_21, %get3A_22] : memref<128x128xf32, #tpu.memory_space<vmem>>, vector<128x128xf32>
    %dot_general3A_24 = arith.constant dense<0.000000e+00> : vector<1x128xf32>
    %dot_general3A_25 = tpu.matmul %mul3A_16, %get3A_23, %dot_general3A_24 {dimension_numbers = #tpu.dot_dimension_numbers<[1], [0], [0], [1], [0, 0, 1, 1], [], []>, transpose_lhs_hint = false} : vector<1x128xf32>, vector<128x128xf32>, vector<1x128xf32> -> vector<1x128xf32>
    %add3A_26 = arith.addf %dot_general3A_20, %dot_general3A_25 : vector<1x128xf32>
    %get3A_27 = arith.constant 0 : index
    %get3A_28 = arith.constant 0 : index
    %get3A_29 = vector.load %arg4[%get3A_27, %get3A_28] : memref<1x128xf32, #tpu.memory_space<vmem>>, vector<1x128xf32>
    %get3A_30 = arith.constant 0 : index
    %get3A_31 = arith.constant 0 : index
    %get3A_32 = vector.load %arg7[%get3A_30, %get3A_31] : memref<128x128xf32, #tpu.memory_space<vmem>>, vector<128x128xf32>
    %dot_general3A_33 = arith.constant dense<0.000000e+00> : vector<1x128xf32>
    %dot_general3A_34 = tpu.matmul %get3A_29, %get3A_32, %dot_general3A_33 {dimension_numbers = #tpu.dot_dimension_numbers<[1], [0], [0], [1], [0, 0, 1, 1], [], []>, transpose_lhs_hint = false} : vector<1x128xf32>, vector<128x128xf32>, vector<1x128xf32> -> vector<1x128xf32>
    %add3A_35 = arith.addf %add3A_26, %dot_general3A_34 : vector<1x128xf32>
    %get3A_36 = arith.constant 0 : index
    %get3A_37 = arith.constant 0 : index
    %get3A_38 = vector.load %arg11[%get3A_36, %get3A_37] : memref<1x128xf32, #tpu.memory_space<vmem>>, vector<1x128xf32>
    %add3A_39 = arith.addf %add3A_35, %get3A_38 : vector<1x128xf32>
    %reduce_sum3A = arith.constant dense<0.000000e+00> : vector<1xf32>
    %reduce_sum3A_40 = vector.multi_reduction <add>, %add3A_39, %reduce_sum3A [1] : vector<1x128xf32> to vector<1xf32>
    %broadcast_in_dim3A = vector.shape_cast %reduce_sum3A_40 : vector<1xf32> to vector<1x1xf32>
    %div3A = arith.constant 1.280000e+02 : f32
    %div3A_41 = vector.broadcast %div3A : f32 to vector<1x1xf32>
    %div3A_42 = arith.divf %broadcast_in_dim3A, %div3A_41 : vector<1x1xf32>
    %sub3A = vector.broadcast %div3A_42 : vector<1x1xf32> to vector<1x128xf32>
    %sub3A_43 = arith.subf %add3A_39, %sub3A : vector<1x128xf32>
    %sub3A_44 = vector.broadcast %div3A_42 : vector<1x1xf32> to vector<1x128xf32>
    %sub3A_45 = arith.subf %add3A_39, %sub3A_44 : vector<1x128xf32>
    %mul3A_46 = arith.mulf %sub3A_43, %sub3A_45 : vector<1x128xf32>
    %reduce_sum3A_47 = arith.constant dense<0.000000e+00> : vector<1xf32>
    %reduce_sum3A_48 = vector.multi_reduction <add>, %mul3A_46, %reduce_sum3A_47 [1] : vector<1x128xf32> to vector<1xf32>
    %broadcast_in_dim3A_49 = vector.shape_cast %reduce_sum3A_48 : vector<1xf32> to vector<1x1xf32>
    %div3A_50 = arith.constant 1.280000e+02 : f32
    %div3A_51 = vector.broadcast %div3A_50 : f32 to vector<1x1xf32>
    %div3A_52 = arith.divf %broadcast_in_dim3A_49, %div3A_51 : vector<1x1xf32>
    %sub3A_53 = vector.broadcast %div3A_42 : vector<1x1xf32> to vector<1x128xf32>
    %sub3A_54 = arith.subf %add3A_39, %sub3A_53 : vector<1x128xf32>
    %add3A_55 = arith.constant 9.99999974E-6 : f32
    %add3A_56 = vector.broadcast %add3A_55 : f32 to vector<1x1xf32>
    %add3A_57 = arith.addf %div3A_52, %add3A_56 : vector<1x1xf32>
    %sqrt3A = math.sqrt %add3A_57 : vector<1x1xf32>
    %div3A_58 = vector.broadcast %sqrt3A : vector<1x1xf32> to vector<1x128xf32>
    %div3A_59 = arith.divf %sub3A_54, %div3A_58 : vector<1x128xf32>
    %max3A = arith.constant 0.000000e+00 : f32
    %max3A_60 = vector.broadcast %max3A : f32 to vector<1x128xf32>
    %max3A_61 = arith.maximumf %div3A_59, %max3A_60 : vector<1x128xf32>
    %get3A_62 = arith.constant 0 : index
    %get3A_63 = arith.constant 0 : index
    %get3A_64 = vector.load %arg8[%get3A_62, %get3A_63] : memref<128x128xf32, #tpu.memory_space<vmem>>, vector<128x128xf32>
    %dot_general3A_65 = arith.constant dense<0.000000e+00> : vector<1x128xf32>
    %dot_general3A_66 = tpu.matmul %max3A_61, %get3A_64, %dot_general3A_65 {dimension_numbers = #tpu.dot_dimension_numbers<[1], [0], [0], [1], [0, 0, 1, 1], [], []>, transpose_lhs_hint = false} : vector<1x128xf32>, vector<128x128xf32>, vector<1x128xf32> -> vector<1x128xf32>
    %get3A_67 = arith.constant 0 : index
    %get3A_68 = arith.constant 0 : index
    %get3A_69 = vector.load %arg12[%get3A_67, %get3A_68] : memref<1x128xf32, #tpu.memory_space<vmem>>, vector<1x128xf32>
    %add3A_70 = arith.addf %dot_general3A_66, %get3A_69 : vector<1x128xf32>
    %reduce_sum3A_71 = arith.constant dense<0.000000e+00> : vector<1xf32>
    %reduce_sum3A_72 = vector.multi_reduction <add>, %add3A_70, %reduce_sum3A_71 [1] : vector<1x128xf32> to vector<1xf32>
    %broadcast_in_dim3A_73 = vector.shape_cast %reduce_sum3A_72 : vector<1xf32> to vector<1x1xf32>
    %div3A_74 = arith.constant 1.280000e+02 : f32
    %div3A_75 = vector.broadcast %div3A_74 : f32 to vector<1x1xf32>
    %div3A_76 = arith.divf %broadcast_in_dim3A_73, %div3A_75 : vector<1x1xf32>
    %sub3A_77 = vector.broadcast %div3A_76 : vector<1x1xf32> to vector<1x128xf32>
    %sub3A_78 = arith.subf %add3A_70, %sub3A_77 : vector<1x128xf32>
    %sub3A_79 = vector.broadcast %div3A_76 : vector<1x1xf32> to vector<1x128xf32>
    %sub3A_80 = arith.subf %add3A_70, %sub3A_79 : vector<1x128xf32>
    %mul3A_81 = arith.mulf %sub3A_78, %sub3A_80 : vector<1x128xf32>
    %reduce_sum3A_82 = arith.constant dense<0.000000e+00> : vector<1xf32>
    %reduce_sum3A_83 = vector.multi_reduction <add>, %mul3A_81, %reduce_sum3A_82 [1] : vector<1x128xf32> to vector<1xf32>
    %broadcast_in_dim3A_84 = vector.shape_cast %reduce_sum3A_83 : vector<1xf32> to vector<1x1xf32>
    %div3A_85 = arith.constant 1.280000e+02 : f32
    %div3A_86 = vector.broadcast %div3A_85 : f32 to vector<1x1xf32>
    %div3A_87 = arith.divf %broadcast_in_dim3A_84, %div3A_86 : vector<1x1xf32>
    %sub3A_88 = vector.broadcast %div3A_76 : vector<1x1xf32> to vector<1x128xf32>
    %sub3A_89 = arith.subf %add3A_70, %sub3A_88 : vector<1x128xf32>
    %add3A_90 = arith.constant 9.99999974E-6 : f32
    %add3A_91 = vector.broadcast %add3A_90 : f32 to vector<1x1xf32>
    %add3A_92 = arith.addf %div3A_87, %add3A_91 : vector<1x1xf32>
    %sqrt3A_93 = math.sqrt %add3A_92 : vector<1x1xf32>
    %div3A_94 = vector.broadcast %sqrt3A_93 : vector<1x1xf32> to vector<1x128xf32>
    %div3A_95 = arith.divf %sub3A_89, %div3A_94 : vector<1x128xf32>
    %max3A_96 = arith.constant 0.000000e+00 : f32
    %max3A_97 = vector.broadcast %max3A_96 : f32 to vector<1x128xf32>
    %max3A_98 = arith.maximumf %div3A_95, %max3A_97 : vector<1x128xf32>
    %get3A_99 = arith.constant 0 : index
    %get3A_100 = arith.constant 0 : index
    %get3A_101 = vector.load %arg9[%get3A_99, %get3A_100] : memref<128x128xf32, #tpu.memory_space<vmem>>, vector<128x128xf32>
    %dot_general3A_102 = arith.constant dense<0.000000e+00> : vector<1x128xf32>
    %dot_general3A_103 = tpu.matmul %max3A_98, %get3A_101, %dot_general3A_102 {dimension_numbers = #tpu.dot_dimension_numbers<[1], [0], [0], [1], [0, 0, 1, 1], [], []>, transpose_lhs_hint = false} : vector<1x128xf32>, vector<128x128xf32>, vector<1x128xf32> -> vector<1x128xf32>
    %get3A_104 = arith.constant 0 : index
    %get3A_105 = arith.constant 0 : index
    %get3A_106 = vector.load %arg13[%get3A_104, %get3A_105] : memref<1x128xf32, #tpu.memory_space<vmem>>, vector<1x128xf32>
    %add3A_107 = arith.addf %dot_general3A_103, %get3A_106 : vector<1x128xf32>
    %reduce_sum3A_108 = arith.constant dense<0.000000e+00> : vector<1xf32>
    %reduce_sum3A_109 = vector.multi_reduction <add>, %add3A_107, %reduce_sum3A_108 [1] : vector<1x128xf32> to vector<1xf32>
    %broadcast_in_dim3A_110 = vector.shape_cast %reduce_sum3A_109 : vector<1xf32> to vector<1x1xf32>
    %div3A_111 = arith.constant 1.280000e+02 : f32
    %div3A_112 = vector.broadcast %div3A_111 : f32 to vector<1x1xf32>
    %div3A_113 = arith.divf %broadcast_in_dim3A_110, %div3A_112 : vector<1x1xf32>
    %sub3A_114 = vector.broadcast %div3A_113 : vector<1x1xf32> to vector<1x128xf32>
    %sub3A_115 = arith.subf %add3A_107, %sub3A_114 : vector<1x128xf32>
    %sub3A_116 = vector.broadcast %div3A_113 : vector<1x1xf32> to vector<1x128xf32>
    %sub3A_117 = arith.subf %add3A_107, %sub3A_116 : vector<1x128xf32>
    %mul3A_118 = arith.mulf %sub3A_115, %sub3A_117 : vector<1x128xf32>
    %reduce_sum3A_119 = arith.constant dense<0.000000e+00> : vector<1xf32>
    %reduce_sum3A_120 = vector.multi_reduction <add>, %mul3A_118, %reduce_sum3A_119 [1] : vector<1x128xf32> to vector<1xf32>
    %broadcast_in_dim3A_121 = vector.shape_cast %reduce_sum3A_120 : vector<1xf32> to vector<1x1xf32>
    %div3A_122 = arith.constant 1.280000e+02 : f32
    %div3A_123 = vector.broadcast %div3A_122 : f32 to vector<1x1xf32>
    %div3A_124 = arith.divf %broadcast_in_dim3A_121, %div3A_123 : vector<1x1xf32>
    %sub3A_125 = vector.broadcast %div3A_113 : vector<1x1xf32> to vector<1x128xf32>
    %sub3A_126 = arith.subf %add3A_107, %sub3A_125 : vector<1x128xf32>
    %add3A_127 = arith.constant 9.99999974E-6 : f32
    %add3A_128 = vector.broadcast %add3A_127 : f32 to vector<1x1xf32>
    %add3A_129 = arith.addf %div3A_124, %add3A_128 : vector<1x1xf32>
    %sqrt3A_130 = math.sqrt %add3A_129 : vector<1x1xf32>
    %div3A_131 = vector.broadcast %sqrt3A_130 : vector<1x1xf32> to vector<1x128xf32>
    %div3A_132 = arith.divf %sub3A_126, %div3A_131 : vector<1x128xf32>
    %max3A_133 = arith.constant 0.000000e+00 : f32
    %max3A_134 = vector.broadcast %max3A_133 : f32 to vector<1x128xf32>
    %max3A_135 = arith.maximumf %div3A_132, %max3A_134 : vector<1x128xf32>
    %get3A_136 = arith.constant 0 : index
    %get3A_137 = arith.constant 0 : index
    %get3A_138 = vector.load %arg10[%get3A_136, %get3A_137] : memref<128x128xf32, #tpu.memory_space<vmem>>, vector<128x128xf32>
    %dot_general3A_139 = arith.constant dense<0.000000e+00> : vector<1x128xf32>
    %dot_general3A_140 = tpu.matmul %max3A_135, %get3A_138, %dot_general3A_139 {dimension_numbers = #tpu.dot_dimension_numbers<[1], [0], [0], [1], [0, 0, 1, 1], [], []>, transpose_lhs_hint = false} : vector<1x128xf32>, vector<128x128xf32>, vector<1x128xf32> -> vector<1x128xf32>
    %get3A_141 = arith.constant 0 : index
    %get3A_142 = arith.constant 0 : index
    %get3A_143 = vector.load %arg14[%get3A_141, %get3A_142] : memref<1x128xf32, #tpu.memory_space<vmem>>, vector<1x128xf32>
    %add3A_144 = arith.addf %dot_general3A_140, %get3A_143 : vector<1x128xf32>
    %swap3A = arith.constant 0 : index
    %swap3A_145 = arith.constant 0 : index
    %swap3A_146 = vector.load %arg15[%swap3A, %swap3A_145] : memref<1x128xf32, #tpu.memory_space<vmem>>, vector<1x128xf32>
    tpu.vector_store %arg15[%swap3A, %swap3A_145], %add3A_144 {strides = array<i32>} : memref<1x128xf32, #tpu.memory_space<vmem>>, vector<1x128xf32>,
    return
  }
}

</mosaic_0001>

<sc_bundles>
// kernel: kernel.14.cloned.1.call-start
scs
__scs_entry_jumppad:
0x0: {  	(pc) =	sbr.rel $0x88, $3  }
0x1: {  	(tag) =	ssettag $0x0;
	lr =	simm.s32 $0x1  }
0x2: {  	[smem:$0x3F85] =	sst lr;
	_ =	strace $0xD0000000  }
0x3: {  	_ = 	snop  }
0x4: {  	_ = 	snop  }
0x5: {  	_ = 	snop  }
0x6: {  	_ = 	snop  }
0x7: {  	_ = 	snop  }
__scs_overlays_trampoline_lowered:
0x8: {  	[smem:$0x3F94] =	sst s0  }
0x9: {  	[smem:$0x3F95] =	sst s1  }
0xa: {  	[smem:$0x3F96] =	sst s2  }
0xb: {  	[smem:$0x3F97] =	sst s3  }
0xc: {  	[smem:$0x3F98] =	sst s4  }
0xd: {  	[smem:$0x3F99] =	sst s5  }
0xe: {  	[smem:$0x3F9A] =	sst s6  }
0xf: {  	[smem:$0x3F9B] =	sst s7  }
0x10: {  	[smem:$0x3F9C] =	sst s8  }
0x11: {  	[smem:$0x3F9D] =	sst s9;
	s0 =	simm.s32 @!p0 $0x0  }
0x12: {  	s1 =	sld [smem:$0x3F83];
	s0 =	simm.s32 @p0 $0x1  }
0x13: {  	[smem:$0x3F9E] =	sst s0;
	s0 =	simm.s32 @!p1 $0x0  }
0x14: {  	s2 =	sld [smem:$0x3F82];
	s0 =	simm.s32 @p1 $0x1  }
0x15: {  	[smem:$0x3F9F] =	sst s0;
	s0 =	simm.s32 @!p2 $0x0  }
0x16: {  	s3 =	sld [smem:$0x3FDB];
	s0 =	simm.s32 @p2 $0x1  }
0x17: {  	s4 =	simm.s32 $0x1BF5;
	[smem:$0x3FA1] =	sst s0  }
0x18: {  	s0 =	sld [smem:$0x3F84];
	_ =	swait.ge [sflag:s4], $0x0  }
0x19: {  	s7 =	sld [smem:$0x3F85]  }
0x1a: {  	s8 =	sadd.s32 $0xFFFFE003, lr  }
0x1b: {  	s9 =	sadd.s32 $0xFFFFFEF7, lr;
	s5 =	simm.s32 $0xFFFFFFFF;
	p2 =	slt.u32 s8, $0xFFFFF086  }
0x1c: {  	p1 =	slt.u32 s9, $0xF7A;
	s5 =	simm.s32 @!p2 $0x0  }
0x1d: {  	s5 =	simm.s32 @p1 $0x1;
	p0 =	seq.s32 s7, s2  }
0x1e: {  	s7 =	smul.u32 @!p0 $0xF7A, s2;
	p2 =	seq.s32 @!p0 s5, $0x0  }
0x1f: {  	s9 =	smul.u32 $0xF7A, s1;
	s8 =	simm.s32 @!p0 $0x1BF5;
	p2 =	por !p2, p0  }
0x20: {  	[sflag:s8] =	ssyncset.s32 @!p0 $0xFFFFF086;
	s6 =	sadd.s32 @!p0 s3, s7;
	s7 =	simm.s32 @!p0 $0x108  }
0x21: {  	s3 =	sadd.s32 s3, s9;
	s6 =	sadd.s32 @!p0 $0x88, s6;
	s7 =	simm.s32 @p2 $0x1082  }
0x22: {  	[simem:s7], [sflag:s8] =	dma.local @!p0 [hbm:s6], $0xF7A  }
0x23: {  	s9 =	sor.u32 $0xD0000000, s2;
	s6 =	simm.s32 $0x108;
	_ =	swait.ge @!p0 [sflag:s8], $0x0  }
0x24: {  	s3 =	sadd.s32 $0x88, s3;
	s6 =	simm.s32 @!p1 $0x1082;
	[sflag:s4] =	ssyncset.s32 $0xFFFFF086  }
0x25: {  	[simem:s6], [sflag:s4] =	dma.local [hbm:s3], $0xF7A  }
0x26: {  	[smem:$0x3F85] =	sst s1;
	(tag) =	ssettag s2;
	_ =	strace s9  }
0x27: {  	s1 =	sld [smem:$0x3F95]  }
0x28: {  	s2 =	sld [smem:$0x3F96]  }
0x29: {  	s4 =	sld [smem:$0x3F98]  }
0x2a: {  	p0 =	seq.s32 s5, $0x0;
	s5 =	sld [smem:$0x3F99]  }
0x2b: {  	s6 =	sld [smem:$0x3F9A]  }
0x2c: {  	s7 =	sld [smem:$0x3F9B]  }
0x2d: {  	s3 =	simm.s32 $0x108;
	s8 =	sld [smem:$0x3F9C]  }
0x2e: {  	s3 =	simm.s32 @!p0 $0x1082;
	s9 =	sld [smem:$0x3F9D]  }
0x2f: {  	lr =	sadd.s32 s0, s3;
	s0 =	sld [smem:$0x3F94]  }
0x30: {  	s3 =	sld [smem:$0x3F97]  }
0x31: {  	[smem:$0x3FA0] =	sst s10  }
0x32: {  	s10 =	sld [smem:$0x3F9E];
	_ =	sdelay $0x3  }
0x33: {  	p0 =	seq.s32 s10, $0x1;
	s10 =	sld [smem:$0x3FA0];
	_ =	sdelay $0x3  }
0x34: {  	[smem:$0x3FA0] =	sst s10  }
0x35: {  	s10 =	sld [smem:$0x3F9F];
	_ =	sdelay $0x3  }
0x36: {  	p1 =	seq.s32 s10, $0x1;
	s10 =	sld [smem:$0x3FA0];
	_ =	sdelay $0x3  }
0x37: {  	[smem:$0x3FA0] =	sst s10  }
0x38: {  	s10 =	sld [smem:$0x3FA1]  }
0x39: {  	_ = 	snop;
	(pc) =	sbr.ind lr, $3  }
0x3a: {  	_ = 	snop  }
0x3b: {  	_ = 	snop  }
0x3c: {  	p2 =	seq.s32 s10, $0x1;
	s10 =	sld [smem:$0x3FA0]  }
0x3d: {  	_ =	shalt  }
0x3e: {  	_ =	shalt  }
0x3f: {  	_ =	shalt  }
0x40: {  	_ =	shalt  }
0x41: {  	_ =	shalt  }
0x42: {  	_ =	shalt  }
0x43: {  	_ =	shalt  }
0x44: {  	_ =	shalt  }
0x45: {  	_ =	shalt  }
0x46: {  	_ =	shalt  }
0x47: {  	_ =	shalt  }
0x48: {  	_ =	shalt  }
0x49: {  	_ =	shalt  }
0x4a: {  	_ =	shalt  }
0x4b: {  	_ =	shalt  }
0x4c: {  	_ =	shalt  }
0x4d: {  	_ =	shalt  }
0x4e: {  	_ =	shalt  }
0x4f: {  	_ =	shalt  }
0x50: {  	_ =	shalt  }
0x51: {  	_ =	shalt  }
0x52: {  	_ =	shalt  }
0x53: {  	_ =	shalt  }
0x54: {  	_ =	shalt  }
0x55: {  	_ =	shalt  }
0x56: {  	_ =	shalt  }
0x57: {  	_ =	shalt  }
0x58: {  	_ =	shalt  }
0x59: {  	_ =	shalt  }
0x5a: {  	_ =	shalt  }
0x5b: {  	_ =	shalt  }
0x5c: {  	_ =	shalt  }
0x5d: {  	_ =	shalt  }
0x5e: {  	_ =	shalt  }
0x5f: {  	_ =	shalt  }
0x60: {  	_ =	shalt  }
0x61: {  	_ =	shalt  }
0x62: {  	_ =	shalt  }
0x63: {  	_ =	shalt  }
0x64: {  	_ =	shalt  }
0x65: {  	_ =	shalt  }
0x66: {  	_ =	shalt  }
0x67: {  	_ =	shalt  }
0x68: {  	_ =	shalt  }
0x69: {  	_ =	shalt  }
0x6a: {  	_ =	shalt  }
0x6b: {  	_ =	shalt  }
0x6c: {  	_ =	shalt  }
0x6d: {  	_ =	shalt  }
0x6e: {  	_ =	shalt  }
0x6f: {  	_ =	shalt  }
0x70: {  	_ =	shalt  }
0x71: {  	_ =	shalt  }
0x72: {  	_ =	shalt  }
0x73: {  	_ =	shalt  }
0x74: {  	_ =	shalt  }
0x75: {  	_ =	shalt  }
0x76: {  	_ =	shalt  }
0x77: {  	_ =	shalt  }
0x78: {  	_ =	shalt  }
0x79: {  	_ =	shalt  }
0x7a: {  	_ =	shalt  }
0x7b: {  	_ =	shalt  }
0x7c: {  	_ =	shalt  }
0x7d: {  	_ =	shalt  }
0x7e: {  	_ =	shalt  }
0x7f: {  	_ =	shalt  }
0x80: {  	_ =	shalt  }
0x81: {  	_ =	shalt  }
0x82: {  	_ =	shalt  }
0x83: {  	_ =	shalt  }
0x84: {  	_ =	shalt  }
0x85: {  	_ =	shalt  }
0x86: {  	_ =	shalt  }
0x87: {  	_ =	shalt  }
.Lfunc_end0:
.L_simem_size_0:
called_computation_lowered:
.L_overlay_start_0:
0x88: {  	s2 =	sld [smem:$0x3FD9]  }
0x89: {  	s3 =	sld [smem:$0x3FFE];
	_ =	sdelay $0x1  }
0x8a: {  	s1 =	srdreg.scid  }
0x8b: {  	s0 =	sand.u32 $0x1, s1  }
0x8c: {  	s16 =	sshll.u32 s0, $0xA;
	s2 =	sadd.s32 s3, s2  }
0x8d: {  	s2 =	sadd.s32 s2, s16  }
0x8e: {  	[smem:$0x3FAC] =	sst s2  }
0x8f: {  	_ = 	snop  }
0x90: {  	(tm) =	ssettm $0x1  }
0x91: {  	s17 =	sld [smem:$0x3FFB];
	_ =	sdelay $0x3  }
0x92: {  	_ =	strace s17  }
0x93: {  	s2 =	sld [smem:$0x3FFC];
	_ =	sdelay $0x3  }
0x94: {  	_ =	strace s2  }
0x95: {  	s2 =	sld [smem:$0x3FFD];
	_ =	sdelay $0x3  }
0x96: {  	_ =	strace s2  }
0x97: {  	_ =	strace $0x8FFFFFFF  }
0x98: {  	s18 =	sld [smem:$0x3FDB];
	_ =	sdelay $0x1  }
0x99: {  	s19 =	simm.s32 $_scs_section_size  }
0x9a: {  	s4 =	simm.s32 $_size__tile_overlayer_lowered;
	s5 =	simm.s32 $_tile_overlayer_lowered  }
0x9b: {  	s22 =	simm.s32 $0x1BFF;
	s21 =	sshll.u32 s5, $0x1;
	s2 =	sadd.s32 s19, s18  }
0x9c: {  	s6 =	simm.s32 $0x0;
	s20 =	sshll.u32 s4, $0x1;
	s4 =	sadd.s32 s21, s2  }
0x9d: {  	[timem:s6], [sflag:s22] =	dma.local [hbm:s4], s20  }
0x9e: {  	_ =	swait.ge [sflag:s22], s20  }
0x9f: {  	s3 =	ssub.s32 $0x0, s20;
	[sflag:s22] =	ssyncset.done $0x0  }
0xa0: {  	[sflag:s22] =	ssyncadd.s32 s3;
	_ =	sdelay $0x1  }
0xa1: {  	s23 =	simm.s32 $0x1B8B  }
0xa2: {  	_ =	swait.ge [sflag:s23], $0x1  }
0xa3: {  	[sflag:s23] =	ssyncset.done $0x0  }
0xa4: {  	s25 =	simm.s32 $0x1B8E;
	s24 =	sld [smem:$0x3FFE];
	[sflag:s23] =	ssyncadd.s32 $0xFFFFFFFF  }
0xa5: {  	s26 =	simm.s32 $execute0_lowered;
	[smem:$0x3FD2] =	sst s25  }
0xa6: {  	s4 =	sshll.u32 s26, $0x1;
	_ =	strace $0x80000046;
	[dreg:$0x1] =	wrdreg $0xFFFFFFFF  }
0xa7: {  	s28 =	simm.s32 $_size_execute0_lowered;
	s2 =	sadd.s32 s2, s4;
	[dreg:$0x0] =	wrdreg $0x0  }
0xa8: {  	s4 =	sshll.u32 s28, $0x1;
	[dreg:$0x2] =	wrdreg s2  }
0xa9: {  	[dreg:$0x3] =	wrdreg s4  }
0xaa: {  	[dreg:$0x4] =	wrdreg $0xC0  }
0xab: {  	_ =	task [dreg:s6], $0x5FFFF  }
0xac: {  	[dreg:$0x1] =	wrdreg $0xFFFFFFFF  }
0xad: {  	[dreg:$0x0] =	wrdreg $0x60  }
0xae: {  	[dreg:$0x2] =	wrdreg s24  }
0xaf: {  	[dreg:$0x3] =	wrdreg $0x9  }
0xb0: {  	_ =	task.clear_ibuf [dreg:s6], $0x4FFFF;
	_ =	strace $0x90000046  }
0xb1: {  	s29 =	simm.s32 $0x9;
	_ =	strace $0x80000048  }
0xb2: {  	_ =	swait.ge [sflag:s29], $0x1  }
0xb3: {  	[sflag:s29] =	ssyncadd.s32 $0xFFFFFFFF  }
0xb4: {  	_ =	strace $0x90000048  }
0xb5: {  	_ =	sfence  }
0xb6: {  	s30 =	sld [smem:$0x0];
	_ =	sdelay $0x2  }
0xb7: {  	s31 =	sshll.u32 s1, $0xD;
	s1 =	sshrl.u32 s1, $0x2  }
0xb8: {  	s3 =	sand.u32 $0x4000, s31;
	s1 =	sadd.s32 s1, s30  }
0xb9: {  	s0 =	sor.u32 s3, s0;
	s1 =	sshll.u32 s1, $0x11  }
0xba: {  	s0 =	sor.u32 s1, s0  }
0xbb: {  	s0 =	sadd.s32 $0x8F2B, s0  }
0xbc: {  	[sflag:s0] =	ssyncadd.remote.s32 $0x1  }
0xbd: {  	_ =	sfence.sel $0xFFFF  }
0xbe: {  	[dreg:$0x0] =	wrdreg $0xFFFFFFFF;
	(pc) =	sbr.abs _section_cstart, $3  }
0xbf: {  	[dreg:$0x1] =	wrdreg $0xFFFFFFFF  }
0xc0: {  	_ =	task.clear_ibuf [dreg:s6], $0x2FFFF;
	_ =	strace $0x9FFFFFFF  }
0xc1: {  	(tm) =	ssettm $0x7FFFFFFF  }
tec
execute0_lowered:
.L_overlay_start_1:
0x0: {  	(tag) =	ssettag $0x1  }
0x1: {  	s1 =	srdreg.scid  }
0x2: {  	s0 =	stileid.u32;
	s6 =	rddreg [dreg:$0x0]  }
0x3: {  	s2 =	simm.s32 $0x0;
	s11 =	simm.s32 $0xE80;
	s12 =	simm.s32 $0x50  }
0x4: {  	s13 =	simm.s32 $0x1D00;
	s14 =	simm.s32 $0x6D00;
	s15 =	simm.s32 $0x1  }
0x5: {  	s16 =	simm.s32 $0x3;
	s17 =	simm.s32 $0x4500;
	s18 =	simm.s32 $0x9500  }
0x6: {  	s19 =	simm.s32 $0x2;
	s5 =	sand.u32 $0x1, s1;
	s3 =	sshll.u32 s0, $0x1  }
0x7: {  	s20 =	simm.s32 $0x4;
	s21 =	simm.s32 $0x5;
	s3 =	sor.u32 s5, s3  }
0x8: {  	s22 =	simm.s32 $0x0;
	s1 =	rddreg [dreg:$0x1];
	s3 =	smul.u32 $0xE10, s3  }
.Ltmp0:
0x9: {  	[smem:$0x7FF] =	sst s2;
	s4 =	sadd.s32 $0x1C400, s6;
	(pc) =	sbr.rel .LBB2_1-.Ltmp0, $4  }
0xa: {  	_ =	strace $0x80000047;
	s8 =	ssub.s32 $0x2, s5;
	s7 =	sshrl.u32 s3, $0x3  }
0xb: {  	s5 =	sadd.s32 $0x43600, s6;
	s31 =	sshrl.u32 s8, $0x1;
	s9 =	sadd.s32 s7, s6  }
0xc: {  	s10 =	ssub.s32 s8, s31;
	s6 =	sadd.s32 $0x6AA00, s6;
	s7 =	sadd.s32 $0x8000, s9  }
0xd: {  	s8 =	sadd.s32 $0x11E00, s9;
	s9 =	smax.u32 s10, $0x1;
	s10 =	simm.s32 $0x7  }
.LBB2_12:
0xe: {  	s22 =	sadd.s32 $0x1, s22  }
0xf: {  	p0 =	sne.s32 s22, s9  }
.Ltmp1:
0x10: {  	_ = 	snop;
	(pc) =	sbr.rel @!p0 .LBB2_13-.Ltmp1, $4  }
0x11: {  	_ = 	snop  }
0x12: {  	_ =	swait.ge [sflag:s21], $0x2800  }
0x13: {  	[sflag:s21] =	ssyncset.done $0x0  }
0x14: {  	[sflag:s21] =	ssyncadd.s32 $0xFFFFD800  }
.LBB2_1:
0x15: {  	[tilespmem:s2], [sflag:$0x7] =	stream.linear.gather [hbm4b:s7+s2], $0xE10, $0x38;
	[tilespmem:$0xBD00] =	vst v63  }
0x16: {  	_ =	swait.ge [sflag:s10], $0xE10  }
0x17: {  	[sflag:s10] =	ssyncset.done $0x0  }
0x18: {  	[sflag:s10] =	ssyncadd.s32 $0xFFFFF1F0  }
0x19: {  	[tilespmem:s11], [sflag:$0x7] =	stream.linear.gather [hbm4b:s8+s2], $0xE10, $0x38;
	[tilespmem:$0xBD00] =	vst v63  }
0x1a: {  	_ =	swait.ge [sflag:s10], $0xE10  }
.Ltmp2:
0x1b: {  	[sflag:s10] =	ssyncset.done $0x0;
	(pc) =	sbr.rel .LBB2_2-.Ltmp2, $4  }
0x1c: {  	[sflag:s10] =	ssyncadd.s32 $0xFFFFF1F0  }
0x1d: {  	[tilespmem:s13], [sflag:$0x1] =	stream.indirect.gather [hbm4b:s4+s12], $0x80, s2, s12, $0xb8;
	[tilespmem:$0xBD00] =	vst v63  }
0x1e: {  	s23 =	simm.s32 $0x0  }
0x1f: {  	[tilespmem:s14], [sflag:$0x3] =	stream.indirect.gather [hbm4b:s5+s12], $0x80, s11, s12, $0xb8;
	[tilespmem:$0xBD00] =	vst v63  }
.LBB2_11:
0x20: {  	s23 =	sadd.s32 $0x1, s23  }
0x21: {  	p0 =	sne.s32 s23, $0x17  }
.Ltmp3:
0x22: {  	_ = 	snop;
	(pc) =	sbr.rel @!p0 .LBB2_12-.Ltmp3, $1  }
0x23: {  	_ =	sdelay $0x3  }
.LBB2_2:
0x24: {  	_ =	swait.ge [sflag:s15], $0x2800;
	p0 =	seq.s32 s23, $0x0  }
0x25: {  	[sflag:s15] =	ssyncset.done $0x0;
	s24 =	sshllo.u32 @!p0 s23, $0x1  }
0x26: {  	[sflag:s15] =	ssyncadd.s32 $0xFFFFD800;
	p1 =	sgt.u32 @!p0 s24, $0x2C  }
0x27: {  	_ =	swait.ge [sflag:s16], $0x2800;
	p1 =	por p0, !p1  }
.Ltmp4:
0x28: {  	[sflag:s16] =	ssyncset.done $0x0;
	(pc) =	sbr.rel @!p1 .LBB2_3-.Ltmp4, $4  }
0x29: {  	s25 =	simm.s32 @!p0 $0x6;
	[sflag:s16] =	ssyncadd.s32 $0xFFFFD800  }
0x2a: {  	_ =	swait.ge @!p0 [sflag:s25], $0x2800  }
0x2b: {  	[sflag:s25] =	ssyncset.done @!p0 $0x0  }
0x2c: {  	[sflag:s25] =	ssyncadd.s32 @!p0 $0xFFFFD800  }
0x2d: {  	s24 =	simm.s32 @p0 $0x1  }
0x2e: {  	s24 =	smul.u32 $0x50, s24  }
.Ltmp5:
0x2f: {  	_ = 	snop;
	(pc) =	sbr.rel .LBB2_5-.Ltmp5, $4  }
0x30: {  	_ = 	snop  }
0x31: {  	[tilespmem:s17], [sflag:$0x2] =	stream.indirect.gather [hbm4b:s4+s12], $0x80, s24, s12, $0xb8;
	[tilespmem:$0xBD00] =	vst v63  }
0x32: {  	p0 =	por $0x1, $0x1;
	s25 =	sadd.s32 $0xE80, s24  }
0x33: {  	[tilespmem:s18], [sflag:$0x4] =	stream.indirect.gather [hbm4b:s5+s12], $0x80, s25, s12, $0xb8;
	[tilespmem:$0xBD00] =	vst v63  }
.LBB2_3:
0x34: {  	s24 =	simm.s32 @!p0 $0xE10;
	p0 =	por @!p0 $0x0, $0x0  }
.LBB2_5:
0x35: {  	s25 =	simm.s32 $0x0  }
0x36: {  	v6 =	vld [tilespmem:s25+$0x6D00]  }
0x37: {  	v11 =	vld [tilespmem:s25+$0x6D10]  }
0x38: {  	v5 =	vld [tilespmem:s25+$0x6D20]  }
0x39: {  	v4 =	vld [tilespmem:s25+$0x6D30]  }
0x3a: {  	v3 =	vld [tilespmem:s25+$0x6D40]  }
0x3b: {  	v2 =	vld [tilespmem:s25+$0x6D50]  }
0x3c: {  	v1 =	vld [tilespmem:s25+$0x6D60]  }
0x3d: {  	v0 =	vld [tilespmem:s25+$0x6D70]  }
0x3e: {  	v12 =	vld [tilespmem:s25+$0x1D00]  }
0x3f: {  	v13 =	vld [tilespmem:s25+$0x1D10]  }
0x40: {  	v10 =	vld [tilespmem:s25+$0x1D20]  }
0x41: {  	v9 =	vld [tilespmem:s25+$0x1D30]  }
0x42: {  	v8 =	vld [tilespmem:s25+$0x1D40]  }
0x43: {  	v7 =	vld [tilespmem:s25+$0x1D50];
	v12 =	vadd.f32 v6, v12  }
0x44: {  	s26 =	simm.s32 $0x200;
	v11 =	vadd.f32 v11, v13;
	v6 =	vld [tilespmem:s25+$0x1D60]  }
.LBB2_6:
0x45: {  	s28 =	sshra.s32 s26, $0x2;
	p1 =	sne.s32 s26, $0x9E00;
	[tilespmem:s25+$0x1D00] =	vst v12;
	v5 =	vadd.f32 v5, v10;
	v10 =	vld [tilespmem:s25+$0x1D70]  }
0x46: {  	v12 =	vld [tilespmem:s28+$0x6D00];
	[tilespmem:s25+$0x1D10] =	vst v11;
	v4 =	vadd.f32 v4, v9  }
0x47: {  	v11 =	vld [tilespmem:s28+$0x6D10];
	[tilespmem:s25+$0x1D20] =	vst v5;
	v3 =	vadd.f32 v3, v8  }
0x48: {  	v5 =	vld [tilespmem:s28+$0x6D20];
	[tilespmem:s25+$0x1D30] =	vst v4;
	v2 =	vadd.f32 v2, v7  }
0x49: {  	v4 =	vld [tilespmem:s28+$0x6D30];
	[tilespmem:s25+$0x1D40] =	vst v3;
	v1 =	vadd.f32 v1, v6  }
0x4a: {  	v3 =	vld [tilespmem:s28+$0x6D40];
	[tilespmem:s25+$0x1D50] =	vst v2;
	v0 =	vadd.f32 v0, v10  }
0x4b: {  	v2 =	vld [tilespmem:s28+$0x6D50];
	[tilespmem:s25+$0x1D60] =	vst v1  }
0x4c: {  	v1 =	vld [tilespmem:s28+$0x6D60];
	[tilespmem:s25+$0x1D70] =	vst v0;
	s25 =	smov.u32 s28  }
0x4d: {  	v0 =	vld [tilespmem:s25+$0x6D70]  }
0x4e: {  	v6 =	vld [tilespmem:s25+$0x1D00]  }
0x4f: {  	v13 =	vld [tilespmem:s25+$0x1D10]  }
.Ltmp6:
0x50: {  	v10 =	vld [tilespmem:s25+$0x1D20];
	(pc) =	sbr.rel @p1 .LBB2_6-.Ltmp6, $4  }
0x51: {  	v9 =	vld [tilespmem:s25+$0x1D30]  }
0x52: {  	v8 =	vld [tilespmem:s25+$0x1D40]  }
0x53: {  	v12 =	vadd.f32 v12, v6;
	v7 =	vld [tilespmem:s25+$0x1D50]  }
0x54: {  	s26 =	sadd.s32 $0x200, s26;
	v11 =	vadd.f32 v11, v13;
	v6 =	vld [tilespmem:s25+$0x1D60]  }
0x55: {  	[tilespmem:s25+$0x1D00] =	vst v12;
	v5 =	vadd.f32 v5, v10;
	v63 =	vld [tilespmem:s25+$0x1D70]  }
0x56: {  	[tilespmem:s25+$0x1D10] =	vst v11;
	v4 =	vadd.f32 v4, v9  }
0x57: {  	[tilespmem:s25+$0x1D20] =	vst v5;
	v3 =	vadd.f32 v3, v8  }
0x58: {  	s26 =	smul.u32 $0xA0, s23;
	[tilespmem:s25+$0x1D30] =	vst v4;
	v2 =	vadd.f32 v2, v7  }
.Ltmp7:
0x59: {  	[tilespmem:s25+$0x1D40] =	vst v3;
	v1 =	vadd.f32 v1, v6;
	(pc) =	sbr.rel @!p0 .LBB2_11-.Ltmp7, $4  }
0x5a: {  	s28 =	sadd.s32 s3, s26;
	[tilespmem:s25+$0x1D50] =	vst v2;
	v0 =	vadd.f32 v0, v63  }
0x5b: {  	s28 =	sshll.u32 s28, $0x4;
	[tilespmem:s25+$0x1D60] =	vst v1  }
0x5c: {  	s31 =	sadd.s32 s6, s28;
	[tilespmem:s25+$0x1D70] =	vst v0  }
0x5d: {  	[hbm4b:s31+s2] =	stream.linear.scatter [tilespmem:s13], [sflag:$0x5], $0x2800, $0x38;
	[tilespmem:$0xBD00] =	vst v63  }
0x5e: {  	_ =	swait.ge [sflag:s19], $0x2800  }
0x5f: {  	[sflag:s19] =	ssyncset.done $0x0  }
0x60: {  	[sflag:s19] =	ssyncadd.s32 $0xFFFFD800  }
0x61: {  	_ =	swait.ge [sflag:s20], $0x2800  }
0x62: {  	[sflag:s20] =	ssyncset.done $0x0  }
0x63: {  	[sflag:s20] =	ssyncadd.s32 $0xFFFFD800  }
0x64: {  	p0 =	seq.s32 s23, $0x16;
	_ =	swait.ge [sflag:s21], $0x2800  }
0x65: {  	s25 =	sadd.s32 @!p0 $0xA0, s26;
	[sflag:s21] =	ssyncset.done $0x0  }
0x66: {  	s28 =	simm.s32 @!p0 $0x50;
	s29 =	simm.s32 @!p0 $0x1D00;
	[sflag:s21] =	ssyncadd.s32 $0xFFFFD800  }
0x67: {  	[tilespmem:s29], [sflag:$0x1] =	stream.indirect.gather @!p0 [hbm4b:s4+s28], $0x80, s25, s28, $0xb8;
	[tilespmem:$0xBD00] =	vst v63  }
0x68: {  	s25 =	sadd.s32 @!p0 $0xF20, s26;
	s26 =	simm.s32 @!p0 $0x6D00  }
0x69: {  	[tilespmem:s26], [sflag:$0x3] =	stream.indirect.gather @!p0 [hbm4b:s5+s28], $0x80, s25, s28, $0xb8;
	[tilespmem:$0xBD00] =	vst v63  }
0x6a: {  	s25 =	simm.s32 $0x0  }
0x6b: {  	v7 =	vld [tilespmem:s25+$0x9500]  }
0x6c: {  	v11 =	vld [tilespmem:s25+$0x9510]  }
0x6d: {  	v5 =	vld [tilespmem:s25+$0x9520]  }
0x6e: {  	v4 =	vld [tilespmem:s25+$0x9530]  }
0x6f: {  	v3 =	vld [tilespmem:s25+$0x9540]  }
0x70: {  	v2 =	vld [tilespmem:s25+$0x9550]  }
0x71: {  	v1 =	vld [tilespmem:s25+$0x9560]  }
0x72: {  	v0 =	vld [tilespmem:s25+$0x9570]  }
0x73: {  	v12 =	vld [tilespmem:s25+$0x4500]  }
0x74: {  	v13 =	vld [tilespmem:s25+$0x4510]  }
0x75: {  	v10 =	vld [tilespmem:s25+$0x4520]  }
0x76: {  	v9 =	vld [tilespmem:s25+$0x4530]  }
0x77: {  	v8 =	vld [tilespmem:s25+$0x4540]  }
0x78: {  	v6 =	vld [tilespmem:s25+$0x4550];
	v12 =	vadd.f32 v7, v12  }
0x79: {  	s26 =	simm.s32 $0x200;
	v11 =	vadd.f32 v11, v13;
	v7 =	vld [tilespmem:s25+$0x4560]  }
.LBB2_9:
0x7a: {  	s28 =	sshra.s32 s26, $0x2;
	p0 =	sne.s32 s26, $0x9E00;
	[tilespmem:s25+$0x4500] =	vst v12;
	v5 =	vadd.f32 v5, v10;
	v10 =	vld [tilespmem:s25+$0x4570]  }
0x7b: {  	v12 =	vld [tilespmem:s28+$0x9500];
	[tilespmem:s25+$0x4510] =	vst v11;
	v4 =	vadd.f32 v4, v9  }
0x7c: {  	v11 =	vld [tilespmem:s28+$0x9510];
	[tilespmem:s25+$0x4520] =	vst v5;
	v3 =	vadd.f32 v3, v8  }
0x7d: {  	v5 =	vld [tilespmem:s28+$0x9520];
	[tilespmem:s25+$0x4530] =	vst v4;
	v2 =	vadd.f32 v2, v6  }
0x7e: {  	v4 =	vld [tilespmem:s28+$0x9530];
	[tilespmem:s25+$0x4540] =	vst v3;
	v1 =	vadd.f32 v1, v7  }
0x7f: {  	v3 =	vld [tilespmem:s28+$0x9540];
	[tilespmem:s25+$0x4550] =	vst v2;
	v0 =	vadd.f32 v0, v10  }
0x80: {  	v2 =	vld [tilespmem:s28+$0x9550];
	[tilespmem:s25+$0x4560] =	vst v1  }
0x81: {  	v1 =	vld [tilespmem:s28+$0x9560];
	[tilespmem:s25+$0x4570] =	vst v0;
	s25 =	smov.u32 s28  }
0x82: {  	v0 =	vld [tilespmem:s25+$0x9570]  }
0x83: {  	v6 =	vld [tilespmem:s25+$0x4500]  }
0x84: {  	v7 =	vld [tilespmem:s25+$0x4510]  }
.Ltmp8:
0x85: {  	v10 =	vld [tilespmem:s25+$0x4520];
	(pc) =	sbr.rel @p0 .LBB2_9-.Ltmp8, $4  }
0x86: {  	v9 =	vld [tilespmem:s25+$0x4530]  }
0x87: {  	v8 =	vld [tilespmem:s25+$0x4540]  }
0x88: {  	v12 =	vadd.f32 v12, v6;
	v6 =	vld [tilespmem:s25+$0x4550]  }
0x89: {  	s26 =	sadd.s32 $0x200, s26;
	v11 =	vadd.f32 v11, v7;
	v7 =	vld [tilespmem:s25+$0x4560]  }
0x8a: {  	[tilespmem:s25+$0x4500] =	vst v12;
	v5 =	vadd.f32 v5, v10;
	v63 =	vld [tilespmem:s25+$0x4570]  }
0x8b: {  	[tilespmem:s25+$0x4510] =	vst v11;
	v4 =	vadd.f32 v4, v9  }
0x8c: {  	[tilespmem:s25+$0x4520] =	vst v5;
	v3 =	vadd.f32 v3, v8  }
0x8d: {  	[tilespmem:s25+$0x4530] =	vst v4;
	v2 =	vadd.f32 v2, v6  }
.Ltmp9:
0x8e: {  	[tilespmem:s25+$0x4540] =	vst v3;
	v1 =	vadd.f32 v1, v7;
	(pc) =	sbr.rel .LBB2_11-.Ltmp9, $4  }
0x8f: {  	s24 =	sadd.s32 s3, s24;
	[tilespmem:s25+$0x4550] =	vst v2;
	v0 =	vadd.f32 v0, v63  }
0x90: {  	s24 =	sshll.u32 s24, $0x4;
	[tilespmem:s25+$0x4560] =	vst v1  }
0x91: {  	s24 =	sadd.s32 s6, s24;
	[tilespmem:s25+$0x4570] =	vst v0  }
0x92: {  	[hbm4b:s24+s2] =	stream.linear.scatter [tilespmem:s17], [sflag:$0x6], $0x2800, $0x38;
	[tilespmem:$0xBD00] =	vst v63  }
.LBB2_13:
0x93: {  	_ =	sfence.sel $0x180000  }
0x94: {  	[bflag:$0x0] =	sbarrier.arrive $0xFFFF  }
0x95: {  	p0 =	sne.s32 s0, $0x0;
	_ =	strace $0x90000047  }
0x96: {  	s0 =	sadd.s32 @!p0 $0x100000, s1;
	[bflag:$0x2] =	sbarrier.arrive $0xFFFF  }
0x97: {  	[sflag:s0] =	ssyncadd.tile.s32 @!p0 $0x1;
	_ =	shalt  }
.Lfunc_end2:
_tile_overlayer_lowered:
.L_overlay_start_2:
0x98: {  	(tag) =	ssettag $0x2  }
0x99: {  	s0 =	rddreg [dreg:$0x0];
	s2 =	stileid.u32  }
0x9a: {  	s1 =	rddreg [dreg:$0x1];
	p0 =	sne.s32 s2, $0x0  }
0x9b: {  	s3 =	rddreg [dreg:$0x2];
	[bflag:$0x3] =	sbarrier.arrive $0xFFFF;
	s2 =	simm.s32 @!p0 $0x1C07  }
0x9c: {  	[timem:s3], [sflag:s2] =	dma.local @!p0 [hbm:s0], s1  }
0x9d: {  	s0 =	simm.s32 @!p0 $0x7  }
0x9e: {  	_ =	swait.ge @!p0 [sflag:s0], s1  }
0x9f: {  	s1 =	ssub.s32 @!p0 $0x0, s1;
	[sflag:s0] =	ssyncset.done @!p0 $0x0  }
0xa0: {  	[sflag:s0] =	ssyncadd.s32 @!p0 s1  }
0xa1: {  	[bflag:$0x3] =	sbarrier.arrive $0xFFFF  }
0xa2: {  	_ =	shalt  }

// kernel: kernel.17.cloned.1.call-start
scs
__scs_entry_jumppad:
0x0: {  	(pc) =	sbr.rel $0x88, $3  }
0x1: {  	(tag) =	ssettag $0x0;
	lr =	simm.s32 $0x1  }
0x2: {  	[smem:$0x3F85] =	sst lr;
	_ =	strace $0xD0000000  }
0x3: {  	_ = 	snop  }
0x4: {  	_ = 	snop  }
0x5: {  	_ = 	snop  }
0x6: {  	_ = 	snop  }
0x7: {  	_ = 	snop  }
__scs_overlays_trampoline_lowered:
0x8: {  	[smem:$0x3F94] =	sst s0  }
0x9: {  	[smem:$0x3F95] =	sst s1  }
0xa: {  	[smem:$0x3F96] =	sst s2  }
0xb: {  	[smem:$0x3F97] =	sst s3  }
0xc: {  	[smem:$0x3F98] =	sst s4  }
0xd: {  	[smem:$0x3F99] =	sst s5  }
0xe: {  	[smem:$0x3F9A] =	sst s6  }
0xf: {  	[smem:$0x3F9B] =	sst s7  }
0x10: {  	[smem:$0x3F9C] =	sst s8  }
0x11: {  	[smem:$0x3F9D] =	sst s9;
	s0 =	simm.s32 @!p0 $0x0  }
0x12: {  	s1 =	sld [smem:$0x3F83];
	s0 =	simm.s32 @p0 $0x1  }
0x13: {  	[smem:$0x3F9E] =	sst s0;
	s0 =	simm.s32 @!p1 $0x0  }
0x14: {  	s2 =	sld [smem:$0x3F82];
	s0 =	simm.s32 @p1 $0x1  }
0x15: {  	[smem:$0x3F9F] =	sst s0;
	s0 =	simm.s32 @!p2 $0x0  }
0x16: {  	s3 =	sld [smem:$0x3FDB];
	s0 =	simm.s32 @p2 $0x1  }
0x17: {  	s4 =	simm.s32 $0x1BF5;
	[smem:$0x3FA1] =	sst s0  }
0x18: {  	s0 =	sld [smem:$0x3F84];
	_ =	swait.ge [sflag:s4], $0x0  }
0x19: {  	s7 =	sld [smem:$0x3F85]  }
0x1a: {  	s8 =	sadd.s32 $0xFFFFE003, lr  }
0x1b: {  	s9 =	sadd.s32 $0xFFFFFEF7, lr;
	s5 =	simm.s32 $0xFFFFFFFF;
	p2 =	slt.u32 s8, $0xFFFFF086  }
0x1c: {  	p1 =	slt.u32 s9, $0xF7A;
	s5 =	simm.s32 @!p2 $0x0  }
0x1d: {  	s5 =	simm.s32 @p1 $0x1;
	p0 =	seq.s32 s7, s2  }
0x1e: {  	s7 =	smul.u32 @!p0 $0xF7A, s2;
	p2 =	seq.s32 @!p0 s5, $0x0  }
0x1f: {  	s9 =	smul.u32 $0xF7A, s1;
	s8 =	simm.s32 @!p0 $0x1BF5;
	p2 =	por !p2, p0  }
0x20: {  	[sflag:s8] =	ssyncset.s32 @!p0 $0xFFFFF086;
	s6 =	sadd.s32 @!p0 s3, s7;
	s7 =	simm.s32 @!p0 $0x108  }
0x21: {  	s3 =	sadd.s32 s3, s9;
	s6 =	sadd.s32 @!p0 $0x88, s6;
	s7 =	simm.s32 @p2 $0x1082  }
0x22: {  	[simem:s7], [sflag:s8] =	dma.local @!p0 [hbm:s6], $0xF7A  }
0x23: {  	s9 =	sor.u32 $0xD0000000, s2;
	s6 =	simm.s32 $0x108;
	_ =	swait.ge @!p0 [sflag:s8], $0x0  }
0x24: {  	s3 =	sadd.s32 $0x88, s3;
	s6 =	simm.s32 @!p1 $0x1082;
	[sflag:s4] =	ssyncset.s32 $0xFFFFF086  }
0x25: {  	[simem:s6], [sflag:s4] =	dma.local [hbm:s3], $0xF7A  }
0x26: {  	[smem:$0x3F85] =	sst s1;
	(tag) =	ssettag s2;
	_ =	strace s9  }
0x27: {  	s1 =	sld [smem:$0x3F95]  }
0x28: {  	s2 =	sld [smem:$0x3F96]  }
0x29: {  	s4 =	sld [smem:$0x3F98]  }
0x2a: {  	p0 =	seq.s32 s5, $0x0;
	s5 =	sld [smem:$0x3F99]  }
0x2b: {  	s6 =	sld [smem:$0x3F9A]  }
0x2c: {  	s7 =	sld [smem:$0x3F9B]  }
0x2d: {  	s3 =	simm.s32 $0x108;
	s8 =	sld [smem:$0x3F9C]  }
0x2e: {  	s3 =	simm.s32 @!p0 $0x1082;
	s9 =	sld [smem:$0x3F9D]  }
0x2f: {  	lr =	sadd.s32 s0, s3;
	s0 =	sld [smem:$0x3F94]  }
0x30: {  	s3 =	sld [smem:$0x3F97]  }
0x31: {  	[smem:$0x3FA0] =	sst s10  }
0x32: {  	s10 =	sld [smem:$0x3F9E];
	_ =	sdelay $0x3  }
0x33: {  	p0 =	seq.s32 s10, $0x1;
	s10 =	sld [smem:$0x3FA0];
	_ =	sdelay $0x3  }
0x34: {  	[smem:$0x3FA0] =	sst s10  }
0x35: {  	s10 =	sld [smem:$0x3F9F];
	_ =	sdelay $0x3  }
0x36: {  	p1 =	seq.s32 s10, $0x1;
	s10 =	sld [smem:$0x3FA0];
	_ =	sdelay $0x3  }
0x37: {  	[smem:$0x3FA0] =	sst s10  }
0x38: {  	s10 =	sld [smem:$0x3FA1]  }
0x39: {  	_ = 	snop;
	(pc) =	sbr.ind lr, $3  }
0x3a: {  	_ = 	snop  }
0x3b: {  	_ = 	snop  }
0x3c: {  	p2 =	seq.s32 s10, $0x1;
	s10 =	sld [smem:$0x3FA0]  }
0x3d: {  	_ =	shalt  }
0x3e: {  	_ =	shalt  }
0x3f: {  	_ =	shalt  }
0x40: {  	_ =	shalt  }
0x41: {  	_ =	shalt  }
0x42: {  	_ =	shalt  }
0x43: {  	_ =	shalt  }
0x44: {  	_ =	shalt  }
0x45: {  	_ =	shalt  }
0x46: {  	_ =	shalt  }
0x47: {  	_ =	shalt  }
0x48: {  	_ =	shalt  }
0x49: {  	_ =	shalt  }
0x4a: {  	_ =	shalt  }
0x4b: {  	_ =	shalt  }
0x4c: {  	_ =	shalt  }
0x4d: {  	_ =	shalt  }
0x4e: {  	_ =	shalt  }
0x4f: {  	_ =	shalt  }
0x50: {  	_ =	shalt  }
0x51: {  	_ =	shalt  }
0x52: {  	_ =	shalt  }
0x53: {  	_ =	shalt  }
0x54: {  	_ =	shalt  }
0x55: {  	_ =	shalt  }
0x56: {  	_ =	shalt  }
0x57: {  	_ =	shalt  }
0x58: {  	_ =	shalt  }
0x59: {  	_ =	shalt  }
0x5a: {  	_ =	shalt  }
0x5b: {  	_ =	shalt  }
0x5c: {  	_ =	shalt  }
0x5d: {  	_ =	shalt  }
0x5e: {  	_ =	shalt  }
0x5f: {  	_ =	shalt  }
0x60: {  	_ =	shalt  }
0x61: {  	_ =	shalt  }
0x62: {  	_ =	shalt  }
0x63: {  	_ =	shalt  }
0x64: {  	_ =	shalt  }
0x65: {  	_ =	shalt  }
0x66: {  	_ =	shalt  }
0x67: {  	_ =	shalt  }
0x68: {  	_ =	shalt  }
0x69: {  	_ =	shalt  }
0x6a: {  	_ =	shalt  }
0x6b: {  	_ =	shalt  }
0x6c: {  	_ =	shalt  }
0x6d: {  	_ =	shalt  }
0x6e: {  	_ =	shalt  }
0x6f: {  	_ =	shalt  }
0x70: {  	_ =	shalt  }
0x71: {  	_ =	shalt  }
0x72: {  	_ =	shalt  }
0x73: {  	_ =	shalt  }
0x74: {  	_ =	shalt  }
0x75: {  	_ =	shalt  }
0x76: {  	_ =	shalt  }
0x77: {  	_ =	shalt  }
0x78: {  	_ =	shalt  }
0x79: {  	_ =	shalt  }
0x7a: {  	_ =	shalt  }
0x7b: {  	_ =	shalt  }
0x7c: {  	_ =	shalt  }
0x7d: {  	_ =	shalt  }
0x7e: {  	_ =	shalt  }
0x7f: {  	_ =	shalt  }
0x80: {  	_ =	shalt  }
0x81: {  	_ =	shalt  }
0x82: {  	_ =	shalt  }
0x83: {  	_ =	shalt  }
0x84: {  	_ =	shalt  }
0x85: {  	_ =	shalt  }
0x86: {  	_ =	shalt  }
0x87: {  	_ =	shalt  }
.Lfunc_end0:
.L_simem_size_0:
called_computation.1_lowered:
.L_overlay_start_0:
0x88: {  	s2 =	sld [smem:$0x3FD9]  }
0x89: {  	s3 =	sld [smem:$0x3FFE];
	_ =	sdelay $0x1  }
0x8a: {  	s1 =	srdreg.scid  }
0x8b: {  	s0 =	sand.u32 $0x1, s1  }
0x8c: {  	s17 =	sshll.u32 s0, $0xA;
	s2 =	sadd.s32 s3, s2  }
0x8d: {  	s2 =	sadd.s32 s2, s17  }
0x8e: {  	[smem:$0x3FAC] =	sst s2  }
0x8f: {  	_ = 	snop  }
0x90: {  	(tm) =	ssettm $0x1  }
0x91: {  	s18 =	sld [smem:$0x3FFB];
	_ =	sdelay $0x3  }
0x92: {  	_ =	strace s18  }
0x93: {  	s2 =	sld [smem:$0x3FFC];
	_ =	sdelay $0x3  }
0x94: {  	_ =	strace s2  }
0x95: {  	s2 =	sld [smem:$0x3FFD];
	_ =	sdelay $0x3  }
0x96: {  	_ =	strace s2  }
0x97: {  	_ =	strace $0x8FFFFFFF  }
0x98: {  	s19 =	sld [smem:$0x3FDB];
	_ =	sdelay $0x1  }
0x99: {  	s20 =	simm.s32 $_scs_section_size  }
0x9a: {  	s4 =	simm.s32 $_size__tile_overlayer_lowered;
	s5 =	simm.s32 $_tile_overlayer_lowered  }
0x9b: {  	s6 =	simm.s32 $0x1BFF;
	s21 =	sshll.u32 s5, $0x1;
	s3 =	sadd.s32 s20, s19  }
0x9c: {  	s22 =	simm.s32 $0x0;
	s4 =	sshll.u32 s4, $0x1;
	s5 =	sadd.s32 s21, s3  }
0x9d: {  	[timem:s22], [sflag:s6] =	dma.local [hbm:s5], s4  }
0x9e: {  	_ =	swait.ge [sflag:s6], s4  }
0x9f: {  	s4 =	ssub.s32 $0x0, s4;
	[sflag:s6] =	ssyncset.done $0x0  }
0xa0: {  	[sflag:s6] =	ssyncadd.s32 s4;
	_ =	sdelay $0x1  }
0xa1: {  	s23 =	simm.s32 $0x1B8B  }
0xa2: {  	_ =	swait.ge [sflag:s23], $0x1  }
0xa3: {  	[sflag:s23] =	ssyncset.done $0x0  }
0xa4: {  	[sflag:s23] =	ssyncadd.s32 $0xFFFFFFFF  }
0xa5: {  	s4 =	sld [smem:$0x0]  }
0xa6: {  	s5 =	sand.u32 $0xFFFFFFFE, s1  }
0xa7: {  	p0 =	sne.s32 s1, s5  }
0xa8: {  	s5 =	sshll.u32 @p0 s5, $0xE  }
0xa9: {  	s5 =	sadd.s32 @p0 $0x11B8D, s5;
	s6 =	sshll.u32 @p0 s4, $0x11  }
0xaa: {  	s5 =	sor.u32 @p0 s6, s5  }
0xab: {  	[sflag:s5] =	ssyncadd.remote.s32 @p0 $0x1;
	_ =	sdelay $0x1  }
0xac: {  	s5 =	simm.s32 @p0 $0x1B8D  }
0xad: {  	_ =	swait.eq @p0 [sflag:s5], $0x1  }
0xae: {  	[sflag:s5] =	ssyncadd.s32 @p0 $0xFFFFFFFF  }
0xaf: {  	s6 =	sshll.u32 @!p0 s1, $0xE  }
0xb0: {  	s6 =	sor.u32 @!p0 $0x4000, s6;
	s5 =	simm.s32 @!p0 $0x1B8D  }
0xb1: {  	s4 =	sshll.u32 @!p0 s4, $0x11;
	s6 =	sadd.s32 @!p0 $0x11B8D, s6;
	_ =	swait.eq @!p0 [sflag:s5], $0x1  }
0xb2: {  	s4 =	sor.u32 @!p0 s4, s6;
	[sflag:s5] =	ssyncadd.s32 @!p0 $0xFFFFFFFF  }
0xb3: {  	s25 =	simm.s32 $0x1B8E;
	s24 =	sld [smem:$0x3FFE];
	[sflag:s4] =	ssyncadd.remote.s32 @!p0 $0x1  }
0xb4: {  	s26 =	simm.s32 $execute0_lowered;
	[smem:$0x3FD2] =	sst s25  }
0xb5: {  	s5 =	sshll.u32 s26, $0x1;
	_ =	strace $0x8000004F;
	[dreg:$0x1] =	wrdreg $0xFFFFFFFF  }
0xb6: {  	s28 =	simm.s32 $_size_execute0_lowered;
	s3 =	sadd.s32 s3, s5;
	[dreg:$0x0] =	wrdreg $0x0  }
0xb7: {  	s5 =	sshll.u32 s28, $0x1;
	[dreg:$0x2] =	wrdreg s3  }
0xb8: {  	[dreg:$0x3] =	wrdreg s5  }
0xb9: {  	[dreg:$0x4] =	wrdreg $0xC0  }
0xba: {  	_ =	task [dreg:s22], $0x5FFFF  }
0xbb: {  	[dreg:$0x1] =	wrdreg $0xFFFFFFFF  }
0xbc: {  	[dreg:$0x0] =	wrdreg $0x60  }
0xbd: {  	[dreg:$0x2] =	wrdreg s24  }
0xbe: {  	[dreg:$0x3] =	wrdreg $0x51000  }
0xbf: {  	[dreg:$0x4] =	wrdreg $0x9  }
0xc0: {  	_ =	task.clear_ibuf [dreg:s22], $0x5FFFF;
	_ =	strace $0x9000004F  }
0xc1: {  	s29 =	simm.s32 $0x9;
	_ =	strace $0x80000051  }
0xc2: {  	_ =	swait.ge [sflag:s29], $0x1  }
0xc3: {  	[sflag:s29] =	ssyncadd.s32 $0xFFFFFFFF  }
0xc4: {  	_ =	strace $0x90000051  }
0xc5: {  	_ =	sfence  }
0xc6: {  	s30 =	sld [smem:$0x0];
	_ =	sdelay $0x2  }
0xc7: {  	s31 =	sshll.u32 s1, $0xD;
	s1 =	sshrl.u32 s1, $0x2  }
0xc8: {  	s4 =	sand.u32 $0x4000, s31;
	s1 =	sadd.s32 s1, s30  }
0xc9: {  	s0 =	sor.u32 s4, s0;
	s1 =	sshll.u32 s1, $0x11  }
0xca: {  	s0 =	sor.u32 s1, s0  }
0xcb: {  	s0 =	sadd.s32 $0x8F2B, s0  }
0xcc: {  	[sflag:s0] =	ssyncadd.remote.s32 $0x1  }
0xcd: {  	_ =	sfence.sel $0xFFFF  }
0xce: {  	[dreg:$0x0] =	wrdreg $0xFFFFFFFF;
	(pc) =	sbr.abs _section_cstart, $3  }
0xcf: {  	[dreg:$0x1] =	wrdreg $0xFFFFFFFF  }
0xd0: {  	_ =	task.clear_ibuf [dreg:s22], $0x2FFFF;
	_ =	strace $0x9FFFFFFF  }
0xd1: {  	(tm) =	ssettm $0x7FFFFFFF  }
tec
execute0_lowered:
.L_overlay_start_1:
0x0: {  	(tag) =	ssettag $0x1  }
0x1: {  	s5 =	rddreg [dreg:$0x0]  }
0x2: {  	s1 =	rddreg [dreg:$0x1];
	s2 =	srdreg.scid  }
0x3: {  	s3 =	simm.s32 $0x0;
	s17 =	simm.s32 $0x3;
	s10 =	sand.u32 $0x1, s2  }
0x4: {  	s18 =	simm.s32 $0x1;
	s2 =	stileid.u32;
	s14 =	smul.u32 $0x138800, s10  }
0x5: {  	s19 =	simm.s32 $0x80;
	s20 =	simm.s32 $0x2900;
	s13 =	smul.u32 $0xA000, s2  }
0x6: {  	s21 =	simm.s32 $0x50;
	s22 =	simm.s32 $0x6;
	s15 =	smul.u32 $0xE100, s10  }
0x7: {  	s23 =	simm.s32 $0x4;
	[smem:$0x7FF] =	sst s3;
	s16 =	smul.u32 $0xE10, s2  }
0x8: {  	s11 =	sadd.s32 $0x54CA00, s5;
	s4 =	sshll.u32 s10, $0x4;
	s25 =	smul.u32 $0xE1000, s10  }
0x9: {  	_ =	strace $0x80000050;
	s8 =	ssub.s32 $0x2, s10;
	s28 =	smul.u32 $0xE100, s2  }
0xa: {  	p0 =	slt.u32 s2, $0xD;
	s31 =	smul.u32 $0x2800, s2;
	s6 =	sor.u32 s2, s4  }
0xb: {  	s4 =	sadd.s32 $0x11E00, s5;
	s24 =	sshrl.u32 s8, $0x1;
	s7 =	smul.u32 $0xE10, s6  }
0xc: {  	s5 =	sadd.s32 $0x6AA00, s5;
	s9 =	smul.u32 $0xE100, s6;
	s12 =	ssub.s32 s8, s24  }
0xd: {  	s6 =	simm.s32 $0x8;
	s26 =	sshrl.u32 s13, $0x2;
	s15 =	sadd.s32 s16, s15  }
0xe: {  	s14 =	sadd.s32 s31, s14;
	s16 =	simm.s32 $0x5;
	s24 =	simm.s32 $0x2  }
0xf: {  	s6 =	simm.s32 @!p0 $0x7;
	s10 =	sadd.s32 s26, s1;
	s29 =	sadd.s32 $0x50, s15  }
0x10: {  	s7 =	sshrl.u32 s7, $0x3;
	s8 =	sadd.s32 s11, s9;
	s9 =	smax.u32 s12, $0x1  }
0x11: {  	s11 =	sadd.s32 s25, s11;
	s30 =	sshrl.u32 s29, $0x3;
	s12 =	sadd.s32 $0xA0, s15  }
0x12: {  	s15 =	simm.s32 $0x100;
	s25 =	simm.s32 $0x0;
	s11 =	sadd.s32 s28, s11  }
0x13: {  	v0 =	vimm.f32 $0.0e+00;
	s7 =	sadd.s32 s4, s7;
	s13 =	sadd.s32 s30, s4;
	s11 =	sadd.s32 $0xA00, s11  }
.LBB2_1:
0x14: {  	s26 =	simm.s32 $0x0;
	s28 =	simm.s32 $0x200  }
.LBB2_2:
0x15: {  	p0 =	sne.s32 s28, $0x9E00;
	[tilespmem:s26+$0x170] =	vst v0  }
0x16: {  	[tilespmem:s26+$0x100] =	vst v0  }
0x17: {  	[tilespmem:s26+$0x110] =	vst v0  }
.Ltmp0:
0x18: {  	[tilespmem:s26+$0x120] =	vst v0;
	(pc) =	sbr.rel @p0 .LBB2_2-.Ltmp0, $4  }
0x19: {  	[tilespmem:s26+$0x130] =	vst v0  }
0x1a: {  	[tilespmem:s26+$0x140] =	vst v0  }
0x1b: {  	[tilespmem:s26+$0x150] =	vst v0  }
0x1c: {  	[tilespmem:s26+$0x160] =	vst v0;
	s26 =	sshra.s32 s28, $0x2;
	s28 =	sadd.s32 $0x200, s28  }
0x1d: {  	[tilespmem:s26+$0x170] =	vst v0  }
0x1e: {  	[tilespmem:s26+$0x100] =	vst v0  }
0x1f: {  	[tilespmem:s26+$0x110] =	vst v0  }
0x20: {  	[tilespmem:s26+$0x120] =	vst v0  }
0x21: {  	[tilespmem:s26+$0x130] =	vst v0  }
0x22: {  	[tilespmem:s26+$0x140] =	vst v0;
	p0 =	sne.s32 s6, $0x1  }
.Ltmp1:
0x23: {  	[tilespmem:s26+$0x150] =	vst v0;
	(pc) =	sbr.rel @!p0 .LBB2_5-.Ltmp1, $4  }
0x24: {  	[tilespmem:s26+$0x160] =	vst v0  }
0x25: {  	[spmem:s10] =	stream.linear.scatter [tilespmem:s15], [sflag:$0x5], $0x2800, $0x38;
	[tilespmem:$0x18980] =	vst v63  }
0x26: {  	_ =	swait.ge [sflag:s16], $0x2800  }
0x27: {  	s26 =	sadd.s32 $0xFFFFFFFF, s6;
	s28 =	smov.u32 s10;
	[sflag:s16] =	ssyncset.done $0x0  }
.LBB2_4:
0x28: {  	p1 =	sne.s32 s26, $0x1;
	[sflag:s16] =	ssyncadd.s32 $0xFFFFD800;
	s28 =	sadd.s32 $0x28000, s28  }
.Ltmp2:
0x29: {  	s26 =	sadd.s32 $0xFFFFFFFF, s26;
	(pc) =	sbr.rel @p1 .LBB2_4-.Ltmp2, $4  }
0x2a: {  	_ = 	snop  }
0x2b: {  	[spmem:s28] =	stream.linear.scatter [tilespmem:s15], [sflag:$0x5], $0x2800, $0x38;
	[tilespmem:$0x18980] =	vst v63  }
0x2c: {  	_ =	swait.ge [sflag:s16], $0x2800  }
0x2d: {  	[sflag:s16] =	ssyncset.done $0x0  }
.LBB2_5:
0x2e: {  	[sflag:s16] =	ssyncadd.s32 $0xFFFFD800  }
0x2f: {  	s26 =	simm.s32 $0x0;
	[bflag:$0x0] =	sbarrier.arrive $0xFFFF  }
0x30: {  	[tilespmem:s26], [sflag:$0x3] =	stream.linear.gather [hbm4b:s7+s26], $0x50, $0x38;
	[tilespmem:$0x18980] =	vst v63  }
0x31: {  	_ = 	snop  }
0x32: {  	[tilespmem:s15], [sflag:$0x1] =	stream.linear.gather [hbm4b:s8+s26], $0x2800, $0x38;
	[tilespmem:$0x18980] =	vst v63  }
0x33: {  	_ =	swait.ge [sflag:s17], $0x50  }
0x34: {  	[sflag:s17] =	ssyncset.done $0x0  }
0x35: {  	[sflag:s17] =	ssyncadd.s32 $0xFFFFFFB0  }
0x36: {  	_ =	swait.ge [sflag:s18], $0x2800  }
0x37: {  	[sflag:s18] =	ssyncset.done $0x0  }
0x38: {  	s0 =	sadd.s32 $0x0, s13;
	[sflag:s18] =	ssyncadd.s32 $0xFFFFD800  }
0x39: {  	[tilespmem:s19], [sflag:$0x4] =	stream.linear.gather [hbm4b:s0+s3], $0x50, $0x38;
	[tilespmem:$0x18980] =	vst v63  }
0x3a: {  	s30 =	sadd.s32 $0xFFFFFB00, s11  }
0x3b: {  	[tilespmem:s20], [sflag:$0x2] =	stream.linear.gather [hbm4b:s30+s3], $0x2800, $0x38;
	[tilespmem:$0x18980] =	vst v63  }
0x3c: {  	_ = 	snop  }
0x3d: {  	[spmem:s1] =	stream.indirect.scatter.add.f32 [tilespmem:s15], [sflag:$0x6], $0x80, s3, s21, $0xb8;
	[tilespmem:$0x18980] =	vst v63  }
0x3e: {  	_ =	swait.ge [sflag:s22], $0x2800  }
0x3f: {  	[sflag:s22] =	ssyncset.done $0x0  }
0x40: {  	[sflag:s22] =	ssyncadd.s32 $0xFFFFD800  }
0x41: {  	_ =	swait.ge [sflag:s23], $0x50  }
0x42: {  	[sflag:s23] =	ssyncset.done $0x0  }
0x43: {  	[sflag:s23] =	ssyncadd.s32 $0xFFFFFFB0  }
0x44: {  	_ =	swait.ge [sflag:s24], $0x2800  }
0x45: {  	s31 =	sshrl.u32 s12, $0x3;
	[sflag:s24] =	ssyncset.done $0x0  }
0x46: {  	s26 =	sadd.s32 s4, s31;
	[sflag:s24] =	ssyncadd.s32 $0xFFFFD800  }
0x47: {  	[tilespmem:s3], [sflag:$0x3] =	stream.linear.gather [hbm4b:s26+s3], $0x50, $0x38;
	[tilespmem:$0x18980] =	vst v63  }
0x48: {  	_ = 	snop  }
0x49: {  	[tilespmem:s15], [sflag:$0x1] =	stream.linear.gather [hbm4b:s11+s3], $0x2800, $0x38;
	[tilespmem:$0x18980] =	vst v63  }
0x4a: {  	_ = 	snop  }
0x4b: {  	[spmem:s1] =	stream.indirect.scatter.add.f32 [tilespmem:s20], [sflag:$0x5], $0x80, s19, s21, $0xb8;
	[tilespmem:$0x18980] =	vst v63  }
0x4c: {  	s28 =	smov.u32 s11;
	_ =	swait.ge [sflag:s16], $0x2800  }
0x4d: {  	s29 =	smov.u32 s12;
	s26 =	simm.s32 $0x14;
	[sflag:s16] =	ssyncset.done $0x0  }
.LBB2_6:
0x4e: {  	[sflag:s16] =	ssyncadd.s32 $0xFFFFD800;
	s28 =	sadd.s32 $0xA00, s28;
	s29 =	sadd.s32 $0xA0, s29  }
0x4f: {  	p1 =	sne.s32 s26, $0x1A4;
	s30 =	smov.u32 s26;
	s26 =	sadd.s32 $0x14, s26  }
0x50: {  	_ =	swait.ge [sflag:s17], $0x50  }
0x51: {  	[sflag:s17] =	ssyncset.done $0x0  }
0x52: {  	[sflag:s17] =	ssyncadd.s32 $0xFFFFFFB0  }
0x53: {  	_ =	swait.ge [sflag:s18], $0x2800  }
0x54: {  	[sflag:s18] =	ssyncset.done $0x0  }
0x55: {  	s30 =	sadd.s32 s30, s13;
	[sflag:s18] =	ssyncadd.s32 $0xFFFFD800  }
0x56: {  	[tilespmem:s19], [sflag:$0x4] =	stream.linear.gather [hbm4b:s30+s3], $0x50, $0x38;
	[tilespmem:$0x18980] =	vst v63  }
0x57: {  	s30 =	sadd.s32 $0xFFFFFB00, s28  }
0x58: {  	[tilespmem:s20], [sflag:$0x2] =	stream.linear.gather [hbm4b:s30+s3], $0x2800, $0x38;
	[tilespmem:$0x18980] =	vst v63  }
0x59: {  	_ = 	snop  }
0x5a: {  	[spmem:s1] =	stream.indirect.scatter.add.f32 [tilespmem:s15], [sflag:$0x6], $0x80, s3, s21, $0xb8;
	[tilespmem:$0x18980] =	vst v63  }
0x5b: {  	_ =	swait.ge [sflag:s22], $0x2800  }
0x5c: {  	[sflag:s22] =	ssyncset.done $0x0  }
0x5d: {  	[sflag:s22] =	ssyncadd.s32 $0xFFFFD800  }
0x5e: {  	_ =	swait.ge [sflag:s23], $0x50  }
0x5f: {  	[sflag:s23] =	ssyncset.done $0x0  }
0x60: {  	[sflag:s23] =	ssyncadd.s32 $0xFFFFFFB0  }
0x61: {  	_ =	swait.ge [sflag:s24], $0x2800  }
0x62: {  	s30 =	sshrl.u32 s29, $0x3;
	[sflag:s24] =	ssyncset.done $0x0  }
0x63: {  	s30 =	sadd.s32 s4, s30;
	[sflag:s24] =	ssyncadd.s32 $0xFFFFD800  }
0x64: {  	[tilespmem:s3], [sflag:$0x3] =	stream.linear.gather [hbm4b:s30+s3], $0x50, $0x38;
	[tilespmem:$0x18980] =	vst v63  }
0x65: {  	_ = 	snop  }
0x66: {  	[tilespmem:s15], [sflag:$0x1] =	stream.linear.gather [hbm4b:s28+s3], $0x2800, $0x38;
	[tilespmem:$0x18980] =	vst v63  }
.Ltmp3:
0x67: {  	_ = 	snop;
	(pc) =	sbr.rel @p1 .LBB2_6-.Ltmp3, $4  }
0x68: {  	_ = 	snop  }
0x69: {  	[spmem:s1] =	stream.indirect.scatter.add.f32 [tilespmem:s20], [sflag:$0x5], $0x80, s19, s21, $0xb8;
	[tilespmem:$0x18980] =	vst v63  }
0x6a: {  	_ =	swait.ge [sflag:s16], $0x2800  }
0x6b: {  	[sflag:s16] =	ssyncset.done $0x0  }
0x6c: {  	[sflag:s16] =	ssyncadd.s32 $0xFFFFD800  }
0x6d: {  	_ =	swait.ge [sflag:s17], $0x50  }
0x6e: {  	[sflag:s17] =	ssyncset.done $0x0  }
0x6f: {  	[sflag:s17] =	ssyncadd.s32 $0xFFFFFFB0  }
0x70: {  	_ =	swait.ge [sflag:s18], $0x2800  }
0x71: {  	[sflag:s18] =	ssyncset.done $0x0  }
0x72: {  	[sflag:s18] =	ssyncadd.s32 $0xFFFFD800  }
0x73: {  	[spmem:s1] =	stream.indirect.scatter.add.f32 [tilespmem:s15], [sflag:$0x6], $0x80, s3, s21, $0xb8;
	[tilespmem:$0x18980] =	vst v63  }
0x74: {  	_ =	swait.ge [sflag:s22], $0x2800  }
.Ltmp4:
0x75: {  	s26 =	sshll.u32 s2, $0x6;
	[sflag:s22] =	ssyncset.done $0x0;
	(pc) =	sbr.rel @!p0 .LBB2_9-.Ltmp4, $4  }
0x76: {  	s28 =	sshrl.u32 s14, $0x3;
	s29 =	sshrl.u32 s10, $0x3;
	[sflag:s22] =	ssyncadd.s32 $0xFFFFD800  }
0x77: {  	s28 =	sadd.s32 s5, s28;
	s26 =	sor.u32 $0x1C05, s26;
	[bflag:$0x0] =	sbarrier.arrive $0xFFFF  }
0x78: {  	[hbm:s28], [sflag:s26] =	dma.local [spmem:s29], $0x500  }
0x79: {  	s30 =	smov.u32 s10;
	s28 =	sadd.s32 $0xFFFFFFFF, s6;
	s29 =	sadd.s32 $0x28000, s14  }
.LBB2_8:
0x7a: {  	_ =	swait.ge [sflag:s16], $0x500  }
0x7b: {  	s30 =	sadd.s32 $0x28000, s30;
	s31 =	sshrl.u32 s29, $0x3;
	p0 =	sne.s32 s28, $0x1  }
.Ltmp5:
0x7c: {  	s0 =	sshrl.u32 s30, $0x3;
	[sflag:s16] =	ssyncset.done $0x0;
	(pc) =	sbr.rel @p0 .LBB2_8-.Ltmp5, $4  }
0x7d: {  	s31 =	sadd.s32 s5, s31;
	[sflag:s16] =	ssyncadd.s32 $0xFFFFFB00  }
0x7e: {  	[hbm:s31], [sflag:s26] =	dma.local [spmem:s0], $0x500  }
0x7f: {  	s28 =	sadd.s32 $0xFFFFFFFF, s28  }
0x80: {  	s29 =	sadd.s32 $0x28000, s29  }
.LBB2_9:
0x81: {  	s25 =	sadd.s32 $0x1, s25  }
0x82: {  	p0 =	sne.s32 s25, s9  }
.Ltmp6:
0x83: {  	_ = 	snop;
	(pc) =	sbr.rel @p0 .LBB2_1-.Ltmp6, $4  }
0x84: {  	_ = 	snop  }
0x85: {  	_ =	swait.ge [sflag:s16], $0x500  }
0x86: {  	[sflag:s16] =	ssyncset.done $0x0  }
0x87: {  	[sflag:s16] =	ssyncadd.s32 $0xFFFFFB00  }
0x88: {  	_ =	sfence.sel $0x180000  }
0x89: {  	[bflag:$0x0] =	sbarrier.arrive $0xFFFF  }
0x8a: {  	_ =	strace $0x90000050  }
0x8b: {  	[bflag:$0x2] =	sbarrier.arrive $0xFFFF  }
0x8c: {  	p0 =	sne.s32 s2, $0x0;
	s0 =	rddreg [dreg:$0x2]  }
0x8d: {  	s0 =	sadd.s32 @!p0 $0x100000, s0  }
0x8e: {  	[sflag:s0] =	ssyncadd.tile.s32 @!p0 $0x1;
	_ =	shalt  }
.Lfunc_end2:
_tile_overlayer_lowered:
.L_overlay_start_2:
0x8f: {  	(tag) =	ssettag $0x2  }
0x90: {  	s0 =	rddreg [dreg:$0x0];
	s2 =	stileid.u32  }
0x91: {  	s1 =	rddreg [dreg:$0x1];
	p0 =	sne.s32 s2, $0x0  }
0x92: {  	s3 =	rddreg [dreg:$0x2];
	[bflag:$0x3] =	sbarrier.arrive $0xFFFF;
	s2 =	simm.s32 @!p0 $0x1C05  }
0x93: {  	[timem:s3], [sflag:s2] =	dma.local @!p0 [hbm:s0], s1  }
0x94: {  	s0 =	simm.s32 @!p0 $0x5  }
0x95: {  	_ =	swait.ge @!p0 [sflag:s0], s1  }
0x96: {  	s1 =	ssub.s32 @!p0 $0x0, s1;
	[sflag:s0] =	ssyncset.done @!p0 $0x0  }
0x97: {  	[sflag:s0] =	ssyncadd.s32 @!p0 s1  }
0x98: {  	[bflag:$0x3] =	sbarrier.arrive $0xFFFF  }
0x99: {  	_ =	shalt  }

// kernel: kernel.20.cloned.1.call-start
scs
__scs_entry_jumppad:
0x0: {  	(pc) =	sbr.rel $0x88, $3  }
0x1: {  	(tag) =	ssettag $0x0;
	lr =	simm.s32 $0x1  }
0x2: {  	[smem:$0x3F85] =	sst lr;
	_ =	strace $0xD0000000  }
0x3: {  	_ = 	snop  }
0x4: {  	_ = 	snop  }
0x5: {  	_ = 	snop  }
0x6: {  	_ = 	snop  }
0x7: {  	_ = 	snop  }
__scs_overlays_trampoline_lowered:
0x8: {  	[smem:$0x3F94] =	sst s0  }
0x9: {  	[smem:$0x3F95] =	sst s1  }
0xa: {  	[smem:$0x3F96] =	sst s2  }
0xb: {  	[smem:$0x3F97] =	sst s3  }
0xc: {  	[smem:$0x3F98] =	sst s4  }
0xd: {  	[smem:$0x3F99] =	sst s5  }
0xe: {  	[smem:$0x3F9A] =	sst s6  }
0xf: {  	[smem:$0x3F9B] =	sst s7  }
0x10: {  	[smem:$0x3F9C] =	sst s8  }
0x11: {  	[smem:$0x3F9D] =	sst s9;
	s0 =	simm.s32 @!p0 $0x0  }
0x12: {  	s1 =	sld [smem:$0x3F83];
	s0 =	simm.s32 @p0 $0x1  }
0x13: {  	[smem:$0x3F9E] =	sst s0;
	s0 =	simm.s32 @!p1 $0x0  }
0x14: {  	s2 =	sld [smem:$0x3F82];
	s0 =	simm.s32 @p1 $0x1  }
0x15: {  	[smem:$0x3F9F] =	sst s0;
	s0 =	simm.s32 @!p2 $0x0  }
0x16: {  	s3 =	sld [smem:$0x3FDB];
	s0 =	simm.s32 @p2 $0x1  }
0x17: {  	s4 =	simm.s32 $0x1BF5;
	[smem:$0x3FA1] =	sst s0  }
0x18: {  	s0 =	sld [smem:$0x3F84];
	_ =	swait.ge [sflag:s4], $0x0  }
0x19: {  	s7 =	sld [smem:$0x3F85]  }
0x1a: {  	s8 =	sadd.s32 $0xFFFFE003, lr  }
0x1b: {  	s9 =	sadd.s32 $0xFFFFFEF7, lr;
	s5 =	simm.s32 $0xFFFFFFFF;
	p2 =	slt.u32 s8, $0xFFFFF086  }
0x1c: {  	p1 =	slt.u32 s9, $0xF7A;
	s5 =	simm.s32 @!p2 $0x0  }
0x1d: {  	s5 =	simm.s32 @p1 $0x1;
	p0 =	seq.s32 s7, s2  }
0x1e: {  	s7 =	smul.u32 @!p0 $0xF7A, s2;
	p2 =	seq.s32 @!p0 s5, $0x0  }
0x1f: {  	s9 =	smul.u32 $0xF7A, s1;
	s8 =	simm.s32 @!p0 $0x1BF5;
	p2 =	por !p2, p0  }
0x20: {  	[sflag:s8] =	ssyncset.s32 @!p0 $0xFFFFF086;
	s6 =	sadd.s32 @!p0 s3, s7;
	s7 =	simm.s32 @!p0 $0x108  }
0x21: {  	s3 =	sadd.s32 s3, s9;
	s6 =	sadd.s32 @!p0 $0x88, s6;
	s7 =	simm.s32 @p2 $0x1082  }
0x22: {  	[simem:s7], [sflag:s8] =	dma.local @!p0 [hbm:s6], $0xF7A  }
0x23: {  	s9 =	sor.u32 $0xD0000000, s2;
	s6 =	simm.s32 $0x108;
	_ =	swait.ge @!p0 [sflag:s8], $0x0  }
0x24: {  	s3 =	sadd.s32 $0x88, s3;
	s6 =	simm.s32 @!p1 $0x1082;
	[sflag:s4] =	ssyncset.s32 $0xFFFFF086  }
0x25: {  	[simem:s6], [sflag:s4] =	dma.local [hbm:s3], $0xF7A  }
0x26: {  	[smem:$0x3F85] =	sst s1;
	(tag) =	ssettag s2;
	_ =	strace s9  }
0x27: {  	s1 =	sld [smem:$0x3F95]  }
0x28: {  	s2 =	sld [smem:$0x3F96]  }
0x29: {  	s4 =	sld [smem:$0x3F98]  }
0x2a: {  	p0 =	seq.s32 s5, $0x0;
	s5 =	sld [smem:$0x3F99]  }
0x2b: {  	s6 =	sld [smem:$0x3F9A]  }
0x2c: {  	s7 =	sld [smem:$0x3F9B]  }
0x2d: {  	s3 =	simm.s32 $0x108;
	s8 =	sld [smem:$0x3F9C]  }
0x2e: {  	s3 =	simm.s32 @!p0 $0x1082;
	s9 =	sld [smem:$0x3F9D]  }
0x2f: {  	lr =	sadd.s32 s0, s3;
	s0 =	sld [smem:$0x3F94]  }
0x30: {  	s3 =	sld [smem:$0x3F97]  }
0x31: {  	[smem:$0x3FA0] =	sst s10  }
0x32: {  	s10 =	sld [smem:$0x3F9E];
	_ =	sdelay $0x3  }
0x33: {  	p0 =	seq.s32 s10, $0x1;
	s10 =	sld [smem:$0x3FA0];
	_ =	sdelay $0x3  }
0x34: {  	[smem:$0x3FA0] =	sst s10  }
0x35: {  	s10 =	sld [smem:$0x3F9F];
	_ =	sdelay $0x3  }
0x36: {  	p1 =	seq.s32 s10, $0x1;
	s10 =	sld [smem:$0x3FA0];
	_ =	sdelay $0x3  }
0x37: {  	[smem:$0x3FA0] =	sst s10  }
0x38: {  	s10 =	sld [smem:$0x3FA1]  }
0x39: {  	_ = 	snop;
	(pc) =	sbr.ind lr, $3  }
0x3a: {  	_ = 	snop  }
0x3b: {  	_ = 	snop  }
0x3c: {  	p2 =	seq.s32 s10, $0x1;
	s10 =	sld [smem:$0x3FA0]  }
0x3d: {  	_ =	shalt  }
0x3e: {  	_ =	shalt  }
0x3f: {  	_ =	shalt  }
0x40: {  	_ =	shalt  }
0x41: {  	_ =	shalt  }
0x42: {  	_ =	shalt  }
0x43: {  	_ =	shalt  }
0x44: {  	_ =	shalt  }
0x45: {  	_ =	shalt  }
0x46: {  	_ =	shalt  }
0x47: {  	_ =	shalt  }
0x48: {  	_ =	shalt  }
0x49: {  	_ =	shalt  }
0x4a: {  	_ =	shalt  }
0x4b: {  	_ =	shalt  }
0x4c: {  	_ =	shalt  }
0x4d: {  	_ =	shalt  }
0x4e: {  	_ =	shalt  }
0x4f: {  	_ =	shalt  }
0x50: {  	_ =	shalt  }
0x51: {  	_ =	shalt  }
0x52: {  	_ =	shalt  }
0x53: {  	_ =	shalt  }
0x54: {  	_ =	shalt  }
0x55: {  	_ =	shalt  }
0x56: {  	_ =	shalt  }
0x57: {  	_ =	shalt  }
0x58: {  	_ =	shalt  }
0x59: {  	_ =	shalt  }
0x5a: {  	_ =	shalt  }
0x5b: {  	_ =	shalt  }
0x5c: {  	_ =	shalt  }
0x5d: {  	_ =	shalt  }
0x5e: {  	_ =	shalt  }
0x5f: {  	_ =	shalt  }
0x60: {  	_ =	shalt  }
0x61: {  	_ =	shalt  }
0x62: {  	_ =	shalt  }
0x63: {  	_ =	shalt  }
0x64: {  	_ =	shalt  }
0x65: {  	_ =	shalt  }
0x66: {  	_ =	shalt  }
0x67: {  	_ =	shalt  }
0x68: {  	_ =	shalt  }
0x69: {  	_ =	shalt  }
0x6a: {  	_ =	shalt  }
0x6b: {  	_ =	shalt  }
0x6c: {  	_ =	shalt  }
0x6d: {  	_ =	shalt  }
0x6e: {  	_ =	shalt  }
0x6f: {  	_ =	shalt  }
0x70: {  	_ =	shalt  }
0x71: {  	_ =	shalt  }
0x72: {  	_ =	shalt  }
0x73: {  	_ =	shalt  }
0x74: {  	_ =	shalt  }
0x75: {  	_ =	shalt  }
0x76: {  	_ =	shalt  }
0x77: {  	_ =	shalt  }
0x78: {  	_ =	shalt  }
0x79: {  	_ =	shalt  }
0x7a: {  	_ =	shalt  }
0x7b: {  	_ =	shalt  }
0x7c: {  	_ =	shalt  }
0x7d: {  	_ =	shalt  }
0x7e: {  	_ =	shalt  }
0x7f: {  	_ =	shalt  }
0x80: {  	_ =	shalt  }
0x81: {  	_ =	shalt  }
0x82: {  	_ =	shalt  }
0x83: {  	_ =	shalt  }
0x84: {  	_ =	shalt  }
0x85: {  	_ =	shalt  }
0x86: {  	_ =	shalt  }
0x87: {  	_ =	shalt  }
.Lfunc_end0:
.L_simem_size_0:
called_computation.2_lowered:
.L_overlay_start_0:
0x88: {  	s2 =	sld [smem:$0x3FD9]  }
0x89: {  	s3 =	sld [smem:$0x3FFE];
	_ =	sdelay $0x1  }
0x8a: {  	s1 =	srdreg.scid  }
0x8b: {  	s0 =	sand.u32 $0x1, s1  }
0x8c: {  	s17 =	sshll.u32 s0, $0xA;
	s2 =	sadd.s32 s3, s2  }
0x8d: {  	s2 =	sadd.s32 s2, s17  }
0x8e: {  	[smem:$0x3FAC] =	sst s2  }
0x8f: {  	_ = 	snop  }
0x90: {  	(tm) =	ssettm $0x1  }
0x91: {  	s18 =	sld [smem:$0x3FFB];
	_ =	sdelay $0x3  }
0x92: {  	_ =	strace s18  }
0x93: {  	s2 =	sld [smem:$0x3FFC];
	_ =	sdelay $0x3  }
0x94: {  	_ =	strace s2  }
0x95: {  	s2 =	sld [smem:$0x3FFD];
	_ =	sdelay $0x3  }
0x96: {  	_ =	strace s2  }
0x97: {  	_ =	strace $0x8FFFFFFF  }
0x98: {  	s19 =	sld [smem:$0x3FDB];
	_ =	sdelay $0x1  }
0x99: {  	s20 =	simm.s32 $_scs_section_size  }
0x9a: {  	s4 =	simm.s32 $_size__tile_overlayer_lowered;
	s5 =	simm.s32 $_tile_overlayer_lowered  }
0x9b: {  	s6 =	simm.s32 $0x1BFF;
	s21 =	sshll.u32 s5, $0x1;
	s3 =	sadd.s32 s20, s19  }
0x9c: {  	s22 =	simm.s32 $0x0;
	s4 =	sshll.u32 s4, $0x1;
	s5 =	sadd.s32 s21, s3  }
0x9d: {  	[timem:s22], [sflag:s6] =	dma.local [hbm:s5], s4  }
0x9e: {  	_ =	swait.ge [sflag:s6], s4  }
0x9f: {  	s4 =	ssub.s32 $0x0, s4;
	[sflag:s6] =	ssyncset.done $0x0  }
0xa0: {  	[sflag:s6] =	ssyncadd.s32 s4;
	_ =	sdelay $0x1  }
0xa1: {  	s23 =	simm.s32 $0x1B8B  }
0xa2: {  	_ =	swait.ge [sflag:s23], $0x1  }
0xa3: {  	[sflag:s23] =	ssyncset.done $0x0  }
0xa4: {  	[sflag:s23] =	ssyncadd.s32 $0xFFFFFFFF  }
0xa5: {  	s4 =	sld [smem:$0x0]  }
0xa6: {  	s5 =	sand.u32 $0xFFFFFFFE, s1  }
0xa7: {  	p0 =	sne.s32 s1, s5  }
0xa8: {  	s5 =	sshll.u32 @p0 s5, $0xE  }
0xa9: {  	s5 =	sadd.s32 @p0 $0x11B8D, s5;
	s6 =	sshll.u32 @p0 s4, $0x11  }
0xaa: {  	s5 =	sor.u32 @p0 s6, s5  }
0xab: {  	[sflag:s5] =	ssyncadd.remote.s32 @p0 $0x1;
	_ =	sdelay $0x1  }
0xac: {  	s5 =	simm.s32 @p0 $0x1B8D  }
0xad: {  	_ =	swait.eq @p0 [sflag:s5], $0x1  }
0xae: {  	[sflag:s5] =	ssyncadd.s32 @p0 $0xFFFFFFFF  }
0xaf: {  	s6 =	sshll.u32 @!p0 s1, $0xE  }
0xb0: {  	s6 =	sor.u32 @!p0 $0x4000, s6;
	s5 =	simm.s32 @!p0 $0x1B8D  }
0xb1: {  	s4 =	sshll.u32 @!p0 s4, $0x11;
	s6 =	sadd.s32 @!p0 $0x11B8D, s6;
	_ =	swait.eq @!p0 [sflag:s5], $0x1  }
0xb2: {  	s4 =	sor.u32 @!p0 s4, s6;
	[sflag:s5] =	ssyncadd.s32 @!p0 $0xFFFFFFFF  }
0xb3: {  	s25 =	simm.s32 $0x1B8E;
	s24 =	sld [smem:$0x3FFE];
	[sflag:s4] =	ssyncadd.remote.s32 @!p0 $0x1  }
0xb4: {  	s26 =	simm.s32 $execute0_lowered;
	[smem:$0x3FD2] =	sst s25  }
0xb5: {  	s5 =	sshll.u32 s26, $0x1;
	_ =	strace $0x80000049;
	[dreg:$0x1] =	wrdreg $0xFFFFFFFF  }
0xb6: {  	s28 =	simm.s32 $_size_execute0_lowered;
	s3 =	sadd.s32 s3, s5;
	[dreg:$0x0] =	wrdreg $0x0  }
0xb7: {  	s5 =	sshll.u32 s28, $0x1;
	[dreg:$0x2] =	wrdreg s3  }
0xb8: {  	[dreg:$0x3] =	wrdreg s5  }
0xb9: {  	[dreg:$0x4] =	wrdreg $0xC0  }
0xba: {  	_ =	task [dreg:s22], $0x5FFFF  }
0xbb: {  	[dreg:$0x1] =	wrdreg $0xFFFFFFFF  }
0xbc: {  	[dreg:$0x0] =	wrdreg $0x60  }
0xbd: {  	[dreg:$0x2] =	wrdreg s24  }
0xbe: {  	[dreg:$0x3] =	wrdreg $0xB  }
0xbf: {  	_ =	task.clear_ibuf [dreg:s22], $0x4FFFF;
	_ =	strace $0x90000049  }
0xc0: {  	s29 =	simm.s32 $0xB;
	_ =	strace $0x8000004B  }
0xc1: {  	_ =	swait.ge [sflag:s29], $0x1  }
0xc2: {  	[sflag:s29] =	ssyncadd.s32 $0xFFFFFFFF  }
0xc3: {  	_ =	strace $0x9000004B  }
0xc4: {  	_ =	sfence  }
0xc5: {  	s30 =	sld [smem:$0x0];
	_ =	sdelay $0x2  }
0xc6: {  	s31 =	sshll.u32 s1, $0xD;
	s1 =	sshrl.u32 s1, $0x2  }
0xc7: {  	s4 =	sand.u32 $0x4000, s31;
	s1 =	sadd.s32 s1, s30  }
0xc8: {  	s0 =	sor.u32 s4, s0;
	s1 =	sshll.u32 s1, $0x11  }
0xc9: {  	s0 =	sor.u32 s1, s0  }
0xca: {  	s0 =	sadd.s32 $0x8F2B, s0  }
0xcb: {  	[sflag:s0] =	ssyncadd.remote.s32 $0x1  }
0xcc: {  	_ =	sfence.sel $0xFFFF  }
0xcd: {  	[dreg:$0x0] =	wrdreg $0xFFFFFFFF;
	(pc) =	sbr.abs _section_cstart, $3  }
0xce: {  	[dreg:$0x1] =	wrdreg $0xFFFFFFFF  }
0xcf: {  	_ =	task.clear_ibuf [dreg:s22], $0x2FFFF;
	_ =	strace $0x9FFFFFFF  }
0xd0: {  	(tm) =	ssettm $0x7FFFFFFF  }
0xd1: {  	_ =	shalt  }
tec
execute0_lowered:
.L_overlay_start_1:
0x0: {  	(tag) =	ssettag $0x1  }
0x1: {  	s1 =	srdreg.scid  }
0x2: {  	s0 =	stileid.u32;
	s7 =	rddreg [dreg:$0x0]  }
0x3: {  	s2 =	simm.s32 $0x0;
	s11 =	simm.s32 $0xC80;
	s12 =	simm.s32 $0x50  }
0x4: {  	s13 =	simm.s32 $0x1900;
	s14 =	simm.s32 $0x6900;
	s15 =	simm.s32 $0x1  }
0x5: {  	s16 =	simm.s32 $0x3;
	s17 =	simm.s32 $0x4100;
	s18 =	simm.s32 $0x9100  }
0x6: {  	s19 =	simm.s32 $0x2;
	s6 =	sand.u32 $0x1, s1;
	s3 =	sshll.u32 s0, $0x1  }
0x7: {  	s20 =	simm.s32 $0x4;
	s21 =	simm.s32 $0x5;
	s3 =	sor.u32 s6, s3  }
0x8: {  	s22 =	simm.s32 $0x6;
	s1 =	rddreg [dreg:$0x1];
	s3 =	smul.u32 $0xC80, s3  }
0x9: {  	s23 =	simm.s32 $0x0;
	[smem:$0x7FF] =	sst s2;
	s4 =	sadd.s32 $0x1C400, s7  }
0xa: {  	s5 =	sadd.s32 $0x43600, s7;
	s8 =	ssub.s32 $0x2, s6;
	s9 =	sshrl.u32 s3, $0x3  }
0xb: {  	_ =	strace $0x8000004A;
	s10 =	sshrl.u32 s8, $0x1;
	s9 =	sadd.s32 s7, s9  }
0xc: {  	s6 =	sadd.s32 $0x22CA00, s7;
	s10 =	ssub.s32 s8, s10;
	s7 =	sadd.s32 $0xB840, s9  }
0xd: {  	s8 =	sadd.s32 $0x15640, s9;
	s9 =	smax.u32 s10, $0x1;
	s10 =	simm.s32 $0x7  }
.LBB2_1:
0xe: {  	[tilespmem:s2], [sflag:$0x7] =	stream.linear.gather [hbm4b:s7+s2], $0xC80, $0x38;
	[tilespmem:$0xB900] =	vst v63  }
0xf: {  	_ =	swait.ge [sflag:s10], $0xC80  }
0x10: {  	[sflag:s10] =	ssyncset.done $0x0  }
0x11: {  	[sflag:s10] =	ssyncadd.s32 $0xFFFFF380  }
0x12: {  	[tilespmem:s11], [sflag:$0x7] =	stream.linear.gather [hbm4b:s8+s2], $0xC80, $0x38;
	[tilespmem:$0xB900] =	vst v63  }
0x13: {  	_ =	swait.ge [sflag:s10], $0xC80  }
0x14: {  	[sflag:s10] =	ssyncset.done $0x0  }
0x15: {  	[sflag:s10] =	ssyncadd.s32 $0xFFFFF380  }
0x16: {  	[tilespmem:s13], [sflag:$0x1] =	stream.indirect.gather [hbm4b:s4+s12], $0x80, s2, s12, $0xb8;
	[tilespmem:$0xB900] =	vst v63  }
0x17: {  	s24 =	simm.s32 $0x0  }
0x18: {  	[tilespmem:s14], [sflag:$0x3] =	stream.indirect.gather [hbm4b:s5+s12], $0x80, s11, s12, $0xb8;
	[tilespmem:$0xB900] =	vst v63  }
.LBB2_2:
0x19: {  	_ =	swait.ge [sflag:s15], $0x2800  }
0x1a: {  	[sflag:s15] =	ssyncset.done $0x0  }
0x1b: {  	[sflag:s15] =	ssyncadd.s32 $0xFFFFD800  }
0x1c: {  	_ =	swait.ge [sflag:s16], $0x2800  }
0x1d: {  	p0 =	seq.s32 s24, $0x0;
	[sflag:s16] =	ssyncset.done $0x0  }
0x1e: {  	s25 =	simm.s32 @!p0 $0x6;
	[sflag:s16] =	ssyncadd.s32 $0xFFFFD800  }
0x1f: {  	s26 =	smul.u32 $0xA0, s24;
	_ =	swait.ge @!p0 [sflag:s25], $0x2800  }
0x20: {  	[sflag:s25] =	ssyncset.done @!p0 $0x0  }
0x21: {  	[sflag:s25] =	ssyncadd.s32 @!p0 $0xFFFFD800;
	s25 =	sadd.s32 $0x50, s26  }
0x22: {  	[tilespmem:s17], [sflag:$0x2] =	stream.indirect.gather [hbm4b:s4+s12], $0x80, s25, s12, $0xb8;
	[tilespmem:$0xB900] =	vst v63  }
0x23: {  	s28 =	sadd.s32 $0xCD0, s26  }
0x24: {  	[tilespmem:s18], [sflag:$0x4] =	stream.indirect.gather [hbm4b:s5+s12], $0x80, s28, s12, $0xb8;
	[tilespmem:$0xB900] =	vst v63  }
0x25: {  	s28 =	simm.s32 $0x0  }
0x26: {  	v7 =	vld [tilespmem:s28+$0x6900]  }
0x27: {  	v11 =	vld [tilespmem:s28+$0x6910]  }
0x28: {  	v5 =	vld [tilespmem:s28+$0x6920]  }
0x29: {  	v4 =	vld [tilespmem:s28+$0x6930]  }
0x2a: {  	v3 =	vld [tilespmem:s28+$0x6940]  }
0x2b: {  	v2 =	vld [tilespmem:s28+$0x6950]  }
0x2c: {  	v1 =	vld [tilespmem:s28+$0x6960]  }
0x2d: {  	v0 =	vld [tilespmem:s28+$0x6970]  }
0x2e: {  	v12 =	vld [tilespmem:s28+$0x1900]  }
0x2f: {  	v13 =	vld [tilespmem:s28+$0x1910]  }
0x30: {  	v10 =	vld [tilespmem:s28+$0x1920]  }
0x31: {  	v9 =	vld [tilespmem:s28+$0x1930]  }
0x32: {  	v8 =	vld [tilespmem:s28+$0x1940]  }
0x33: {  	v6 =	vld [tilespmem:s28+$0x1950];
	v12 =	vadd.f32 v7, v12  }
0x34: {  	s29 =	simm.s32 $0x200;
	v11 =	vadd.f32 v11, v13;
	v7 =	vld [tilespmem:s28+$0x1960]  }
.LBB2_3:
0x35: {  	s30 =	sshra.s32 s29, $0x2;
	p0 =	sne.s32 s29, $0x9E00;
	[tilespmem:s28+$0x1900] =	vst v12;
	v5 =	vadd.f32 v5, v10;
	v10 =	vld [tilespmem:s28+$0x1970]  }
0x36: {  	v12 =	vld [tilespmem:s30+$0x6900];
	[tilespmem:s28+$0x1910] =	vst v11;
	v4 =	vadd.f32 v4, v9  }
0x37: {  	v11 =	vld [tilespmem:s30+$0x6910];
	[tilespmem:s28+$0x1920] =	vst v5;
	v3 =	vadd.f32 v3, v8  }
0x38: {  	v5 =	vld [tilespmem:s30+$0x6920];
	[tilespmem:s28+$0x1930] =	vst v4;
	v2 =	vadd.f32 v2, v6  }
0x39: {  	v4 =	vld [tilespmem:s30+$0x6930];
	[tilespmem:s28+$0x1940] =	vst v3;
	v1 =	vadd.f32 v1, v7  }
0x3a: {  	v3 =	vld [tilespmem:s30+$0x6940];
	[tilespmem:s28+$0x1950] =	vst v2;
	v0 =	vadd.f32 v0, v10  }
0x3b: {  	v2 =	vld [tilespmem:s30+$0x6950];
	[tilespmem:s28+$0x1960] =	vst v1  }
0x3c: {  	v1 =	vld [tilespmem:s30+$0x6960];
	[tilespmem:s28+$0x1970] =	vst v0;
	s28 =	smov.u32 s30  }
0x3d: {  	v0 =	vld [tilespmem:s28+$0x6970]  }
0x3e: {  	v6 =	vld [tilespmem:s28+$0x1900]  }
0x3f: {  	v7 =	vld [tilespmem:s28+$0x1910]  }
.Ltmp0:
0x40: {  	v10 =	vld [tilespmem:s28+$0x1920];
	(pc) =	sbr.rel @p0 .LBB2_3-.Ltmp0, $4  }
0x41: {  	v9 =	vld [tilespmem:s28+$0x1930]  }
0x42: {  	v8 =	vld [tilespmem:s28+$0x1940]  }
0x43: {  	v12 =	vadd.f32 v12, v6;
	v6 =	vld [tilespmem:s28+$0x1950]  }
0x44: {  	s29 =	sadd.s32 $0x200, s29;
	v11 =	vadd.f32 v11, v7;
	v7 =	vld [tilespmem:s28+$0x1960]  }
0x45: {  	[tilespmem:s28+$0x1900] =	vst v12;
	v5 =	vadd.f32 v5, v10;
	v10 =	vld [tilespmem:s28+$0x1970]  }
0x46: {  	[tilespmem:s28+$0x1910] =	vst v11;
	v4 =	vadd.f32 v4, v9  }
0x47: {  	[tilespmem:s28+$0x1920] =	vst v5;
	v3 =	vadd.f32 v3, v8  }
0x48: {  	[tilespmem:s28+$0x1930] =	vst v4;
	v2 =	vadd.f32 v2, v6  }
0x49: {  	[tilespmem:s28+$0x1940] =	vst v3;
	v1 =	vadd.f32 v1, v7  }
0x4a: {  	s29 =	sadd.s32 s3, s26;
	[tilespmem:s28+$0x1950] =	vst v2;
	v0 =	vadd.f32 v0, v10  }
0x4b: {  	s29 =	sshll.u32 s29, $0x4;
	[tilespmem:s28+$0x1960] =	vst v1  }
0x4c: {  	[tilespmem:s28+$0x1970] =	vst v0;
	s28 =	sadd.s32 s6, s29  }
0x4d: {  	[hbm4b:s28+s2] =	stream.linear.scatter [tilespmem:s13], [sflag:$0x5], $0x2800, $0x38;
	[tilespmem:$0xB900] =	vst v63  }
0x4e: {  	_ =	swait.ge [sflag:s19], $0x2800  }
0x4f: {  	[sflag:s19] =	ssyncset.done $0x0  }
0x50: {  	[sflag:s19] =	ssyncadd.s32 $0xFFFFD800  }
0x51: {  	_ =	swait.ge [sflag:s20], $0x2800  }
0x52: {  	[sflag:s20] =	ssyncset.done $0x0  }
0x53: {  	[sflag:s20] =	ssyncadd.s32 $0xFFFFD800  }
0x54: {  	p0 =	seq.s32 s24, $0x13;
	_ =	swait.ge [sflag:s21], $0x2800  }
0x55: {  	s30 =	simm.s32 @!p0 $0x1900;
	[sflag:s21] =	ssyncset.done $0x0  }
0x56: {  	s29 =	simm.s32 @!p0 $0x50;
	s28 =	sadd.s32 @!p0 $0xA0, s26;
	[sflag:s21] =	ssyncadd.s32 $0xFFFFD800  }
0x57: {  	[tilespmem:s30], [sflag:$0x1] =	stream.indirect.gather @!p0 [hbm4b:s4+s29], $0x80, s28, s29, $0xb8;
	[tilespmem:$0xB900] =	vst v63  }
0x58: {  	s26 =	sadd.s32 @!p0 $0xD20, s26;
	s28 =	simm.s32 @!p0 $0x6900  }
0x59: {  	[tilespmem:s28], [sflag:$0x3] =	stream.indirect.gather @!p0 [hbm4b:s5+s29], $0x80, s26, s29, $0xb8;
	[tilespmem:$0xB900] =	vst v63  }
0x5a: {  	s26 =	simm.s32 $0x0  }
0x5b: {  	v7 =	vld [tilespmem:s26+$0x9100]  }
0x5c: {  	v11 =	vld [tilespmem:s26+$0x9110]  }
0x5d: {  	v5 =	vld [tilespmem:s26+$0x9120]  }
0x5e: {  	v4 =	vld [tilespmem:s26+$0x9130]  }
0x5f: {  	v3 =	vld [tilespmem:s26+$0x9140]  }
0x60: {  	v2 =	vld [tilespmem:s26+$0x9150]  }
0x61: {  	v1 =	vld [tilespmem:s26+$0x9160]  }
0x62: {  	v0 =	vld [tilespmem:s26+$0x9170]  }
0x63: {  	v12 =	vld [tilespmem:s26+$0x4100]  }
0x64: {  	v13 =	vld [tilespmem:s26+$0x4110]  }
0x65: {  	v10 =	vld [tilespmem:s26+$0x4120]  }
0x66: {  	v9 =	vld [tilespmem:s26+$0x4130]  }
0x67: {  	v8 =	vld [tilespmem:s26+$0x4140]  }
0x68: {  	v6 =	vld [tilespmem:s26+$0x4150];
	v12 =	vadd.f32 v7, v12  }
0x69: {  	s28 =	simm.s32 $0x200;
	v11 =	vadd.f32 v11, v13;
	v7 =	vld [tilespmem:s26+$0x4160]  }
.LBB2_5:
0x6a: {  	s29 =	sshra.s32 s28, $0x2;
	p0 =	sne.s32 s28, $0x9E00;
	[tilespmem:s26+$0x4100] =	vst v12;
	v5 =	vadd.f32 v5, v10;
	v10 =	vld [tilespmem:s26+$0x4170]  }
0x6b: {  	v12 =	vld [tilespmem:s29+$0x9100];
	[tilespmem:s26+$0x4110] =	vst v11;
	v4 =	vadd.f32 v4, v9  }
0x6c: {  	v11 =	vld [tilespmem:s29+$0x9110];
	[tilespmem:s26+$0x4120] =	vst v5;
	v3 =	vadd.f32 v3, v8  }
0x6d: {  	v5 =	vld [tilespmem:s29+$0x9120];
	[tilespmem:s26+$0x4130] =	vst v4;
	v2 =	vadd.f32 v2, v6  }
0x6e: {  	v4 =	vld [tilespmem:s29+$0x9130];
	[tilespmem:s26+$0x4140] =	vst v3;
	v1 =	vadd.f32 v1, v7  }
0x6f: {  	v3 =	vld [tilespmem:s29+$0x9140];
	[tilespmem:s26+$0x4150] =	vst v2;
	v0 =	vadd.f32 v0, v10  }
0x70: {  	v2 =	vld [tilespmem:s29+$0x9150];
	[tilespmem:s26+$0x4160] =	vst v1  }
0x71: {  	v1 =	vld [tilespmem:s29+$0x9160];
	[tilespmem:s26+$0x4170] =	vst v0;
	s26 =	smov.u32 s29  }
0x72: {  	v0 =	vld [tilespmem:s26+$0x9170]  }
0x73: {  	v6 =	vld [tilespmem:s26+$0x4100]  }
0x74: {  	v7 =	vld [tilespmem:s26+$0x4110]  }
.Ltmp1:
0x75: {  	v10 =	vld [tilespmem:s26+$0x4120];
	(pc) =	sbr.rel @p0 .LBB2_5-.Ltmp1, $4  }
0x76: {  	v9 =	vld [tilespmem:s26+$0x4130]  }
0x77: {  	v8 =	vld [tilespmem:s26+$0x4140]  }
0x78: {  	v12 =	vadd.f32 v12, v6;
	v6 =	vld [tilespmem:s26+$0x4150]  }
0x79: {  	s28 =	sadd.s32 $0x200, s28;
	v11 =	vadd.f32 v11, v7;
	v7 =	vld [tilespmem:s26+$0x4160]  }
0x7a: {  	[tilespmem:s26+$0x4100] =	vst v12;
	v5 =	vadd.f32 v5, v10;
	v63 =	vld [tilespmem:s26+$0x4170]  }
0x7b: {  	[tilespmem:s26+$0x4110] =	vst v11;
	v4 =	vadd.f32 v4, v9  }
0x7c: {  	s24 =	sadd.s32 $0x1, s24;
	[tilespmem:s26+$0x4120] =	vst v5;
	v3 =	vadd.f32 v3, v8  }
0x7d: {  	p0 =	sne.s32 s24, $0x14;
	[tilespmem:s26+$0x4130] =	vst v4;
	v2 =	vadd.f32 v2, v6  }
.Ltmp2:
0x7e: {  	[tilespmem:s26+$0x4140] =	vst v3;
	v1 =	vadd.f32 v1, v7;
	(pc) =	sbr.rel @p0 .LBB2_2-.Ltmp2, $4  }
0x7f: {  	s25 =	sadd.s32 s3, s25;
	[tilespmem:s26+$0x4150] =	vst v2;
	v0 =	vadd.f32 v0, v63  }
0x80: {  	s25 =	sshll.u32 s25, $0x4;
	[tilespmem:s26+$0x4160] =	vst v1  }
0x81: {  	s25 =	sadd.s32 s6, s25;
	[tilespmem:s26+$0x4170] =	vst v0  }
0x82: {  	[hbm4b:s25+s2] =	stream.linear.scatter [tilespmem:s17], [sflag:$0x6], $0x2800, $0x38;
	[tilespmem:$0xB900] =	vst v63  }
0x83: {  	s23 =	sadd.s32 $0x1, s23  }
0x84: {  	p0 =	sne.s32 s23, s9  }
.Ltmp3:
0x85: {  	_ = 	snop;
	(pc) =	sbr.rel @p0 .LBB2_1-.Ltmp3, $4  }
0x86: {  	_ = 	snop  }
0x87: {  	_ =	swait.ge [sflag:s22], $0x2800  }
0x88: {  	[sflag:s22] =	ssyncset.done $0x0  }
0x89: {  	[sflag:s22] =	ssyncadd.s32 $0xFFFFD800  }
0x8a: {  	_ =	sfence.sel $0x180000  }
0x8b: {  	[bflag:$0x0] =	sbarrier.arrive $0xFFFF  }
0x8c: {  	p0 =	sne.s32 s0, $0x0;
	_ =	strace $0x9000004A  }
0x8d: {  	s0 =	sadd.s32 @!p0 $0x100000, s1;
	[bflag:$0x2] =	sbarrier.arrive $0xFFFF  }
0x8e: {  	[sflag:s0] =	ssyncadd.tile.s32 @!p0 $0x1;
	_ =	shalt  }
.Lfunc_end2:
_tile_overlayer_lowered:
.L_overlay_start_2:
0x8f: {  	(tag) =	ssettag $0x2  }
0x90: {  	s0 =	rddreg [dreg:$0x0];
	s2 =	stileid.u32  }
0x91: {  	s1 =	rddreg [dreg:$0x1];
	p0 =	sne.s32 s2, $0x0  }
0x92: {  	s3 =	rddreg [dreg:$0x2];
	[bflag:$0x3] =	sbarrier.arrive $0xFFFF;
	s2 =	simm.s32 @!p0 $0x1C07  }
0x93: {  	[timem:s3], [sflag:s2] =	dma.local @!p0 [hbm:s0], s1  }
0x94: {  	s0 =	simm.s32 @!p0 $0x7  }
0x95: {  	_ =	swait.ge @!p0 [sflag:s0], s1  }
0x96: {  	s1 =	ssub.s32 @!p0 $0x0, s1;
	[sflag:s0] =	ssyncset.done @!p0 $0x0  }
0x97: {  	[sflag:s0] =	ssyncadd.s32 @!p0 s1  }
0x98: {  	[bflag:$0x3] =	sbarrier.arrive $0xFFFF  }
0x99: {  	_ =	shalt  }

// kernel: kernel.23.cloned.1.call-start
scs
__scs_entry_jumppad:
0x0: {  	(pc) =	sbr.rel $0x88, $3  }
0x1: {  	(tag) =	ssettag $0x0;
	lr =	simm.s32 $0x1  }
0x2: {  	[smem:$0x3F85] =	sst lr;
	_ =	strace $0xD0000000  }
0x3: {  	_ = 	snop  }
0x4: {  	_ = 	snop  }
0x5: {  	_ = 	snop  }
0x6: {  	_ = 	snop  }
0x7: {  	_ = 	snop  }
__scs_overlays_trampoline_lowered:
0x8: {  	[smem:$0x3F94] =	sst s0  }
0x9: {  	[smem:$0x3F95] =	sst s1  }
0xa: {  	[smem:$0x3F96] =	sst s2  }
0xb: {  	[smem:$0x3F97] =	sst s3  }
0xc: {  	[smem:$0x3F98] =	sst s4  }
0xd: {  	[smem:$0x3F99] =	sst s5  }
0xe: {  	[smem:$0x3F9A] =	sst s6  }
0xf: {  	[smem:$0x3F9B] =	sst s7  }
0x10: {  	[smem:$0x3F9C] =	sst s8  }
0x11: {  	[smem:$0x3F9D] =	sst s9;
	s0 =	simm.s32 @!p0 $0x0  }
0x12: {  	s1 =	sld [smem:$0x3F83];
	s0 =	simm.s32 @p0 $0x1  }
0x13: {  	[smem:$0x3F9E] =	sst s0;
	s0 =	simm.s32 @!p1 $0x0  }
0x14: {  	s2 =	sld [smem:$0x3F82];
	s0 =	simm.s32 @p1 $0x1  }
0x15: {  	[smem:$0x3F9F] =	sst s0;
	s0 =	simm.s32 @!p2 $0x0  }
0x16: {  	s3 =	sld [smem:$0x3FDB];
	s0 =	simm.s32 @p2 $0x1  }
0x17: {  	s4 =	simm.s32 $0x1BF5;
	[smem:$0x3FA1] =	sst s0  }
0x18: {  	s0 =	sld [smem:$0x3F84];
	_ =	swait.ge [sflag:s4], $0x0  }
0x19: {  	s7 =	sld [smem:$0x3F85]  }
0x1a: {  	s8 =	sadd.s32 $0xFFFFE003, lr  }
0x1b: {  	s9 =	sadd.s32 $0xFFFFFEF7, lr;
	s5 =	simm.s32 $0xFFFFFFFF;
	p2 =	slt.u32 s8, $0xFFFFF086  }
0x1c: {  	p1 =	slt.u32 s9, $0xF7A;
	s5 =	simm.s32 @!p2 $0x0  }
0x1d: {  	s5 =	simm.s32 @p1 $0x1;
	p0 =	seq.s32 s7, s2  }
0x1e: {  	s7 =	smul.u32 @!p0 $0xF7A, s2;
	p2 =	seq.s32 @!p0 s5, $0x0  }
0x1f: {  	s9 =	smul.u32 $0xF7A, s1;
	s8 =	simm.s32 @!p0 $0x1BF5;
	p2 =	por !p2, p0  }
0x20: {  	[sflag:s8] =	ssyncset.s32 @!p0 $0xFFFFF086;
	s6 =	sadd.s32 @!p0 s3, s7;
	s7 =	simm.s32 @!p0 $0x108  }
0x21: {  	s3 =	sadd.s32 s3, s9;
	s6 =	sadd.s32 @!p0 $0x88, s6;
	s7 =	simm.s32 @p2 $0x1082  }
0x22: {  	[simem:s7], [sflag:s8] =	dma.local @!p0 [hbm:s6], $0xF7A  }
0x23: {  	s9 =	sor.u32 $0xD0000000, s2;
	s6 =	simm.s32 $0x108;
	_ =	swait.ge @!p0 [sflag:s8], $0x0  }
0x24: {  	s3 =	sadd.s32 $0x88, s3;
	s6 =	simm.s32 @!p1 $0x1082;
	[sflag:s4] =	ssyncset.s32 $0xFFFFF086  }
0x25: {  	[simem:s6], [sflag:s4] =	dma.local [hbm:s3], $0xF7A  }
0x26: {  	[smem:$0x3F85] =	sst s1;
	(tag) =	ssettag s2;
	_ =	strace s9  }
0x27: {  	s1 =	sld [smem:$0x3F95]  }
0x28: {  	s2 =	sld [smem:$0x3F96]  }
0x29: {  	s4 =	sld [smem:$0x3F98]  }
0x2a: {  	p0 =	seq.s32 s5, $0x0;
	s5 =	sld [smem:$0x3F99]  }
0x2b: {  	s6 =	sld [smem:$0x3F9A]  }
0x2c: {  	s7 =	sld [smem:$0x3F9B]  }
0x2d: {  	s3 =	simm.s32 $0x108;
	s8 =	sld [smem:$0x3F9C]  }
0x2e: {  	s3 =	simm.s32 @!p0 $0x1082;
	s9 =	sld [smem:$0x3F9D]  }
0x2f: {  	lr =	sadd.s32 s0, s3;
	s0 =	sld [smem:$0x3F94]  }
0x30: {  	s3 =	sld [smem:$0x3F97]  }
0x31: {  	[smem:$0x3FA0] =	sst s10  }
0x32: {  	s10 =	sld [smem:$0x3F9E];
	_ =	sdelay $0x3  }
0x33: {  	p0 =	seq.s32 s10, $0x1;
	s10 =	sld [smem:$0x3FA0];
	_ =	sdelay $0x3  }
0x34: {  	[smem:$0x3FA0] =	sst s10  }
0x35: {  	s10 =	sld [smem:$0x3F9F];
	_ =	sdelay $0x3  }
0x36: {  	p1 =	seq.s32 s10, $0x1;
	s10 =	sld [smem:$0x3FA0];
	_ =	sdelay $0x3  }
0x37: {  	[smem:$0x3FA0] =	sst s10  }
0x38: {  	s10 =	sld [smem:$0x3FA1]  }
0x39: {  	_ = 	snop;
	(pc) =	sbr.ind lr, $3  }
0x3a: {  	_ = 	snop  }
0x3b: {  	_ = 	snop  }
0x3c: {  	p2 =	seq.s32 s10, $0x1;
	s10 =	sld [smem:$0x3FA0]  }
0x3d: {  	_ =	shalt  }
0x3e: {  	_ =	shalt  }
0x3f: {  	_ =	shalt  }
0x40: {  	_ =	shalt  }
0x41: {  	_ =	shalt  }
0x42: {  	_ =	shalt  }
0x43: {  	_ =	shalt  }
0x44: {  	_ =	shalt  }
0x45: {  	_ =	shalt  }
0x46: {  	_ =	shalt  }
0x47: {  	_ =	shalt  }
0x48: {  	_ =	shalt  }
0x49: {  	_ =	shalt  }
0x4a: {  	_ =	shalt  }
0x4b: {  	_ =	shalt  }
0x4c: {  	_ =	shalt  }
0x4d: {  	_ =	shalt  }
0x4e: {  	_ =	shalt  }
0x4f: {  	_ =	shalt  }
0x50: {  	_ =	shalt  }
0x51: {  	_ =	shalt  }
0x52: {  	_ =	shalt  }
0x53: {  	_ =	shalt  }
0x54: {  	_ =	shalt  }
0x55: {  	_ =	shalt  }
0x56: {  	_ =	shalt  }
0x57: {  	_ =	shalt  }
0x58: {  	_ =	shalt  }
0x59: {  	_ =	shalt  }
0x5a: {  	_ =	shalt  }
0x5b: {  	_ =	shalt  }
0x5c: {  	_ =	shalt  }
0x5d: {  	_ =	shalt  }
0x5e: {  	_ =	shalt  }
0x5f: {  	_ =	shalt  }
0x60: {  	_ =	shalt  }
0x61: {  	_ =	shalt  }
0x62: {  	_ =	shalt  }
0x63: {  	_ =	shalt  }
0x64: {  	_ =	shalt  }
0x65: {  	_ =	shalt  }
0x66: {  	_ =	shalt  }
0x67: {  	_ =	shalt  }
0x68: {  	_ =	shalt  }
0x69: {  	_ =	shalt  }
0x6a: {  	_ =	shalt  }
0x6b: {  	_ =	shalt  }
0x6c: {  	_ =	shalt  }
0x6d: {  	_ =	shalt  }
0x6e: {  	_ =	shalt  }
0x6f: {  	_ =	shalt  }
0x70: {  	_ =	shalt  }
0x71: {  	_ =	shalt  }
0x72: {  	_ =	shalt  }
0x73: {  	_ =	shalt  }
0x74: {  	_ =	shalt  }
0x75: {  	_ =	shalt  }
0x76: {  	_ =	shalt  }
0x77: {  	_ =	shalt  }
0x78: {  	_ =	shalt  }
0x79: {  	_ =	shalt  }
0x7a: {  	_ =	shalt  }
0x7b: {  	_ =	shalt  }
0x7c: {  	_ =	shalt  }
0x7d: {  	_ =	shalt  }
0x7e: {  	_ =	shalt  }
0x7f: {  	_ =	shalt  }
0x80: {  	_ =	shalt  }
0x81: {  	_ =	shalt  }
0x82: {  	_ =	shalt  }
0x83: {  	_ =	shalt  }
0x84: {  	_ =	shalt  }
0x85: {  	_ =	shalt  }
0x86: {  	_ =	shalt  }
0x87: {  	_ =	shalt  }
.Lfunc_end0:
.L_simem_size_0:
called_computation.3_lowered:
.L_overlay_start_0:
0x88: {  	s2 =	sld [smem:$0x3FD9]  }
0x89: {  	s3 =	sld [smem:$0x3FFE];
	_ =	sdelay $0x1  }
0x8a: {  	s1 =	srdreg.scid  }
0x8b: {  	s0 =	sand.u32 $0x1, s1  }
0x8c: {  	s17 =	sshll.u32 s0, $0xA;
	s2 =	sadd.s32 s3, s2  }
0x8d: {  	s2 =	sadd.s32 s2, s17  }
0x8e: {  	[smem:$0x3FAC] =	sst s2  }
0x8f: {  	_ = 	snop  }
0x90: {  	(tm) =	ssettm $0x1  }
0x91: {  	s18 =	sld [smem:$0x3FFB];
	_ =	sdelay $0x3  }
0x92: {  	_ =	strace s18  }
0x93: {  	s2 =	sld [smem:$0x3FFC];
	_ =	sdelay $0x3  }
0x94: {  	_ =	strace s2  }
0x95: {  	s2 =	sld [smem:$0x3FFD];
	_ =	sdelay $0x3  }
0x96: {  	_ =	strace s2  }
0x97: {  	_ =	strace $0x8FFFFFFF  }
0x98: {  	s19 =	sld [smem:$0x3FDB];
	_ =	sdelay $0x1  }
0x99: {  	s20 =	simm.s32 $_scs_section_size  }
0x9a: {  	s4 =	simm.s32 $_size__tile_overlayer_lowered;
	s5 =	simm.s32 $_tile_overlayer_lowered  }
0x9b: {  	s6 =	simm.s32 $0x1BFF;
	s21 =	sshll.u32 s5, $0x1;
	s3 =	sadd.s32 s20, s19  }
0x9c: {  	s22 =	simm.s32 $0x0;
	s4 =	sshll.u32 s4, $0x1;
	s5 =	sadd.s32 s21, s3  }
0x9d: {  	[timem:s22], [sflag:s6] =	dma.local [hbm:s5], s4  }
0x9e: {  	_ =	swait.ge [sflag:s6], s4  }
0x9f: {  	s4 =	ssub.s32 $0x0, s4;
	[sflag:s6] =	ssyncset.done $0x0  }
0xa0: {  	[sflag:s6] =	ssyncadd.s32 s4;
	_ =	sdelay $0x1  }
0xa1: {  	s23 =	simm.s32 $0x1B8B  }
0xa2: {  	_ =	swait.ge [sflag:s23], $0x1  }
0xa3: {  	[sflag:s23] =	ssyncset.done $0x0  }
0xa4: {  	[sflag:s23] =	ssyncadd.s32 $0xFFFFFFFF  }
0xa5: {  	s4 =	sld [smem:$0x0]  }
0xa6: {  	s5 =	sand.u32 $0xFFFFFFFE, s1  }
0xa7: {  	p0 =	sne.s32 s1, s5  }
0xa8: {  	s5 =	sshll.u32 @p0 s5, $0xE  }
0xa9: {  	s5 =	sadd.s32 @p0 $0x11B8D, s5;
	s6 =	sshll.u32 @p0 s4, $0x11  }
0xaa: {  	s5 =	sor.u32 @p0 s6, s5  }
0xab: {  	[sflag:s5] =	ssyncadd.remote.s32 @p0 $0x1;
	_ =	sdelay $0x1  }
0xac: {  	s5 =	simm.s32 @p0 $0x1B8D  }
0xad: {  	_ =	swait.eq @p0 [sflag:s5], $0x1  }
0xae: {  	[sflag:s5] =	ssyncadd.s32 @p0 $0xFFFFFFFF  }
0xaf: {  	s6 =	sshll.u32 @!p0 s1, $0xE  }
0xb0: {  	s6 =	sor.u32 @!p0 $0x4000, s6;
	s5 =	simm.s32 @!p0 $0x1B8D  }
0xb1: {  	s4 =	sshll.u32 @!p0 s4, $0x11;
	s6 =	sadd.s32 @!p0 $0x11B8D, s6;
	_ =	swait.eq @!p0 [sflag:s5], $0x1  }
0xb2: {  	s4 =	sor.u32 @!p0 s4, s6;
	[sflag:s5] =	ssyncadd.s32 @!p0 $0xFFFFFFFF  }
0xb3: {  	s25 =	simm.s32 $0x1B8E;
	s24 =	sld [smem:$0x3FFE];
	[sflag:s4] =	ssyncadd.remote.s32 @!p0 $0x1  }
0xb4: {  	s26 =	simm.s32 $execute0_lowered;
	[smem:$0x3FD2] =	sst s25  }
0xb5: {  	s5 =	sshll.u32 s26, $0x1;
	_ =	strace $0x80000052;
	[dreg:$0x1] =	wrdreg $0xFFFFFFFF  }
0xb6: {  	s28 =	simm.s32 $_size_execute0_lowered;
	s3 =	sadd.s32 s3, s5;
	[dreg:$0x0] =	wrdreg $0x0  }
0xb7: {  	s5 =	sshll.u32 s28, $0x1;
	[dreg:$0x2] =	wrdreg s3  }
0xb8: {  	[dreg:$0x3] =	wrdreg s5  }
0xb9: {  	[dreg:$0x4] =	wrdreg $0xC0  }
0xba: {  	_ =	task [dreg:s22], $0x5FFFF  }
0xbb: {  	[dreg:$0x1] =	wrdreg $0xFFFFFFFF  }
0xbc: {  	[dreg:$0x0] =	wrdreg $0x60  }
0xbd: {  	[dreg:$0x2] =	wrdreg s24  }
0xbe: {  	[dreg:$0x3] =	wrdreg $0x51000  }
0xbf: {  	[dreg:$0x4] =	wrdreg $0xB  }
0xc0: {  	_ =	task.clear_ibuf [dreg:s22], $0x5FFFF;
	_ =	strace $0x90000052  }
0xc1: {  	s29 =	simm.s32 $0xB;
	_ =	strace $0x80000054  }
0xc2: {  	_ =	swait.ge [sflag:s29], $0x1  }
0xc3: {  	[sflag:s29] =	ssyncadd.s32 $0xFFFFFFFF  }
0xc4: {  	_ =	strace $0x90000054  }
0xc5: {  	_ =	sfence  }
0xc6: {  	s30 =	sld [smem:$0x0];
	_ =	sdelay $0x2  }
0xc7: {  	s31 =	sshll.u32 s1, $0xD;
	s1 =	sshrl.u32 s1, $0x2  }
0xc8: {  	s4 =	sand.u32 $0x4000, s31;
	s1 =	sadd.s32 s1, s30  }
0xc9: {  	s0 =	sor.u32 s4, s0;
	s1 =	sshll.u32 s1, $0x11  }
0xca: {  	s0 =	sor.u32 s1, s0  }
0xcb: {  	s0 =	sadd.s32 $0x8F2B, s0  }
0xcc: {  	[sflag:s0] =	ssyncadd.remote.s32 $0x1  }
0xcd: {  	_ =	sfence.sel $0xFFFF  }
0xce: {  	[dreg:$0x0] =	wrdreg $0xFFFFFFFF;
	(pc) =	sbr.abs _section_cstart, $3  }
0xcf: {  	[dreg:$0x1] =	wrdreg $0xFFFFFFFF  }
0xd0: {  	_ =	task.clear_ibuf [dreg:s22], $0x2FFFF;
	_ =	strace $0x9FFFFFFF  }
0xd1: {  	(tm) =	ssettm $0x7FFFFFFF  }
tec
execute0_lowered:
.L_overlay_start_1:
0x0: {  	(tag) =	ssettag $0x1  }
0x1: {  	s4 =	rddreg [dreg:$0x0]  }
0x2: {  	s1 =	rddreg [dreg:$0x1]  }
0x3: {  	s2 =	srdreg.scid;
	s3 =	simm.s32 $0x0;
	s0 =	stileid.u32  }
0x4: {  	s19 =	simm.s32 $0x1;
	s20 =	simm.s32 $0x80;
	s21 =	simm.s32 $0x2900  }
0x5: {  	s22 =	simm.s32 $0x50;
	s23 =	simm.s32 $0x6;
	s11 =	smul.u32 $0xA000, s0  }
0x6: {  	s24 =	simm.s32 $0x4;
	s25 =	simm.s32 $0x2;
	s28 =	smul.u32 $0xC80, s0  }
0x7: {  	s8 =	sand.u32 $0x1, s2;
	[smem:$0x7FF] =	sst s3;
	s18 =	smul.u32 $0xC800, s0  }
0x8: {  	s12 =	sadd.s32 $0x70EA00, s4;
	s14 =	sadd.s32 $0x11E00, s4;
	s31 =	smul.u32 $0x2800, s0  }
0x9: {  	s4 =	sadd.s32 $0xB8E00, s4;
	p0 =	slt.u32 s0, $0xD;
	s15 =	smul.u32 $0x138800, s8  }
0xa: {  	s5 =	sshll.u32 s8, $0x4;
	_ =	strace $0x80000053;
	s16 =	smul.u32 $0xC8000, s8  }
0xb: {  	s6 =	ssub.s32 $0x2, s8;
	s17 =	smul.u32 $0xC800, s8;
	s5 =	sor.u32 s0, s5  }
0xc: {  	s9 =	sshrl.u32 s6, $0x1;
	s11 =	sshrl.u32 s11, $0x2;
	s7 =	smul.u32 $0xC80, s5  }
0xd: {  	s10 =	smul.u32 $0xC800, s5;
	s9 =	ssub.s32 s6, s9;
	s5 =	simm.s32 $0x8  }
0xe: {  	s11 =	sadd.s32 s11, s1;
	s15 =	sadd.s32 s31, s15;
	s5 =	simm.s32 @!p0 $0x7  }
0xf: {  	s8 =	smax.u32 s9, $0x1;
	s26 =	sshrl.u32 s7, $0x3;
	s7 =	sadd.s32 s12, s10  }
0x10: {  	s12 =	sadd.s32 s16, s12;
	s13 =	sadd.s32 s14, s26;
	s10 =	sadd.s32 $0xC300, s7  }
0x11: {  	s12 =	sadd.s32 s18, s12;
	s18 =	simm.s32 $0x3;
	s26 =	simm.s32 $0x0  }
0x12: {  	s6 =	sadd.s32 $0x3840, s13;
	s9 =	sadd.s32 $0x39C6, s13;
	s13 =	sadd.s32 s28, s17  }
0x13: {  	s12 =	sadd.s32 $0xA00, s12;
	s29 =	sadd.s32 $0x1C2A0, s13;
	s13 =	sadd.s32 $0x1C250, s13  }
0x14: {  	s17 =	simm.s32 $0x5;
	s16 =	sshrl.u32 s29, $0x3;
	s30 =	sshrl.u32 s13, $0x3  }
0x15: {  	v0 =	vimm.f32 $0.0e+00;
	s13 =	sadd.s32 s16, s14;
	s14 =	sadd.s32 s30, s14;
	s16 =	simm.s32 $0x100  }
.LBB2_1:
0x16: {  	s28 =	simm.s32 $0x0;
	s29 =	simm.s32 $0x200  }
.LBB2_2:
0x17: {  	p0 =	sne.s32 s29, $0x9E00;
	[tilespmem:s28+$0x170] =	vst v0  }
0x18: {  	[tilespmem:s28+$0x100] =	vst v0  }
0x19: {  	[tilespmem:s28+$0x110] =	vst v0  }
.Ltmp0:
0x1a: {  	[tilespmem:s28+$0x120] =	vst v0;
	(pc) =	sbr.rel @p0 .LBB2_2-.Ltmp0, $4  }
0x1b: {  	[tilespmem:s28+$0x130] =	vst v0  }
0x1c: {  	[tilespmem:s28+$0x140] =	vst v0  }
0x1d: {  	[tilespmem:s28+$0x150] =	vst v0  }
0x1e: {  	[tilespmem:s28+$0x160] =	vst v0;
	s28 =	sshra.s32 s29, $0x2;
	s29 =	sadd.s32 $0x200, s29  }
0x1f: {  	[tilespmem:s28+$0x170] =	vst v0  }
0x20: {  	[tilespmem:s28+$0x100] =	vst v0  }
0x21: {  	[tilespmem:s28+$0x110] =	vst v0  }
0x22: {  	[tilespmem:s28+$0x120] =	vst v0  }
0x23: {  	[tilespmem:s28+$0x130] =	vst v0  }
0x24: {  	[tilespmem:s28+$0x140] =	vst v0;
	p0 =	sne.s32 s5, $0x1  }
.Ltmp1:
0x25: {  	[tilespmem:s28+$0x150] =	vst v0;
	(pc) =	sbr.rel @!p0 .LBB2_5-.Ltmp1, $4  }
0x26: {  	[tilespmem:s28+$0x160] =	vst v0  }
0x27: {  	[spmem:s11] =	stream.linear.scatter [tilespmem:s16], [sflag:$0x5], $0x2800, $0x38;
	[tilespmem:$0x18980] =	vst v63  }
0x28: {  	_ =	swait.ge [sflag:s17], $0x2800  }
0x29: {  	s28 =	sadd.s32 $0xFFFFFFFF, s5;
	s29 =	smov.u32 s11;
	[sflag:s17] =	ssyncset.done $0x0  }
.LBB2_4:
0x2a: {  	p1 =	sne.s32 s28, $0x1;
	[sflag:s17] =	ssyncadd.s32 $0xFFFFD800;
	s29 =	sadd.s32 $0x28000, s29  }
.Ltmp2:
0x2b: {  	s28 =	sadd.s32 $0xFFFFFFFF, s28;
	(pc) =	sbr.rel @p1 .LBB2_4-.Ltmp2, $4  }
0x2c: {  	_ = 	snop  }
0x2d: {  	[spmem:s29] =	stream.linear.scatter [tilespmem:s16], [sflag:$0x5], $0x2800, $0x38;
	[tilespmem:$0x18980] =	vst v63  }
0x2e: {  	_ =	swait.ge [sflag:s17], $0x2800  }
0x2f: {  	[sflag:s17] =	ssyncset.done $0x0  }
.LBB2_5:
0x30: {  	[sflag:s17] =	ssyncadd.s32 $0xFFFFD800  }
0x31: {  	s28 =	simm.s32 $0x0;
	[bflag:$0x0] =	sbarrier.arrive $0xFFFF  }
0x32: {  	[tilespmem:s28], [sflag:$0x3] =	stream.linear.gather [hbm4b:s6+s28], $0x50, $0x38;
	[tilespmem:$0x18980] =	vst v63  }
0x33: {  	_ = 	snop  }
0x34: {  	[tilespmem:s16], [sflag:$0x1] =	stream.linear.gather [hbm4b:s7+s28], $0x2800, $0x38;
	[tilespmem:$0x18980] =	vst v63  }
0x35: {  	_ =	swait.ge [sflag:s18], $0x50  }
0x36: {  	[sflag:s18] =	ssyncset.done $0x0  }
0x37: {  	[sflag:s18] =	ssyncadd.s32 $0xFFFFFFB0  }
0x38: {  	_ =	swait.ge [sflag:s19], $0x2800  }
0x39: {  	[sflag:s19] =	ssyncset.done $0x0  }
0x3a: {  	s28 =	sadd.s32 $0x0, s14;
	[sflag:s19] =	ssyncadd.s32 $0xFFFFD800  }
0x3b: {  	[tilespmem:s20], [sflag:$0x4] =	stream.linear.gather [hbm4b:s28+s3], $0x50, $0x38;
	[tilespmem:$0x18980] =	vst v63  }
0x3c: {  	s28 =	sadd.s32 $0xFFFFFB00, s12  }
0x3d: {  	[tilespmem:s21], [sflag:$0x2] =	stream.linear.gather [hbm4b:s28+s3], $0x2800, $0x38;
	[tilespmem:$0x18980] =	vst v63  }
0x3e: {  	_ = 	snop  }
0x3f: {  	[spmem:s1] =	stream.indirect.scatter.add.f32 [tilespmem:s16], [sflag:$0x6], $0x80, s3, s22, $0xb8;
	[tilespmem:$0x18980] =	vst v63  }
0x40: {  	_ =	swait.ge [sflag:s23], $0x2800  }
0x41: {  	[sflag:s23] =	ssyncset.done $0x0  }
0x42: {  	[sflag:s23] =	ssyncadd.s32 $0xFFFFD800  }
0x43: {  	_ =	swait.ge [sflag:s24], $0x50  }
0x44: {  	[sflag:s24] =	ssyncset.done $0x0  }
0x45: {  	[sflag:s24] =	ssyncadd.s32 $0xFFFFFFB0  }
0x46: {  	_ =	swait.ge [sflag:s25], $0x2800  }
0x47: {  	[sflag:s25] =	ssyncset.done $0x0  }
0x48: {  	s28 =	sadd.s32 $0x0, s13;
	[sflag:s25] =	ssyncadd.s32 $0xFFFFD800  }
0x49: {  	[tilespmem:s3], [sflag:$0x3] =	stream.linear.gather [hbm4b:s28+s3], $0x50, $0x38;
	[tilespmem:$0x18980] =	vst v63  }
0x4a: {  	_ = 	snop  }
0x4b: {  	[tilespmem:s16], [sflag:$0x1] =	stream.linear.gather [hbm4b:s12+s3], $0x2800, $0x38;
	[tilespmem:$0x18980] =	vst v63  }
0x4c: {  	_ = 	snop  }
0x4d: {  	[spmem:s1] =	stream.indirect.scatter.add.f32 [tilespmem:s21], [sflag:$0x5], $0x80, s20, s22, $0xb8;
	[tilespmem:$0x18980] =	vst v63  }
0x4e: {  	_ =	swait.ge [sflag:s17], $0x2800  }
0x4f: {  	s29 =	smov.u32 s12;
	s28 =	simm.s32 $0x14;
	[sflag:s17] =	ssyncset.done $0x0  }
.LBB2_6:
0x50: {  	p1 =	sne.s32 s28, $0x168;
	[sflag:s17] =	ssyncadd.s32 $0xFFFFD800;
	s29 =	sadd.s32 $0xA00, s29  }
0x51: {  	s30 =	smov.u32 s28;
	s28 =	sadd.s32 $0x14, s28  }
0x52: {  	_ =	swait.ge [sflag:s18], $0x50  }
0x53: {  	[sflag:s18] =	ssyncset.done $0x0  }
0x54: {  	[sflag:s18] =	ssyncadd.s32 $0xFFFFFFB0  }
0x55: {  	_ =	swait.ge [sflag:s19], $0x2800  }
0x56: {  	[sflag:s19] =	ssyncset.done $0x0  }
0x57: {  	s31 =	sadd.s32 s30, s14;
	[sflag:s19] =	ssyncadd.s32 $0xFFFFD800  }
0x58: {  	[tilespmem:s20], [sflag:$0x4] =	stream.linear.gather [hbm4b:s31+s3], $0x50, $0x38;
	[tilespmem:$0x18980] =	vst v63  }
0x59: {  	s31 =	sadd.s32 $0xFFFFFB00, s29  }
0x5a: {  	[tilespmem:s21], [sflag:$0x2] =	stream.linear.gather [hbm4b:s31+s3], $0x2800, $0x38;
	[tilespmem:$0x18980] =	vst v63  }
0x5b: {  	_ = 	snop  }
0x5c: {  	[spmem:s1] =	stream.indirect.scatter.add.f32 [tilespmem:s16], [sflag:$0x6], $0x80, s3, s22, $0xb8;
	[tilespmem:$0x18980] =	vst v63  }
0x5d: {  	_ =	swait.ge [sflag:s23], $0x2800  }
0x5e: {  	[sflag:s23] =	ssyncset.done $0x0  }
0x5f: {  	[sflag:s23] =	ssyncadd.s32 $0xFFFFD800  }
0x60: {  	_ =	swait.ge [sflag:s24], $0x50  }
0x61: {  	[sflag:s24] =	ssyncset.done $0x0  }
0x62: {  	[sflag:s24] =	ssyncadd.s32 $0xFFFFFFB0  }
0x63: {  	_ =	swait.ge [sflag:s25], $0x2800  }
0x64: {  	[sflag:s25] =	ssyncset.done $0x0  }
0x65: {  	s30 =	sadd.s32 s30, s13;
	[sflag:s25] =	ssyncadd.s32 $0xFFFFD800  }
0x66: {  	[tilespmem:s3], [sflag:$0x3] =	stream.linear.gather [hbm4b:s30+s3], $0x50, $0x38;
	[tilespmem:$0x18980] =	vst v63  }
0x67: {  	_ = 	snop  }
0x68: {  	[tilespmem:s16], [sflag:$0x1] =	stream.linear.gather [hbm4b:s29+s3], $0x2800, $0x38;
	[tilespmem:$0x18980] =	vst v63  }
.Ltmp3:
0x69: {  	_ = 	snop;
	(pc) =	sbr.rel @p1 .LBB2_6-.Ltmp3, $4  }
0x6a: {  	_ = 	snop  }
0x6b: {  	[spmem:s1] =	stream.indirect.scatter.add.f32 [tilespmem:s21], [sflag:$0x5], $0x80, s20, s22, $0xb8;
	[tilespmem:$0x18980] =	vst v63  }
0x6c: {  	_ =	swait.ge [sflag:s17], $0x2800  }
0x6d: {  	[sflag:s17] =	ssyncset.done $0x0  }
0x6e: {  	[sflag:s17] =	ssyncadd.s32 $0xFFFFD800  }
0x6f: {  	_ =	swait.ge [sflag:s18], $0x50  }
0x70: {  	[sflag:s18] =	ssyncset.done $0x0  }
0x71: {  	[sflag:s18] =	ssyncadd.s32 $0xFFFFFFB0  }
0x72: {  	_ =	swait.ge [sflag:s19], $0x2800  }
0x73: {  	[sflag:s19] =	ssyncset.done $0x0  }
0x74: {  	[sflag:s19] =	ssyncadd.s32 $0xFFFFD800  }
0x75: {  	[tilespmem:s20], [sflag:$0x4] =	stream.linear.gather [hbm4b:s9+s3], $0x50, $0x38;
	[tilespmem:$0x18980] =	vst v63  }
0x76: {  	_ = 	snop  }
0x77: {  	[tilespmem:s21], [sflag:$0x2] =	stream.linear.gather [hbm4b:s10+s3], $0x2800, $0x38;
	[tilespmem:$0x18980] =	vst v63  }
0x78: {  	_ = 	snop  }
0x79: {  	[spmem:s1] =	stream.indirect.scatter.add.f32 [tilespmem:s16], [sflag:$0x6], $0x80, s3, s22, $0xb8;
	[tilespmem:$0x18980] =	vst v63  }
0x7a: {  	_ =	swait.ge [sflag:s23], $0x2800  }
0x7b: {  	[sflag:s23] =	ssyncset.done $0x0  }
0x7c: {  	[sflag:s23] =	ssyncadd.s32 $0xFFFFD800  }
0x7d: {  	_ =	swait.ge [sflag:s24], $0x50  }
0x7e: {  	[sflag:s24] =	ssyncset.done $0x0  }
0x7f: {  	[sflag:s24] =	ssyncadd.s32 $0xFFFFFFB0  }
0x80: {  	_ =	swait.ge [sflag:s25], $0x2800  }
0x81: {  	[sflag:s25] =	ssyncset.done $0x0  }
0x82: {  	[sflag:s25] =	ssyncadd.s32 $0xFFFFD800  }
0x83: {  	[spmem:s1] =	stream.indirect.scatter.add.f32 [tilespmem:s21], [sflag:$0x5], $0x80, s20, s22, $0xb8;
	[tilespmem:$0x18980] =	vst v63  }
0x84: {  	s0 =	stileid.u32;
	_ =	swait.ge [sflag:s17], $0x2800  }
.Ltmp4:
0x85: {  	s29 =	sshrl.u32 s15, $0x3;
	[sflag:s17] =	ssyncset.done $0x0;
	(pc) =	sbr.rel @!p0 .LBB2_9-.Ltmp4, $4  }
0x86: {  	s30 =	sshrl.u32 s11, $0x3;
	s28 =	sshll.u32 s0, $0x6;
	[sflag:s17] =	ssyncadd.s32 $0xFFFFD800  }
0x87: {  	s29 =	sadd.s32 s4, s29;
	s28 =	sor.u32 $0x1C05, s28;
	[bflag:$0x0] =	sbarrier.arrive $0xFFFF  }
0x88: {  	[hbm:s29], [sflag:s28] =	dma.local [spmem:s30], $0x500  }
0x89: {  	s31 =	smov.u32 s11;
	s29 =	sadd.s32 $0xFFFFFFFF, s5;
	s30 =	sadd.s32 $0x28000, s15  }
.LBB2_8:
0x8a: {  	_ =	swait.ge [sflag:s17], $0x500  }
0x8b: {  	s31 =	sadd.s32 $0x28000, s31;
	s0 =	sshrl.u32 s30, $0x3;
	p0 =	sne.s32 s29, $0x1  }
.Ltmp5:
0x8c: {  	s2 =	sshrl.u32 s31, $0x3;
	[sflag:s17] =	ssyncset.done $0x0;
	(pc) =	sbr.rel @p0 .LBB2_8-.Ltmp5, $4  }
0x8d: {  	s0 =	sadd.s32 s4, s0;
	[sflag:s17] =	ssyncadd.s32 $0xFFFFFB00  }
0x8e: {  	[hbm:s0], [sflag:s28] =	dma.local [spmem:s2], $0x500  }
0x8f: {  	s29 =	sadd.s32 $0xFFFFFFFF, s29  }
0x90: {  	s30 =	sadd.s32 $0x28000, s30  }
.LBB2_9:
0x91: {  	s26 =	sadd.s32 $0x1, s26  }
0x92: {  	p0 =	sne.s32 s26, s8  }
.Ltmp6:
0x93: {  	_ = 	snop;
	(pc) =	sbr.rel @p0 .LBB2_1-.Ltmp6, $4  }
0x94: {  	_ = 	snop  }
0x95: {  	_ =	swait.ge [sflag:s17], $0x500  }
0x96: {  	[sflag:s17] =	ssyncset.done $0x0  }
0x97: {  	[sflag:s17] =	ssyncadd.s32 $0xFFFFFB00  }
0x98: {  	_ =	sfence.sel $0x180000  }
0x99: {  	[bflag:$0x0] =	sbarrier.arrive $0xFFFF  }
0x9a: {  	_ =	strace $0x90000053  }
0x9b: {  	s0 =	stileid.u32;
	[bflag:$0x2] =	sbarrier.arrive $0xFFFF  }
0x9c: {  	p0 =	sne.s32 s0, $0x0;
	s0 =	rddreg [dreg:$0x2]  }
0x9d: {  	s0 =	sadd.s32 @!p0 $0x100000, s0  }
0x9e: {  	[sflag:s0] =	ssyncadd.tile.s32 @!p0 $0x1;
	_ =	shalt  }
.Lfunc_end2:
_tile_overlayer_lowered:
.L_overlay_start_2:
0x9f: {  	(tag) =	ssettag $0x2  }
0xa0: {  	s0 =	rddreg [dreg:$0x0];
	s2 =	stileid.u32  }
0xa1: {  	s1 =	rddreg [dreg:$0x1];
	p0 =	sne.s32 s2, $0x0  }
0xa2: {  	s3 =	rddreg [dreg:$0x2];
	[bflag:$0x3] =	sbarrier.arrive $0xFFFF;
	s2 =	simm.s32 @!p0 $0x1C05  }
0xa3: {  	[timem:s3], [sflag:s2] =	dma.local @!p0 [hbm:s0], s1  }
0xa4: {  	s0 =	simm.s32 @!p0 $0x5  }
0xa5: {  	_ =	swait.ge @!p0 [sflag:s0], s1  }
0xa6: {  	s1 =	ssub.s32 @!p0 $0x0, s1;
	[sflag:s0] =	ssyncset.done @!p0 $0x0  }
0xa7: {  	[sflag:s0] =	ssyncadd.s32 @!p0 s1  }
0xa8: {  	[bflag:$0x3] =	sbarrier.arrive $0xFFFF  }
0xa9: {  	_ =	shalt  }

// kernel: kernel.26.cloned.1.call-start
scs
__scs_entry_jumppad:
0x0: {  	(pc) =	sbr.rel $0x88, $3  }
0x1: {  	(tag) =	ssettag $0x0;
	lr =	simm.s32 $0x1  }
0x2: {  	[smem:$0x3F85] =	sst lr;
	_ =	strace $0xD0000000  }
0x3: {  	_ = 	snop  }
0x4: {  	_ = 	snop  }
0x5: {  	_ = 	snop  }
0x6: {  	_ = 	snop  }
0x7: {  	_ = 	snop  }
__scs_overlays_trampoline_lowered:
0x8: {  	[smem:$0x3F94] =	sst s0  }
0x9: {  	[smem:$0x3F95] =	sst s1  }
0xa: {  	[smem:$0x3F96] =	sst s2  }
0xb: {  	[smem:$0x3F97] =	sst s3  }
0xc: {  	[smem:$0x3F98] =	sst s4  }
0xd: {  	[smem:$0x3F99] =	sst s5  }
0xe: {  	[smem:$0x3F9A] =	sst s6  }
0xf: {  	[smem:$0x3F9B] =	sst s7  }
0x10: {  	[smem:$0x3F9C] =	sst s8  }
0x11: {  	[smem:$0x3F9D] =	sst s9;
	s0 =	simm.s32 @!p0 $0x0  }
0x12: {  	s1 =	sld [smem:$0x3F83];
	s0 =	simm.s32 @p0 $0x1  }
0x13: {  	[smem:$0x3F9E] =	sst s0;
	s0 =	simm.s32 @!p1 $0x0  }
0x14: {  	s2 =	sld [smem:$0x3F82];
	s0 =	simm.s32 @p1 $0x1  }
0x15: {  	[smem:$0x3F9F] =	sst s0;
	s0 =	simm.s32 @!p2 $0x0  }
0x16: {  	s3 =	sld [smem:$0x3FDB];
	s0 =	simm.s32 @p2 $0x1  }
0x17: {  	s4 =	simm.s32 $0x1BF5;
	[smem:$0x3FA1] =	sst s0  }
0x18: {  	s0 =	sld [smem:$0x3F84];
	_ =	swait.ge [sflag:s4], $0x0  }
0x19: {  	s7 =	sld [smem:$0x3F85]  }
0x1a: {  	s8 =	sadd.s32 $0xFFFFE003, lr  }
0x1b: {  	s9 =	sadd.s32 $0xFFFFFEF7, lr;
	s5 =	simm.s32 $0xFFFFFFFF;
	p2 =	slt.u32 s8, $0xFFFFF086  }
0x1c: {  	p1 =	slt.u32 s9, $0xF7A;
	s5 =	simm.s32 @!p2 $0x0  }
0x1d: {  	s5 =	simm.s32 @p1 $0x1;
	p0 =	seq.s32 s7, s2  }
0x1e: {  	s7 =	smul.u32 @!p0 $0xF7A, s2;
	p2 =	seq.s32 @!p0 s5, $0x0  }
0x1f: {  	s9 =	smul.u32 $0xF7A, s1;
	s8 =	simm.s32 @!p0 $0x1BF5;
	p2 =	por !p2, p0  }
0x20: {  	[sflag:s8] =	ssyncset.s32 @!p0 $0xFFFFF086;
	s6 =	sadd.s32 @!p0 s3, s7;
	s7 =	simm.s32 @!p0 $0x108  }
0x21: {  	s3 =	sadd.s32 s3, s9;
	s6 =	sadd.s32 @!p0 $0x88, s6;
	s7 =	simm.s32 @p2 $0x1082  }
0x22: {  	[simem:s7], [sflag:s8] =	dma.local @!p0 [hbm:s6], $0xF7A  }
0x23: {  	s9 =	sor.u32 $0xD0000000, s2;
	s6 =	simm.s32 $0x108;
	_ =	swait.ge @!p0 [sflag:s8], $0x0  }
0x24: {  	s3 =	sadd.s32 $0x88, s3;
	s6 =	simm.s32 @!p1 $0x1082;
	[sflag:s4] =	ssyncset.s32 $0xFFFFF086  }
0x25: {  	[simem:s6], [sflag:s4] =	dma.local [hbm:s3], $0xF7A  }
0x26: {  	[smem:$0x3F85] =	sst s1;
	(tag) =	ssettag s2;
	_ =	strace s9  }
0x27: {  	s1 =	sld [smem:$0x3F95]  }
0x28: {  	s2 =	sld [smem:$0x3F96]  }
0x29: {  	s4 =	sld [smem:$0x3F98]  }
0x2a: {  	p0 =	seq.s32 s5, $0x0;
	s5 =	sld [smem:$0x3F99]  }
0x2b: {  	s6 =	sld [smem:$0x3F9A]  }
0x2c: {  	s7 =	sld [smem:$0x3F9B]  }
0x2d: {  	s3 =	simm.s32 $0x108;
	s8 =	sld [smem:$0x3F9C]  }
0x2e: {  	s3 =	simm.s32 @!p0 $0x1082;
	s9 =	sld [smem:$0x3F9D]  }
0x2f: {  	lr =	sadd.s32 s0, s3;
	s0 =	sld [smem:$0x3F94]  }
0x30: {  	s3 =	sld [smem:$0x3F97]  }
0x31: {  	[smem:$0x3FA0] =	sst s10  }
0x32: {  	s10 =	sld [smem:$0x3F9E];
	_ =	sdelay $0x3  }
0x33: {  	p0 =	seq.s32 s10, $0x1;
	s10 =	sld [smem:$0x3FA0];
	_ =	sdelay $0x3  }
0x34: {  	[smem:$0x3FA0] =	sst s10  }
0x35: {  	s10 =	sld [smem:$0x3F9F];
	_ =	sdelay $0x3  }
0x36: {  	p1 =	seq.s32 s10, $0x1;
	s10 =	sld [smem:$0x3FA0];
	_ =	sdelay $0x3  }
0x37: {  	[smem:$0x3FA0] =	sst s10  }
0x38: {  	s10 =	sld [smem:$0x3FA1]  }
0x39: {  	_ = 	snop;
	(pc) =	sbr.ind lr, $3  }
0x3a: {  	_ = 	snop  }
0x3b: {  	_ = 	snop  }
0x3c: {  	p2 =	seq.s32 s10, $0x1;
	s10 =	sld [smem:$0x3FA0]  }
0x3d: {  	_ =	shalt  }
0x3e: {  	_ =	shalt  }
0x3f: {  	_ =	shalt  }
0x40: {  	_ =	shalt  }
0x41: {  	_ =	shalt  }
0x42: {  	_ =	shalt  }
0x43: {  	_ =	shalt  }
0x44: {  	_ =	shalt  }
0x45: {  	_ =	shalt  }
0x46: {  	_ =	shalt  }
0x47: {  	_ =	shalt  }
0x48: {  	_ =	shalt  }
0x49: {  	_ =	shalt  }
0x4a: {  	_ =	shalt  }
0x4b: {  	_ =	shalt  }
0x4c: {  	_ =	shalt  }
0x4d: {  	_ =	shalt  }
0x4e: {  	_ =	shalt  }
0x4f: {  	_ =	shalt  }
0x50: {  	_ =	shalt  }
0x51: {  	_ =	shalt  }
0x52: {  	_ =	shalt  }
0x53: {  	_ =	shalt  }
0x54: {  	_ =	shalt  }
0x55: {  	_ =	shalt  }
0x56: {  	_ =	shalt  }
0x57: {  	_ =	shalt  }
0x58: {  	_ =	shalt  }
0x59: {  	_ =	shalt  }
0x5a: {  	_ =	shalt  }
0x5b: {  	_ =	shalt  }
0x5c: {  	_ =	shalt  }
0x5d: {  	_ =	shalt  }
0x5e: {  	_ =	shalt  }
0x5f: {  	_ =	shalt  }
0x60: {  	_ =	shalt  }
0x61: {  	_ =	shalt  }
0x62: {  	_ =	shalt  }
0x63: {  	_ =	shalt  }
0x64: {  	_ =	shalt  }
0x65: {  	_ =	shalt  }
0x66: {  	_ =	shalt  }
0x67: {  	_ =	shalt  }
0x68: {  	_ =	shalt  }
0x69: {  	_ =	shalt  }
0x6a: {  	_ =	shalt  }
0x6b: {  	_ =	shalt  }
0x6c: {  	_ =	shalt  }
0x6d: {  	_ =	shalt  }
0x6e: {  	_ =	shalt  }
0x6f: {  	_ =	shalt  }
0x70: {  	_ =	shalt  }
0x71: {  	_ =	shalt  }
0x72: {  	_ =	shalt  }
0x73: {  	_ =	shalt  }
0x74: {  	_ =	shalt  }
0x75: {  	_ =	shalt  }
0x76: {  	_ =	shalt  }
0x77: {  	_ =	shalt  }
0x78: {  	_ =	shalt  }
0x79: {  	_ =	shalt  }
0x7a: {  	_ =	shalt  }
0x7b: {  	_ =	shalt  }
0x7c: {  	_ =	shalt  }
0x7d: {  	_ =	shalt  }
0x7e: {  	_ =	shalt  }
0x7f: {  	_ =	shalt  }
0x80: {  	_ =	shalt  }
0x81: {  	_ =	shalt  }
0x82: {  	_ =	shalt  }
0x83: {  	_ =	shalt  }
0x84: {  	_ =	shalt  }
0x85: {  	_ =	shalt  }
0x86: {  	_ =	shalt  }
0x87: {  	_ =	shalt  }
.Lfunc_end0:
.L_simem_size_0:
called_computation.4_lowered:
.L_overlay_start_0:
0x88: {  	s2 =	sld [smem:$0x3FD9]  }
0x89: {  	s3 =	sld [smem:$0x3FFE];
	_ =	sdelay $0x1  }
0x8a: {  	s1 =	srdreg.scid  }
0x8b: {  	s0 =	sand.u32 $0x1, s1  }
0x8c: {  	s17 =	sshll.u32 s0, $0xA;
	s2 =	sadd.s32 s3, s2  }
0x8d: {  	s2 =	sadd.s32 s2, s17  }
0x8e: {  	[smem:$0x3FAC] =	sst s2  }
0x8f: {  	_ = 	snop  }
0x90: {  	(tm) =	ssettm $0x1  }
0x91: {  	s18 =	sld [smem:$0x3FFB];
	_ =	sdelay $0x3  }
0x92: {  	_ =	strace s18  }
0x93: {  	s2 =	sld [smem:$0x3FFC];
	_ =	sdelay $0x3  }
0x94: {  	_ =	strace s2  }
0x95: {  	s2 =	sld [smem:$0x3FFD];
	_ =	sdelay $0x3  }
0x96: {  	_ =	strace s2  }
0x97: {  	_ =	strace $0x8FFFFFFF  }
0x98: {  	s19 =	sld [smem:$0x3FDB];
	_ =	sdelay $0x1  }
0x99: {  	s20 =	simm.s32 $_scs_section_size  }
0x9a: {  	s4 =	simm.s32 $_size__tile_overlayer_lowered;
	s5 =	simm.s32 $_tile_overlayer_lowered  }
0x9b: {  	s6 =	simm.s32 $0x1BFF;
	s21 =	sshll.u32 s5, $0x1;
	s3 =	sadd.s32 s20, s19  }
0x9c: {  	s22 =	simm.s32 $0x0;
	s4 =	sshll.u32 s4, $0x1;
	s5 =	sadd.s32 s21, s3  }
0x9d: {  	[timem:s22], [sflag:s6] =	dma.local [hbm:s5], s4  }
0x9e: {  	_ =	swait.ge [sflag:s6], s4  }
0x9f: {  	s4 =	ssub.s32 $0x0, s4;
	[sflag:s6] =	ssyncset.done $0x0  }
0xa0: {  	[sflag:s6] =	ssyncadd.s32 s4;
	_ =	sdelay $0x1  }
0xa1: {  	s23 =	simm.s32 $0x1B8B  }
0xa2: {  	_ =	swait.ge [sflag:s23], $0x1  }
0xa3: {  	[sflag:s23] =	ssyncset.done $0x0  }
0xa4: {  	[sflag:s23] =	ssyncadd.s32 $0xFFFFFFFF  }
0xa5: {  	s4 =	sld [smem:$0x0]  }
0xa6: {  	s5 =	sand.u32 $0xFFFFFFFE, s1  }
0xa7: {  	p0 =	sne.s32 s1, s5  }
0xa8: {  	s5 =	sshll.u32 @p0 s5, $0xE  }
0xa9: {  	s5 =	sadd.s32 @p0 $0x11B8D, s5;
	s6 =	sshll.u32 @p0 s4, $0x11  }
0xaa: {  	s5 =	sor.u32 @p0 s6, s5  }
0xab: {  	[sflag:s5] =	ssyncadd.remote.s32 @p0 $0x1;
	_ =	sdelay $0x1  }
0xac: {  	s5 =	simm.s32 @p0 $0x1B8D  }
0xad: {  	_ =	swait.eq @p0 [sflag:s5], $0x1  }
0xae: {  	[sflag:s5] =	ssyncadd.s32 @p0 $0xFFFFFFFF  }
0xaf: {  	s6 =	sshll.u32 @!p0 s1, $0xE  }
0xb0: {  	s6 =	sor.u32 @!p0 $0x4000, s6;
	s5 =	simm.s32 @!p0 $0x1B8D  }
0xb1: {  	s4 =	sshll.u32 @!p0 s4, $0x11;
	s6 =	sadd.s32 @!p0 $0x11B8D, s6;
	_ =	swait.eq @!p0 [sflag:s5], $0x1  }
0xb2: {  	s4 =	sor.u32 @!p0 s4, s6;
	[sflag:s5] =	ssyncadd.s32 @!p0 $0xFFFFFFFF  }
0xb3: {  	s25 =	simm.s32 $0x1B8E;
	s24 =	sld [smem:$0x3FFE];
	[sflag:s4] =	ssyncadd.remote.s32 @!p0 $0x1  }
0xb4: {  	s26 =	simm.s32 $execute0_lowered;
	[smem:$0x3FD2] =	sst s25  }
0xb5: {  	s5 =	sshll.u32 s26, $0x1;
	_ =	strace $0x8000004C;
	[dreg:$0x1] =	wrdreg $0xFFFFFFFF  }
0xb6: {  	s28 =	simm.s32 $_size_execute0_lowered;
	s3 =	sadd.s32 s3, s5;
	[dreg:$0x0] =	wrdreg $0x0  }
0xb7: {  	s5 =	sshll.u32 s28, $0x1;
	[dreg:$0x2] =	wrdreg s3  }
0xb8: {  	[dreg:$0x3] =	wrdreg s5  }
0xb9: {  	[dreg:$0x4] =	wrdreg $0xC0  }
0xba: {  	_ =	task [dreg:s22], $0x5FFFF  }
0xbb: {  	[dreg:$0x1] =	wrdreg $0xFFFFFFFF  }
0xbc: {  	[dreg:$0x0] =	wrdreg $0x60  }
0xbd: {  	[dreg:$0x2] =	wrdreg s24  }
0xbe: {  	[dreg:$0x3] =	wrdreg $0xA  }
0xbf: {  	_ =	task.clear_ibuf [dreg:s22], $0x4FFFF;
	_ =	strace $0x9000004C  }
0xc0: {  	s29 =	simm.s32 $0xA;
	_ =	strace $0x8000004E  }
0xc1: {  	_ =	swait.ge [sflag:s29], $0x1  }
0xc2: {  	[sflag:s29] =	ssyncadd.s32 $0xFFFFFFFF  }
0xc3: {  	_ =	strace $0x9000004E  }
0xc4: {  	_ =	sfence  }
0xc5: {  	s30 =	sld [smem:$0x0];
	_ =	sdelay $0x2  }
0xc6: {  	s31 =	sshll.u32 s1, $0xD;
	s1 =	sshrl.u32 s1, $0x2  }
0xc7: {  	s4 =	sand.u32 $0x4000, s31;
	s1 =	sadd.s32 s1, s30  }
0xc8: {  	s0 =	sor.u32 s4, s0;
	s1 =	sshll.u32 s1, $0x11  }
0xc9: {  	s0 =	sor.u32 s1, s0  }
0xca: {  	s0 =	sadd.s32 $0x8F2B, s0  }
0xcb: {  	[sflag:s0] =	ssyncadd.remote.s32 $0x1  }
0xcc: {  	_ =	sfence.sel $0xFFFF  }
0xcd: {  	[dreg:$0x0] =	wrdreg $0xFFFFFFFF;
	(pc) =	sbr.abs _section_cstart, $3  }
0xce: {  	[dreg:$0x1] =	wrdreg $0xFFFFFFFF  }
0xcf: {  	_ =	task.clear_ibuf [dreg:s22], $0x2FFFF;
	_ =	strace $0x9FFFFFFF  }
0xd0: {  	(tm) =	ssettm $0x7FFFFFFF  }
0xd1: {  	_ =	shalt  }
tec
execute0_lowered:
.L_overlay_start_1:
0x0: {  	(tag) =	ssettag $0x1  }
0x1: {  	s1 =	srdreg.scid  }
0x2: {  	s0 =	stileid.u32;
	s7 =	rddreg [dreg:$0x0]  }
0x3: {  	s2 =	simm.s32 $0x0;
	s11 =	simm.s32 $0xC80;
	s12 =	simm.s32 $0x50  }
0x4: {  	s13 =	simm.s32 $0x1900;
	s14 =	simm.s32 $0x6900;
	s15 =	simm.s32 $0x1  }
0x5: {  	s16 =	simm.s32 $0x3;
	s17 =	simm.s32 $0x4100;
	s18 =	simm.s32 $0x9100  }
0x6: {  	s19 =	simm.s32 $0x2;
	s6 =	sand.u32 $0x1, s1;
	s3 =	sshll.u32 s0, $0x1  }
0x7: {  	s20 =	simm.s32 $0x4;
	s21 =	simm.s32 $0x5;
	s3 =	sor.u32 s6, s3  }
0x8: {  	s22 =	simm.s32 $0x6;
	s1 =	rddreg [dreg:$0x1];
	s3 =	smul.u32 $0xC80, s3  }
0x9: {  	s23 =	simm.s32 $0x0;
	[smem:$0x7FF] =	sst s2;
	s4 =	sadd.s32 $0x1C400, s7  }
0xa: {  	s5 =	sadd.s32 $0x43600, s7;
	s8 =	ssub.s32 $0x2, s6;
	s9 =	sshrl.u32 s3, $0x3  }
0xb: {  	_ =	strace $0x8000004D;
	s10 =	sshrl.u32 s8, $0x1;
	s9 =	sadd.s32 s7, s9  }
0xc: {  	s6 =	sadd.s32 $0x3BCA00, s7;
	s10 =	ssub.s32 s8, s10;
	s7 =	sadd.s32 $0xEA40, s9  }
0xd: {  	s8 =	sadd.s32 $0x18840, s9;
	s9 =	smax.u32 s10, $0x1;
	s10 =	simm.s32 $0x7  }
.LBB2_1:
0xe: {  	[tilespmem:s2], [sflag:$0x7] =	stream.linear.gather [hbm4b:s7+s2], $0xC80, $0x38;
	[tilespmem:$0xB900] =	vst v63  }
0xf: {  	_ =	swait.ge [sflag:s10], $0xC80  }
0x10: {  	[sflag:s10] =	ssyncset.done $0x0  }
0x11: {  	[sflag:s10] =	ssyncadd.s32 $0xFFFFF380  }
0x12: {  	[tilespmem:s11], [sflag:$0x7] =	stream.linear.gather [hbm4b:s8+s2], $0xC80, $0x38;
	[tilespmem:$0xB900] =	vst v63  }
0x13: {  	_ =	swait.ge [sflag:s10], $0xC80  }
0x14: {  	[sflag:s10] =	ssyncset.done $0x0  }
0x15: {  	[sflag:s10] =	ssyncadd.s32 $0xFFFFF380  }
0x16: {  	[tilespmem:s13], [sflag:$0x1] =	stream.indirect.gather [hbm4b:s4+s12], $0x80, s2, s12, $0xb8;
	[tilespmem:$0xB900] =	vst v63  }
0x17: {  	s24 =	simm.s32 $0x0  }
0x18: {  	[tilespmem:s14], [sflag:$0x3] =	stream.indirect.gather [hbm4b:s5+s12], $0x80, s11, s12, $0xb8;
	[tilespmem:$0xB900] =	vst v63  }
.LBB2_2:
0x19: {  	_ =	swait.ge [sflag:s15], $0x2800  }
0x1a: {  	[sflag:s15] =	ssyncset.done $0x0  }
0x1b: {  	[sflag:s15] =	ssyncadd.s32 $0xFFFFD800  }
0x1c: {  	_ =	swait.ge [sflag:s16], $0x2800  }
0x1d: {  	p0 =	seq.s32 s24, $0x0;
	[sflag:s16] =	ssyncset.done $0x0  }
0x1e: {  	s25 =	simm.s32 @!p0 $0x6;
	[sflag:s16] =	ssyncadd.s32 $0xFFFFD800  }
0x1f: {  	s26 =	smul.u32 $0xA0, s24;
	_ =	swait.ge @!p0 [sflag:s25], $0x2800  }
0x20: {  	[sflag:s25] =	ssyncset.done @!p0 $0x0  }
0x21: {  	[sflag:s25] =	ssyncadd.s32 @!p0 $0xFFFFD800;
	s25 =	sadd.s32 $0x50, s26  }
0x22: {  	[tilespmem:s17], [sflag:$0x2] =	stream.indirect.gather [hbm4b:s4+s12], $0x80, s25, s12, $0xb8;
	[tilespmem:$0xB900] =	vst v63  }
0x23: {  	s28 =	sadd.s32 $0xCD0, s26  }
0x24: {  	[tilespmem:s18], [sflag:$0x4] =	stream.indirect.gather [hbm4b:s5+s12], $0x80, s28, s12, $0xb8;
	[tilespmem:$0xB900] =	vst v63  }
0x25: {  	s28 =	simm.s32 $0x0  }
0x26: {  	v7 =	vld [tilespmem:s28+$0x6900]  }
0x27: {  	v11 =	vld [tilespmem:s28+$0x6910]  }
0x28: {  	v5 =	vld [tilespmem:s28+$0x6920]  }
0x29: {  	v4 =	vld [tilespmem:s28+$0x6930]  }
0x2a: {  	v3 =	vld [tilespmem:s28+$0x6940]  }
0x2b: {  	v2 =	vld [tilespmem:s28+$0x6950]  }
0x2c: {  	v1 =	vld [tilespmem:s28+$0x6960]  }
0x2d: {  	v0 =	vld [tilespmem:s28+$0x6970]  }
0x2e: {  	v12 =	vld [tilespmem:s28+$0x1900]  }
0x2f: {  	v13 =	vld [tilespmem:s28+$0x1910]  }
0x30: {  	v10 =	vld [tilespmem:s28+$0x1920]  }
0x31: {  	v9 =	vld [tilespmem:s28+$0x1930]  }
0x32: {  	v8 =	vld [tilespmem:s28+$0x1940]  }
0x33: {  	v6 =	vld [tilespmem:s28+$0x1950];
	v12 =	vadd.f32 v7, v12  }
0x34: {  	s29 =	simm.s32 $0x200;
	v11 =	vadd.f32 v11, v13;
	v7 =	vld [tilespmem:s28+$0x1960]  }
.LBB2_3:
0x35: {  	s30 =	sshra.s32 s29, $0x2;
	p0 =	sne.s32 s29, $0x9E00;
	[tilespmem:s28+$0x1900] =	vst v12;
	v5 =	vadd.f32 v5, v10;
	v10 =	vld [tilespmem:s28+$0x1970]  }
0x36: {  	v12 =	vld [tilespmem:s30+$0x6900];
	[tilespmem:s28+$0x1910] =	vst v11;
	v4 =	vadd.f32 v4, v9  }
0x37: {  	v11 =	vld [tilespmem:s30+$0x6910];
	[tilespmem:s28+$0x1920] =	vst v5;
	v3 =	vadd.f32 v3, v8  }
0x38: {  	v5 =	vld [tilespmem:s30+$0x6920];
	[tilespmem:s28+$0x1930] =	vst v4;
	v2 =	vadd.f32 v2, v6  }
0x39: {  	v4 =	vld [tilespmem:s30+$0x6930];
	[tilespmem:s28+$0x1940] =	vst v3;
	v1 =	vadd.f32 v1, v7  }
0x3a: {  	v3 =	vld [tilespmem:s30+$0x6940];
	[tilespmem:s28+$0x1950] =	vst v2;
	v0 =	vadd.f32 v0, v10  }
0x3b: {  	v2 =	vld [tilespmem:s30+$0x6950];
	[tilespmem:s28+$0x1960] =	vst v1  }
0x3c: {  	v1 =	vld [tilespmem:s30+$0x6960];
	[tilespmem:s28+$0x1970] =	vst v0;
	s28 =	smov.u32 s30  }
0x3d: {  	v0 =	vld [tilespmem:s28+$0x6970]  }
0x3e: {  	v6 =	vld [tilespmem:s28+$0x1900]  }
0x3f: {  	v7 =	vld [tilespmem:s28+$0x1910]  }
.Ltmp0:
0x40: {  	v10 =	vld [tilespmem:s28+$0x1920];
	(pc) =	sbr.rel @p0 .LBB2_3-.Ltmp0, $4  }
0x41: {  	v9 =	vld [tilespmem:s28+$0x1930]  }
0x42: {  	v8 =	vld [tilespmem:s28+$0x1940]  }
0x43: {  	v12 =	vadd.f32 v12, v6;
	v6 =	vld [tilespmem:s28+$0x1950]  }
0x44: {  	s29 =	sadd.s32 $0x200, s29;
	v11 =	vadd.f32 v11, v7;
	v7 =	vld [tilespmem:s28+$0x1960]  }
0x45: {  	[tilespmem:s28+$0x1900] =	vst v12;
	v5 =	vadd.f32 v5, v10;
	v10 =	vld [tilespmem:s28+$0x1970]  }
0x46: {  	[tilespmem:s28+$0x1910] =	vst v11;
	v4 =	vadd.f32 v4, v9  }
0x47: {  	[tilespmem:s28+$0x1920] =	vst v5;
	v3 =	vadd.f32 v3, v8  }
0x48: {  	[tilespmem:s28+$0x1930] =	vst v4;
	v2 =	vadd.f32 v2, v6  }
0x49: {  	[tilespmem:s28+$0x1940] =	vst v3;
	v1 =	vadd.f32 v1, v7  }
0x4a: {  	s29 =	sadd.s32 s3, s26;
	[tilespmem:s28+$0x1950] =	vst v2;
	v0 =	vadd.f32 v0, v10  }
0x4b: {  	s29 =	sshll.u32 s29, $0x4;
	[tilespmem:s28+$0x1960] =	vst v1  }
0x4c: {  	[tilespmem:s28+$0x1970] =	vst v0;
	s28 =	sadd.s32 s6, s29  }
0x4d: {  	[hbm4b:s28+s2] =	stream.linear.scatter [tilespmem:s13], [sflag:$0x5], $0x2800, $0x38;
	[tilespmem:$0xB900] =	vst v63  }
0x4e: {  	_ =	swait.ge [sflag:s19], $0x2800  }
0x4f: {  	[sflag:s19] =	ssyncset.done $0x0  }
0x50: {  	[sflag:s19] =	ssyncadd.s32 $0xFFFFD800  }
0x51: {  	_ =	swait.ge [sflag:s20], $0x2800  }
0x52: {  	[sflag:s20] =	ssyncset.done $0x0  }
0x53: {  	[sflag:s20] =	ssyncadd.s32 $0xFFFFD800  }
0x54: {  	p0 =	seq.s32 s24, $0x13;
	_ =	swait.ge [sflag:s21], $0x2800  }
0x55: {  	s30 =	simm.s32 @!p0 $0x1900;
	[sflag:s21] =	ssyncset.done $0x0  }
0x56: {  	s29 =	simm.s32 @!p0 $0x50;
	s28 =	sadd.s32 @!p0 $0xA0, s26;
	[sflag:s21] =	ssyncadd.s32 $0xFFFFD800  }
0x57: {  	[tilespmem:s30], [sflag:$0x1] =	stream.indirect.gather @!p0 [hbm4b:s4+s29], $0x80, s28, s29, $0xb8;
	[tilespmem:$0xB900] =	vst v63  }
0x58: {  	s26 =	sadd.s32 @!p0 $0xD20, s26;
	s28 =	simm.s32 @!p0 $0x6900  }
0x59: {  	[tilespmem:s28], [sflag:$0x3] =	stream.indirect.gather @!p0 [hbm4b:s5+s29], $0x80, s26, s29, $0xb8;
	[tilespmem:$0xB900] =	vst v63  }
0x5a: {  	s26 =	simm.s32 $0x0  }
0x5b: {  	v7 =	vld [tilespmem:s26+$0x9100]  }
0x5c: {  	v11 =	vld [tilespmem:s26+$0x9110]  }
0x5d: {  	v5 =	vld [tilespmem:s26+$0x9120]  }
0x5e: {  	v4 =	vld [tilespmem:s26+$0x9130]  }
0x5f: {  	v3 =	vld [tilespmem:s26+$0x9140]  }
0x60: {  	v2 =	vld [tilespmem:s26+$0x9150]  }
0x61: {  	v1 =	vld [tilespmem:s26+$0x9160]  }
0x62: {  	v0 =	vld [tilespmem:s26+$0x9170]  }
0x63: {  	v12 =	vld [tilespmem:s26+$0x4100]  }
0x64: {  	v13 =	vld [tilespmem:s26+$0x4110]  }
0x65: {  	v10 =	vld [tilespmem:s26+$0x4120]  }
0x66: {  	v9 =	vld [tilespmem:s26+$0x4130]  }
0x67: {  	v8 =	vld [tilespmem:s26+$0x4140]  }
0x68: {  	v6 =	vld [tilespmem:s26+$0x4150];
	v12 =	vadd.f32 v7, v12  }
0x69: {  	s28 =	simm.s32 $0x200;
	v11 =	vadd.f32 v11, v13;
	v7 =	vld [tilespmem:s26+$0x4160]  }
.LBB2_5:
0x6a: {  	s29 =	sshra.s32 s28, $0x2;
	p0 =	sne.s32 s28, $0x9E00;
	[tilespmem:s26+$0x4100] =	vst v12;
	v5 =	vadd.f32 v5, v10;
	v10 =	vld [tilespmem:s26+$0x4170]  }
0x6b: {  	v12 =	vld [tilespmem:s29+$0x9100];
	[tilespmem:s26+$0x4110] =	vst v11;
	v4 =	vadd.f32 v4, v9  }
0x6c: {  	v11 =	vld [tilespmem:s29+$0x9110];
	[tilespmem:s26+$0x4120] =	vst v5;
	v3 =	vadd.f32 v3, v8  }
0x6d: {  	v5 =	vld [tilespmem:s29+$0x9120];
	[tilespmem:s26+$0x4130] =	vst v4;
	v2 =	vadd.f32 v2, v6  }
0x6e: {  	v4 =	vld [tilespmem:s29+$0x9130];
	[tilespmem:s26+$0x4140] =	vst v3;
	v1 =	vadd.f32 v1, v7  }
0x6f: {  	v3 =	vld [tilespmem:s29+$0x9140];
	[tilespmem:s26+$0x4150] =	vst v2;
	v0 =	vadd.f32 v0, v10  }
0x70: {  	v2 =	vld [tilespmem:s29+$0x9150];
	[tilespmem:s26+$0x4160] =	vst v1  }
0x71: {  	v1 =	vld [tilespmem:s29+$0x9160];
	[tilespmem:s26+$0x4170] =	vst v0;
	s26 =	smov.u32 s29  }
0x72: {  	v0 =	vld [tilespmem:s26+$0x9170]  }
0x73: {  	v6 =	vld [tilespmem:s26+$0x4100]  }
0x74: {  	v7 =	vld [tilespmem:s26+$0x4110]  }
.Ltmp1:
0x75: {  	v10 =	vld [tilespmem:s26+$0x4120];
	(pc) =	sbr.rel @p0 .LBB2_5-.Ltmp1, $4  }
0x76: {  	v9 =	vld [tilespmem:s26+$0x4130]  }
0x77: {  	v8 =	vld [tilespmem:s26+$0x4140]  }
0x78: {  	v12 =	vadd.f32 v12, v6;
	v6 =	vld [tilespmem:s26+$0x4150]  }
0x79: {  	s28 =	sadd.s32 $0x200, s28;
	v11 =	vadd.f32 v11, v7;
	v7 =	vld [tilespmem:s26+$0x4160]  }
0x7a: {  	[tilespmem:s26+$0x4100] =	vst v12;
	v5 =	vadd.f32 v5, v10;
	v63 =	vld [tilespmem:s26+$0x4170]  }
0x7b: {  	[tilespmem:s26+$0x4110] =	vst v11;
	v4 =	vadd.f32 v4, v9  }
0x7c: {  	s24 =	sadd.s32 $0x1, s24;
	[tilespmem:s26+$0x4120] =	vst v5;
	v3 =	vadd.f32 v3, v8  }
0x7d: {  	p0 =	sne.s32 s24, $0x14;
	[tilespmem:s26+$0x4130] =	vst v4;
	v2 =	vadd.f32 v2, v6  }
.Ltmp2:
0x7e: {  	[tilespmem:s26+$0x4140] =	vst v3;
	v1 =	vadd.f32 v1, v7;
	(pc) =	sbr.rel @p0 .LBB2_2-.Ltmp2, $4  }
0x7f: {  	s25 =	sadd.s32 s3, s25;
	[tilespmem:s26+$0x4150] =	vst v2;
	v0 =	vadd.f32 v0, v63  }
0x80: {  	s25 =	sshll.u32 s25, $0x4;
	[tilespmem:s26+$0x4160] =	vst v1  }
0x81: {  	s25 =	sadd.s32 s6, s25;
	[tilespmem:s26+$0x4170] =	vst v0  }
0x82: {  	[hbm4b:s25+s2] =	stream.linear.scatter [tilespmem:s17], [sflag:$0x6], $0x2800, $0x38;
	[tilespmem:$0xB900] =	vst v63  }
0x83: {  	s23 =	sadd.s32 $0x1, s23  }
0x84: {  	p0 =	sne.s32 s23, s9  }
.Ltmp3:
0x85: {  	_ = 	snop;
	(pc) =	sbr.rel @p0 .LBB2_1-.Ltmp3, $4  }
0x86: {  	_ = 	snop  }
0x87: {  	_ =	swait.ge [sflag:s22], $0x2800  }
0x88: {  	[sflag:s22] =	ssyncset.done $0x0  }
0x89: {  	[sflag:s22] =	ssyncadd.s32 $0xFFFFD800  }
0x8a: {  	_ =	sfence.sel $0x180000  }
0x8b: {  	[bflag:$0x0] =	sbarrier.arrive $0xFFFF  }
0x8c: {  	p0 =	sne.s32 s0, $0x0;
	_ =	strace $0x9000004D  }
0x8d: {  	s0 =	sadd.s32 @!p0 $0x100000, s1;
	[bflag:$0x2] =	sbarrier.arrive $0xFFFF  }
0x8e: {  	[sflag:s0] =	ssyncadd.tile.s32 @!p0 $0x1;
	_ =	shalt  }
.Lfunc_end2:
_tile_overlayer_lowered:
.L_overlay_start_2:
0x8f: {  	(tag) =	ssettag $0x2  }
0x90: {  	s0 =	rddreg [dreg:$0x0];
	s2 =	stileid.u32  }
0x91: {  	s1 =	rddreg [dreg:$0x1];
	p0 =	sne.s32 s2, $0x0  }
0x92: {  	s3 =	rddreg [dreg:$0x2];
	[bflag:$0x3] =	sbarrier.arrive $0xFFFF;
	s2 =	simm.s32 @!p0 $0x1C07  }
0x93: {  	[timem:s3], [sflag:s2] =	dma.local @!p0 [hbm:s0], s1  }
0x94: {  	s0 =	simm.s32 @!p0 $0x7  }
0x95: {  	_ =	swait.ge @!p0 [sflag:s0], s1  }
0x96: {  	s1 =	ssub.s32 @!p0 $0x0, s1;
	[sflag:s0] =	ssyncset.done @!p0 $0x0  }
0x97: {  	[sflag:s0] =	ssyncadd.s32 @!p0 s1  }
0x98: {  	[bflag:$0x3] =	sbarrier.arrive $0xFFFF  }
0x99: {  	_ =	shalt  }

// kernel: kernel.29.cloned.1.call-start
scs
__scs_entry_jumppad:
0x0: {  	(pc) =	sbr.rel $0x88, $3  }
0x1: {  	(tag) =	ssettag $0x0;
	lr =	simm.s32 $0x1  }
0x2: {  	[smem:$0x3F85] =	sst lr;
	_ =	strace $0xD0000000  }
0x3: {  	_ = 	snop  }
0x4: {  	_ = 	snop  }
0x5: {  	_ = 	snop  }
0x6: {  	_ = 	snop  }
0x7: {  	_ = 	snop  }
__scs_overlays_trampoline_lowered:
0x8: {  	[smem:$0x3F94] =	sst s0  }
0x9: {  	[smem:$0x3F95] =	sst s1  }
0xa: {  	[smem:$0x3F96] =	sst s2  }
0xb: {  	[smem:$0x3F97] =	sst s3  }
0xc: {  	[smem:$0x3F98] =	sst s4  }
0xd: {  	[smem:$0x3F99] =	sst s5  }
0xe: {  	[smem:$0x3F9A] =	sst s6  }
0xf: {  	[smem:$0x3F9B] =	sst s7  }
0x10: {  	[smem:$0x3F9C] =	sst s8  }
0x11: {  	[smem:$0x3F9D] =	sst s9;
	s0 =	simm.s32 @!p0 $0x0  }
0x12: {  	s1 =	sld [smem:$0x3F83];
	s0 =	simm.s32 @p0 $0x1  }
0x13: {  	[smem:$0x3F9E] =	sst s0;
	s0 =	simm.s32 @!p1 $0x0  }
0x14: {  	s2 =	sld [smem:$0x3F82];
	s0 =	simm.s32 @p1 $0x1  }
0x15: {  	[smem:$0x3F9F] =	sst s0;
	s0 =	simm.s32 @!p2 $0x0  }
0x16: {  	s3 =	sld [smem:$0x3FDB];
	s0 =	simm.s32 @p2 $0x1  }
0x17: {  	s4 =	simm.s32 $0x1BF5;
	[smem:$0x3FA1] =	sst s0  }
0x18: {  	s0 =	sld [smem:$0x3F84];
	_ =	swait.ge [sflag:s4], $0x0  }
0x19: {  	s7 =	sld [smem:$0x3F85]  }
0x1a: {  	s8 =	sadd.s32 $0xFFFFE003, lr  }
0x1b: {  	s9 =	sadd.s32 $0xFFFFFEF7, lr;
	s5 =	simm.s32 $0xFFFFFFFF;
	p2 =	slt.u32 s8, $0xFFFFF086  }
0x1c: {  	p1 =	slt.u32 s9, $0xF7A;
	s5 =	simm.s32 @!p2 $0x0  }
0x1d: {  	s5 =	simm.s32 @p1 $0x1;
	p0 =	seq.s32 s7, s2  }
0x1e: {  	s7 =	smul.u32 @!p0 $0xF7A, s2;
	p2 =	seq.s32 @!p0 s5, $0x0  }
0x1f: {  	s9 =	smul.u32 $0xF7A, s1;
	s8 =	simm.s32 @!p0 $0x1BF5;
	p2 =	por !p2, p0  }
0x20: {  	[sflag:s8] =	ssyncset.s32 @!p0 $0xFFFFF086;
	s6 =	sadd.s32 @!p0 s3, s7;
	s7 =	simm.s32 @!p0 $0x108  }
0x21: {  	s3 =	sadd.s32 s3, s9;
	s6 =	sadd.s32 @!p0 $0x88, s6;
	s7 =	simm.s32 @p2 $0x1082  }
0x22: {  	[simem:s7], [sflag:s8] =	dma.local @!p0 [hbm:s6], $0xF7A  }
0x23: {  	s9 =	sor.u32 $0xD0000000, s2;
	s6 =	simm.s32 $0x108;
	_ =	swait.ge @!p0 [sflag:s8], $0x0  }
0x24: {  	s3 =	sadd.s32 $0x88, s3;
	s6 =	simm.s32 @!p1 $0x1082;
	[sflag:s4] =	ssyncset.s32 $0xFFFFF086  }
0x25: {  	[simem:s6], [sflag:s4] =	dma.local [hbm:s3], $0xF7A  }
0x26: {  	[smem:$0x3F85] =	sst s1;
	(tag) =	ssettag s2;
	_ =	strace s9  }
0x27: {  	s1 =	sld [smem:$0x3F95]  }
0x28: {  	s2 =	sld [smem:$0x3F96]  }
0x29: {  	s4 =	sld [smem:$0x3F98]  }
0x2a: {  	p0 =	seq.s32 s5, $0x0;
	s5 =	sld [smem:$0x3F99]  }
0x2b: {  	s6 =	sld [smem:$0x3F9A]  }
0x2c: {  	s7 =	sld [smem:$0x3F9B]  }
0x2d: {  	s3 =	simm.s32 $0x108;
	s8 =	sld [smem:$0x3F9C]  }
0x2e: {  	s3 =	simm.s32 @!p0 $0x1082;
	s9 =	sld [smem:$0x3F9D]  }
0x2f: {  	lr =	sadd.s32 s0, s3;
	s0 =	sld [smem:$0x3F94]  }
0x30: {  	s3 =	sld [smem:$0x3F97]  }
0x31: {  	[smem:$0x3FA0] =	sst s10  }
0x32: {  	s10 =	sld [smem:$0x3F9E];
	_ =	sdelay $0x3  }
0x33: {  	p0 =	seq.s32 s10, $0x1;
	s10 =	sld [smem:$0x3FA0];
	_ =	sdelay $0x3  }
0x34: {  	[smem:$0x3FA0] =	sst s10  }
0x35: {  	s10 =	sld [smem:$0x3F9F];
	_ =	sdelay $0x3  }
0x36: {  	p1 =	seq.s32 s10, $0x1;
	s10 =	sld [smem:$0x3FA0];
	_ =	sdelay $0x3  }
0x37: {  	[smem:$0x3FA0] =	sst s10  }
0x38: {  	s10 =	sld [smem:$0x3FA1]  }
0x39: {  	_ = 	snop;
	(pc) =	sbr.ind lr, $3  }
0x3a: {  	_ = 	snop  }
0x3b: {  	_ = 	snop  }
0x3c: {  	p2 =	seq.s32 s10, $0x1;
	s10 =	sld [smem:$0x3FA0]  }
0x3d: {  	_ =	shalt  }
0x3e: {  	_ =	shalt  }
0x3f: {  	_ =	shalt  }
0x40: {  	_ =	shalt  }
0x41: {  	_ =	shalt  }
0x42: {  	_ =	shalt  }
0x43: {  	_ =	shalt  }
0x44: {  	_ =	shalt  }
0x45: {  	_ =	shalt  }
0x46: {  	_ =	shalt  }
0x47: {  	_ =	shalt  }
0x48: {  	_ =	shalt  }
0x49: {  	_ =	shalt  }
0x4a: {  	_ =	shalt  }
0x4b: {  	_ =	shalt  }
0x4c: {  	_ =	shalt  }
0x4d: {  	_ =	shalt  }
0x4e: {  	_ =	shalt  }
0x4f: {  	_ =	shalt  }
0x50: {  	_ =	shalt  }
0x51: {  	_ =	shalt  }
0x52: {  	_ =	shalt  }
0x53: {  	_ =	shalt  }
0x54: {  	_ =	shalt  }
0x55: {  	_ =	shalt  }
0x56: {  	_ =	shalt  }
0x57: {  	_ =	shalt  }
0x58: {  	_ =	shalt  }
0x59: {  	_ =	shalt  }
0x5a: {  	_ =	shalt  }
0x5b: {  	_ =	shalt  }
0x5c: {  	_ =	shalt  }
0x5d: {  	_ =	shalt  }
0x5e: {  	_ =	shalt  }
0x5f: {  	_ =	shalt  }
0x60: {  	_ =	shalt  }
0x61: {  	_ =	shalt  }
0x62: {  	_ =	shalt  }
0x63: {  	_ =	shalt  }
0x64: {  	_ =	shalt  }
0x65: {  	_ =	shalt  }
0x66: {  	_ =	shalt  }
0x67: {  	_ =	shalt  }
0x68: {  	_ =	shalt  }
0x69: {  	_ =	shalt  }
0x6a: {  	_ =	shalt  }
0x6b: {  	_ =	shalt  }
0x6c: {  	_ =	shalt  }
0x6d: {  	_ =	shalt  }
0x6e: {  	_ =	shalt  }
0x6f: {  	_ =	shalt  }
0x70: {  	_ =	shalt  }
0x71: {  	_ =	shalt  }
0x72: {  	_ =	shalt  }
0x73: {  	_ =	shalt  }
0x74: {  	_ =	shalt  }
0x75: {  	_ =	shalt  }
0x76: {  	_ =	shalt  }
0x77: {  	_ =	shalt  }
0x78: {  	_ =	shalt  }
0x79: {  	_ =	shalt  }
0x7a: {  	_ =	shalt  }
0x7b: {  	_ =	shalt  }
0x7c: {  	_ =	shalt  }
0x7d: {  	_ =	shalt  }
0x7e: {  	_ =	shalt  }
0x7f: {  	_ =	shalt  }
0x80: {  	_ =	shalt  }
0x81: {  	_ =	shalt  }
0x82: {  	_ =	shalt  }
0x83: {  	_ =	shalt  }
0x84: {  	_ =	shalt  }
0x85: {  	_ =	shalt  }
0x86: {  	_ =	shalt  }
0x87: {  	_ =	shalt  }
.Lfunc_end0:
.L_simem_size_0:
called_computation.5_lowered:
.L_overlay_start_0:
0x88: {  	s2 =	sld [smem:$0x3FD9]  }
0x89: {  	s3 =	sld [smem:$0x3FFE];
	_ =	sdelay $0x1  }
0x8a: {  	s1 =	srdreg.scid  }
0x8b: {  	s0 =	sand.u32 $0x1, s1  }
0x8c: {  	s17 =	sshll.u32 s0, $0xA;
	s2 =	sadd.s32 s3, s2  }
0x8d: {  	s2 =	sadd.s32 s2, s17  }
0x8e: {  	[smem:$0x3FAC] =	sst s2  }
0x8f: {  	_ = 	snop  }
0x90: {  	(tm) =	ssettm $0x1  }
0x91: {  	s18 =	sld [smem:$0x3FFB];
	_ =	sdelay $0x3  }
0x92: {  	_ =	strace s18  }
0x93: {  	s2 =	sld [smem:$0x3FFC];
	_ =	sdelay $0x3  }
0x94: {  	_ =	strace s2  }
0x95: {  	s2 =	sld [smem:$0x3FFD];
	_ =	sdelay $0x3  }
0x96: {  	_ =	strace s2  }
0x97: {  	_ =	strace $0x8FFFFFFF  }
0x98: {  	s19 =	sld [smem:$0x3FDB];
	_ =	sdelay $0x1  }
0x99: {  	s20 =	simm.s32 $_scs_section_size  }
0x9a: {  	s4 =	simm.s32 $_size__tile_overlayer_lowered;
	s5 =	simm.s32 $_tile_overlayer_lowered  }
0x9b: {  	s6 =	simm.s32 $0x1BFF;
	s21 =	sshll.u32 s5, $0x1;
	s3 =	sadd.s32 s20, s19  }
0x9c: {  	s22 =	simm.s32 $0x0;
	s4 =	sshll.u32 s4, $0x1;
	s5 =	sadd.s32 s21, s3  }
0x9d: {  	[timem:s22], [sflag:s6] =	dma.local [hbm:s5], s4  }
0x9e: {  	_ =	swait.ge [sflag:s6], s4  }
0x9f: {  	s4 =	ssub.s32 $0x0, s4;
	[sflag:s6] =	ssyncset.done $0x0  }
0xa0: {  	[sflag:s6] =	ssyncadd.s32 s4;
	_ =	sdelay $0x1  }
0xa1: {  	s23 =	simm.s32 $0x1B8B  }
0xa2: {  	_ =	swait.ge [sflag:s23], $0x1  }
0xa3: {  	[sflag:s23] =	ssyncset.done $0x0  }
0xa4: {  	[sflag:s23] =	ssyncadd.s32 $0xFFFFFFFF  }
0xa5: {  	s4 =	sld [smem:$0x0]  }
0xa6: {  	s5 =	sand.u32 $0xFFFFFFFE, s1  }
0xa7: {  	p0 =	sne.s32 s1, s5  }
0xa8: {  	s5 =	sshll.u32 @p0 s5, $0xE  }
0xa9: {  	s5 =	sadd.s32 @p0 $0x11B8D, s5;
	s6 =	sshll.u32 @p0 s4, $0x11  }
0xaa: {  	s5 =	sor.u32 @p0 s6, s5  }
0xab: {  	[sflag:s5] =	ssyncadd.remote.s32 @p0 $0x1;
	_ =	sdelay $0x1  }
0xac: {  	s5 =	simm.s32 @p0 $0x1B8D  }
0xad: {  	_ =	swait.eq @p0 [sflag:s5], $0x1  }
0xae: {  	[sflag:s5] =	ssyncadd.s32 @p0 $0xFFFFFFFF  }
0xaf: {  	s6 =	sshll.u32 @!p0 s1, $0xE  }
0xb0: {  	s6 =	sor.u32 @!p0 $0x4000, s6;
	s5 =	simm.s32 @!p0 $0x1B8D  }
0xb1: {  	s4 =	sshll.u32 @!p0 s4, $0x11;
	s6 =	sadd.s32 @!p0 $0x11B8D, s6;
	_ =	swait.eq @!p0 [sflag:s5], $0x1  }
0xb2: {  	s4 =	sor.u32 @!p0 s4, s6;
	[sflag:s5] =	ssyncadd.s32 @!p0 $0xFFFFFFFF  }
0xb3: {  	s25 =	simm.s32 $0x1B8E;
	s24 =	sld [smem:$0x3FFE];
	[sflag:s4] =	ssyncadd.remote.s32 @!p0 $0x1  }
0xb4: {  	s26 =	simm.s32 $execute0_lowered;
	[smem:$0x3FD2] =	sst s25  }
0xb5: {  	s5 =	sshll.u32 s26, $0x1;
	_ =	strace $0x80000055;
	[dreg:$0x1] =	wrdreg $0xFFFFFFFF  }
0xb6: {  	s28 =	simm.s32 $_size_execute0_lowered;
	s3 =	sadd.s32 s3, s5;
	[dreg:$0x0] =	wrdreg $0x0  }
0xb7: {  	s5 =	sshll.u32 s28, $0x1;
	[dreg:$0x2] =	wrdreg s3  }
0xb8: {  	[dreg:$0x3] =	wrdreg s5  }
0xb9: {  	[dreg:$0x4] =	wrdreg $0xC0  }
0xba: {  	_ =	task [dreg:s22], $0x5FFFF  }
0xbb: {  	[dreg:$0x1] =	wrdreg $0xFFFFFFFF  }
0xbc: {  	[dreg:$0x0] =	wrdreg $0x60  }
0xbd: {  	[dreg:$0x2] =	wrdreg s24  }
0xbe: {  	[dreg:$0x3] =	wrdreg $0x51000  }
0xbf: {  	[dreg:$0x4] =	wrdreg $0xA  }
0xc0: {  	_ =	task.clear_ibuf [dreg:s22], $0x5FFFF;
	_ =	strace $0x90000055  }
0xc1: {  	s29 =	simm.s32 $0xA;
	_ =	strace $0x80000057  }
0xc2: {  	_ =	swait.ge [sflag:s29], $0x1  }
0xc3: {  	[sflag:s29] =	ssyncadd.s32 $0xFFFFFFFF  }
0xc4: {  	_ =	strace $0x90000057  }
0xc5: {  	_ =	sfence  }
0xc6: {  	s30 =	sld [smem:$0x0];
	_ =	sdelay $0x2  }
0xc7: {  	s31 =	sshll.u32 s1, $0xD;
	s1 =	sshrl.u32 s1, $0x2  }
0xc8: {  	s4 =	sand.u32 $0x4000, s31;
	s1 =	sadd.s32 s1, s30  }
0xc9: {  	s0 =	sor.u32 s4, s0;
	s1 =	sshll.u32 s1, $0x11  }
0xca: {  	s0 =	sor.u32 s1, s0  }
0xcb: {  	s0 =	sadd.s32 $0x8F2B, s0  }
0xcc: {  	[sflag:s0] =	ssyncadd.remote.s32 $0x1  }
0xcd: {  	_ =	sfence.sel $0xFFFF  }
0xce: {  	[dreg:$0x0] =	wrdreg $0xFFFFFFFF;
	(pc) =	sbr.abs _section_cstart, $3  }
0xcf: {  	[dreg:$0x1] =	wrdreg $0xFFFFFFFF  }
0xd0: {  	_ =	task.clear_ibuf [dreg:s22], $0x2FFFF;
	_ =	strace $0x9FFFFFFF  }
0xd1: {  	(tm) =	ssettm $0x7FFFFFFF  }
tec
execute0_lowered:
.L_overlay_start_1:
0x0: {  	(tag) =	ssettag $0x1  }
0x1: {  	s4 =	rddreg [dreg:$0x0]  }
0x2: {  	s1 =	rddreg [dreg:$0x1]  }
0x3: {  	s2 =	srdreg.scid;
	s3 =	simm.s32 $0x0;
	s0 =	stileid.u32  }
0x4: {  	s19 =	simm.s32 $0x1;
	s20 =	simm.s32 $0x80;
	s21 =	simm.s32 $0x2900  }
0x5: {  	s22 =	simm.s32 $0x50;
	s23 =	simm.s32 $0x6;
	s11 =	smul.u32 $0xA000, s0  }
0x6: {  	s24 =	simm.s32 $0x4;
	s25 =	simm.s32 $0x2;
	s28 =	smul.u32 $0xC80, s0  }
0x7: {  	s8 =	sand.u32 $0x1, s2;
	[smem:$0x7FF] =	sst s3;
	s18 =	smul.u32 $0xC800, s0  }
0x8: {  	s12 =	sadd.s32 $0x107000, s4;
	s14 =	sadd.s32 $0x11E00, s4;
	s31 =	smul.u32 $0x2800, s0  }
0x9: {  	s4 =	sadd.s32 $0x1C400, s4;
	p0 =	slt.u32 s0, $0xD;
	s15 =	smul.u32 $0x138800, s8  }
0xa: {  	s5 =	sshll.u32 s8, $0x4;
	_ =	strace $0x80000056;
	s16 =	smul.u32 $0xC8000, s8  }
0xb: {  	s6 =	ssub.s32 $0x2, s8;
	s17 =	smul.u32 $0xC800, s8;
	s5 =	sor.u32 s0, s5  }
0xc: {  	s9 =	sshrl.u32 s6, $0x1;
	s11 =	sshrl.u32 s11, $0x2;
	s7 =	smul.u32 $0xC80, s5  }
0xd: {  	s10 =	smul.u32 $0xC800, s5;
	s9 =	ssub.s32 s6, s9;
	s5 =	simm.s32 $0x8  }
0xe: {  	s11 =	sadd.s32 s11, s1;
	s15 =	sadd.s32 s31, s15;
	s5 =	simm.s32 @!p0 $0x7  }
0xf: {  	s8 =	smax.u32 s9, $0x1;
	s26 =	sshrl.u32 s7, $0x3;
	s7 =	sadd.s32 s12, s10  }
0x10: {  	s12 =	sadd.s32 s16, s12;
	s13 =	sadd.s32 s14, s26;
	s10 =	sadd.s32 $0xC300, s7  }
0x11: {  	s12 =	sadd.s32 s18, s12;
	s18 =	simm.s32 $0x3;
	s26 =	simm.s32 $0x0  }
0x12: {  	s6 =	sadd.s32 $0x6A40, s13;
	s9 =	sadd.s32 $0x6BC6, s13;
	s13 =	sadd.s32 s28, s17  }
0x13: {  	s12 =	sadd.s32 $0xA00, s12;
	s29 =	sadd.s32 $0x352A0, s13;
	s13 =	sadd.s32 $0x35250, s13  }
0x14: {  	s17 =	simm.s32 $0x5;
	s16 =	sshrl.u32 s29, $0x3;
	s30 =	sshrl.u32 s13, $0x3  }
0x15: {  	v0 =	vimm.f32 $0.0e+00;
	s13 =	sadd.s32 s16, s14;
	s14 =	sadd.s32 s30, s14;
	s16 =	simm.s32 $0x100  }
.LBB2_1:
0x16: {  	s28 =	simm.s32 $0x0;
	s29 =	simm.s32 $0x200  }
.LBB2_2:
0x17: {  	p0 =	sne.s32 s29, $0x9E00;
	[tilespmem:s28+$0x170] =	vst v0  }
0x18: {  	[tilespmem:s28+$0x100] =	vst v0  }
0x19: {  	[tilespmem:s28+$0x110] =	vst v0  }
.Ltmp0:
0x1a: {  	[tilespmem:s28+$0x120] =	vst v0;
	(pc) =	sbr.rel @p0 .LBB2_2-.Ltmp0, $4  }
0x1b: {  	[tilespmem:s28+$0x130] =	vst v0  }
0x1c: {  	[tilespmem:s28+$0x140] =	vst v0  }
0x1d: {  	[tilespmem:s28+$0x150] =	vst v0  }
0x1e: {  	[tilespmem:s28+$0x160] =	vst v0;
	s28 =	sshra.s32 s29, $0x2;
	s29 =	sadd.s32 $0x200, s29  }
0x1f: {  	[tilespmem:s28+$0x170] =	vst v0  }
0x20: {  	[tilespmem:s28+$0x100] =	vst v0  }
0x21: {  	[tilespmem:s28+$0x110] =	vst v0  }
0x22: {  	[tilespmem:s28+$0x120] =	vst v0  }
0x23: {  	[tilespmem:s28+$0x130] =	vst v0  }
0x24: {  	[tilespmem:s28+$0x140] =	vst v0;
	p0 =	sne.s32 s5, $0x1  }
.Ltmp1:
0x25: {  	[tilespmem:s28+$0x150] =	vst v0;
	(pc) =	sbr.rel @!p0 .LBB2_5-.Ltmp1, $4  }
0x26: {  	[tilespmem:s28+$0x160] =	vst v0  }
0x27: {  	[spmem:s11] =	stream.linear.scatter [tilespmem:s16], [sflag:$0x5], $0x2800, $0x38;
	[tilespmem:$0x18980] =	vst v63  }
0x28: {  	_ =	swait.ge [sflag:s17], $0x2800  }
0x29: {  	s28 =	sadd.s32 $0xFFFFFFFF, s5;
	s29 =	smov.u32 s11;
	[sflag:s17] =	ssyncset.done $0x0  }
.LBB2_4:
0x2a: {  	p1 =	sne.s32 s28, $0x1;
	[sflag:s17] =	ssyncadd.s32 $0xFFFFD800;
	s29 =	sadd.s32 $0x28000, s29  }
.Ltmp2:
0x2b: {  	s28 =	sadd.s32 $0xFFFFFFFF, s28;
	(pc) =	sbr.rel @p1 .LBB2_4-.Ltmp2, $4  }
0x2c: {  	_ = 	snop  }
0x2d: {  	[spmem:s29] =	stream.linear.scatter [tilespmem:s16], [sflag:$0x5], $0x2800, $0x38;
	[tilespmem:$0x18980] =	vst v63  }
0x2e: {  	_ =	swait.ge [sflag:s17], $0x2800  }
0x2f: {  	[sflag:s17] =	ssyncset.done $0x0  }
.LBB2_5:
0x30: {  	[sflag:s17] =	ssyncadd.s32 $0xFFFFD800  }
0x31: {  	s28 =	simm.s32 $0x0;
	[bflag:$0x0] =	sbarrier.arrive $0xFFFF  }
0x32: {  	[tilespmem:s28], [sflag:$0x3] =	stream.linear.gather [hbm4b:s6+s28], $0x50, $0x38;
	[tilespmem:$0x18980] =	vst v63  }
0x33: {  	_ = 	snop  }
0x34: {  	[tilespmem:s16], [sflag:$0x1] =	stream.linear.gather [hbm4b:s7+s28], $0x2800, $0x38;
	[tilespmem:$0x18980] =	vst v63  }
0x35: {  	_ =	swait.ge [sflag:s18], $0x50  }
0x36: {  	[sflag:s18] =	ssyncset.done $0x0  }
0x37: {  	[sflag:s18] =	ssyncadd.s32 $0xFFFFFFB0  }
0x38: {  	_ =	swait.ge [sflag:s19], $0x2800  }
0x39: {  	[sflag:s19] =	ssyncset.done $0x0  }
0x3a: {  	s28 =	sadd.s32 $0x0, s14;
	[sflag:s19] =	ssyncadd.s32 $0xFFFFD800  }
0x3b: {  	[tilespmem:s20], [sflag:$0x4] =	stream.linear.gather [hbm4b:s28+s3], $0x50, $0x38;
	[tilespmem:$0x18980] =	vst v63  }
0x3c: {  	s28 =	sadd.s32 $0xFFFFFB00, s12  }
0x3d: {  	[tilespmem:s21], [sflag:$0x2] =	stream.linear.gather [hbm4b:s28+s3], $0x2800, $0x38;
	[tilespmem:$0x18980] =	vst v63  }
0x3e: {  	_ = 	snop  }
0x3f: {  	[spmem:s1] =	stream.indirect.scatter.add.f32 [tilespmem:s16], [sflag:$0x6], $0x80, s3, s22, $0xb8;
	[tilespmem:$0x18980] =	vst v63  }
0x40: {  	_ =	swait.ge [sflag:s23], $0x2800  }
0x41: {  	[sflag:s23] =	ssyncset.done $0x0  }
0x42: {  	[sflag:s23] =	ssyncadd.s32 $0xFFFFD800  }
0x43: {  	_ =	swait.ge [sflag:s24], $0x50  }
0x44: {  	[sflag:s24] =	ssyncset.done $0x0  }
0x45: {  	[sflag:s24] =	ssyncadd.s32 $0xFFFFFFB0  }
0x46: {  	_ =	swait.ge [sflag:s25], $0x2800  }
0x47: {  	[sflag:s25] =	ssyncset.done $0x0  }
0x48: {  	s28 =	sadd.s32 $0x0, s13;
	[sflag:s25] =	ssyncadd.s32 $0xFFFFD800  }
0x49: {  	[tilespmem:s3], [sflag:$0x3] =	stream.linear.gather [hbm4b:s28+s3], $0x50, $0x38;
	[tilespmem:$0x18980] =	vst v63  }
0x4a: {  	_ = 	snop  }
0x4b: {  	[tilespmem:s16], [sflag:$0x1] =	stream.linear.gather [hbm4b:s12+s3], $0x2800, $0x38;
	[tilespmem:$0x18980] =	vst v63  }
0x4c: {  	_ = 	snop  }
0x4d: {  	[spmem:s1] =	stream.indirect.scatter.add.f32 [tilespmem:s21], [sflag:$0x5], $0x80, s20, s22, $0xb8;
	[tilespmem:$0x18980] =	vst v63  }
0x4e: {  	_ =	swait.ge [sflag:s17], $0x2800  }
0x4f: {  	s29 =	smov.u32 s12;
	s28 =	simm.s32 $0x14;
	[sflag:s17] =	ssyncset.done $0x0  }
.LBB2_6:
0x50: {  	p1 =	sne.s32 s28, $0x168;
	[sflag:s17] =	ssyncadd.s32 $0xFFFFD800;
	s29 =	sadd.s32 $0xA00, s29  }
0x51: {  	s30 =	smov.u32 s28;
	s28 =	sadd.s32 $0x14, s28  }
0x52: {  	_ =	swait.ge [sflag:s18], $0x50  }
0x53: {  	[sflag:s18] =	ssyncset.done $0x0  }
0x54: {  	[sflag:s18] =	ssyncadd.s32 $0xFFFFFFB0  }
0x55: {  	_ =	swait.ge [sflag:s19], $0x2800  }
0x56: {  	[sflag:s19] =	ssyncset.done $0x0  }
0x57: {  	s31 =	sadd.s32 s30, s14;
	[sflag:s19] =	ssyncadd.s32 $0xFFFFD800  }
0x58: {  	[tilespmem:s20], [sflag:$0x4] =	stream.linear.gather [hbm4b:s31+s3], $0x50, $0x38;
	[tilespmem:$0x18980] =	vst v63  }
0x59: {  	s31 =	sadd.s32 $0xFFFFFB00, s29  }
0x5a: {  	[tilespmem:s21], [sflag:$0x2] =	stream.linear.gather [hbm4b:s31+s3], $0x2800, $0x38;
	[tilespmem:$0x18980] =	vst v63  }
0x5b: {  	_ = 	snop  }
0x5c: {  	[spmem:s1] =	stream.indirect.scatter.add.f32 [tilespmem:s16], [sflag:$0x6], $0x80, s3, s22, $0xb8;
	[tilespmem:$0x18980] =	vst v63  }
0x5d: {  	_ =	swait.ge [sflag:s23], $0x2800  }
0x5e: {  	[sflag:s23] =	ssyncset.done $0x0  }
0x5f: {  	[sflag:s23] =	ssyncadd.s32 $0xFFFFD800  }
0x60: {  	_ =	swait.ge [sflag:s24], $0x50  }
0x61: {  	[sflag:s24] =	ssyncset.done $0x0  }
0x62: {  	[sflag:s24] =	ssyncadd.s32 $0xFFFFFFB0  }
0x63: {  	_ =	swait.ge [sflag:s25], $0x2800  }
0x64: {  	[sflag:s25] =	ssyncset.done $0x0  }
0x65: {  	s30 =	sadd.s32 s30, s13;
	[sflag:s25] =	ssyncadd.s32 $0xFFFFD800  }
0x66: {  	[tilespmem:s3], [sflag:$0x3] =	stream.linear.gather [hbm4b:s30+s3], $0x50, $0x38;
	[tilespmem:$0x18980] =	vst v63  }
0x67: {  	_ = 	snop  }
0x68: {  	[tilespmem:s16], [sflag:$0x1] =	stream.linear.gather [hbm4b:s29+s3], $0x2800, $0x38;
	[tilespmem:$0x18980] =	vst v63  }
.Ltmp3:
0x69: {  	_ = 	snop;
	(pc) =	sbr.rel @p1 .LBB2_6-.Ltmp3, $4  }
0x6a: {  	_ = 	snop  }
0x6b: {  	[spmem:s1] =	stream.indirect.scatter.add.f32 [tilespmem:s21], [sflag:$0x5], $0x80, s20, s22, $0xb8;
	[tilespmem:$0x18980] =	vst v63  }
0x6c: {  	_ =	swait.ge [sflag:s17], $0x2800  }
0x6d: {  	[sflag:s17] =	ssyncset.done $0x0  }
0x6e: {  	[sflag:s17] =	ssyncadd.s32 $0xFFFFD800  }
0x6f: {  	_ =	swait.ge [sflag:s18], $0x50  }
0x70: {  	[sflag:s18] =	ssyncset.done $0x0  }
0x71: {  	[sflag:s18] =	ssyncadd.s32 $0xFFFFFFB0  }
0x72: {  	_ =	swait.ge [sflag:s19], $0x2800  }
0x73: {  	[sflag:s19] =	ssyncset.done $0x0  }
0x74: {  	[sflag:s19] =	ssyncadd.s32 $0xFFFFD800  }
0x75: {  	[tilespmem:s20], [sflag:$0x4] =	stream.linear.gather [hbm4b:s9+s3], $0x50, $0x38;
	[tilespmem:$0x18980] =	vst v63  }
0x76: {  	_ = 	snop  }
0x77: {  	[tilespmem:s21], [sflag:$0x2] =	stream.linear.gather [hbm4b:s10+s3], $0x2800, $0x38;
	[tilespmem:$0x18980] =	vst v63  }
0x78: {  	_ = 	snop  }
0x79: {  	[spmem:s1] =	stream.indirect.scatter.add.f32 [tilespmem:s16], [sflag:$0x6], $0x80, s3, s22, $0xb8;
	[tilespmem:$0x18980] =	vst v63  }
0x7a: {  	_ =	swait.ge [sflag:s23], $0x2800  }
0x7b: {  	[sflag:s23] =	ssyncset.done $0x0  }
0x7c: {  	[sflag:s23] =	ssyncadd.s32 $0xFFFFD800  }
0x7d: {  	_ =	swait.ge [sflag:s24], $0x50  }
0x7e: {  	[sflag:s24] =	ssyncset.done $0x0  }
0x7f: {  	[sflag:s24] =	ssyncadd.s32 $0xFFFFFFB0  }
0x80: {  	_ =	swait.ge [sflag:s25], $0x2800  }
0x81: {  	[sflag:s25] =	ssyncset.done $0x0  }
0x82: {  	[sflag:s25] =	ssyncadd.s32 $0xFFFFD800  }
0x83: {  	[spmem:s1] =	stream.indirect.scatter.add.f32 [tilespmem:s21], [sflag:$0x5], $0x80, s20, s22, $0xb8;
	[tilespmem:$0x18980] =	vst v63  }
0x84: {  	s0 =	stileid.u32;
	_ =	swait.ge [sflag:s17], $0x2800  }
.Ltmp4:
0x85: {  	s29 =	sshrl.u32 s15, $0x3;
	[sflag:s17] =	ssyncset.done $0x0;
	(pc) =	sbr.rel @!p0 .LBB2_9-.Ltmp4, $4  }
0x86: {  	s30 =	sshrl.u32 s11, $0x3;
	s28 =	sshll.u32 s0, $0x6;
	[sflag:s17] =	ssyncadd.s32 $0xFFFFD800  }
0x87: {  	s29 =	sadd.s32 s4, s29;
	s28 =	sor.u32 $0x1C05, s28;
	[bflag:$0x0] =	sbarrier.arrive $0xFFFF  }
0x88: {  	[hbm:s29], [sflag:s28] =	dma.local [spmem:s30], $0x500  }
0x89: {  	s31 =	smov.u32 s11;
	s29 =	sadd.s32 $0xFFFFFFFF, s5;
	s30 =	sadd.s32 $0x28000, s15  }
.LBB2_8:
0x8a: {  	_ =	swait.ge [sflag:s17], $0x500  }
0x8b: {  	s31 =	sadd.s32 $0x28000, s31;
	s0 =	sshrl.u32 s30, $0x3;
	p0 =	sne.s32 s29, $0x1  }
.Ltmp5:
0x8c: {  	s2 =	sshrl.u32 s31, $0x3;
	[sflag:s17] =	ssyncset.done $0x0;
	(pc) =	sbr.rel @p0 .LBB2_8-.Ltmp5, $4  }
0x8d: {  	s0 =	sadd.s32 s4, s0;
	[sflag:s17] =	ssyncadd.s32 $0xFFFFFB00  }
0x8e: {  	[hbm:s0], [sflag:s28] =	dma.local [spmem:s2], $0x500  }
0x8f: {  	s29 =	sadd.s32 $0xFFFFFFFF, s29  }
0x90: {  	s30 =	sadd.s32 $0x28000, s30  }
.LBB2_9:
0x91: {  	s26 =	sadd.s32 $0x1, s26  }
0x92: {  	p0 =	sne.s32 s26, s8  }
.Ltmp6:
0x93: {  	_ = 	snop;
	(pc) =	sbr.rel @p0 .LBB2_1-.Ltmp6, $4  }
0x94: {  	_ = 	snop  }
0x95: {  	_ =	swait.ge [sflag:s17], $0x500  }
0x96: {  	[sflag:s17] =	ssyncset.done $0x0  }
0x97: {  	[sflag:s17] =	ssyncadd.s32 $0xFFFFFB00  }
0x98: {  	_ =	sfence.sel $0x180000  }
0x99: {  	[bflag:$0x0] =	sbarrier.arrive $0xFFFF  }
0x9a: {  	_ =	strace $0x90000056  }
0x9b: {  	s0 =	stileid.u32;
	[bflag:$0x2] =	sbarrier.arrive $0xFFFF  }
0x9c: {  	p0 =	sne.s32 s0, $0x0;
	s0 =	rddreg [dreg:$0x2]  }
0x9d: {  	s0 =	sadd.s32 @!p0 $0x100000, s0  }
0x9e: {  	[sflag:s0] =	ssyncadd.tile.s32 @!p0 $0x1;
	_ =	shalt  }
.Lfunc_end2:
_tile_overlayer_lowered:
.L_overlay_start_2:
0x9f: {  	(tag) =	ssettag $0x2  }
0xa0: {  	s0 =	rddreg [dreg:$0x0];
	s2 =	stileid.u32  }
0xa1: {  	s1 =	rddreg [dreg:$0x1];
	p0 =	sne.s32 s2, $0x0  }
0xa2: {  	s3 =	rddreg [dreg:$0x2];
	[bflag:$0x3] =	sbarrier.arrive $0xFFFF;
	s2 =	simm.s32 @!p0 $0x1C05  }
0xa3: {  	[timem:s3], [sflag:s2] =	dma.local @!p0 [hbm:s0], s1  }
0xa4: {  	s0 =	simm.s32 @!p0 $0x5  }
0xa5: {  	_ =	swait.ge @!p0 [sflag:s0], s1  }
0xa6: {  	s1 =	ssub.s32 @!p0 $0x0, s1;
	[sflag:s0] =	ssyncset.done @!p0 $0x0  }
0xa7: {  	[sflag:s0] =	ssyncadd.s32 @!p0 s1  }
0xa8: {  	[bflag:$0x3] =	sbarrier.arrive $0xFFFF  }
0xa9: {  	_ =	shalt  }

</sc_bundles>
